<compile_context>
chip_gen: v7x
topology: tpu7x:2x2x1
jax: 0.10.2.dev20260603
libtpu: 0.0.44.dev20260713+nightly
codegen_flags: <defaults>
</compile_context>

<pallas_src>
import jax
import jax.numpy as jnp
from jax import lax
from jax.experimental import pallas as pl
from jax.experimental.pallas import tpu as pltpu
from jax.experimental.pallas import tpu_sc as plsc

BATCH = 16384
EMBED_DIM = 32
LANES = 16
NUM_WORKERS = 32
B_PER_W = BATCH // NUM_WORKERS
GROUPS = B_PER_W // LANES
NSLOT = 8
VBLK = 128


def _body(uidx_hbm, pidx_hbm, utab4, ptab4, out_hbm,
          uidx_v, pidx_v, slots, ut_v, pt_v, out_v, sems):
    cid = lax.axis_index("c")
    sid = lax.axis_index("s")
    wid = sid * 2 + cid
    base = wid * B_PER_W

    pltpu.sync_copy(uidx_hbm.at[pl.ds(base, B_PER_W)], uidx_v)
    pltpu.sync_copy(pidx_hbm.at[pl.ds(base, B_PER_W)], pidx_v)

    lane = lax.iota(jnp.int32, 16)
    s_lo = lax.shift_right_logical(lane, 3)
    r_lo = lax.bitwise_and(lane, jnp.int32(7))
    s_hi = s_lo + 2
    d_lo = lane
    d_hi = lane + 16

    def enq(k, v):
        vb = lax.shift_right_logical(v, 7)
        off = pl.multiple_of(vb * VBLK, VBLK)
        pltpu.async_copy(utab4.at[:, :, pl.ds(off, VBLK)],
                         slots.at[k, 0], sems[k])

    def enq_p(k, v):
        vb = lax.shift_right_logical(v, 7)
        off = pl.multiple_of(vb * VBLK, VBLK)
        pltpu.async_copy(ptab4.at[:, :, pl.ds(off, VBLK)],
                         slots.at[k, 1], sems[k])

    def extract(k, uv, pv, i):
        pltpu.make_async_copy(
            utab4.at[:, :, pl.ds(0, VBLK)], slots.at[k, 0], sems[k]).wait()
        pltpu.make_async_copy(
            utab4.at[:, :, pl.ds(0, VBLK)], slots.at[k, 1], sems[k]).wait()
        ucol = jnp.broadcast_to(lax.bitwise_and(uv, jnp.int32(127)), (16,))
        pcol = jnp.broadcast_to(lax.bitwise_and(pv, jnp.int32(127)), (16,))
        icol = jnp.broadcast_to(i, (16,))
        u0 = plsc.load_gather(slots.at[k, 0], [s_lo, r_lo, ucol])
        u1 = plsc.load_gather(slots.at[k, 0], [s_hi, r_lo, ucol])
        p0 = plsc.load_gather(slots.at[k, 1], [s_lo, r_lo, pcol])
        p1 = plsc.load_gather(slots.at[k, 1], [s_hi, r_lo, pcol])
        plsc.store_scatter(ut_v, [d_lo, icol], u0)
        plsc.store_scatter(ut_v, [d_hi, icol], u1)
        plsc.store_scatter(pt_v, [d_lo, icol], p0)
        plsc.store_scatter(pt_v, [d_hi, icol], p1)

    def group(g, _):
        uvec = uidx_v[pl.ds(g * LANES, LANES)]
        pvec = pidx_v[pl.ds(g * LANES, LANES)]
        gm1 = lax.max(g - 1, 0)
        uvec_p = uidx_v[pl.ds(gm1 * LANES, LANES)]
        pvec_p = pidx_v[pl.ds(gm1 * LANES, LANES)]
        for j in range(LANES):
            k = j % NSLOT
            if j < NSLOT:
                @pl.when(g > 0)
                def _(j=j, k=k):
                    extract(k, uvec_p[LANES - NSLOT + j],
                            pvec_p[LANES - NSLOT + j],
                            (g - 1) * LANES + LANES - NSLOT + j)
            else:
                extract(k, uvec[j - NSLOT], pvec[j - NSLOT],
                        g * LANES + j - NSLOT)
            enq(k, uvec[j])
            enq_p(k, pvec[j])
        return 0

    lax.fori_loop(0, GROUPS, group, 0)

    uvec_t = uidx_v[pl.ds((GROUPS - 1) * LANES, LANES)]
    pvec_t = pidx_v[pl.ds((GROUPS - 1) * LANES, LANES)]
    for j in range(NSLOT):
        extract(j % NSLOT, uvec_t[LANES - NSLOT + j],
                pvec_t[LANES - NSLOT + j],
                (GROUPS - 1) * LANES + LANES - NSLOT + j)

    def dot(g, _):
        acc = jnp.zeros((16,), jnp.float32)
        for d in range(EMBED_DIM):
            acc = acc + (ut_v[d, pl.ds(g * LANES, LANES)]
                         * pt_v[d, pl.ds(g * LANES, LANES)])
        out_v[pl.ds(g * LANES, LANES)] = acc
        return 0

    lax.fori_loop(0, GROUPS, dot, 0)

    pltpu.sync_copy(out_v, out_hbm.at[pl.ds(base, B_PER_W)])


@jax.jit
def _sc_dot(uidx, pidx, utab4, ptab4):
    mesh = plsc.VectorSubcoreMesh(core_axis_name="c", subcore_axis_name="s")
    kern = pl.kernel(
        _body,
        out_type=jax.ShapeDtypeStruct((BATCH,), jnp.float32),
        mesh=mesh,
        scratch_types=[
            pltpu.VMEM((B_PER_W,), jnp.int32),
            pltpu.VMEM((B_PER_W,), jnp.int32),
            pltpu.VMEM((NSLOT, 2, 4, 8, VBLK), jnp.float32),
            pltpu.VMEM((EMBED_DIM, B_PER_W), jnp.float32),
            pltpu.VMEM((EMBED_DIM, B_PER_W), jnp.float32),
            pltpu.VMEM((B_PER_W,), jnp.float32),
            [pltpu.SemaphoreType.DMA] * NSLOT,
        ],
        compiler_params=pltpu.CompilerParams(
            needs_layout_passes=False, use_tc_tiling_on_sc=True),
    )
    return kern(uidx, pidx, utab4, ptab4)


def kernel(inputs, user_table, place_table):
    uidx = inputs[:, 0].astype(jnp.int32)
    pidx = inputs[:, 1].astype(jnp.int32)
    ut4 = user_table.T.reshape(4, 8, user_table.shape[0])
    pt4 = place_table.T.reshape(4, 8, place_table.shape[0])
    return _sc_dot(uidx, pidx, ut4, pt4)

# --- scband reference (transcript-rebuilt; emitter-appended) ---
"""Pipeline reference for scband-matrix-factorization-21680994910770 (READ-ONLY COPY).

The authoritative reference and input builder live on the scoring server;
editing this copy changes nothing except your own understanding.
"""

import jax, jax.numpy as jnp
import numpy as np

N_USERS = 1000000
N_PLACES = 1000000
EMBED_DIM = 32
BATCH = 16384

def setup_inputs(seed: int = 0) -> dict:
    key = jax.random.key(seed)
    k1, k2, k3 = jax.random.split(key, 3)
    inputs = jax.random.randint(k1, (BATCH, 2), 0, N_USERS, dtype=jnp.int64 if jax.config.jax_enable_x64 else jnp.int32)
    user_table = jax.random.normal(k2, (N_USERS, EMBED_DIM), dtype=jnp.float32) * 0.05
    place_table = jax.random.normal(k3, (N_PLACES, EMBED_DIM), dtype=jnp.float32) * 0.05
    return {"inputs": inputs, "user_table": user_table, "place_table": place_table}

def reference(inputs, user_table, place_table):
    user_vec = jnp.take(user_table, inputs[:, 0], axis=0)
    place_vec = jnp.take(place_table, inputs[:, 1], axis=0)
    return jnp.sum(user_vec * place_vec, axis=1)

if __name__ == "__main__":
    import jax
    _d = setup_inputs()
    print(jax.jit(kernel)(*tuple(_d.values())))

</pallas_src>

<mosaic_0001>
#map = affine_map<(d0, d1) -> (0)>
#map1 = affine_map<(d0, d1) -> (0, 0, 0)>
module attributes {stable_mosaic.version = 14 : i64} {
  func.func @_body(%arg0: i32, %arg1: i32, %arg2: memref<16384xi32, #tpu.memory_space<hbm>>, %arg3: memref<16384xi32, #tpu.memory_space<hbm>>, %arg4: memref<4x8x1000000xf32, #tpu.memory_space<hbm>>, %arg5: memref<4x8x1000000xf32, #tpu.memory_space<hbm>>, %arg6: memref<16384xf32, #tpu.memory_space<hbm>>, %arg7: memref<512xi32, #tpu.memory_space<vmem>>, %arg8: memref<512xi32, #tpu.memory_space<vmem>>, %arg9: memref<8x2x4x8x128xf32, #tpu.memory_space<vmem>>, %arg10: memref<32x512xf32, #tpu.memory_space<vmem>>, %arg11: memref<32x512xf32, #tpu.memory_space<vmem>>, %arg12: memref<512xf32, #tpu.memory_space<vmem>>, %arg13: memref<!tpu.dma_semaphore, #tpu.memory_space<semaphore_mem>>, %arg14: memref<!tpu.dma_semaphore, #tpu.memory_space<semaphore_mem>>, %arg15: memref<!tpu.dma_semaphore, #tpu.memory_space<semaphore_mem>>, %arg16: memref<!tpu.dma_semaphore, #tpu.memory_space<semaphore_mem>>, %arg17: memref<!tpu.dma_semaphore, #tpu.memory_space<semaphore_mem>>, %arg18: memref<!tpu.dma_semaphore, #tpu.memory_space<semaphore_mem>>, %arg19: memref<!tpu.dma_semaphore, #tpu.memory_space<semaphore_mem>>, %arg20: memref<!tpu.dma_semaphore, #tpu.memory_space<semaphore_mem>>) attributes {dimension_semantics = [#tpu.dimension_semantics<core_parallel>, #tpu.dimension_semantics<subcore_parallel>], iteration_bounds = array<i64: 2, 16>, scalar_prefetch = 0 : i64, scratch_operands = 14 : i64, tpu.core_type = #tpu.core_type<sc_vector_subcore>, window_params = [{transform_indices = #map}, {transform_indices = #map}, {transform_indices = #map1}, {transform_indices = #map1}, {transform_indices = #map}]} {
    %mul3A = arith.constant 2 : i32
    %mul3A_0 = arith.muli %arg1, %mul3A : i32
    %add3A = arith.addi %mul3A_0, %arg0 : i32
    %mul3A_1 = arith.constant 512 : i32
    %mul3A_2 = arith.muli %add3A, %mul3A_1 : i32
    "tpu.region"() ({
      %run_scoped3A = tpu.sem_alloc : memref<!tpu.dma_semaphore, #tpu.memory_space<semaphore_mem>>
      %dma_start3A = tpu.memref_slice %arg2[%mul3A_2] : memref<16384xi32, #tpu.memory_space<hbm>> -> memref<512xi32, #tpu.memory_space<hbm>>
      %dma_start3A_696 = tpu.memref_slice %arg2[%mul3A_2] : memref<16384xi32, #tpu.memory_space<hbm>> -> memref<512xi32, #tpu.memory_space<hbm>>
      tpu.enqueue_dma source(%dma_start3A_696 : memref<512xi32, #tpu.memory_space<hbm>>) target(%arg7 : memref<512xi32, #tpu.memory_space<vmem>>) target_semaphore(%run_scoped3A : memref<!tpu.dma_semaphore, #tpu.memory_space<semaphore_mem>>)
      %dma_wait3A_697 = tpu.memref_slice %arg2[%mul3A_2] : memref<16384xi32, #tpu.memory_space<hbm>> -> memref<512xi32, #tpu.memory_space<hbm>>
      %dma_wait3A_698 = tpu.memref_slice %arg2[%mul3A_2] : memref<16384xi32, #tpu.memory_space<hbm>> -> memref<512xi32, #tpu.memory_space<hbm>>
      tpu.wait_dma2 semaphore(%run_scoped3A : memref<!tpu.dma_semaphore, #tpu.memory_space<semaphore_mem>>) src(%dma_wait3A_698 : memref<512xi32, #tpu.memory_space<hbm>>) dst(%arg7 : memref<512xi32, #tpu.memory_space<vmem>>)
      tpu.yield
    }) : () -> ()
    "tpu.region"() ({
      %run_scoped3A = tpu.sem_alloc : memref<!tpu.dma_semaphore, #tpu.memory_space<semaphore_mem>>
      %dma_start3A = tpu.memref_slice %arg3[%mul3A_2] : memref<16384xi32, #tpu.memory_space<hbm>> -> memref<512xi32, #tpu.memory_space<hbm>>
      %dma_start3A_696 = tpu.memref_slice %arg3[%mul3A_2] : memref<16384xi32, #tpu.memory_space<hbm>> -> memref<512xi32, #tpu.memory_space<hbm>>
      tpu.enqueue_dma source(%dma_start3A_696 : memref<512xi32, #tpu.memory_space<hbm>>) target(%arg8 : memref<512xi32, #tpu.memory_space<vmem>>) target_semaphore(%run_scoped3A : memref<!tpu.dma_semaphore, #tpu.memory_space<semaphore_mem>>)
      %dma_wait3A_697 = tpu.memref_slice %arg3[%mul3A_2] : memref<16384xi32, #tpu.memory_space<hbm>> -> memref<512xi32, #tpu.memory_space<hbm>>
      %dma_wait3A_698 = tpu.memref_slice %arg3[%mul3A_2] : memref<16384xi32, #tpu.memory_space<hbm>> -> memref<512xi32, #tpu.memory_space<hbm>>
      tpu.wait_dma2 semaphore(%run_scoped3A : memref<!tpu.dma_semaphore, #tpu.memory_space<semaphore_mem>>) src(%dma_wait3A_698 : memref<512xi32, #tpu.memory_space<hbm>>) dst(%arg8 : memref<512xi32, #tpu.memory_space<vmem>>)
      tpu.yield
    }) : () -> ()
    %iota3A = tpu.iota {dimensions = array<i32: 0>} : vector<16xi32>
    %shift_right_logical3A = arith.constant 3 : i32
    %shift_right_logical3A_3 = vector.broadcast %shift_right_logical3A : i32 to vector<16xi32>
    %shift_right_logical3A_4 = arith.shrui %iota3A, %shift_right_logical3A_3 : vector<16xi32>
    %and3A = arith.constant 7 : i32
    %and3A_5 = vector.broadcast %and3A : i32 to vector<16xi32>
    %and3A_6 = arith.andi %iota3A, %and3A_5 : vector<16xi32>
    %add3A_7 = arith.constant 2 : i32
    %add3A_8 = vector.broadcast %add3A_7 : i32 to vector<16xi32>
    %add3A_9 = arith.addi %shift_right_logical3A_4, %add3A_8 : vector<16xi32>
    %add3A_10 = arith.constant 16 : i32
    %add3A_11 = vector.broadcast %add3A_10 : i32 to vector<16xi32>
    %add3A_12 = arith.addi %iota3A, %add3A_11 : vector<16xi32>
    %scan3A = arith.constant 0 : i32
    %scan3A_13 = arith.constant 0 : i32
    %scan3A_14 = arith.constant 32 : i32
    %scan3A_15 = arith.addi %scan3A_13, %scan3A_14 : i32
    %scan3A_16 = arith.constant 1 : i32
    %scan3A_17 = scf.for %scan3A_696 = %scan3A_13 to %scan3A_15 step %scan3A_16 iter_args(%scan3A_697 = %scan3A) -> (i32)  : i32 {
      %mul3A_698 = arith.constant 16 : i32
      %mul3A_699 = arith.muli %scan3A_696, %mul3A_698 : i32
      %get3A_700 = arith.index_cast %mul3A_699 : i32 to index
      %get3A_701 = tpu.vector_load %arg7[%get3A_700] {strides = array<i32>} : memref<512xi32, #tpu.memory_space<vmem>>, vector<16xi32>,
      %mul3A_702 = arith.constant 16 : i32
      %mul3A_703 = arith.muli %scan3A_696, %mul3A_702 : i32
      %get3A_704 = arith.index_cast %mul3A_703 : i32 to index
      %get3A_705 = tpu.vector_load %arg8[%get3A_704] {strides = array<i32>} : memref<512xi32, #tpu.memory_space<vmem>>, vector<16xi32>,
      %sub3A = arith.constant 1 : i32
      %sub3A_706 = arith.subi %scan3A_696, %sub3A : i32
      %max3A = arith.constant 0 : i32
      %max3A_707 = arith.maxsi %sub3A_706, %max3A : i32
      %mul3A_708 = arith.constant 16 : i32
      %mul3A_709 = arith.muli %max3A_707, %mul3A_708 : i32
      %get3A_710 = arith.index_cast %mul3A_709 : i32 to index
      %get3A_711 = tpu.vector_load %arg7[%get3A_710] {strides = array<i32>} : memref<512xi32, #tpu.memory_space<vmem>>, vector<16xi32>,
      %mul3A_712 = arith.constant 16 : i32
      %mul3A_713 = arith.muli %max3A_707, %mul3A_712 : i32
      %get3A_714 = arith.index_cast %mul3A_713 : i32 to index
      %get3A_715 = tpu.vector_load %arg8[%get3A_714] {strides = array<i32>} : memref<512xi32, #tpu.memory_space<vmem>>, vector<16xi32>,
      %gt3A = arith.constant 0 : i32
      %gt3A_716 = arith.cmpi sgt, %scan3A_696, %gt3A : i32
      %convert_element_type3A = arith.extui %gt3A_716 : i1 to i32
      %cond3A = arith.constant 0 : i32
      %cond3A_717 = arith.cmpi ne, %convert_element_type3A, %cond3A : i32
      scf.if %cond3A_717 {
        %slice3A_2264 = vector.extract_strided_slice %get3A_711 {offsets = [8], sizes = [1], strides = [1]} : vector<16xi32> to vector<1xi32>
        %squeeze3A_2265 = vector.extract %slice3A_2264[0] : i32 from vector<1xi32>
        %slice3A_2266 = vector.extract_strided_slice %get3A_715 {offsets = [8], sizes = [1], strides = [1]} : vector<16xi32> to vector<1xi32>
        %squeeze3A_2267 = vector.extract %slice3A_2266[0] : i32 from vector<1xi32>
        %sub3A_2268 = arith.constant 1 : i32
        %sub3A_2269 = arith.subi %scan3A_696, %sub3A_2268 : i32
        %mul3A_2270 = arith.constant 16 : i32
        %mul3A_2271 = arith.muli %sub3A_2269, %mul3A_2270 : i32
        %add3A_2272 = arith.constant 16 : i32
        %add3A_2273 = arith.addi %mul3A_2271, %add3A_2272 : i32
        %sub3A_2274 = arith.constant 8 : i32
        %sub3A_2275 = arith.subi %add3A_2273, %sub3A_2274 : i32
        %add3A_2276 = arith.constant 0 : i32
        %add3A_2277 = arith.addi %sub3A_2275, %add3A_2276 : i32
        %dma_wait3A_2278 = arith.constant 0 : i32
        %dma_wait3A_2279 = arith.constant 0 : i32
        %dma_wait3A_2280 = arith.constant 0 : i32
        %dma_wait3A_2281 = arith.constant 0 : i32
        %dma_wait3A_2282 = arith.constant 0 : i32
        %dma_wait3A_2283 = tpu.memref_slice %arg9[%dma_wait3A_2278, %dma_wait3A_2279, %dma_wait3A_2280, %dma_wait3A_2281, %dma_wait3A_2282] : memref<8x2x4x8x128xf32, #tpu.memory_space<vmem>> -> memref<1x1x4x8x128xf32, #tpu.memory_space<vmem>>
        %dma_wait3A_2284 = tpu.memref_squeeze %dma_wait3A_2283 : memref<1x1x4x8x128xf32, #tpu.memory_space<vmem>> -> memref<4x8x128xf32, #tpu.memory_space<vmem>>
        %dma_wait3A_2285 = arith.constant 0 : i32
        %dma_wait3A_2286 = arith.constant 0 : i32
        %dma_wait3A_2287 = arith.constant 0 : i32
        %dma_wait3A_2288 = tpu.memref_slice %arg4[%dma_wait3A_2285, %dma_wait3A_2286, %dma_wait3A_2287] : memref<4x8x1000000xf32, #tpu.memory_space<hbm>> -> memref<4x8x128xf32, #tpu.memory_space<hbm>>
        %dma_wait3A_2289 = arith.constant 0 : i32
        %dma_wait3A_2290 = arith.constant 0 : i32
        %dma_wait3A_2291 = arith.constant 0 : i32
        %dma_wait3A_2292 = tpu.memref_slice %arg9[%dma_wait3A_2278, %dma_wait3A_2279, %dma_wait3A_2289, %dma_wait3A_2290, %dma_wait3A_2291] : memref<8x2x4x8x128xf32, #tpu.memory_space<vmem>> -> memref<1x1x4x8x128xf32, #tpu.memory_space<vmem>>
        %dma_wait3A_2293 = tpu.memref_squeeze %dma_wait3A_2292 : memref<1x1x4x8x128xf32, #tpu.memory_space<vmem>> -> memref<4x8x128xf32, #tpu.memory_space<vmem>>
        %dma_wait3A_2294 = arith.constant 0 : i32
        %dma_wait3A_2295 = arith.constant 0 : i32
        %dma_wait3A_2296 = arith.constant 0 : i32
        %dma_wait3A_2297 = tpu.memref_slice %arg4[%dma_wait3A_2294, %dma_wait3A_2295, %dma_wait3A_2296] : memref<4x8x1000000xf32, #tpu.memory_space<hbm>> -> memref<4x8x128xf32, #tpu.memory_space<hbm>>
        tpu.wait_dma2 semaphore(%arg13 : memref<!tpu.dma_semaphore, #tpu.memory_space<semaphore_mem>>) src(%dma_wait3A_2297 : memref<4x8x128xf32, #tpu.memory_space<hbm>>) dst(%dma_wait3A_2293 : memref<4x8x128xf32, #tpu.memory_space<vmem>>)
        %dma_wait3A_2298 = arith.constant 0 : i32
        %dma_wait3A_2299 = arith.constant 1 : i32
        %dma_wait3A_2300 = arith.constant 0 : i32
        %dma_wait3A_2301 = arith.constant 0 : i32
        %dma_wait3A_2302 = arith.constant 0 : i32
        %dma_wait3A_2303 = tpu.memref_slice %arg9[%dma_wait3A_2298, %dma_wait3A_2299, %dma_wait3A_2300, %dma_wait3A_2301, %dma_wait3A_2302] : memref<8x2x4x8x128xf32, #tpu.memory_space<vmem>> -> memref<1x1x4x8x128xf32, #tpu.memory_space<vmem>>
        %dma_wait3A_2304 = tpu.memref_squeeze %dma_wait3A_2303 : memref<1x1x4x8x128xf32, #tpu.memory_space<vmem>> -> memref<4x8x128xf32, #tpu.memory_space<vmem>>
        %dma_wait3A_2305 = arith.constant 0 : i32
        %dma_wait3A_2306 = arith.constant 0 : i32
        %dma_wait3A_2307 = arith.constant 0 : i32
        %dma_wait3A_2308 = tpu.memref_slice %arg4[%dma_wait3A_2305, %dma_wait3A_2306, %dma_wait3A_2307] : memref<4x8x1000000xf32, #tpu.memory_space<hbm>> -> memref<4x8x128xf32, #tpu.memory_space<hbm>>
        %dma_wait3A_2309 = arith.constant 0 : i32
        %dma_wait3A_2310 = arith.constant 0 : i32
        %dma_wait3A_2311 = arith.constant 0 : i32
        %dma_wait3A_2312 = tpu.memref_slice %arg9[%dma_wait3A_2298, %dma_wait3A_2299, %dma_wait3A_2309, %dma_wait3A_2310, %dma_wait3A_2311] : memref<8x2x4x8x128xf32, #tpu.memory_space<vmem>> -> memref<1x1x4x8x128xf32, #tpu.memory_space<vmem>>
        %dma_wait3A_2313 = tpu.memref_squeeze %dma_wait3A_2312 : memref<1x1x4x8x128xf32, #tpu.memory_space<vmem>> -> memref<4x8x128xf32, #tpu.memory_space<vmem>>
        %dma_wait3A_2314 = arith.constant 0 : i32
        %dma_wait3A_2315 = arith.constant 0 : i32
        %dma_wait3A_2316 = arith.constant 0 : i32
        %dma_wait3A_2317 = tpu.memref_slice %arg4[%dma_wait3A_2314, %dma_wait3A_2315, %dma_wait3A_2316] : memref<4x8x1000000xf32, #tpu.memory_space<hbm>> -> memref<4x8x128xf32, #tpu.memory_space<hbm>>
        tpu.wait_dma2 semaphore(%arg13 : memref<!tpu.dma_semaphore, #tpu.memory_space<semaphore_mem>>) src(%dma_wait3A_2317 : memref<4x8x128xf32, #tpu.memory_space<hbm>>) dst(%dma_wait3A_2313 : memref<4x8x128xf32, #tpu.memory_space<vmem>>)
        %and3A_2318 = arith.constant 127 : i32
        %and3A_2319 = arith.andi %squeeze3A_2265, %and3A_2318 : i32
        %broadcast_in_dim3A_2320 = vector.broadcast %and3A_2319 : i32 to vector<16xi32>
        %and3A_2321 = arith.constant 127 : i32
        %and3A_2322 = arith.andi %squeeze3A_2267, %and3A_2321 : i32
        %broadcast_in_dim3A_2323 = vector.broadcast %and3A_2322 : i32 to vector<16xi32>
        %broadcast_in_dim3A_2324 = vector.broadcast %add3A_2277 : i32 to vector<16xi32>
        %gather3A_2325 = arith.constant 0 : i32
        %gather3A_2326 = arith.constant 0 : i32
        %gather3A_2327 = arith.constant 0 : i32
        %gather3A_2328 = arith.constant 0 : i32
        %gather3A_2329 = arith.constant 0 : i32
        %gather3A_2330 = tpu.memref_slice %arg9[%gather3A_2325, %gather3A_2326, %gather3A_2327, %gather3A_2328, %gather3A_2329] : memref<8x2x4x8x128xf32, #tpu.memory_space<vmem>> -> memref<1x1x4x8x128xf32, #tpu.memory_space<vmem>>
        %gather3A_2331 = tpu.memref_squeeze %gather3A_2330 : memref<1x1x4x8x128xf32, #tpu.memory_space<vmem>> -> memref<4x8x128xf32, #tpu.memory_space<vmem>>
        %gather3A_2332 = tpu.vector_load_idx %gather3A_2331[%shift_right_logical3A_4, %and3A_6, %broadcast_in_dim3A_2320] : memref<4x8x128xf32, #tpu.memory_space<vmem>>[vector<16xi32>, vector<16xi32>, vector<16xi32>], vector<16xf32>,
        %gather3A_2333 = arith.constant 0 : i32
        %gather3A_2334 = arith.constant 0 : i32
        %gather3A_2335 = arith.constant 0 : i32
        %gather3A_2336 = arith.constant 0 : i32
        %gather3A_2337 = arith.constant 0 : i32
        %gather3A_2338 = tpu.memref_slice %arg9[%gather3A_2333, %gather3A_2334, %gather3A_2335, %gather3A_2336, %gather3A_2337] : memref<8x2x4x8x128xf32, #tpu.memory_space<vmem>> -> memref<1x1x4x8x128xf32, #tpu.memory_space<vmem>>
        %gather3A_2339 = tpu.memref_squeeze %gather3A_2338 : memref<1x1x4x8x128xf32, #tpu.memory_space<vmem>> -> memref<4x8x128xf32, #tpu.memory_space<vmem>>
        %gather3A_2340 = tpu.vector_load_idx %gather3A_2339[%add3A_9, %and3A_6, %broadcast_in_dim3A_2320] : memref<4x8x128xf32, #tpu.memory_space<vmem>>[vector<16xi32>, vector<16xi32>, vector<16xi32>], vector<16xf32>,
        %gather3A_2341 = arith.constant 0 : i32
        %gather3A_2342 = arith.constant 1 : i32
        %gather3A_2343 = arith.constant 0 : i32
        %gather3A_2344 = arith.constant 0 : i32
        %gather3A_2345 = arith.constant 0 : i32
        %gather3A_2346 = tpu.memref_slice %arg9[%gather3A_2341, %gather3A_2342, %gather3A_2343, %gather3A_2344, %gather3A_2345] : memref<8x2x4x8x128xf32, #tpu.memory_space<vmem>> -> memref<1x1x4x8x128xf32, #tpu.memory_space<vmem>>
        %gather3A_2347 = tpu.memref_squeeze %gather3A_2346 : memref<1x1x4x8x128xf32, #tpu.memory_space<vmem>> -> memref<4x8x128xf32, #tpu.memory_space<vmem>>
        %gather3A_2348 = tpu.vector_load_idx %gather3A_2347[%shift_right_logical3A_4, %and3A_6, %broadcast_in_dim3A_2323] : memref<4x8x128xf32, #tpu.memory_space<vmem>>[vector<16xi32>, vector<16xi32>, vector<16xi32>], vector<16xf32>,
        %gather3A_2349 = arith.constant 0 : i32
        %gather3A_2350 = arith.constant 1 : i32
        %gather3A_2351 = arith.constant 0 : i32
        %gather3A_2352 = arith.constant 0 : i32
        %gather3A_2353 = arith.constant 0 : i32
        %gather3A_2354 = tpu.memref_slice %arg9[%gather3A_2349, %gather3A_2350, %gather3A_2351, %gather3A_2352, %gather3A_2353] : memref<8x2x4x8x128xf32, #tpu.memory_space<vmem>> -> memref<1x1x4x8x128xf32, #tpu.memory_space<vmem>>
        %gather3A_2355 = tpu.memref_squeeze %gather3A_2354 : memref<1x1x4x8x128xf32, #tpu.memory_space<vmem>> -> memref<4x8x128xf32, #tpu.memory_space<vmem>>
        %gather3A_2356 = tpu.vector_load_idx %gather3A_2355[%add3A_9, %and3A_6, %broadcast_in_dim3A_2323] : memref<4x8x128xf32, #tpu.memory_space<vmem>>[vector<16xi32>, vector<16xi32>, vector<16xi32>], vector<16xf32>,
        tpu.vector_store_idx %arg10[%iota3A, %broadcast_in_dim3A_2324], %gather3A_2332 : memref<32x512xf32, #tpu.memory_space<vmem>>[vector<16xi32>, vector<16xi32>], vector<16xf32>,
        tpu.vector_store_idx %arg10[%add3A_12, %broadcast_in_dim3A_2324], %gather3A_2340 : memref<32x512xf32, #tpu.memory_space<vmem>>[vector<16xi32>, vector<16xi32>], vector<16xf32>,
        tpu.vector_store_idx %arg11[%iota3A, %broadcast_in_dim3A_2324], %gather3A_2348 : memref<32x512xf32, #tpu.memory_space<vmem>>[vector<16xi32>, vector<16xi32>], vector<16xf32>,
        tpu.vector_store_idx %arg11[%add3A_12, %broadcast_in_dim3A_2324], %gather3A_2356 : memref<32x512xf32, #tpu.memory_space<vmem>>[vector<16xi32>, vector<16xi32>], vector<16xf32>,
      } else {
      }
      %slice3A_718 = vector.extract_strided_slice %get3A_701 {offsets = [0], sizes = [1], strides = [1]} : vector<16xi32> to vector<1xi32>
      %squeeze3A_719 = vector.extract %slice3A_718[0] : i32 from vector<1xi32>
      %shift_right_logical3A_720 = arith.constant 7 : i32
      %shift_right_logical3A_721 = arith.shrui %squeeze3A_719, %shift_right_logical3A_720 : i32
      %mul3A_722 = arith.constant 128 : i32
      %mul3A_723 = arith.muli %shift_right_logical3A_721, %mul3A_722 : i32
      %multiple_of3A = tpu.assume_multiple %mul3A_723, 128 : i32
      %dma_start3A = arith.constant 0 : i32
      %dma_start3A_724 = arith.constant 0 : i32
      %dma_start3A_725 = arith.constant 0 : i32
      %dma_start3A_726 = arith.constant 0 : i32
      %dma_start3A_727 = arith.constant 0 : i32
      %dma_start3A_728 = tpu.memref_slice %arg9[%dma_start3A, %dma_start3A_724, %dma_start3A_725, %dma_start3A_726, %dma_start3A_727] : memref<8x2x4x8x128xf32, #tpu.memory_space<vmem>> -> memref<1x1x4x8x128xf32, #tpu.memory_space<vmem>>
      %dma_start3A_729 = tpu.memref_squeeze %dma_start3A_728 : memref<1x1x4x8x128xf32, #tpu.memory_space<vmem>> -> memref<4x8x128xf32, #tpu.memory_space<vmem>>
      %dma_start3A_730 = arith.constant 0 : i32
      %dma_start3A_731 = arith.constant 0 : i32
      %dma_start3A_732 = tpu.memref_slice %arg4[%dma_start3A_730, %dma_start3A_731, %multiple_of3A] : memref<4x8x1000000xf32, #tpu.memory_space<hbm>> -> memref<4x8x128xf32, #tpu.memory_space<hbm>>
      %dma_start3A_733 = arith.constant 0 : i32
      %dma_start3A_734 = arith.constant 0 : i32
      %dma_start3A_735 = arith.constant 0 : i32
      %dma_start3A_736 = tpu.memref_slice %arg9[%dma_start3A, %dma_start3A_724, %dma_start3A_733, %dma_start3A_734, %dma_start3A_735] : memref<8x2x4x8x128xf32, #tpu.memory_space<vmem>> -> memref<1x1x4x8x128xf32, #tpu.memory_space<vmem>>
      %dma_start3A_737 = tpu.memref_squeeze %dma_start3A_736 : memref<1x1x4x8x128xf32, #tpu.memory_space<vmem>> -> memref<4x8x128xf32, #tpu.memory_space<vmem>>
      %dma_start3A_738 = arith.constant 0 : i32
      %dma_start3A_739 = arith.constant 0 : i32
      %dma_start3A_740 = tpu.memref_slice %arg4[%dma_start3A_738, %dma_start3A_739, %multiple_of3A] : memref<4x8x1000000xf32, #tpu.memory_space<hbm>> -> memref<4x8x128xf32, #tpu.memory_space<hbm>>
      tpu.enqueue_dma source(%dma_start3A_740 : memref<4x8x128xf32, #tpu.memory_space<hbm>>) target(%dma_start3A_737 : memref<4x8x128xf32, #tpu.memory_space<vmem>>) target_semaphore(%arg13 : memref<!tpu.dma_semaphore, #tpu.memory_space<semaphore_mem>>)
      %slice3A_741 = vector.extract_strided_slice %get3A_705 {offsets = [0], sizes = [1], strides = [1]} : vector<16xi32> to vector<1xi32>
      %squeeze3A_742 = vector.extract %slice3A_741[0] : i32 from vector<1xi32>
      %shift_right_logical3A_743 = arith.constant 7 : i32
      %shift_right_logical3A_744 = arith.shrui %squeeze3A_742, %shift_right_logical3A_743 : i32
      %mul3A_745 = arith.constant 128 : i32
      %mul3A_746 = arith.muli %shift_right_logical3A_744, %mul3A_745 : i32
      %multiple_of3A_747 = tpu.assume_multiple %mul3A_746, 128 : i32
      %dma_start3A_748 = arith.constant 0 : i32
      %dma_start3A_749 = arith.constant 1 : i32
      %dma_start3A_750 = arith.constant 0 : i32
      %dma_start3A_751 = arith.constant 0 : i32
      %dma_start3A_752 = arith.constant 0 : i32
      %dma_start3A_753 = tpu.memref_slice %arg9[%dma_start3A_748, %dma_start3A_749, %dma_start3A_750, %dma_start3A_751, %dma_start3A_752] : memref<8x2x4x8x128xf32, #tpu.memory_space<vmem>> -> memref<1x1x4x8x128xf32, #tpu.memory_space<vmem>>
      %dma_start3A_754 = tpu.memref_squeeze %dma_start3A_753 : memref<1x1x4x8x128xf32, #tpu.memory_space<vmem>> -> memref<4x8x128xf32, #tpu.memory_space<vmem>>
      %dma_start3A_755 = arith.constant 0 : i32
      %dma_start3A_756 = arith.constant 0 : i32
      %dma_start3A_757 = tpu.memref_slice %arg5[%dma_start3A_755, %dma_start3A_756, %multiple_of3A_747] : memref<4x8x1000000xf32, #tpu.memory_space<hbm>> -> memref<4x8x128xf32, #tpu.memory_space<hbm>>
      %dma_start3A_758 = arith.constant 0 : i32
      %dma_start3A_759 = arith.constant 0 : i32
      %dma_start3A_760 = arith.constant 0 : i32
      %dma_start3A_761 = tpu.memref_slice %arg9[%dma_start3A_748, %dma_start3A_749, %dma_start3A_758, %dma_start3A_759, %dma_start3A_760] : memref<8x2x4x8x128xf32, #tpu.memory_space<vmem>> -> memref<1x1x4x8x128xf32, #tpu.memory_space<vmem>>
      %dma_start3A_762 = tpu.memref_squeeze %dma_start3A_761 : memref<1x1x4x8x128xf32, #tpu.memory_space<vmem>> -> memref<4x8x128xf32, #tpu.memory_space<vmem>>
      %dma_start3A_763 = arith.constant 0 : i32
      %dma_start3A_764 = arith.constant 0 : i32
      %dma_start3A_765 = tpu.memref_slice %arg5[%dma_start3A_763, %dma_start3A_764, %multiple_of3A_747] : memref<4x8x1000000xf32, #tpu.memory_space<hbm>> -> memref<4x8x128xf32, #tpu.memory_space<hbm>>
      tpu.enqueue_dma source(%dma_start3A_765 : memref<4x8x128xf32, #tpu.memory_space<hbm>>) target(%dma_start3A_762 : memref<4x8x128xf32, #tpu.memory_space<vmem>>) target_semaphore(%arg13 : memref<!tpu.dma_semaphore, #tpu.memory_space<semaphore_mem>>)
      %gt3A_766 = arith.constant 0 : i32
      %gt3A_767 = arith.cmpi sgt, %scan3A_696, %gt3A_766 : i32
      %convert_element_type3A_768 = arith.extui %gt3A_767 : i1 to i32
      %cond3A_769 = arith.constant 0 : i32
      %cond3A_770 = arith.cmpi ne, %convert_element_type3A_768, %cond3A_769 : i32
      scf.if %cond3A_770 {
        %slice3A_2264 = vector.extract_strided_slice %get3A_711 {offsets = [9], sizes = [1], strides = [1]} : vector<16xi32> to vector<1xi32>
        %squeeze3A_2265 = vector.extract %slice3A_2264[0] : i32 from vector<1xi32>
        %slice3A_2266 = vector.extract_strided_slice %get3A_715 {offsets = [9], sizes = [1], strides = [1]} : vector<16xi32> to vector<1xi32>
        %squeeze3A_2267 = vector.extract %slice3A_2266[0] : i32 from vector<1xi32>
        %sub3A_2268 = arith.constant 1 : i32
        %sub3A_2269 = arith.subi %scan3A_696, %sub3A_2268 : i32
        %mul3A_2270 = arith.constant 16 : i32
        %mul3A_2271 = arith.muli %sub3A_2269, %mul3A_2270 : i32
        %add3A_2272 = arith.constant 16 : i32
        %add3A_2273 = arith.addi %mul3A_2271, %add3A_2272 : i32
        %sub3A_2274 = arith.constant 8 : i32
        %sub3A_2275 = arith.subi %add3A_2273, %sub3A_2274 : i32
        %add3A_2276 = arith.constant 1 : i32
        %add3A_2277 = arith.addi %sub3A_2275, %add3A_2276 : i32
        %dma_wait3A_2278 = arith.constant 1 : i32
        %dma_wait3A_2279 = arith.constant 0 : i32
        %dma_wait3A_2280 = arith.constant 0 : i32
        %dma_wait3A_2281 = arith.constant 0 : i32
        %dma_wait3A_2282 = arith.constant 0 : i32
        %dma_wait3A_2283 = tpu.memref_slice %arg9[%dma_wait3A_2278, %dma_wait3A_2279, %dma_wait3A_2280, %dma_wait3A_2281, %dma_wait3A_2282] : memref<8x2x4x8x128xf32, #tpu.memory_space<vmem>> -> memref<1x1x4x8x128xf32, #tpu.memory_space<vmem>>
        %dma_wait3A_2284 = tpu.memref_squeeze %dma_wait3A_2283 : memref<1x1x4x8x128xf32, #tpu.memory_space<vmem>> -> memref<4x8x128xf32, #tpu.memory_space<vmem>>
        %dma_wait3A_2285 = arith.constant 0 : i32
        %dma_wait3A_2286 = arith.constant 0 : i32
        %dma_wait3A_2287 = arith.constant 0 : i32
        %dma_wait3A_2288 = tpu.memref_slice %arg4[%dma_wait3A_2285, %dma_wait3A_2286, %dma_wait3A_2287] : memref<4x8x1000000xf32, #tpu.memory_space<hbm>> -> memref<4x8x128xf32, #tpu.memory_space<hbm>>
        %dma_wait3A_2289 = arith.constant 0 : i32
        %dma_wait3A_2290 = arith.constant 0 : i32
        %dma_wait3A_2291 = arith.constant 0 : i32
        %dma_wait3A_2292 = tpu.memref_slice %arg9[%dma_wait3A_2278, %dma_wait3A_2279, %dma_wait3A_2289, %dma_wait3A_2290, %dma_wait3A_2291] : memref<8x2x4x8x128xf32, #tpu.memory_space<vmem>> -> memref<1x1x4x8x128xf32, #tpu.memory_space<vmem>>
        %dma_wait3A_2293 = tpu.memref_squeeze %dma_wait3A_2292 : memref<1x1x4x8x128xf32, #tpu.memory_space<vmem>> -> memref<4x8x128xf32, #tpu.memory_space<vmem>>
        %dma_wait3A_2294 = arith.constant 0 : i32
        %dma_wait3A_2295 = arith.constant 0 : i32
        %dma_wait3A_2296 = arith.constant 0 : i32
        %dma_wait3A_2297 = tpu.memref_slice %arg4[%dma_wait3A_2294, %dma_wait3A_2295, %dma_wait3A_2296] : memref<4x8x1000000xf32, #tpu.memory_space<hbm>> -> memref<4x8x128xf32, #tpu.memory_space<hbm>>
        tpu.wait_dma2 semaphore(%arg14 : memref<!tpu.dma_semaphore, #tpu.memory_space<semaphore_mem>>) src(%dma_wait3A_2297 : memref<4x8x128xf32, #tpu.memory_space<hbm>>) dst(%dma_wait3A_2293 : memref<4x8x128xf32, #tpu.memory_space<vmem>>)
        %dma_wait3A_2298 = arith.constant 1 : i32
        %dma_wait3A_2299 = arith.constant 1 : i32
        %dma_wait3A_2300 = arith.constant 0 : i32
        %dma_wait3A_2301 = arith.constant 0 : i32
        %dma_wait3A_2302 = arith.constant 0 : i32
        %dma_wait3A_2303 = tpu.memref_slice %arg9[%dma_wait3A_2298, %dma_wait3A_2299, %dma_wait3A_2300, %dma_wait3A_2301, %dma_wait3A_2302] : memref<8x2x4x8x128xf32, #tpu.memory_space<vmem>> -> memref<1x1x4x8x128xf32, #tpu.memory_space<vmem>>
        %dma_wait3A_2304 = tpu.memref_squeeze %dma_wait3A_2303 : memref<1x1x4x8x128xf32, #tpu.memory_space<vmem>> -> memref<4x8x128xf32, #tpu.memory_space<vmem>>
        %dma_wait3A_2305 = arith.constant 0 : i32
        %dma_wait3A_2306 = arith.constant 0 : i32
        %dma_wait3A_2307 = arith.constant 0 : i32
        %dma_wait3A_2308 = tpu.memref_slice %arg4[%dma_wait3A_2305, %dma_wait3A_2306, %dma_wait3A_2307] : memref<4x8x1000000xf32, #tpu.memory_space<hbm>> -> memref<4x8x128xf32, #tpu.memory_space<hbm>>
        %dma_wait3A_2309 = arith.constant 0 : i32
        %dma_wait3A_2310 = arith.constant 0 : i32
        %dma_wait3A_2311 = arith.constant 0 : i32
        %dma_wait3A_2312 = tpu.memref_slice %arg9[%dma_wait3A_2298, %dma_wait3A_2299, %dma_wait3A_2309, %dma_wait3A_2310, %dma_wait3A_2311] : memref<8x2x4x8x128xf32, #tpu.memory_space<vmem>> -> memref<1x1x4x8x128xf32, #tpu.memory_space<vmem>>
        %dma_wait3A_2313 = tpu.memref_squeeze %dma_wait3A_2312 : memref<1x1x4x8x128xf32, #tpu.memory_space<vmem>> -> memref<4x8x128xf32, #tpu.memory_space<vmem>>
        %dma_wait3A_2314 = arith.constant 0 : i32
        %dma_wait3A_2315 = arith.constant 0 : i32
        %dma_wait3A_2316 = arith.constant 0 : i32
        %dma_wait3A_2317 = tpu.memref_slice %arg4[%dma_wait3A_2314, %dma_wait3A_2315, %dma_wait3A_2316] : memref<4x8x1000000xf32, #tpu.memory_space<hbm>> -> memref<4x8x128xf32, #tpu.memory_space<hbm>>
        tpu.wait_dma2 semaphore(%arg14 : memref<!tpu.dma_semaphore, #tpu.memory_space<semaphore_mem>>) src(%dma_wait3A_2317 : memref<4x8x128xf32, #tpu.memory_space<hbm>>) dst(%dma_wait3A_2313 : memref<4x8x128xf32, #tpu.memory_space<vmem>>)
        %and3A_2318 = arith.constant 127 : i32
        %and3A_2319 = arith.andi %squeeze3A_2265, %and3A_2318 : i32
        %broadcast_in_dim3A_2320 = vector.broadcast %and3A_2319 : i32 to vector<16xi32>
        %and3A_2321 = arith.constant 127 : i32
        %and3A_2322 = arith.andi %squeeze3A_2267, %and3A_2321 : i32
        %broadcast_in_dim3A_2323 = vector.broadcast %and3A_2322 : i32 to vector<16xi32>
        %broadcast_in_dim3A_2324 = vector.broadcast %add3A_2277 : i32 to vector<16xi32>
        %gather3A_2325 = arith.constant 1 : i32
        %gather3A_2326 = arith.constant 0 : i32
        %gather3A_2327 = arith.constant 0 : i32
        %gather3A_2328 = arith.constant 0 : i32
        %gather3A_2329 = arith.constant 0 : i32
        %gather3A_2330 = tpu.memref_slice %arg9[%gather3A_2325, %gather3A_2326, %gather3A_2327, %gather3A_2328, %gather3A_2329] : memref<8x2x4x8x128xf32, #tpu.memory_space<vmem>> -> memref<1x1x4x8x128xf32, #tpu.memory_space<vmem>>
        %gather3A_2331 = tpu.memref_squeeze %gather3A_2330 : memref<1x1x4x8x128xf32, #tpu.memory_space<vmem>> -> memref<4x8x128xf32, #tpu.memory_space<vmem>>
        %gather3A_2332 = tpu.vector_load_idx %gather3A_2331[%shift_right_logical3A_4, %and3A_6, %broadcast_in_dim3A_2320] : memref<4x8x128xf32, #tpu.memory_space<vmem>>[vector<16xi32>, vector<16xi32>, vector<16xi32>], vector<16xf32>,
        %gather3A_2333 = arith.constant 1 : i32
        %gather3A_2334 = arith.constant 0 : i32
        %gather3A_2335 = arith.constant 0 : i32
        %gather3A_2336 = arith.constant 0 : i32
        %gather3A_2337 = arith.constant 0 : i32
        %gather3A_2338 = tpu.memref_slice %arg9[%gather3A_2333, %gather3A_2334, %gather3A_2335, %gather3A_2336, %gather3A_2337] : memref<8x2x4x8x128xf32, #tpu.memory_space<vmem>> -> memref<1x1x4x8x128xf32, #tpu.memory_space<vmem>>
        %gather3A_2339 = tpu.memref_squeeze %gather3A_2338 : memref<1x1x4x8x128xf32, #tpu.memory_space<vmem>> -> memref<4x8x128xf32, #tpu.memory_space<vmem>>
        %gather3A_2340 = tpu.vector_load_idx %gather3A_2339[%add3A_9, %and3A_6, %broadcast_in_dim3A_2320] : memref<4x8x128xf32, #tpu.memory_space<vmem>>[vector<16xi32>, vector<16xi32>, vector<16xi32>], vector<16xf32>,
        %gather3A_2341 = arith.constant 1 : i32
        %gather3A_2342 = arith.constant 1 : i32
        %gather3A_2343 = arith.constant 0 : i32
        %gather3A_2344 = arith.constant 0 : i32
        %gather3A_2345 = arith.constant 0 : i32
        %gather3A_2346 = tpu.memref_slice %arg9[%gather3A_2341, %gather3A_2342, %gather3A_2343, %gather3A_2344, %gather3A_2345] : memref<8x2x4x8x128xf32, #tpu.memory_space<vmem>> -> memref<1x1x4x8x128xf32, #tpu.memory_space<vmem>>
        %gather3A_2347 = tpu.memref_squeeze %gather3A_2346 : memref<1x1x4x8x128xf32, #tpu.memory_space<vmem>> -> memref<4x8x128xf32, #tpu.memory_space<vmem>>
        %gather3A_2348 = tpu.vector_load_idx %gather3A_2347[%shift_right_logical3A_4, %and3A_6, %broadcast_in_dim3A_2323] : memref<4x8x128xf32, #tpu.memory_space<vmem>>[vector<16xi32>, vector<16xi32>, vector<16xi32>], vector<16xf32>,
        %gather3A_2349 = arith.constant 1 : i32
        %gather3A_2350 = arith.constant 1 : i32
        %gather3A_2351 = arith.constant 0 : i32
        %gather3A_2352 = arith.constant 0 : i32
        %gather3A_2353 = arith.constant 0 : i32
        %gather3A_2354 = tpu.memref_slice %arg9[%gather3A_2349, %gather3A_2350, %gather3A_2351, %gather3A_2352, %gather3A_2353] : memref<8x2x4x8x128xf32, #tpu.memory_space<vmem>> -> memref<1x1x4x8x128xf32, #tpu.memory_space<vmem>>
        %gather3A_2355 = tpu.memref_squeeze %gather3A_2354 : memref<1x1x4x8x128xf32, #tpu.memory_space<vmem>> -> memref<4x8x128xf32, #tpu.memory_space<vmem>>
        %gather3A_2356 = tpu.vector_load_idx %gather3A_2355[%add3A_9, %and3A_6, %broadcast_in_dim3A_2323] : memref<4x8x128xf32, #tpu.memory_space<vmem>>[vector<16xi32>, vector<16xi32>, vector<16xi32>], vector<16xf32>,
        tpu.vector_store_idx %arg10[%iota3A, %broadcast_in_dim3A_2324], %gather3A_2332 : memref<32x512xf32, #tpu.memory_space<vmem>>[vector<16xi32>, vector<16xi32>], vector<16xf32>,
        tpu.vector_store_idx %arg10[%add3A_12, %broadcast_in_dim3A_2324], %gather3A_2340 : memref<32x512xf32, #tpu.memory_space<vmem>>[vector<16xi32>, vector<16xi32>], vector<16xf32>,
        tpu.vector_store_idx %arg11[%iota3A, %broadcast_in_dim3A_2324], %gather3A_2348 : memref<32x512xf32, #tpu.memory_space<vmem>>[vector<16xi32>, vector<16xi32>], vector<16xf32>,
        tpu.vector_store_idx %arg11[%add3A_12, %broadcast_in_dim3A_2324], %gather3A_2356 : memref<32x512xf32, #tpu.memory_space<vmem>>[vector<16xi32>, vector<16xi32>], vector<16xf32>,
      } else {
      }
      %slice3A_771 = vector.extract_strided_slice %get3A_701 {offsets = [1], sizes = [1], strides = [1]} : vector<16xi32> to vector<1xi32>
      %squeeze3A_772 = vector.extract %slice3A_771[0] : i32 from vector<1xi32>
      %shift_right_logical3A_773 = arith.constant 7 : i32
      %shift_right_logical3A_774 = arith.shrui %squeeze3A_772, %shift_right_logical3A_773 : i32
      %mul3A_775 = arith.constant 128 : i32
      %mul3A_776 = arith.muli %shift_right_logical3A_774, %mul3A_775 : i32
      %multiple_of3A_777 = tpu.assume_multiple %mul3A_776, 128 : i32
      %dma_start3A_778 = arith.constant 1 : i32
      %dma_start3A_779 = arith.constant 0 : i32
      %dma_start3A_780 = arith.constant 0 : i32
      %dma_start3A_781 = arith.constant 0 : i32
      %dma_start3A_782 = arith.constant 0 : i32
      %dma_start3A_783 = tpu.memref_slice %arg9[%dma_start3A_778, %dma_start3A_779, %dma_start3A_780, %dma_start3A_781, %dma_start3A_782] : memref<8x2x4x8x128xf32, #tpu.memory_space<vmem>> -> memref<1x1x4x8x128xf32, #tpu.memory_space<vmem>>
      %dma_start3A_784 = tpu.memref_squeeze %dma_start3A_783 : memref<1x1x4x8x128xf32, #tpu.memory_space<vmem>> -> memref<4x8x128xf32, #tpu.memory_space<vmem>>
      %dma_start3A_785 = arith.constant 0 : i32
      %dma_start3A_786 = arith.constant 0 : i32
      %dma_start3A_787 = tpu.memref_slice %arg4[%dma_start3A_785, %dma_start3A_786, %multiple_of3A_777] : memref<4x8x1000000xf32, #tpu.memory_space<hbm>> -> memref<4x8x128xf32, #tpu.memory_space<hbm>>
      %dma_start3A_788 = arith.constant 0 : i32
      %dma_start3A_789 = arith.constant 0 : i32
      %dma_start3A_790 = arith.constant 0 : i32
      %dma_start3A_791 = tpu.memref_slice %arg9[%dma_start3A_778, %dma_start3A_779, %dma_start3A_788, %dma_start3A_789, %dma_start3A_790] : memref<8x2x4x8x128xf32, #tpu.memory_space<vmem>> -> memref<1x1x4x8x128xf32, #tpu.memory_space<vmem>>
      %dma_start3A_792 = tpu.memref_squeeze %dma_start3A_791 : memref<1x1x4x8x128xf32, #tpu.memory_space<vmem>> -> memref<4x8x128xf32, #tpu.memory_space<vmem>>
      %dma_start3A_793 = arith.constant 0 : i32
      %dma_start3A_794 = arith.constant 0 : i32
      %dma_start3A_795 = tpu.memref_slice %arg4[%dma_start3A_793, %dma_start3A_794, %multiple_of3A_777] : memref<4x8x1000000xf32, #tpu.memory_space<hbm>> -> memref<4x8x128xf32, #tpu.memory_space<hbm>>
      tpu.enqueue_dma source(%dma_start3A_795 : memref<4x8x128xf32, #tpu.memory_space<hbm>>) target(%dma_start3A_792 : memref<4x8x128xf32, #tpu.memory_space<vmem>>) target_semaphore(%arg14 : memref<!tpu.dma_semaphore, #tpu.memory_space<semaphore_mem>>)
      %slice3A_796 = vector.extract_strided_slice %get3A_705 {offsets = [1], sizes = [1], strides = [1]} : vector<16xi32> to vector<1xi32>
      %squeeze3A_797 = vector.extract %slice3A_796[0] : i32 from vector<1xi32>
      %shift_right_logical3A_798 = arith.constant 7 : i32
      %shift_right_logical3A_799 = arith.shrui %squeeze3A_797, %shift_right_logical3A_798 : i32
      %mul3A_800 = arith.constant 128 : i32
      %mul3A_801 = arith.muli %shift_right_logical3A_799, %mul3A_800 : i32
      %multiple_of3A_802 = tpu.assume_multiple %mul3A_801, 128 : i32
      %dma_start3A_803 = arith.constant 1 : i32
      %dma_start3A_804 = arith.constant 1 : i32
      %dma_start3A_805 = arith.constant 0 : i32
      %dma_start3A_806 = arith.constant 0 : i32
      %dma_start3A_807 = arith.constant 0 : i32
      %dma_start3A_808 = tpu.memref_slice %arg9[%dma_start3A_803, %dma_start3A_804, %dma_start3A_805, %dma_start3A_806, %dma_start3A_807] : memref<8x2x4x8x128xf32, #tpu.memory_space<vmem>> -> memref<1x1x4x8x128xf32, #tpu.memory_space<vmem>>
      %dma_start3A_809 = tpu.memref_squeeze %dma_start3A_808 : memref<1x1x4x8x128xf32, #tpu.memory_space<vmem>> -> memref<4x8x128xf32, #tpu.memory_space<vmem>>
      %dma_start3A_810 = arith.constant 0 : i32
      %dma_start3A_811 = arith.constant 0 : i32
      %dma_start3A_812 = tpu.memref_slice %arg5[%dma_start3A_810, %dma_start3A_811, %multiple_of3A_802] : memref<4x8x1000000xf32, #tpu.memory_space<hbm>> -> memref<4x8x128xf32, #tpu.memory_space<hbm>>
      %dma_start3A_813 = arith.constant 0 : i32
      %dma_start3A_814 = arith.constant 0 : i32
      %dma_start3A_815 = arith.constant 0 : i32
      %dma_start3A_816 = tpu.memref_slice %arg9[%dma_start3A_803, %dma_start3A_804, %dma_start3A_813, %dma_start3A_814, %dma_start3A_815] : memref<8x2x4x8x128xf32, #tpu.memory_space<vmem>> -> memref<1x1x4x8x128xf32, #tpu.memory_space<vmem>>
      %dma_start3A_817 = tpu.memref_squeeze %dma_start3A_816 : memref<1x1x4x8x128xf32, #tpu.memory_space<vmem>> -> memref<4x8x128xf32, #tpu.memory_space<vmem>>
      %dma_start3A_818 = arith.constant 0 : i32
      %dma_start3A_819 = arith.constant 0 : i32
      %dma_start3A_820 = tpu.memref_slice %arg5[%dma_start3A_818, %dma_start3A_819, %multiple_of3A_802] : memref<4x8x1000000xf32, #tpu.memory_space<hbm>> -> memref<4x8x128xf32, #tpu.memory_space<hbm>>
      tpu.enqueue_dma source(%dma_start3A_820 : memref<4x8x128xf32, #tpu.memory_space<hbm>>) target(%dma_start3A_817 : memref<4x8x128xf32, #tpu.memory_space<vmem>>) target_semaphore(%arg14 : memref<!tpu.dma_semaphore, #tpu.memory_space<semaphore_mem>>)
      %gt3A_821 = arith.constant 0 : i32
      %gt3A_822 = arith.cmpi sgt, %scan3A_696, %gt3A_821 : i32
      %convert_element_type3A_823 = arith.extui %gt3A_822 : i1 to i32
      %cond3A_824 = arith.constant 0 : i32
      %cond3A_825 = arith.cmpi ne, %convert_element_type3A_823, %cond3A_824 : i32
      scf.if %cond3A_825 {
        %slice3A_2264 = vector.extract_strided_slice %get3A_711 {offsets = [10], sizes = [1], strides = [1]} : vector<16xi32> to vector<1xi32>
        %squeeze3A_2265 = vector.extract %slice3A_2264[0] : i32 from vector<1xi32>
        %slice3A_2266 = vector.extract_strided_slice %get3A_715 {offsets = [10], sizes = [1], strides = [1]} : vector<16xi32> to vector<1xi32>
        %squeeze3A_2267 = vector.extract %slice3A_2266[0] : i32 from vector<1xi32>
        %sub3A_2268 = arith.constant 1 : i32
        %sub3A_2269 = arith.subi %scan3A_696, %sub3A_2268 : i32
        %mul3A_2270 = arith.constant 16 : i32
        %mul3A_2271 = arith.muli %sub3A_2269, %mul3A_2270 : i32
        %add3A_2272 = arith.constant 16 : i32
        %add3A_2273 = arith.addi %mul3A_2271, %add3A_2272 : i32
        %sub3A_2274 = arith.constant 8 : i32
        %sub3A_2275 = arith.subi %add3A_2273, %sub3A_2274 : i32
        %add3A_2276 = arith.constant 2 : i32
        %add3A_2277 = arith.addi %sub3A_2275, %add3A_2276 : i32
        %dma_wait3A_2278 = arith.constant 2 : i32
        %dma_wait3A_2279 = arith.constant 0 : i32
        %dma_wait3A_2280 = arith.constant 0 : i32
        %dma_wait3A_2281 = arith.constant 0 : i32
        %dma_wait3A_2282 = arith.constant 0 : i32
        %dma_wait3A_2283 = tpu.memref_slice %arg9[%dma_wait3A_2278, %dma_wait3A_2279, %dma_wait3A_2280, %dma_wait3A_2281, %dma_wait3A_2282] : memref<8x2x4x8x128xf32, #tpu.memory_space<vmem>> -> memref<1x1x4x8x128xf32, #tpu.memory_space<vmem>>
        %dma_wait3A_2284 = tpu.memref_squeeze %dma_wait3A_2283 : memref<1x1x4x8x128xf32, #tpu.memory_space<vmem>> -> memref<4x8x128xf32, #tpu.memory_space<vmem>>
        %dma_wait3A_2285 = arith.constant 0 : i32
        %dma_wait3A_2286 = arith.constant 0 : i32
        %dma_wait3A_2287 = arith.constant 0 : i32
        %dma_wait3A_2288 = tpu.memref_slice %arg4[%dma_wait3A_2285, %dma_wait3A_2286, %dma_wait3A_2287] : memref<4x8x1000000xf32, #tpu.memory_space<hbm>> -> memref<4x8x128xf32, #tpu.memory_space<hbm>>
        %dma_wait3A_2289 = arith.constant 0 : i32
        %dma_wait3A_2290 = arith.constant 0 : i32
        %dma_wait3A_2291 = arith.constant 0 : i32
        %dma_wait3A_2292 = tpu.memref_slice %arg9[%dma_wait3A_2278, %dma_wait3A_2279, %dma_wait3A_2289, %dma_wait3A_2290, %dma_wait3A_2291] : memref<8x2x4x8x128xf32, #tpu.memory_space<vmem>> -> memref<1x1x4x8x128xf32, #tpu.memory_space<vmem>>
        %dma_wait3A_2293 = tpu.memref_squeeze %dma_wait3A_2292 : memref<1x1x4x8x128xf32, #tpu.memory_space<vmem>> -> memref<4x8x128xf32, #tpu.memory_space<vmem>>
        %dma_wait3A_2294 = arith.constant 0 : i32
        %dma_wait3A_2295 = arith.constant 0 : i32
        %dma_wait3A_2296 = arith.constant 0 : i32
        %dma_wait3A_2297 = tpu.memref_slice %arg4[%dma_wait3A_2294, %dma_wait3A_2295, %dma_wait3A_2296] : memref<4x8x1000000xf32, #tpu.memory_space<hbm>> -> memref<4x8x128xf32, #tpu.memory_space<hbm>>
        tpu.wait_dma2 semaphore(%arg15 : memref<!tpu.dma_semaphore, #tpu.memory_space<semaphore_mem>>) src(%dma_wait3A_2297 : memref<4x8x128xf32, #tpu.memory_space<hbm>>) dst(%dma_wait3A_2293 : memref<4x8x128xf32, #tpu.memory_space<vmem>>)
        %dma_wait3A_2298 = arith.constant 2 : i32
        %dma_wait3A_2299 = arith.constant 1 : i32
        %dma_wait3A_2300 = arith.constant 0 : i32
        %dma_wait3A_2301 = arith.constant 0 : i32
        %dma_wait3A_2302 = arith.constant 0 : i32
        %dma_wait3A_2303 = tpu.memref_slice %arg9[%dma_wait3A_2298, %dma_wait3A_2299, %dma_wait3A_2300, %dma_wait3A_2301, %dma_wait3A_2302] : memref<8x2x4x8x128xf32, #tpu.memory_space<vmem>> -> memref<1x1x4x8x128xf32, #tpu.memory_space<vmem>>
        %dma_wait3A_2304 = tpu.memref_squeeze %dma_wait3A_2303 : memref<1x1x4x8x128xf32, #tpu.memory_space<vmem>> -> memref<4x8x128xf32, #tpu.memory_space<vmem>>
        %dma_wait3A_2305 = arith.constant 0 : i32
        %dma_wait3A_2306 = arith.constant 0 : i32
        %dma_wait3A_2307 = arith.constant 0 : i32
        %dma_wait3A_2308 = tpu.memref_slice %arg4[%dma_wait3A_2305, %dma_wait3A_2306, %dma_wait3A_2307] : memref<4x8x1000000xf32, #tpu.memory_space<hbm>> -> memref<4x8x128xf32, #tpu.memory_space<hbm>>
        %dma_wait3A_2309 = arith.constant 0 : i32
        %dma_wait3A_2310 = arith.constant 0 : i32
        %dma_wait3A_2311 = arith.constant 0 : i32
        %dma_wait3A_2312 = tpu.memref_slice %arg9[%dma_wait3A_2298, %dma_wait3A_2299, %dma_wait3A_2309, %dma_wait3A_2310, %dma_wait3A_2311] : memref<8x2x4x8x128xf32, #tpu.memory_space<vmem>> -> memref<1x1x4x8x128xf32, #tpu.memory_space<vmem>>
        %dma_wait3A_2313 = tpu.memref_squeeze %dma_wait3A_2312 : memref<1x1x4x8x128xf32, #tpu.memory_space<vmem>> -> memref<4x8x128xf32, #tpu.memory_space<vmem>>
        %dma_wait3A_2314 = arith.constant 0 : i32
        %dma_wait3A_2315 = arith.constant 0 : i32
        %dma_wait3A_2316 = arith.constant 0 : i32
        %dma_wait3A_2317 = tpu.memref_slice %arg4[%dma_wait3A_2314, %dma_wait3A_2315, %dma_wait3A_2316] : memref<4x8x1000000xf32, #tpu.memory_space<hbm>> -> memref<4x8x128xf32, #tpu.memory_space<hbm>>
        tpu.wait_dma2 semaphore(%arg15 : memref<!tpu.dma_semaphore, #tpu.memory_space<semaphore_mem>>) src(%dma_wait3A_2317 : memref<4x8x128xf32, #tpu.memory_space<hbm>>) dst(%dma_wait3A_2313 : memref<4x8x128xf32, #tpu.memory_space<vmem>>)
        %and3A_2318 = arith.constant 127 : i32
        %and3A_2319 = arith.andi %squeeze3A_2265, %and3A_2318 : i32
        %broadcast_in_dim3A_2320 = vector.broadcast %and3A_2319 : i32 to vector<16xi32>
        %and3A_2321 = arith.constant 127 : i32
        %and3A_2322 = arith.andi %squeeze3A_2267, %and3A_2321 : i32
        %broadcast_in_dim3A_2323 = vector.broadcast %and3A_2322 : i32 to vector<16xi32>
        %broadcast_in_dim3A_2324 = vector.broadcast %add3A_2277 : i32 to vector<16xi32>
        %gather3A_2325 = arith.constant 2 : i32
        %gather3A_2326 = arith.constant 0 : i32
        %gather3A_2327 = arith.constant 0 : i32
        %gather3A_2328 = arith.constant 0 : i32
        %gather3A_2329 = arith.constant 0 : i32
        %gather3A_2330 = tpu.memref_slice %arg9[%gather3A_2325, %gather3A_2326, %gather3A_2327, %gather3A_2328, %gather3A_2329] : memref<8x2x4x8x128xf32, #tpu.memory_space<vmem>> -> memref<1x1x4x8x128xf32, #tpu.memory_space<vmem>>
        %gather3A_2331 = tpu.memref_squeeze %gather3A_2330 : memref<1x1x4x8x128xf32, #tpu.memory_space<vmem>> -> memref<4x8x128xf32, #tpu.memory_space<vmem>>
        %gather3A_2332 = tpu.vector_load_idx %gather3A_2331[%shift_right_logical3A_4, %and3A_6, %broadcast_in_dim3A_2320] : memref<4x8x128xf32, #tpu.memory_space<vmem>>[vector<16xi32>, vector<16xi32>, vector<16xi32>], vector<16xf32>,
        %gather3A_2333 = arith.constant 2 : i32
        %gather3A_2334 = arith.constant 0 : i32
        %gather3A_2335 = arith.constant 0 : i32
        %gather3A_2336 = arith.constant 0 : i32
        %gather3A_2337 = arith.constant 0 : i32
        %gather3A_2338 = tpu.memref_slice %arg9[%gather3A_2333, %gather3A_2334, %gather3A_2335, %gather3A_2336, %gather3A_2337] : memref<8x2x4x8x128xf32, #tpu.memory_space<vmem>> -> memref<1x1x4x8x128xf32, #tpu.memory_space<vmem>>
        %gather3A_2339 = tpu.memref_squeeze %gather3A_2338 : memref<1x1x4x8x128xf32, #tpu.memory_space<vmem>> -> memref<4x8x128xf32, #tpu.memory_space<vmem>>
        %gather3A_2340 = tpu.vector_load_idx %gather3A_2339[%add3A_9, %and3A_6, %broadcast_in_dim3A_2320] : memref<4x8x128xf32, #tpu.memory_space<vmem>>[vector<16xi32>, vector<16xi32>, vector<16xi32>], vector<16xf32>,
        %gather3A_2341 = arith.constant 2 : i32
        %gather3A_2342 = arith.constant 1 : i32
        %gather3A_2343 = arith.constant 0 : i32
        %gather3A_2344 = arith.constant 0 : i32
        %gather3A_2345 = arith.constant 0 : i32
        %gather3A_2346 = tpu.memref_slice %arg9[%gather3A_2341, %gather3A_2342, %gather3A_2343, %gather3A_2344, %gather3A_2345] : memref<8x2x4x8x128xf32, #tpu.memory_space<vmem>> -> memref<1x1x4x8x128xf32, #tpu.memory_space<vmem>>
        %gather3A_2347 = tpu.memref_squeeze %gather3A_2346 : memref<1x1x4x8x128xf32, #tpu.memory_space<vmem>> -> memref<4x8x128xf32, #tpu.memory_space<vmem>>
        %gather3A_2348 = tpu.vector_load_idx %gather3A_2347[%shift_right_logical3A_4, %and3A_6, %broadcast_in_dim3A_2323] : memref<4x8x128xf32, #tpu.memory_space<vmem>>[vector<16xi32>, vector<16xi32>, vector<16xi32>], vector<16xf32>,
        %gather3A_2349 = arith.constant 2 : i32
        %gather3A_2350 = arith.constant 1 : i32
        %gather3A_2351 = arith.constant 0 : i32
        %gather3A_2352 = arith.constant 0 : i32
        %gather3A_2353 = arith.constant 0 : i32
        %gather3A_2354 = tpu.memref_slice %arg9[%gather3A_2349, %gather3A_2350, %gather3A_2351, %gather3A_2352, %gather3A_2353] : memref<8x2x4x8x128xf32, #tpu.memory_space<vmem>> -> memref<1x1x4x8x128xf32, #tpu.memory_space<vmem>>
        %gather3A_2355 = tpu.memref_squeeze %gather3A_2354 : memref<1x1x4x8x128xf32, #tpu.memory_space<vmem>> -> memref<4x8x128xf32, #tpu.memory_space<vmem>>
        %gather3A_2356 = tpu.vector_load_idx %gather3A_2355[%add3A_9, %and3A_6, %broadcast_in_dim3A_2323] : memref<4x8x128xf32, #tpu.memory_space<vmem>>[vector<16xi32>, vector<16xi32>, vector<16xi32>], vector<16xf32>,
        tpu.vector_store_idx %arg10[%iota3A, %broadcast_in_dim3A_2324], %gather3A_2332 : memref<32x512xf32, #tpu.memory_space<vmem>>[vector<16xi32>, vector<16xi32>], vector<16xf32>,
        tpu.vector_store_idx %arg10[%add3A_12, %broadcast_in_dim3A_2324], %gather3A_2340 : memref<32x512xf32, #tpu.memory_space<vmem>>[vector<16xi32>, vector<16xi32>], vector<16xf32>,
        tpu.vector_store_idx %arg11[%iota3A, %broadcast_in_dim3A_2324], %gather3A_2348 : memref<32x512xf32, #tpu.memory_space<vmem>>[vector<16xi32>, vector<16xi32>], vector<16xf32>,
        tpu.vector_store_idx %arg11[%add3A_12, %broadcast_in_dim3A_2324], %gather3A_2356 : memref<32x512xf32, #tpu.memory_space<vmem>>[vector<16xi32>, vector<16xi32>], vector<16xf32>,
      } else {
      }
      %slice3A_826 = vector.extract_strided_slice %get3A_701 {offsets = [2], sizes = [1], strides = [1]} : vector<16xi32> to vector<1xi32>
      %squeeze3A_827 = vector.extract %slice3A_826[0] : i32 from vector<1xi32>
      %shift_right_logical3A_828 = arith.constant 7 : i32
      %shift_right_logical3A_829 = arith.shrui %squeeze3A_827, %shift_right_logical3A_828 : i32
      %mul3A_830 = arith.constant 128 : i32
      %mul3A_831 = arith.muli %shift_right_logical3A_829, %mul3A_830 : i32
      %multiple_of3A_832 = tpu.assume_multiple %mul3A_831, 128 : i32
      %dma_start3A_833 = arith.constant 2 : i32
      %dma_start3A_834 = arith.constant 0 : i32
      %dma_start3A_835 = arith.constant 0 : i32
      %dma_start3A_836 = arith.constant 0 : i32
      %dma_start3A_837 = arith.constant 0 : i32
      %dma_start3A_838 = tpu.memref_slice %arg9[%dma_start3A_833, %dma_start3A_834, %dma_start3A_835, %dma_start3A_836, %dma_start3A_837] : memref<8x2x4x8x128xf32, #tpu.memory_space<vmem>> -> memref<1x1x4x8x128xf32, #tpu.memory_space<vmem>>
      %dma_start3A_839 = tpu.memref_squeeze %dma_start3A_838 : memref<1x1x4x8x128xf32, #tpu.memory_space<vmem>> -> memref<4x8x128xf32, #tpu.memory_space<vmem>>
      %dma_start3A_840 = arith.constant 0 : i32
      %dma_start3A_841 = arith.constant 0 : i32
      %dma_start3A_842 = tpu.memref_slice %arg4[%dma_start3A_840, %dma_start3A_841, %multiple_of3A_832] : memref<4x8x1000000xf32, #tpu.memory_space<hbm>> -> memref<4x8x128xf32, #tpu.memory_space<hbm>>
      %dma_start3A_843 = arith.constant 0 : i32
      %dma_start3A_844 = arith.constant 0 : i32
      %dma_start3A_845 = arith.constant 0 : i32
      %dma_start3A_846 = tpu.memref_slice %arg9[%dma_start3A_833, %dma_start3A_834, %dma_start3A_843, %dma_start3A_844, %dma_start3A_845] : memref<8x2x4x8x128xf32, #tpu.memory_space<vmem>> -> memref<1x1x4x8x128xf32, #tpu.memory_space<vmem>>
      %dma_start3A_847 = tpu.memref_squeeze %dma_start3A_846 : memref<1x1x4x8x128xf32, #tpu.memory_space<vmem>> -> memref<4x8x128xf32, #tpu.memory_space<vmem>>
      %dma_start3A_848 = arith.constant 0 : i32
      %dma_start3A_849 = arith.constant 0 : i32
      %dma_start3A_850 = tpu.memref_slice %arg4[%dma_start3A_848, %dma_start3A_849, %multiple_of3A_832] : memref<4x8x1000000xf32, #tpu.memory_space<hbm>> -> memref<4x8x128xf32, #tpu.memory_space<hbm>>
      tpu.enqueue_dma source(%dma_start3A_850 : memref<4x8x128xf32, #tpu.memory_space<hbm>>) target(%dma_start3A_847 : memref<4x8x128xf32, #tpu.memory_space<vmem>>) target_semaphore(%arg15 : memref<!tpu.dma_semaphore, #tpu.memory_space<semaphore_mem>>)
      %slice3A_851 = vector.extract_strided_slice %get3A_705 {offsets = [2], sizes = [1], strides = [1]} : vector<16xi32> to vector<1xi32>
      %squeeze3A_852 = vector.extract %slice3A_851[0] : i32 from vector<1xi32>
      %shift_right_logical3A_853 = arith.constant 7 : i32
      %shift_right_logical3A_854 = arith.shrui %squeeze3A_852, %shift_right_logical3A_853 : i32
      %mul3A_855 = arith.constant 128 : i32
      %mul3A_856 = arith.muli %shift_right_logical3A_854, %mul3A_855 : i32
      %multiple_of3A_857 = tpu.assume_multiple %mul3A_856, 128 : i32
      %dma_start3A_858 = arith.constant 2 : i32
      %dma_start3A_859 = arith.constant 1 : i32
      %dma_start3A_860 = arith.constant 0 : i32
      %dma_start3A_861 = arith.constant 0 : i32
      %dma_start3A_862 = arith.constant 0 : i32
      %dma_start3A_863 = tpu.memref_slice %arg9[%dma_start3A_858, %dma_start3A_859, %dma_start3A_860, %dma_start3A_861, %dma_start3A_862] : memref<8x2x4x8x128xf32, #tpu.memory_space<vmem>> -> memref<1x1x4x8x128xf32, #tpu.memory_space<vmem>>
      %dma_start3A_864 = tpu.memref_squeeze %dma_start3A_863 : memref<1x1x4x8x128xf32, #tpu.memory_space<vmem>> -> memref<4x8x128xf32, #tpu.memory_space<vmem>>
      %dma_start3A_865 = arith.constant 0 : i32
      %dma_start3A_866 = arith.constant 0 : i32
      %dma_start3A_867 = tpu.memref_slice %arg5[%dma_start3A_865, %dma_start3A_866, %multiple_of3A_857] : memref<4x8x1000000xf32, #tpu.memory_space<hbm>> -> memref<4x8x128xf32, #tpu.memory_space<hbm>>
      %dma_start3A_868 = arith.constant 0 : i32
      %dma_start3A_869 = arith.constant 0 : i32
      %dma_start3A_870 = arith.constant 0 : i32
      %dma_start3A_871 = tpu.memref_slice %arg9[%dma_start3A_858, %dma_start3A_859, %dma_start3A_868, %dma_start3A_869, %dma_start3A_870] : memref<8x2x4x8x128xf32, #tpu.memory_space<vmem>> -> memref<1x1x4x8x128xf32, #tpu.memory_space<vmem>>
      %dma_start3A_872 = tpu.memref_squeeze %dma_start3A_871 : memref<1x1x4x8x128xf32, #tpu.memory_space<vmem>> -> memref<4x8x128xf32, #tpu.memory_space<vmem>>
      %dma_start3A_873 = arith.constant 0 : i32
      %dma_start3A_874 = arith.constant 0 : i32
      %dma_start3A_875 = tpu.memref_slice %arg5[%dma_start3A_873, %dma_start3A_874, %multiple_of3A_857] : memref<4x8x1000000xf32, #tpu.memory_space<hbm>> -> memref<4x8x128xf32, #tpu.memory_space<hbm>>
      tpu.enqueue_dma source(%dma_start3A_875 : memref<4x8x128xf32, #tpu.memory_space<hbm>>) target(%dma_start3A_872 : memref<4x8x128xf32, #tpu.memory_space<vmem>>) target_semaphore(%arg15 : memref<!tpu.dma_semaphore, #tpu.memory_space<semaphore_mem>>)
      %gt3A_876 = arith.constant 0 : i32
      %gt3A_877 = arith.cmpi sgt, %scan3A_696, %gt3A_876 : i32
      %convert_element_type3A_878 = arith.extui %gt3A_877 : i1 to i32
      %cond3A_879 = arith.constant 0 : i32
      %cond3A_880 = arith.cmpi ne, %convert_element_type3A_878, %cond3A_879 : i32
      scf.if %cond3A_880 {
        %slice3A_2264 = vector.extract_strided_slice %get3A_711 {offsets = [11], sizes = [1], strides = [1]} : vector<16xi32> to vector<1xi32>
        %squeeze3A_2265 = vector.extract %slice3A_2264[0] : i32 from vector<1xi32>
        %slice3A_2266 = vector.extract_strided_slice %get3A_715 {offsets = [11], sizes = [1], strides = [1]} : vector<16xi32> to vector<1xi32>
        %squeeze3A_2267 = vector.extract %slice3A_2266[0] : i32 from vector<1xi32>
        %sub3A_2268 = arith.constant 1 : i32
        %sub3A_2269 = arith.subi %scan3A_696, %sub3A_2268 : i32
        %mul3A_2270 = arith.constant 16 : i32
        %mul3A_2271 = arith.muli %sub3A_2269, %mul3A_2270 : i32
        %add3A_2272 = arith.constant 16 : i32
        %add3A_2273 = arith.addi %mul3A_2271, %add3A_2272 : i32
        %sub3A_2274 = arith.constant 8 : i32
        %sub3A_2275 = arith.subi %add3A_2273, %sub3A_2274 : i32
        %add3A_2276 = arith.constant 3 : i32
        %add3A_2277 = arith.addi %sub3A_2275, %add3A_2276 : i32
        %dma_wait3A_2278 = arith.constant 3 : i32
        %dma_wait3A_2279 = arith.constant 0 : i32
        %dma_wait3A_2280 = arith.constant 0 : i32
        %dma_wait3A_2281 = arith.constant 0 : i32
        %dma_wait3A_2282 = arith.constant 0 : i32
        %dma_wait3A_2283 = tpu.memref_slice %arg9[%dma_wait3A_2278, %dma_wait3A_2279, %dma_wait3A_2280, %dma_wait3A_2281, %dma_wait3A_2282] : memref<8x2x4x8x128xf32, #tpu.memory_space<vmem>> -> memref<1x1x4x8x128xf32, #tpu.memory_space<vmem>>
        %dma_wait3A_2284 = tpu.memref_squeeze %dma_wait3A_2283 : memref<1x1x4x8x128xf32, #tpu.memory_space<vmem>> -> memref<4x8x128xf32, #tpu.memory_space<vmem>>
        %dma_wait3A_2285 = arith.constant 0 : i32
        %dma_wait3A_2286 = arith.constant 0 : i32
        %dma_wait3A_2287 = arith.constant 0 : i32
        %dma_wait3A_2288 = tpu.memref_slice %arg4[%dma_wait3A_2285, %dma_wait3A_2286, %dma_wait3A_2287] : memref<4x8x1000000xf32, #tpu.memory_space<hbm>> -> memref<4x8x128xf32, #tpu.memory_space<hbm>>
        %dma_wait3A_2289 = arith.constant 0 : i32
        %dma_wait3A_2290 = arith.constant 0 : i32
        %dma_wait3A_2291 = arith.constant 0 : i32
        %dma_wait3A_2292 = tpu.memref_slice %arg9[%dma_wait3A_2278, %dma_wait3A_2279, %dma_wait3A_2289, %dma_wait3A_2290, %dma_wait3A_2291] : memref<8x2x4x8x128xf32, #tpu.memory_space<vmem>> -> memref<1x1x4x8x128xf32, #tpu.memory_space<vmem>>
        %dma_wait3A_2293 = tpu.memref_squeeze %dma_wait3A_2292 : memref<1x1x4x8x128xf32, #tpu.memory_space<vmem>> -> memref<4x8x128xf32, #tpu.memory_space<vmem>>
        %dma_wait3A_2294 = arith.constant 0 : i32
        %dma_wait3A_2295 = arith.constant 0 : i32
        %dma_wait3A_2296 = arith.constant 0 : i32
        %dma_wait3A_2297 = tpu.memref_slice %arg4[%dma_wait3A_2294, %dma_wait3A_2295, %dma_wait3A_2296] : memref<4x8x1000000xf32, #tpu.memory_space<hbm>> -> memref<4x8x128xf32, #tpu.memory_space<hbm>>
        tpu.wait_dma2 semaphore(%arg16 : memref<!tpu.dma_semaphore, #tpu.memory_space<semaphore_mem>>) src(%dma_wait3A_2297 : memref<4x8x128xf32, #tpu.memory_space<hbm>>) dst(%dma_wait3A_2293 : memref<4x8x128xf32, #tpu.memory_space<vmem>>)
        %dma_wait3A_2298 = arith.constant 3 : i32
        %dma_wait3A_2299 = arith.constant 1 : i32
        %dma_wait3A_2300 = arith.constant 0 : i32
        %dma_wait3A_2301 = arith.constant 0 : i32
        %dma_wait3A_2302 = arith.constant 0 : i32
        %dma_wait3A_2303 = tpu.memref_slice %arg9[%dma_wait3A_2298, %dma_wait3A_2299, %dma_wait3A_2300, %dma_wait3A_2301, %dma_wait3A_2302] : memref<8x2x4x8x128xf32, #tpu.memory_space<vmem>> -> memref<1x1x4x8x128xf32, #tpu.memory_space<vmem>>
        %dma_wait3A_2304 = tpu.memref_squeeze %dma_wait3A_2303 : memref<1x1x4x8x128xf32, #tpu.memory_space<vmem>> -> memref<4x8x128xf32, #tpu.memory_space<vmem>>
        %dma_wait3A_2305 = arith.constant 0 : i32
        %dma_wait3A_2306 = arith.constant 0 : i32
        %dma_wait3A_2307 = arith.constant 0 : i32
        %dma_wait3A_2308 = tpu.memref_slice %arg4[%dma_wait3A_2305, %dma_wait3A_2306, %dma_wait3A_2307] : memref<4x8x1000000xf32, #tpu.memory_space<hbm>> -> memref<4x8x128xf32, #tpu.memory_space<hbm>>
        %dma_wait3A_2309 = arith.constant 0 : i32
        %dma_wait3A_2310 = arith.constant 0 : i32
        %dma_wait3A_2311 = arith.constant 0 : i32
        %dma_wait3A_2312 = tpu.memref_slice %arg9[%dma_wait3A_2298, %dma_wait3A_2299, %dma_wait3A_2309, %dma_wait3A_2310, %dma_wait3A_2311] : memref<8x2x4x8x128xf32, #tpu.memory_space<vmem>> -> memref<1x1x4x8x128xf32, #tpu.memory_space<vmem>>
        %dma_wait3A_2313 = tpu.memref_squeeze %dma_wait3A_2312 : memref<1x1x4x8x128xf32, #tpu.memory_space<vmem>> -> memref<4x8x128xf32, #tpu.memory_space<vmem>>
        %dma_wait3A_2314 = arith.constant 0 : i32
        %dma_wait3A_2315 = arith.constant 0 : i32
        %dma_wait3A_2316 = arith.constant 0 : i32
        %dma_wait3A_2317 = tpu.memref_slice %arg4[%dma_wait3A_2314, %dma_wait3A_2315, %dma_wait3A_2316] : memref<4x8x1000000xf32, #tpu.memory_space<hbm>> -> memref<4x8x128xf32, #tpu.memory_space<hbm>>
        tpu.wait_dma2 semaphore(%arg16 : memref<!tpu.dma_semaphore, #tpu.memory_space<semaphore_mem>>) src(%dma_wait3A_2317 : memref<4x8x128xf32, #tpu.memory_space<hbm>>) dst(%dma_wait3A_2313 : memref<4x8x128xf32, #tpu.memory_space<vmem>>)
        %and3A_2318 = arith.constant 127 : i32
        %and3A_2319 = arith.andi %squeeze3A_2265, %and3A_2318 : i32
        %broadcast_in_dim3A_2320 = vector.broadcast %and3A_2319 : i32 to vector<16xi32>
        %and3A_2321 = arith.constant 127 : i32
        %and3A_2322 = arith.andi %squeeze3A_2267, %and3A_2321 : i32
        %broadcast_in_dim3A_2323 = vector.broadcast %and3A_2322 : i32 to vector<16xi32>
        %broadcast_in_dim3A_2324 = vector.broadcast %add3A_2277 : i32 to vector<16xi32>
        %gather3A_2325 = arith.constant 3 : i32
        %gather3A_2326 = arith.constant 0 : i32
        %gather3A_2327 = arith.constant 0 : i32
        %gather3A_2328 = arith.constant 0 : i32
        %gather3A_2329 = arith.constant 0 : i32
        %gather3A_2330 = tpu.memref_slice %arg9[%gather3A_2325, %gather3A_2326, %gather3A_2327, %gather3A_2328, %gather3A_2329] : memref<8x2x4x8x128xf32, #tpu.memory_space<vmem>> -> memref<1x1x4x8x128xf32, #tpu.memory_space<vmem>>
        %gather3A_2331 = tpu.memref_squeeze %gather3A_2330 : memref<1x1x4x8x128xf32, #tpu.memory_space<vmem>> -> memref<4x8x128xf32, #tpu.memory_space<vmem>>
        %gather3A_2332 = tpu.vector_load_idx %gather3A_2331[%shift_right_logical3A_4, %and3A_6, %broadcast_in_dim3A_2320] : memref<4x8x128xf32, #tpu.memory_space<vmem>>[vector<16xi32>, vector<16xi32>, vector<16xi32>], vector<16xf32>,
        %gather3A_2333 = arith.constant 3 : i32
        %gather3A_2334 = arith.constant 0 : i32
        %gather3A_2335 = arith.constant 0 : i32
        %gather3A_2336 = arith.constant 0 : i32
        %gather3A_2337 = arith.constant 0 : i32
        %gather3A_2338 = tpu.memref_slice %arg9[%gather3A_2333, %gather3A_2334, %gather3A_2335, %gather3A_2336, %gather3A_2337] : memref<8x2x4x8x128xf32, #tpu.memory_space<vmem>> -> memref<1x1x4x8x128xf32, #tpu.memory_space<vmem>>
        %gather3A_2339 = tpu.memref_squeeze %gather3A_2338 : memref<1x1x4x8x128xf32, #tpu.memory_space<vmem>> -> memref<4x8x128xf32, #tpu.memory_space<vmem>>
        %gather3A_2340 = tpu.vector_load_idx %gather3A_2339[%add3A_9, %and3A_6, %broadcast_in_dim3A_2320] : memref<4x8x128xf32, #tpu.memory_space<vmem>>[vector<16xi32>, vector<16xi32>, vector<16xi32>], vector<16xf32>,
        %gather3A_2341 = arith.constant 3 : i32
        %gather3A_2342 = arith.constant 1 : i32
        %gather3A_2343 = arith.constant 0 : i32
        %gather3A_2344 = arith.constant 0 : i32
        %gather3A_2345 = arith.constant 0 : i32
        %gather3A_2346 = tpu.memref_slice %arg9[%gather3A_2341, %gather3A_2342, %gather3A_2343, %gather3A_2344, %gather3A_2345] : memref<8x2x4x8x128xf32, #tpu.memory_space<vmem>> -> memref<1x1x4x8x128xf32, #tpu.memory_space<vmem>>
        %gather3A_2347 = tpu.memref_squeeze %gather3A_2346 : memref<1x1x4x8x128xf32, #tpu.memory_space<vmem>> -> memref<4x8x128xf32, #tpu.memory_space<vmem>>
        %gather3A_2348 = tpu.vector_load_idx %gather3A_2347[%shift_right_logical3A_4, %and3A_6, %broadcast_in_dim3A_2323] : memref<4x8x128xf32, #tpu.memory_space<vmem>>[vector<16xi32>, vector<16xi32>, vector<16xi32>], vector<16xf32>,
        %gather3A_2349 = arith.constant 3 : i32
        %gather3A_2350 = arith.constant 1 : i32
        %gather3A_2351 = arith.constant 0 : i32
        %gather3A_2352 = arith.constant 0 : i32
        %gather3A_2353 = arith.constant 0 : i32
        %gather3A_2354 = tpu.memref_slice %arg9[%gather3A_2349, %gather3A_2350, %gather3A_2351, %gather3A_2352, %gather3A_2353] : memref<8x2x4x8x128xf32, #tpu.memory_space<vmem>> -> memref<1x1x4x8x128xf32, #tpu.memory_space<vmem>>
        %gather3A_2355 = tpu.memref_squeeze %gather3A_2354 : memref<1x1x4x8x128xf32, #tpu.memory_space<vmem>> -> memref<4x8x128xf32, #tpu.memory_space<vmem>>
        %gather3A_2356 = tpu.vector_load_idx %gather3A_2355[%add3A_9, %and3A_6, %broadcast_in_dim3A_2323] : memref<4x8x128xf32, #tpu.memory_space<vmem>>[vector<16xi32>, vector<16xi32>, vector<16xi32>], vector<16xf32>,
        tpu.vector_store_idx %arg10[%iota3A, %broadcast_in_dim3A_2324], %gather3A_2332 : memref<32x512xf32, #tpu.memory_space<vmem>>[vector<16xi32>, vector<16xi32>], vector<16xf32>,
        tpu.vector_store_idx %arg10[%add3A_12, %broadcast_in_dim3A_2324], %gather3A_2340 : memref<32x512xf32, #tpu.memory_space<vmem>>[vector<16xi32>, vector<16xi32>], vector<16xf32>,
        tpu.vector_store_idx %arg11[%iota3A, %broadcast_in_dim3A_2324], %gather3A_2348 : memref<32x512xf32, #tpu.memory_space<vmem>>[vector<16xi32>, vector<16xi32>], vector<16xf32>,
        tpu.vector_store_idx %arg11[%add3A_12, %broadcast_in_dim3A_2324], %gather3A_2356 : memref<32x512xf32, #tpu.memory_space<vmem>>[vector<16xi32>, vector<16xi32>], vector<16xf32>,
      } else {
      }
      %slice3A_881 = vector.extract_strided_slice %get3A_701 {offsets = [3], sizes = [1], strides = [1]} : vector<16xi32> to vector<1xi32>
      %squeeze3A_882 = vector.extract %slice3A_881[0] : i32 from vector<1xi32>
      %shift_right_logical3A_883 = arith.constant 7 : i32
      %shift_right_logical3A_884 = arith.shrui %squeeze3A_882, %shift_right_logical3A_883 : i32
      %mul3A_885 = arith.constant 128 : i32
      %mul3A_886 = arith.muli %shift_right_logical3A_884, %mul3A_885 : i32
      %multiple_of3A_887 = tpu.assume_multiple %mul3A_886, 128 : i32
      %dma_start3A_888 = arith.constant 3 : i32
      %dma_start3A_889 = arith.constant 0 : i32
      %dma_start3A_890 = arith.constant 0 : i32
      %dma_start3A_891 = arith.constant 0 : i32
      %dma_start3A_892 = arith.constant 0 : i32
      %dma_start3A_893 = tpu.memref_slice %arg9[%dma_start3A_888, %dma_start3A_889, %dma_start3A_890, %dma_start3A_891, %dma_start3A_892] : memref<8x2x4x8x128xf32, #tpu.memory_space<vmem>> -> memref<1x1x4x8x128xf32, #tpu.memory_space<vmem>>
      %dma_start3A_894 = tpu.memref_squeeze %dma_start3A_893 : memref<1x1x4x8x128xf32, #tpu.memory_space<vmem>> -> memref<4x8x128xf32, #tpu.memory_space<vmem>>
      %dma_start3A_895 = arith.constant 0 : i32
      %dma_start3A_896 = arith.constant 0 : i32
      %dma_start3A_897 = tpu.memref_slice %arg4[%dma_start3A_895, %dma_start3A_896, %multiple_of3A_887] : memref<4x8x1000000xf32, #tpu.memory_space<hbm>> -> memref<4x8x128xf32, #tpu.memory_space<hbm>>
      %dma_start3A_898 = arith.constant 0 : i32
      %dma_start3A_899 = arith.constant 0 : i32
      %dma_start3A_900 = arith.constant 0 : i32
      %dma_start3A_901 = tpu.memref_slice %arg9[%dma_start3A_888, %dma_start3A_889, %dma_start3A_898, %dma_start3A_899, %dma_start3A_900] : memref<8x2x4x8x128xf32, #tpu.memory_space<vmem>> -> memref<1x1x4x8x128xf32, #tpu.memory_space<vmem>>
      %dma_start3A_902 = tpu.memref_squeeze %dma_start3A_901 : memref<1x1x4x8x128xf32, #tpu.memory_space<vmem>> -> memref<4x8x128xf32, #tpu.memory_space<vmem>>
      %dma_start3A_903 = arith.constant 0 : i32
      %dma_start3A_904 = arith.constant 0 : i32
      %dma_start3A_905 = tpu.memref_slice %arg4[%dma_start3A_903, %dma_start3A_904, %multiple_of3A_887] : memref<4x8x1000000xf32, #tpu.memory_space<hbm>> -> memref<4x8x128xf32, #tpu.memory_space<hbm>>
      tpu.enqueue_dma source(%dma_start3A_905 : memref<4x8x128xf32, #tpu.memory_space<hbm>>) target(%dma_start3A_902 : memref<4x8x128xf32, #tpu.memory_space<vmem>>) target_semaphore(%arg16 : memref<!tpu.dma_semaphore, #tpu.memory_space<semaphore_mem>>)
      %slice3A_906 = vector.extract_strided_slice %get3A_705 {offsets = [3], sizes = [1], strides = [1]} : vector<16xi32> to vector<1xi32>
      %squeeze3A_907 = vector.extract %slice3A_906[0] : i32 from vector<1xi32>
      %shift_right_logical3A_908 = arith.constant 7 : i32
      %shift_right_logical3A_909 = arith.shrui %squeeze3A_907, %shift_right_logical3A_908 : i32
      %mul3A_910 = arith.constant 128 : i32
      %mul3A_911 = arith.muli %shift_right_logical3A_909, %mul3A_910 : i32
      %multiple_of3A_912 = tpu.assume_multiple %mul3A_911, 128 : i32
      %dma_start3A_913 = arith.constant 3 : i32
      %dma_start3A_914 = arith.constant 1 : i32
      %dma_start3A_915 = arith.constant 0 : i32
      %dma_start3A_916 = arith.constant 0 : i32
      %dma_start3A_917 = arith.constant 0 : i32
      %dma_start3A_918 = tpu.memref_slice %arg9[%dma_start3A_913, %dma_start3A_914, %dma_start3A_915, %dma_start3A_916, %dma_start3A_917] : memref<8x2x4x8x128xf32, #tpu.memory_space<vmem>> -> memref<1x1x4x8x128xf32, #tpu.memory_space<vmem>>
      %dma_start3A_919 = tpu.memref_squeeze %dma_start3A_918 : memref<1x1x4x8x128xf32, #tpu.memory_space<vmem>> -> memref<4x8x128xf32, #tpu.memory_space<vmem>>
      %dma_start3A_920 = arith.constant 0 : i32
      %dma_start3A_921 = arith.constant 0 : i32
      %dma_start3A_922 = tpu.memref_slice %arg5[%dma_start3A_920, %dma_start3A_921, %multiple_of3A_912] : memref<4x8x1000000xf32, #tpu.memory_space<hbm>> -> memref<4x8x128xf32, #tpu.memory_space<hbm>>
      %dma_start3A_923 = arith.constant 0 : i32
      %dma_start3A_924 = arith.constant 0 : i32
      %dma_start3A_925 = arith.constant 0 : i32
      %dma_start3A_926 = tpu.memref_slice %arg9[%dma_start3A_913, %dma_start3A_914, %dma_start3A_923, %dma_start3A_924, %dma_start3A_925] : memref<8x2x4x8x128xf32, #tpu.memory_space<vmem>> -> memref<1x1x4x8x128xf32, #tpu.memory_space<vmem>>
      %dma_start3A_927 = tpu.memref_squeeze %dma_start3A_926 : memref<1x1x4x8x128xf32, #tpu.memory_space<vmem>> -> memref<4x8x128xf32, #tpu.memory_space<vmem>>
      %dma_start3A_928 = arith.constant 0 : i32
      %dma_start3A_929 = arith.constant 0 : i32
      %dma_start3A_930 = tpu.memref_slice %arg5[%dma_start3A_928, %dma_start3A_929, %multiple_of3A_912] : memref<4x8x1000000xf32, #tpu.memory_space<hbm>> -> memref<4x8x128xf32, #tpu.memory_space<hbm>>
      tpu.enqueue_dma source(%dma_start3A_930 : memref<4x8x128xf32, #tpu.memory_space<hbm>>) target(%dma_start3A_927 : memref<4x8x128xf32, #tpu.memory_space<vmem>>) target_semaphore(%arg16 : memref<!tpu.dma_semaphore, #tpu.memory_space<semaphore_mem>>)
      %gt3A_931 = arith.constant 0 : i32
      %gt3A_932 = arith.cmpi sgt, %scan3A_696, %gt3A_931 : i32
      %convert_element_type3A_933 = arith.extui %gt3A_932 : i1 to i32
      %cond3A_934 = arith.constant 0 : i32
      %cond3A_935 = arith.cmpi ne, %convert_element_type3A_933, %cond3A_934 : i32
      scf.if %cond3A_935 {
        %slice3A_2264 = vector.extract_strided_slice %get3A_711 {offsets = [12], sizes = [1], strides = [1]} : vector<16xi32> to vector<1xi32>
        %squeeze3A_2265 = vector.extract %slice3A_2264[0] : i32 from vector<1xi32>
        %slice3A_2266 = vector.extract_strided_slice %get3A_715 {offsets = [12], sizes = [1], strides = [1]} : vector<16xi32> to vector<1xi32>
        %squeeze3A_2267 = vector.extract %slice3A_2266[0] : i32 from vector<1xi32>
        %sub3A_2268 = arith.constant 1 : i32
        %sub3A_2269 = arith.subi %scan3A_696, %sub3A_2268 : i32
        %mul3A_2270 = arith.constant 16 : i32
        %mul3A_2271 = arith.muli %sub3A_2269, %mul3A_2270 : i32
        %add3A_2272 = arith.constant 16 : i32
        %add3A_2273 = arith.addi %mul3A_2271, %add3A_2272 : i32
        %sub3A_2274 = arith.constant 8 : i32
        %sub3A_2275 = arith.subi %add3A_2273, %sub3A_2274 : i32
        %add3A_2276 = arith.constant 4 : i32
        %add3A_2277 = arith.addi %sub3A_2275, %add3A_2276 : i32
        %dma_wait3A_2278 = arith.constant 4 : i32
        %dma_wait3A_2279 = arith.constant 0 : i32
        %dma_wait3A_2280 = arith.constant 0 : i32
        %dma_wait3A_2281 = arith.constant 0 : i32
        %dma_wait3A_2282 = arith.constant 0 : i32
        %dma_wait3A_2283 = tpu.memref_slice %arg9[%dma_wait3A_2278, %dma_wait3A_2279, %dma_wait3A_2280, %dma_wait3A_2281, %dma_wait3A_2282] : memref<8x2x4x8x128xf32, #tpu.memory_space<vmem>> -> memref<1x1x4x8x128xf32, #tpu.memory_space<vmem>>
        %dma_wait3A_2284 = tpu.memref_squeeze %dma_wait3A_2283 : memref<1x1x4x8x128xf32, #tpu.memory_space<vmem>> -> memref<4x8x128xf32, #tpu.memory_space<vmem>>
        %dma_wait3A_2285 = arith.constant 0 : i32
        %dma_wait3A_2286 = arith.constant 0 : i32
        %dma_wait3A_2287 = arith.constant 0 : i32
        %dma_wait3A_2288 = tpu.memref_slice %arg4[%dma_wait3A_2285, %dma_wait3A_2286, %dma_wait3A_2287] : memref<4x8x1000000xf32, #tpu.memory_space<hbm>> -> memref<4x8x128xf32, #tpu.memory_space<hbm>>
        %dma_wait3A_2289 = arith.constant 0 : i32
        %dma_wait3A_2290 = arith.constant 0 : i32
        %dma_wait3A_2291 = arith.constant 0 : i32
        %dma_wait3A_2292 = tpu.memref_slice %arg9[%dma_wait3A_2278, %dma_wait3A_2279, %dma_wait3A_2289, %dma_wait3A_2290, %dma_wait3A_2291] : memref<8x2x4x8x128xf32, #tpu.memory_space<vmem>> -> memref<1x1x4x8x128xf32, #tpu.memory_space<vmem>>
        %dma_wait3A_2293 = tpu.memref_squeeze %dma_wait3A_2292 : memref<1x1x4x8x128xf32, #tpu.memory_space<vmem>> -> memref<4x8x128xf32, #tpu.memory_space<vmem>>
        %dma_wait3A_2294 = arith.constant 0 : i32
        %dma_wait3A_2295 = arith.constant 0 : i32
        %dma_wait3A_2296 = arith.constant 0 : i32
        %dma_wait3A_2297 = tpu.memref_slice %arg4[%dma_wait3A_2294, %dma_wait3A_2295, %dma_wait3A_2296] : memref<4x8x1000000xf32, #tpu.memory_space<hbm>> -> memref<4x8x128xf32, #tpu.memory_space<hbm>>
        tpu.wait_dma2 semaphore(%arg17 : memref<!tpu.dma_semaphore, #tpu.memory_space<semaphore_mem>>) src(%dma_wait3A_2297 : memref<4x8x128xf32, #tpu.memory_space<hbm>>) dst(%dma_wait3A_2293 : memref<4x8x128xf32, #tpu.memory_space<vmem>>)
        %dma_wait3A_2298 = arith.constant 4 : i32
        %dma_wait3A_2299 = arith.constant 1 : i32
        %dma_wait3A_2300 = arith.constant 0 : i32
        %dma_wait3A_2301 = arith.constant 0 : i32
        %dma_wait3A_2302 = arith.constant 0 : i32
        %dma_wait3A_2303 = tpu.memref_slice %arg9[%dma_wait3A_2298, %dma_wait3A_2299, %dma_wait3A_2300, %dma_wait3A_2301, %dma_wait3A_2302] : memref<8x2x4x8x128xf32, #tpu.memory_space<vmem>> -> memref<1x1x4x8x128xf32, #tpu.memory_space<vmem>>
        %dma_wait3A_2304 = tpu.memref_squeeze %dma_wait3A_2303 : memref<1x1x4x8x128xf32, #tpu.memory_space<vmem>> -> memref<4x8x128xf32, #tpu.memory_space<vmem>>
        %dma_wait3A_2305 = arith.constant 0 : i32
        %dma_wait3A_2306 = arith.constant 0 : i32
        %dma_wait3A_2307 = arith.constant 0 : i32
        %dma_wait3A_2308 = tpu.memref_slice %arg4[%dma_wait3A_2305, %dma_wait3A_2306, %dma_wait3A_2307] : memref<4x8x1000000xf32, #tpu.memory_space<hbm>> -> memref<4x8x128xf32, #tpu.memory_space<hbm>>
        %dma_wait3A_2309 = arith.constant 0 : i32
        %dma_wait3A_2310 = arith.constant 0 : i32
        %dma_wait3A_2311 = arith.constant 0 : i32
        %dma_wait3A_2312 = tpu.memref_slice %arg9[%dma_wait3A_2298, %dma_wait3A_2299, %dma_wait3A_2309, %dma_wait3A_2310, %dma_wait3A_2311] : memref<8x2x4x8x128xf32, #tpu.memory_space<vmem>> -> memref<1x1x4x8x128xf32, #tpu.memory_space<vmem>>
        %dma_wait3A_2313 = tpu.memref_squeeze %dma_wait3A_2312 : memref<1x1x4x8x128xf32, #tpu.memory_space<vmem>> -> memref<4x8x128xf32, #tpu.memory_space<vmem>>
        %dma_wait3A_2314 = arith.constant 0 : i32
        %dma_wait3A_2315 = arith.constant 0 : i32
        %dma_wait3A_2316 = arith.constant 0 : i32
        %dma_wait3A_2317 = tpu.memref_slice %arg4[%dma_wait3A_2314, %dma_wait3A_2315, %dma_wait3A_2316] : memref<4x8x1000000xf32, #tpu.memory_space<hbm>> -> memref<4x8x128xf32, #tpu.memory_space<hbm>>
        tpu.wait_dma2 semaphore(%arg17 : memref<!tpu.dma_semaphore, #tpu.memory_space<semaphore_mem>>) src(%dma_wait3A_2317 : memref<4x8x128xf32, #tpu.memory_space<hbm>>) dst(%dma_wait3A_2313 : memref<4x8x128xf32, #tpu.memory_space<vmem>>)
        %and3A_2318 = arith.constant 127 : i32
        %and3A_2319 = arith.andi %squeeze3A_2265, %and3A_2318 : i32
        %broadcast_in_dim3A_2320 = vector.broadcast %and3A_2319 : i32 to vector<16xi32>
        %and3A_2321 = arith.constant 127 : i32
        %and3A_2322 = arith.andi %squeeze3A_2267, %and3A_2321 : i32
        %broadcast_in_dim3A_2323 = vector.broadcast %and3A_2322 : i32 to vector<16xi32>
        %broadcast_in_dim3A_2324 = vector.broadcast %add3A_2277 : i32 to vector<16xi32>
        %gather3A_2325 = arith.constant 4 : i32
        %gather3A_2326 = arith.constant 0 : i32
        %gather3A_2327 = arith.constant 0 : i32
        %gather3A_2328 = arith.constant 0 : i32
        %gather3A_2329 = arith.constant 0 : i32
        %gather3A_2330 = tpu.memref_slice %arg9[%gather3A_2325, %gather3A_2326, %gather3A_2327, %gather3A_2328, %gather3A_2329] : memref<8x2x4x8x128xf32, #tpu.memory_space<vmem>> -> memref<1x1x4x8x128xf32, #tpu.memory_space<vmem>>
        %gather3A_2331 = tpu.memref_squeeze %gather3A_2330 : memref<1x1x4x8x128xf32, #tpu.memory_space<vmem>> -> memref<4x8x128xf32, #tpu.memory_space<vmem>>
        %gather3A_2332 = tpu.vector_load_idx %gather3A_2331[%shift_right_logical3A_4, %and3A_6, %broadcast_in_dim3A_2320] : memref<4x8x128xf32, #tpu.memory_space<vmem>>[vector<16xi32>, vector<16xi32>, vector<16xi32>], vector<16xf32>,
        %gather3A_2333 = arith.constant 4 : i32
        %gather3A_2334 = arith.constant 0 : i32
        %gather3A_2335 = arith.constant 0 : i32
        %gather3A_2336 = arith.constant 0 : i32
        %gather3A_2337 = arith.constant 0 : i32
        %gather3A_2338 = tpu.memref_slice %arg9[%gather3A_2333, %gather3A_2334, %gather3A_2335, %gather3A_2336, %gather3A_2337] : memref<8x2x4x8x128xf32, #tpu.memory_space<vmem>> -> memref<1x1x4x8x128xf32, #tpu.memory_space<vmem>>
        %gather3A_2339 = tpu.memref_squeeze %gather3A_2338 : memref<1x1x4x8x128xf32, #tpu.memory_space<vmem>> -> memref<4x8x128xf32, #tpu.memory_space<vmem>>
        %gather3A_2340 = tpu.vector_load_idx %gather3A_2339[%add3A_9, %and3A_6, %broadcast_in_dim3A_2320] : memref<4x8x128xf32, #tpu.memory_space<vmem>>[vector<16xi32>, vector<16xi32>, vector<16xi32>], vector<16xf32>,
        %gather3A_2341 = arith.constant 4 : i32
        %gather3A_2342 = arith.constant 1 : i32
        %gather3A_2343 = arith.constant 0 : i32
        %gather3A_2344 = arith.constant 0 : i32
        %gather3A_2345 = arith.constant 0 : i32
        %gather3A_2346 = tpu.memref_slice %arg9[%gather3A_2341, %gather3A_2342, %gather3A_2343, %gather3A_2344, %gather3A_2345] : memref<8x2x4x8x128xf32, #tpu.memory_space<vmem>> -> memref<1x1x4x8x128xf32, #tpu.memory_space<vmem>>
        %gather3A_2347 = tpu.memref_squeeze %gather3A_2346 : memref<1x1x4x8x128xf32, #tpu.memory_space<vmem>> -> memref<4x8x128xf32, #tpu.memory_space<vmem>>
        %gather3A_2348 = tpu.vector_load_idx %gather3A_2347[%shift_right_logical3A_4, %and3A_6, %broadcast_in_dim3A_2323] : memref<4x8x128xf32, #tpu.memory_space<vmem>>[vector<16xi32>, vector<16xi32>, vector<16xi32>], vector<16xf32>,
        %gather3A_2349 = arith.constant 4 : i32
        %gather3A_2350 = arith.constant 1 : i32
        %gather3A_2351 = arith.constant 0 : i32
        %gather3A_2352 = arith.constant 0 : i32
        %gather3A_2353 = arith.constant 0 : i32
        %gather3A_2354 = tpu.memref_slice %arg9[%gather3A_2349, %gather3A_2350, %gather3A_2351, %gather3A_2352, %gather3A_2353] : memref<8x2x4x8x128xf32, #tpu.memory_space<vmem>> -> memref<1x1x4x8x128xf32, #tpu.memory_space<vmem>>
        %gather3A_2355 = tpu.memref_squeeze %gather3A_2354 : memref<1x1x4x8x128xf32, #tpu.memory_space<vmem>> -> memref<4x8x128xf32, #tpu.memory_space<vmem>>
        %gather3A_2356 = tpu.vector_load_idx %gather3A_2355[%add3A_9, %and3A_6, %broadcast_in_dim3A_2323] : memref<4x8x128xf32, #tpu.memory_space<vmem>>[vector<16xi32>, vector<16xi32>, vector<16xi32>], vector<16xf32>,
        tpu.vector_store_idx %arg10[%iota3A, %broadcast_in_dim3A_2324], %gather3A_2332 : memref<32x512xf32, #tpu.memory_space<vmem>>[vector<16xi32>, vector<16xi32>], vector<16xf32>,
        tpu.vector_store_idx %arg10[%add3A_12, %broadcast_in_dim3A_2324], %gather3A_2340 : memref<32x512xf32, #tpu.memory_space<vmem>>[vector<16xi32>, vector<16xi32>], vector<16xf32>,
        tpu.vector_store_idx %arg11[%iota3A, %broadcast_in_dim3A_2324], %gather3A_2348 : memref<32x512xf32, #tpu.memory_space<vmem>>[vector<16xi32>, vector<16xi32>], vector<16xf32>,
        tpu.vector_store_idx %arg11[%add3A_12, %broadcast_in_dim3A_2324], %gather3A_2356 : memref<32x512xf32, #tpu.memory_space<vmem>>[vector<16xi32>, vector<16xi32>], vector<16xf32>,
      } else {
      }
      %slice3A_936 = vector.extract_strided_slice %get3A_701 {offsets = [4], sizes = [1], strides = [1]} : vector<16xi32> to vector<1xi32>
      %squeeze3A_937 = vector.extract %slice3A_936[0] : i32 from vector<1xi32>
      %shift_right_logical3A_938 = arith.constant 7 : i32
      %shift_right_logical3A_939 = arith.shrui %squeeze3A_937, %shift_right_logical3A_938 : i32
      %mul3A_940 = arith.constant 128 : i32
      %mul3A_941 = arith.muli %shift_right_logical3A_939, %mul3A_940 : i32
      %multiple_of3A_942 = tpu.assume_multiple %mul3A_941, 128 : i32
      %dma_start3A_943 = arith.constant 4 : i32
      %dma_start3A_944 = arith.constant 0 : i32
      %dma_start3A_945 = arith.constant 0 : i32
      %dma_start3A_946 = arith.constant 0 : i32
      %dma_start3A_947 = arith.constant 0 : i32
      %dma_start3A_948 = tpu.memref_slice %arg9[%dma_start3A_943, %dma_start3A_944, %dma_start3A_945, %dma_start3A_946, %dma_start3A_947] : memref<8x2x4x8x128xf32, #tpu.memory_space<vmem>> -> memref<1x1x4x8x128xf32, #tpu.memory_space<vmem>>
      %dma_start3A_949 = tpu.memref_squeeze %dma_start3A_948 : memref<1x1x4x8x128xf32, #tpu.memory_space<vmem>> -> memref<4x8x128xf32, #tpu.memory_space<vmem>>
      %dma_start3A_950 = arith.constant 0 : i32
      %dma_start3A_951 = arith.constant 0 : i32
      %dma_start3A_952 = tpu.memref_slice %arg4[%dma_start3A_950, %dma_start3A_951, %multiple_of3A_942] : memref<4x8x1000000xf32, #tpu.memory_space<hbm>> -> memref<4x8x128xf32, #tpu.memory_space<hbm>>
      %dma_start3A_953 = arith.constant 0 : i32
      %dma_start3A_954 = arith.constant 0 : i32
      %dma_start3A_955 = arith.constant 0 : i32
      %dma_start3A_956 = tpu.memref_slice %arg9[%dma_start3A_943, %dma_start3A_944, %dma_start3A_953, %dma_start3A_954, %dma_start3A_955] : memref<8x2x4x8x128xf32, #tpu.memory_space<vmem>> -> memref<1x1x4x8x128xf32, #tpu.memory_space<vmem>>
      %dma_start3A_957 = tpu.memref_squeeze %dma_start3A_956 : memref<1x1x4x8x128xf32, #tpu.memory_space<vmem>> -> memref<4x8x128xf32, #tpu.memory_space<vmem>>
      %dma_start3A_958 = arith.constant 0 : i32
      %dma_start3A_959 = arith.constant 0 : i32
      %dma_start3A_960 = tpu.memref_slice %arg4[%dma_start3A_958, %dma_start3A_959, %multiple_of3A_942] : memref<4x8x1000000xf32, #tpu.memory_space<hbm>> -> memref<4x8x128xf32, #tpu.memory_space<hbm>>
      tpu.enqueue_dma source(%dma_start3A_960 : memref<4x8x128xf32, #tpu.memory_space<hbm>>) target(%dma_start3A_957 : memref<4x8x128xf32, #tpu.memory_space<vmem>>) target_semaphore(%arg17 : memref<!tpu.dma_semaphore, #tpu.memory_space<semaphore_mem>>)
      %slice3A_961 = vector.extract_strided_slice %get3A_705 {offsets = [4], sizes = [1], strides = [1]} : vector<16xi32> to vector<1xi32>
      %squeeze3A_962 = vector.extract %slice3A_961[0] : i32 from vector<1xi32>
      %shift_right_logical3A_963 = arith.constant 7 : i32
      %shift_right_logical3A_964 = arith.shrui %squeeze3A_962, %shift_right_logical3A_963 : i32
      %mul3A_965 = arith.constant 128 : i32
      %mul3A_966 = arith.muli %shift_right_logical3A_964, %mul3A_965 : i32
      %multiple_of3A_967 = tpu.assume_multiple %mul3A_966, 128 : i32
      %dma_start3A_968 = arith.constant 4 : i32
      %dma_start3A_969 = arith.constant 1 : i32
      %dma_start3A_970 = arith.constant 0 : i32
      %dma_start3A_971 = arith.constant 0 : i32
      %dma_start3A_972 = arith.constant 0 : i32
      %dma_start3A_973 = tpu.memref_slice %arg9[%dma_start3A_968, %dma_start3A_969, %dma_start3A_970, %dma_start3A_971, %dma_start3A_972] : memref<8x2x4x8x128xf32, #tpu.memory_space<vmem>> -> memref<1x1x4x8x128xf32, #tpu.memory_space<vmem>>
      %dma_start3A_974 = tpu.memref_squeeze %dma_start3A_973 : memref<1x1x4x8x128xf32, #tpu.memory_space<vmem>> -> memref<4x8x128xf32, #tpu.memory_space<vmem>>
      %dma_start3A_975 = arith.constant 0 : i32
      %dma_start3A_976 = arith.constant 0 : i32
      %dma_start3A_977 = tpu.memref_slice %arg5[%dma_start3A_975, %dma_start3A_976, %multiple_of3A_967] : memref<4x8x1000000xf32, #tpu.memory_space<hbm>> -> memref<4x8x128xf32, #tpu.memory_space<hbm>>
      %dma_start3A_978 = arith.constant 0 : i32
      %dma_start3A_979 = arith.constant 0 : i32
      %dma_start3A_980 = arith.constant 0 : i32
      %dma_start3A_981 = tpu.memref_slice %arg9[%dma_start3A_968, %dma_start3A_969, %dma_start3A_978, %dma_start3A_979, %dma_start3A_980] : memref<8x2x4x8x128xf32, #tpu.memory_space<vmem>> -> memref<1x1x4x8x128xf32, #tpu.memory_space<vmem>>
      %dma_start3A_982 = tpu.memref_squeeze %dma_start3A_981 : memref<1x1x4x8x128xf32, #tpu.memory_space<vmem>> -> memref<4x8x128xf32, #tpu.memory_space<vmem>>
      %dma_start3A_983 = arith.constant 0 : i32
      %dma_start3A_984 = arith.constant 0 : i32
      %dma_start3A_985 = tpu.memref_slice %arg5[%dma_start3A_983, %dma_start3A_984, %multiple_of3A_967] : memref<4x8x1000000xf32, #tpu.memory_space<hbm>> -> memref<4x8x128xf32, #tpu.memory_space<hbm>>
      tpu.enqueue_dma source(%dma_start3A_985 : memref<4x8x128xf32, #tpu.memory_space<hbm>>) target(%dma_start3A_982 : memref<4x8x128xf32, #tpu.memory_space<vmem>>) target_semaphore(%arg17 : memref<!tpu.dma_semaphore, #tpu.memory_space<semaphore_mem>>)
      %gt3A_986 = arith.constant 0 : i32
      %gt3A_987 = arith.cmpi sgt, %scan3A_696, %gt3A_986 : i32
      %convert_element_type3A_988 = arith.extui %gt3A_987 : i1 to i32
      %cond3A_989 = arith.constant 0 : i32
      %cond3A_990 = arith.cmpi ne, %convert_element_type3A_988, %cond3A_989 : i32
      scf.if %cond3A_990 {
        %slice3A_2264 = vector.extract_strided_slice %get3A_711 {offsets = [13], sizes = [1], strides = [1]} : vector<16xi32> to vector<1xi32>
        %squeeze3A_2265 = vector.extract %slice3A_2264[0] : i32 from vector<1xi32>
        %slice3A_2266 = vector.extract_strided_slice %get3A_715 {offsets = [13], sizes = [1], strides = [1]} : vector<16xi32> to vector<1xi32>
        %squeeze3A_2267 = vector.extract %slice3A_2266[0] : i32 from vector<1xi32>
        %sub3A_2268 = arith.constant 1 : i32
        %sub3A_2269 = arith.subi %scan3A_696, %sub3A_2268 : i32
        %mul3A_2270 = arith.constant 16 : i32
        %mul3A_2271 = arith.muli %sub3A_2269, %mul3A_2270 : i32
        %add3A_2272 = arith.constant 16 : i32
        %add3A_2273 = arith.addi %mul3A_2271, %add3A_2272 : i32
        %sub3A_2274 = arith.constant 8 : i32
        %sub3A_2275 = arith.subi %add3A_2273, %sub3A_2274 : i32
        %add3A_2276 = arith.constant 5 : i32
        %add3A_2277 = arith.addi %sub3A_2275, %add3A_2276 : i32
        %dma_wait3A_2278 = arith.constant 5 : i32
        %dma_wait3A_2279 = arith.constant 0 : i32
        %dma_wait3A_2280 = arith.constant 0 : i32
        %dma_wait3A_2281 = arith.constant 0 : i32
        %dma_wait3A_2282 = arith.constant 0 : i32
        %dma_wait3A_2283 = tpu.memref_slice %arg9[%dma_wait3A_2278, %dma_wait3A_2279, %dma_wait3A_2280, %dma_wait3A_2281, %dma_wait3A_2282] : memref<8x2x4x8x128xf32, #tpu.memory_space<vmem>> -> memref<1x1x4x8x128xf32, #tpu.memory_space<vmem>>
        %dma_wait3A_2284 = tpu.memref_squeeze %dma_wait3A_2283 : memref<1x1x4x8x128xf32, #tpu.memory_space<vmem>> -> memref<4x8x128xf32, #tpu.memory_space<vmem>>
        %dma_wait3A_2285 = arith.constant 0 : i32
        %dma_wait3A_2286 = arith.constant 0 : i32
        %dma_wait3A_2287 = arith.constant 0 : i32
        %dma_wait3A_2288 = tpu.memref_slice %arg4[%dma_wait3A_2285, %dma_wait3A_2286, %dma_wait3A_2287] : memref<4x8x1000000xf32, #tpu.memory_space<hbm>> -> memref<4x8x128xf32, #tpu.memory_space<hbm>>
        %dma_wait3A_2289 = arith.constant 0 : i32
        %dma_wait3A_2290 = arith.constant 0 : i32
        %dma_wait3A_2291 = arith.constant 0 : i32
        %dma_wait3A_2292 = tpu.memref_slice %arg9[%dma_wait3A_2278, %dma_wait3A_2279, %dma_wait3A_2289, %dma_wait3A_2290, %dma_wait3A_2291] : memref<8x2x4x8x128xf32, #tpu.memory_space<vmem>> -> memref<1x1x4x8x128xf32, #tpu.memory_space<vmem>>
        %dma_wait3A_2293 = tpu.memref_squeeze %dma_wait3A_2292 : memref<1x1x4x8x128xf32, #tpu.memory_space<vmem>> -> memref<4x8x128xf32, #tpu.memory_space<vmem>>
        %dma_wait3A_2294 = arith.constant 0 : i32
        %dma_wait3A_2295 = arith.constant 0 : i32
        %dma_wait3A_2296 = arith.constant 0 : i32
        %dma_wait3A_2297 = tpu.memref_slice %arg4[%dma_wait3A_2294, %dma_wait3A_2295, %dma_wait3A_2296] : memref<4x8x1000000xf32, #tpu.memory_space<hbm>> -> memref<4x8x128xf32, #tpu.memory_space<hbm>>
        tpu.wait_dma2 semaphore(%arg18 : memref<!tpu.dma_semaphore, #tpu.memory_space<semaphore_mem>>) src(%dma_wait3A_2297 : memref<4x8x128xf32, #tpu.memory_space<hbm>>) dst(%dma_wait3A_2293 : memref<4x8x128xf32, #tpu.memory_space<vmem>>)
        %dma_wait3A_2298 = arith.constant 5 : i32
        %dma_wait3A_2299 = arith.constant 1 : i32
        %dma_wait3A_2300 = arith.constant 0 : i32
        %dma_wait3A_2301 = arith.constant 0 : i32
        %dma_wait3A_2302 = arith.constant 0 : i32
        %dma_wait3A_2303 = tpu.memref_slice %arg9[%dma_wait3A_2298, %dma_wait3A_2299, %dma_wait3A_2300, %dma_wait3A_2301, %dma_wait3A_2302] : memref<8x2x4x8x128xf32, #tpu.memory_space<vmem>> -> memref<1x1x4x8x128xf32, #tpu.memory_space<vmem>>
        %dma_wait3A_2304 = tpu.memref_squeeze %dma_wait3A_2303 : memref<1x1x4x8x128xf32, #tpu.memory_space<vmem>> -> memref<4x8x128xf32, #tpu.memory_space<vmem>>
        %dma_wait3A_2305 = arith.constant 0 : i32
        %dma_wait3A_2306 = arith.constant 0 : i32
        %dma_wait3A_2307 = arith.constant 0 : i32
        %dma_wait3A_2308 = tpu.memref_slice %arg4[%dma_wait3A_2305, %dma_wait3A_2306, %dma_wait3A_2307] : memref<4x8x1000000xf32, #tpu.memory_space<hbm>> -> memref<4x8x128xf32, #tpu.memory_space<hbm>>
        %dma_wait3A_2309 = arith.constant 0 : i32
        %dma_wait3A_2310 = arith.constant 0 : i32
        %dma_wait3A_2311 = arith.constant 0 : i32
        %dma_wait3A_2312 = tpu.memref_slice %arg9[%dma_wait3A_2298, %dma_wait3A_2299, %dma_wait3A_2309, %dma_wait3A_2310, %dma_wait3A_2311] : memref<8x2x4x8x128xf32, #tpu.memory_space<vmem>> -> memref<1x1x4x8x128xf32, #tpu.memory_space<vmem>>
        %dma_wait3A_2313 = tpu.memref_squeeze %dma_wait3A_2312 : memref<1x1x4x8x128xf32, #tpu.memory_space<vmem>> -> memref<4x8x128xf32, #tpu.memory_space<vmem>>
        %dma_wait3A_2314 = arith.constant 0 : i32
        %dma_wait3A_2315 = arith.constant 0 : i32
        %dma_wait3A_2316 = arith.constant 0 : i32
        %dma_wait3A_2317 = tpu.memref_slice %arg4[%dma_wait3A_2314, %dma_wait3A_2315, %dma_wait3A_2316] : memref<4x8x1000000xf32, #tpu.memory_space<hbm>> -> memref<4x8x128xf32, #tpu.memory_space<hbm>>
        tpu.wait_dma2 semaphore(%arg18 : memref<!tpu.dma_semaphore, #tpu.memory_space<semaphore_mem>>) src(%dma_wait3A_2317 : memref<4x8x128xf32, #tpu.memory_space<hbm>>) dst(%dma_wait3A_2313 : memref<4x8x128xf32, #tpu.memory_space<vmem>>)
        %and3A_2318 = arith.constant 127 : i32
        %and3A_2319 = arith.andi %squeeze3A_2265, %and3A_2318 : i32
        %broadcast_in_dim3A_2320 = vector.broadcast %and3A_2319 : i32 to vector<16xi32>
        %and3A_2321 = arith.constant 127 : i32
        %and3A_2322 = arith.andi %squeeze3A_2267, %and3A_2321 : i32
        %broadcast_in_dim3A_2323 = vector.broadcast %and3A_2322 : i32 to vector<16xi32>
        %broadcast_in_dim3A_2324 = vector.broadcast %add3A_2277 : i32 to vector<16xi32>
        %gather3A_2325 = arith.constant 5 : i32
        %gather3A_2326 = arith.constant 0 : i32
        %gather3A_2327 = arith.constant 0 : i32
        %gather3A_2328 = arith.constant 0 : i32
        %gather3A_2329 = arith.constant 0 : i32
        %gather3A_2330 = tpu.memref_slice %arg9[%gather3A_2325, %gather3A_2326, %gather3A_2327, %gather3A_2328, %gather3A_2329] : memref<8x2x4x8x128xf32, #tpu.memory_space<vmem>> -> memref<1x1x4x8x128xf32, #tpu.memory_space<vmem>>
        %gather3A_2331 = tpu.memref_squeeze %gather3A_2330 : memref<1x1x4x8x128xf32, #tpu.memory_space<vmem>> -> memref<4x8x128xf32, #tpu.memory_space<vmem>>
        %gather3A_2332 = tpu.vector_load_idx %gather3A_2331[%shift_right_logical3A_4, %and3A_6, %broadcast_in_dim3A_2320] : memref<4x8x128xf32, #tpu.memory_space<vmem>>[vector<16xi32>, vector<16xi32>, vector<16xi32>], vector<16xf32>,
        %gather3A_2333 = arith.constant 5 : i32
        %gather3A_2334 = arith.constant 0 : i32
        %gather3A_2335 = arith.constant 0 : i32
        %gather3A_2336 = arith.constant 0 : i32
        %gather3A_2337 = arith.constant 0 : i32
        %gather3A_2338 = tpu.memref_slice %arg9[%gather3A_2333, %gather3A_2334, %gather3A_2335, %gather3A_2336, %gather3A_2337] : memref<8x2x4x8x128xf32, #tpu.memory_space<vmem>> -> memref<1x1x4x8x128xf32, #tpu.memory_space<vmem>>
        %gather3A_2339 = tpu.memref_squeeze %gather3A_2338 : memref<1x1x4x8x128xf32, #tpu.memory_space<vmem>> -> memref<4x8x128xf32, #tpu.memory_space<vmem>>
        %gather3A_2340 = tpu.vector_load_idx %gather3A_2339[%add3A_9, %and3A_6, %broadcast_in_dim3A_2320] : memref<4x8x128xf32, #tpu.memory_space<vmem>>[vector<16xi32>, vector<16xi32>, vector<16xi32>], vector<16xf32>,
        %gather3A_2341 = arith.constant 5 : i32
        %gather3A_2342 = arith.constant 1 : i32
        %gather3A_2343 = arith.constant 0 : i32
        %gather3A_2344 = arith.constant 0 : i32
        %gather3A_2345 = arith.constant 0 : i32
        %gather3A_2346 = tpu.memref_slice %arg9[%gather3A_2341, %gather3A_2342, %gather3A_2343, %gather3A_2344, %gather3A_2345] : memref<8x2x4x8x128xf32, #tpu.memory_space<vmem>> -> memref<1x1x4x8x128xf32, #tpu.memory_space<vmem>>
        %gather3A_2347 = tpu.memref_squeeze %gather3A_2346 : memref<1x1x4x8x128xf32, #tpu.memory_space<vmem>> -> memref<4x8x128xf32, #tpu.memory_space<vmem>>
        %gather3A_2348 = tpu.vector_load_idx %gather3A_2347[%shift_right_logical3A_4, %and3A_6, %broadcast_in_dim3A_2323] : memref<4x8x128xf32, #tpu.memory_space<vmem>>[vector<16xi32>, vector<16xi32>, vector<16xi32>], vector<16xf32>,
        %gather3A_2349 = arith.constant 5 : i32
        %gather3A_2350 = arith.constant 1 : i32
        %gather3A_2351 = arith.constant 0 : i32
        %gather3A_2352 = arith.constant 0 : i32
        %gather3A_2353 = arith.constant 0 : i32
        %gather3A_2354 = tpu.memref_slice %arg9[%gather3A_2349, %gather3A_2350, %gather3A_2351, %gather3A_2352, %gather3A_2353] : memref<8x2x4x8x128xf32, #tpu.memory_space<vmem>> -> memref<1x1x4x8x128xf32, #tpu.memory_space<vmem>>
        %gather3A_2355 = tpu.memref_squeeze %gather3A_2354 : memref<1x1x4x8x128xf32, #tpu.memory_space<vmem>> -> memref<4x8x128xf32, #tpu.memory_space<vmem>>
        %gather3A_2356 = tpu.vector_load_idx %gather3A_2355[%add3A_9, %and3A_6, %broadcast_in_dim3A_2323] : memref<4x8x128xf32, #tpu.memory_space<vmem>>[vector<16xi32>, vector<16xi32>, vector<16xi32>], vector<16xf32>,
        tpu.vector_store_idx %arg10[%iota3A, %broadcast_in_dim3A_2324], %gather3A_2332 : memref<32x512xf32, #tpu.memory_space<vmem>>[vector<16xi32>, vector<16xi32>], vector<16xf32>,
        tpu.vector_store_idx %arg10[%add3A_12, %broadcast_in_dim3A_2324], %gather3A_2340 : memref<32x512xf32, #tpu.memory_space<vmem>>[vector<16xi32>, vector<16xi32>], vector<16xf32>,
        tpu.vector_store_idx %arg11[%iota3A, %broadcast_in_dim3A_2324], %gather3A_2348 : memref<32x512xf32, #tpu.memory_space<vmem>>[vector<16xi32>, vector<16xi32>], vector<16xf32>,
        tpu.vector_store_idx %arg11[%add3A_12, %broadcast_in_dim3A_2324], %gather3A_2356 : memref<32x512xf32, #tpu.memory_space<vmem>>[vector<16xi32>, vector<16xi32>], vector<16xf32>,
      } else {
      }
      %slice3A_991 = vector.extract_strided_slice %get3A_701 {offsets = [5], sizes = [1], strides = [1]} : vector<16xi32> to vector<1xi32>
      %squeeze3A_992 = vector.extract %slice3A_991[0] : i32 from vector<1xi32>
      %shift_right_logical3A_993 = arith.constant 7 : i32
      %shift_right_logical3A_994 = arith.shrui %squeeze3A_992, %shift_right_logical3A_993 : i32
      %mul3A_995 = arith.constant 128 : i32
      %mul3A_996 = arith.muli %shift_right_logical3A_994, %mul3A_995 : i32
      %multiple_of3A_997 = tpu.assume_multiple %mul3A_996, 128 : i32
      %dma_start3A_998 = arith.constant 5 : i32
      %dma_start3A_999 = arith.constant 0 : i32
      %dma_start3A_1000 = arith.constant 0 : i32
      %dma_start3A_1001 = arith.constant 0 : i32
      %dma_start3A_1002 = arith.constant 0 : i32
      %dma_start3A_1003 = tpu.memref_slice %arg9[%dma_start3A_998, %dma_start3A_999, %dma_start3A_1000, %dma_start3A_1001, %dma_start3A_1002] : memref<8x2x4x8x128xf32, #tpu.memory_space<vmem>> -> memref<1x1x4x8x128xf32, #tpu.memory_space<vmem>>
      %dma_start3A_1004 = tpu.memref_squeeze %dma_start3A_1003 : memref<1x1x4x8x128xf32, #tpu.memory_space<vmem>> -> memref<4x8x128xf32, #tpu.memory_space<vmem>>
      %dma_start3A_1005 = arith.constant 0 : i32
      %dma_start3A_1006 = arith.constant 0 : i32
      %dma_start3A_1007 = tpu.memref_slice %arg4[%dma_start3A_1005, %dma_start3A_1006, %multiple_of3A_997] : memref<4x8x1000000xf32, #tpu.memory_space<hbm>> -> memref<4x8x128xf32, #tpu.memory_space<hbm>>
      %dma_start3A_1008 = arith.constant 0 : i32
      %dma_start3A_1009 = arith.constant 0 : i32
      %dma_start3A_1010 = arith.constant 0 : i32
      %dma_start3A_1011 = tpu.memref_slice %arg9[%dma_start3A_998, %dma_start3A_999, %dma_start3A_1008, %dma_start3A_1009, %dma_start3A_1010] : memref<8x2x4x8x128xf32, #tpu.memory_space<vmem>> -> memref<1x1x4x8x128xf32, #tpu.memory_space<vmem>>
      %dma_start3A_1012 = tpu.memref_squeeze %dma_start3A_1011 : memref<1x1x4x8x128xf32, #tpu.memory_space<vmem>> -> memref<4x8x128xf32, #tpu.memory_space<vmem>>
      %dma_start3A_1013 = arith.constant 0 : i32
      %dma_start3A_1014 = arith.constant 0 : i32
      %dma_start3A_1015 = tpu.memref_slice %arg4[%dma_start3A_1013, %dma_start3A_1014, %multiple_of3A_997] : memref<4x8x1000000xf32, #tpu.memory_space<hbm>> -> memref<4x8x128xf32, #tpu.memory_space<hbm>>
      tpu.enqueue_dma source(%dma_start3A_1015 : memref<4x8x128xf32, #tpu.memory_space<hbm>>) target(%dma_start3A_1012 : memref<4x8x128xf32, #tpu.memory_space<vmem>>) target_semaphore(%arg18 : memref<!tpu.dma_semaphore, #tpu.memory_space<semaphore_mem>>)
      %slice3A_1016 = vector.extract_strided_slice %get3A_705 {offsets = [5], sizes = [1], strides = [1]} : vector<16xi32> to vector<1xi32>
      %squeeze3A_1017 = vector.extract %slice3A_1016[0] : i32 from vector<1xi32>
      %shift_right_logical3A_1018 = arith.constant 7 : i32
      %shift_right_logical3A_1019 = arith.shrui %squeeze3A_1017, %shift_right_logical3A_1018 : i32
      %mul3A_1020 = arith.constant 128 : i32
      %mul3A_1021 = arith.muli %shift_right_logical3A_1019, %mul3A_1020 : i32
      %multiple_of3A_1022 = tpu.assume_multiple %mul3A_1021, 128 : i32
      %dma_start3A_1023 = arith.constant 5 : i32
      %dma_start3A_1024 = arith.constant 1 : i32
      %dma_start3A_1025 = arith.constant 0 : i32
      %dma_start3A_1026 = arith.constant 0 : i32
      %dma_start3A_1027 = arith.constant 0 : i32
      %dma_start3A_1028 = tpu.memref_slice %arg9[%dma_start3A_1023, %dma_start3A_1024, %dma_start3A_1025, %dma_start3A_1026, %dma_start3A_1027] : memref<8x2x4x8x128xf32, #tpu.memory_space<vmem>> -> memref<1x1x4x8x128xf32, #tpu.memory_space<vmem>>
      %dma_start3A_1029 = tpu.memref_squeeze %dma_start3A_1028 : memref<1x1x4x8x128xf32, #tpu.memory_space<vmem>> -> memref<4x8x128xf32, #tpu.memory_space<vmem>>
      %dma_start3A_1030 = arith.constant 0 : i32
      %dma_start3A_1031 = arith.constant 0 : i32
      %dma_start3A_1032 = tpu.memref_slice %arg5[%dma_start3A_1030, %dma_start3A_1031, %multiple_of3A_1022] : memref<4x8x1000000xf32, #tpu.memory_space<hbm>> -> memref<4x8x128xf32, #tpu.memory_space<hbm>>
      %dma_start3A_1033 = arith.constant 0 : i32
      %dma_start3A_1034 = arith.constant 0 : i32
      %dma_start3A_1035 = arith.constant 0 : i32
      %dma_start3A_1036 = tpu.memref_slice %arg9[%dma_start3A_1023, %dma_start3A_1024, %dma_start3A_1033, %dma_start3A_1034, %dma_start3A_1035] : memref<8x2x4x8x128xf32, #tpu.memory_space<vmem>> -> memref<1x1x4x8x128xf32, #tpu.memory_space<vmem>>
      %dma_start3A_1037 = tpu.memref_squeeze %dma_start3A_1036 : memref<1x1x4x8x128xf32, #tpu.memory_space<vmem>> -> memref<4x8x128xf32, #tpu.memory_space<vmem>>
      %dma_start3A_1038 = arith.constant 0 : i32
      %dma_start3A_1039 = arith.constant 0 : i32
      %dma_start3A_1040 = tpu.memref_slice %arg5[%dma_start3A_1038, %dma_start3A_1039, %multiple_of3A_1022] : memref<4x8x1000000xf32, #tpu.memory_space<hbm>> -> memref<4x8x128xf32, #tpu.memory_space<hbm>>
      tpu.enqueue_dma source(%dma_start3A_1040 : memref<4x8x128xf32, #tpu.memory_space<hbm>>) target(%dma_start3A_1037 : memref<4x8x128xf32, #tpu.memory_space<vmem>>) target_semaphore(%arg18 : memref<!tpu.dma_semaphore, #tpu.memory_space<semaphore_mem>>)
      %gt3A_1041 = arith.constant 0 : i32
      %gt3A_1042 = arith.cmpi sgt, %scan3A_696, %gt3A_1041 : i32
      %convert_element_type3A_1043 = arith.extui %gt3A_1042 : i1 to i32
      %cond3A_1044 = arith.constant 0 : i32
      %cond3A_1045 = arith.cmpi ne, %convert_element_type3A_1043, %cond3A_1044 : i32
      scf.if %cond3A_1045 {
        %slice3A_2264 = vector.extract_strided_slice %get3A_711 {offsets = [14], sizes = [1], strides = [1]} : vector<16xi32> to vector<1xi32>
        %squeeze3A_2265 = vector.extract %slice3A_2264[0] : i32 from vector<1xi32>
        %slice3A_2266 = vector.extract_strided_slice %get3A_715 {offsets = [14], sizes = [1], strides = [1]} : vector<16xi32> to vector<1xi32>
        %squeeze3A_2267 = vector.extract %slice3A_2266[0] : i32 from vector<1xi32>
        %sub3A_2268 = arith.constant 1 : i32
        %sub3A_2269 = arith.subi %scan3A_696, %sub3A_2268 : i32
        %mul3A_2270 = arith.constant 16 : i32
        %mul3A_2271 = arith.muli %sub3A_2269, %mul3A_2270 : i32
        %add3A_2272 = arith.constant 16 : i32
        %add3A_2273 = arith.addi %mul3A_2271, %add3A_2272 : i32
        %sub3A_2274 = arith.constant 8 : i32
        %sub3A_2275 = arith.subi %add3A_2273, %sub3A_2274 : i32
        %add3A_2276 = arith.constant 6 : i32
        %add3A_2277 = arith.addi %sub3A_2275, %add3A_2276 : i32
        %dma_wait3A_2278 = arith.constant 6 : i32
        %dma_wait3A_2279 = arith.constant 0 : i32
        %dma_wait3A_2280 = arith.constant 0 : i32
        %dma_wait3A_2281 = arith.constant 0 : i32
        %dma_wait3A_2282 = arith.constant 0 : i32
        %dma_wait3A_2283 = tpu.memref_slice %arg9[%dma_wait3A_2278, %dma_wait3A_2279, %dma_wait3A_2280, %dma_wait3A_2281, %dma_wait3A_2282] : memref<8x2x4x8x128xf32, #tpu.memory_space<vmem>> -> memref<1x1x4x8x128xf32, #tpu.memory_space<vmem>>
        %dma_wait3A_2284 = tpu.memref_squeeze %dma_wait3A_2283 : memref<1x1x4x8x128xf32, #tpu.memory_space<vmem>> -> memref<4x8x128xf32, #tpu.memory_space<vmem>>
        %dma_wait3A_2285 = arith.constant 0 : i32
        %dma_wait3A_2286 = arith.constant 0 : i32
        %dma_wait3A_2287 = arith.constant 0 : i32
        %dma_wait3A_2288 = tpu.memref_slice %arg4[%dma_wait3A_2285, %dma_wait3A_2286, %dma_wait3A_2287] : memref<4x8x1000000xf32, #tpu.memory_space<hbm>> -> memref<4x8x128xf32, #tpu.memory_space<hbm>>
        %dma_wait3A_2289 = arith.constant 0 : i32
        %dma_wait3A_2290 = arith.constant 0 : i32
        %dma_wait3A_2291 = arith.constant 0 : i32
        %dma_wait3A_2292 = tpu.memref_slice %arg9[%dma_wait3A_2278, %dma_wait3A_2279, %dma_wait3A_2289, %dma_wait3A_2290, %dma_wait3A_2291] : memref<8x2x4x8x128xf32, #tpu.memory_space<vmem>> -> memref<1x1x4x8x128xf32, #tpu.memory_space<vmem>>
        %dma_wait3A_2293 = tpu.memref_squeeze %dma_wait3A_2292 : memref<1x1x4x8x128xf32, #tpu.memory_space<vmem>> -> memref<4x8x128xf32, #tpu.memory_space<vmem>>
        %dma_wait3A_2294 = arith.constant 0 : i32
        %dma_wait3A_2295 = arith.constant 0 : i32
        %dma_wait3A_2296 = arith.constant 0 : i32
        %dma_wait3A_2297 = tpu.memref_slice %arg4[%dma_wait3A_2294, %dma_wait3A_2295, %dma_wait3A_2296] : memref<4x8x1000000xf32, #tpu.memory_space<hbm>> -> memref<4x8x128xf32, #tpu.memory_space<hbm>>
        tpu.wait_dma2 semaphore(%arg19 : memref<!tpu.dma_semaphore, #tpu.memory_space<semaphore_mem>>) src(%dma_wait3A_2297 : memref<4x8x128xf32, #tpu.memory_space<hbm>>) dst(%dma_wait3A_2293 : memref<4x8x128xf32, #tpu.memory_space<vmem>>)
        %dma_wait3A_2298 = arith.constant 6 : i32
        %dma_wait3A_2299 = arith.constant 1 : i32
        %dma_wait3A_2300 = arith.constant 0 : i32
        %dma_wait3A_2301 = arith.constant 0 : i32
        %dma_wait3A_2302 = arith.constant 0 : i32
        %dma_wait3A_2303 = tpu.memref_slice %arg9[%dma_wait3A_2298, %dma_wait3A_2299, %dma_wait3A_2300, %dma_wait3A_2301, %dma_wait3A_2302] : memref<8x2x4x8x128xf32, #tpu.memory_space<vmem>> -> memref<1x1x4x8x128xf32, #tpu.memory_space<vmem>>
        %dma_wait3A_2304 = tpu.memref_squeeze %dma_wait3A_2303 : memref<1x1x4x8x128xf32, #tpu.memory_space<vmem>> -> memref<4x8x128xf32, #tpu.memory_space<vmem>>
        %dma_wait3A_2305 = arith.constant 0 : i32
        %dma_wait3A_2306 = arith.constant 0 : i32
        %dma_wait3A_2307 = arith.constant 0 : i32
        %dma_wait3A_2308 = tpu.memref_slice %arg4[%dma_wait3A_2305, %dma_wait3A_2306, %dma_wait3A_2307] : memref<4x8x1000000xf32, #tpu.memory_space<hbm>> -> memref<4x8x128xf32, #tpu.memory_space<hbm>>
        %dma_wait3A_2309 = arith.constant 0 : i32
        %dma_wait3A_2310 = arith.constant 0 : i32
        %dma_wait3A_2311 = arith.constant 0 : i32
        %dma_wait3A_2312 = tpu.memref_slice %arg9[%dma_wait3A_2298, %dma_wait3A_2299, %dma_wait3A_2309, %dma_wait3A_2310, %dma_wait3A_2311] : memref<8x2x4x8x128xf32, #tpu.memory_space<vmem>> -> memref<1x1x4x8x128xf32, #tpu.memory_space<vmem>>
        %dma_wait3A_2313 = tpu.memref_squeeze %dma_wait3A_2312 : memref<1x1x4x8x128xf32, #tpu.memory_space<vmem>> -> memref<4x8x128xf32, #tpu.memory_space<vmem>>
        %dma_wait3A_2314 = arith.constant 0 : i32
        %dma_wait3A_2315 = arith.constant 0 : i32
        %dma_wait3A_2316 = arith.constant 0 : i32
        %dma_wait3A_2317 = tpu.memref_slice %arg4[%dma_wait3A_2314, %dma_wait3A_2315, %dma_wait3A_2316] : memref<4x8x1000000xf32, #tpu.memory_space<hbm>> -> memref<4x8x128xf32, #tpu.memory_space<hbm>>
        tpu.wait_dma2 semaphore(%arg19 : memref<!tpu.dma_semaphore, #tpu.memory_space<semaphore_mem>>) src(%dma_wait3A_2317 : memref<4x8x128xf32, #tpu.memory_space<hbm>>) dst(%dma_wait3A_2313 : memref<4x8x128xf32, #tpu.memory_space<vmem>>)
        %and3A_2318 = arith.constant 127 : i32
        %and3A_2319 = arith.andi %squeeze3A_2265, %and3A_2318 : i32
        %broadcast_in_dim3A_2320 = vector.broadcast %and3A_2319 : i32 to vector<16xi32>
        %and3A_2321 = arith.constant 127 : i32
        %and3A_2322 = arith.andi %squeeze3A_2267, %and3A_2321 : i32
        %broadcast_in_dim3A_2323 = vector.broadcast %and3A_2322 : i32 to vector<16xi32>
        %broadcast_in_dim3A_2324 = vector.broadcast %add3A_2277 : i32 to vector<16xi32>
        %gather3A_2325 = arith.constant 6 : i32
        %gather3A_2326 = arith.constant 0 : i32
        %gather3A_2327 = arith.constant 0 : i32
        %gather3A_2328 = arith.constant 0 : i32
        %gather3A_2329 = arith.constant 0 : i32
        %gather3A_2330 = tpu.memref_slice %arg9[%gather3A_2325, %gather3A_2326, %gather3A_2327, %gather3A_2328, %gather3A_2329] : memref<8x2x4x8x128xf32, #tpu.memory_space<vmem>> -> memref<1x1x4x8x128xf32, #tpu.memory_space<vmem>>
        %gather3A_2331 = tpu.memref_squeeze %gather3A_2330 : memref<1x1x4x8x128xf32, #tpu.memory_space<vmem>> -> memref<4x8x128xf32, #tpu.memory_space<vmem>>
        %gather3A_2332 = tpu.vector_load_idx %gather3A_2331[%shift_right_logical3A_4, %and3A_6, %broadcast_in_dim3A_2320] : memref<4x8x128xf32, #tpu.memory_space<vmem>>[vector<16xi32>, vector<16xi32>, vector<16xi32>], vector<16xf32>,
        %gather3A_2333 = arith.constant 6 : i32
        %gather3A_2334 = arith.constant 0 : i32
        %gather3A_2335 = arith.constant 0 : i32
        %gather3A_2336 = arith.constant 0 : i32
        %gather3A_2337 = arith.constant 0 : i32
        %gather3A_2338 = tpu.memref_slice %arg9[%gather3A_2333, %gather3A_2334, %gather3A_2335, %gather3A_2336, %gather3A_2337] : memref<8x2x4x8x128xf32, #tpu.memory_space<vmem>> -> memref<1x1x4x8x128xf32, #tpu.memory_space<vmem>>
        %gather3A_2339 = tpu.memref_squeeze %gather3A_2338 : memref<1x1x4x8x128xf32, #tpu.memory_space<vmem>> -> memref<4x8x128xf32, #tpu.memory_space<vmem>>
        %gather3A_2340 = tpu.vector_load_idx %gather3A_2339[%add3A_9, %and3A_6, %broadcast_in_dim3A_2320] : memref<4x8x128xf32, #tpu.memory_space<vmem>>[vector<16xi32>, vector<16xi32>, vector<16xi32>], vector<16xf32>,
        %gather3A_2341 = arith.constant 6 : i32
        %gather3A_2342 = arith.constant 1 : i32
        %gather3A_2343 = arith.constant 0 : i32
        %gather3A_2344 = arith.constant 0 : i32
        %gather3A_2345 = arith.constant 0 : i32
        %gather3A_2346 = tpu.memref_slice %arg9[%gather3A_2341, %gather3A_2342, %gather3A_2343, %gather3A_2344, %gather3A_2345] : memref<8x2x4x8x128xf32, #tpu.memory_space<vmem>> -> memref<1x1x4x8x128xf32, #tpu.memory_space<vmem>>
        %gather3A_2347 = tpu.memref_squeeze %gather3A_2346 : memref<1x1x4x8x128xf32, #tpu.memory_space<vmem>> -> memref<4x8x128xf32, #tpu.memory_space<vmem>>
        %gather3A_2348 = tpu.vector_load_idx %gather3A_2347[%shift_right_logical3A_4, %and3A_6, %broadcast_in_dim3A_2323] : memref<4x8x128xf32, #tpu.memory_space<vmem>>[vector<16xi32>, vector<16xi32>, vector<16xi32>], vector<16xf32>,
        %gather3A_2349 = arith.constant 6 : i32
        %gather3A_2350 = arith.constant 1 : i32
        %gather3A_2351 = arith.constant 0 : i32
        %gather3A_2352 = arith.constant 0 : i32
        %gather3A_2353 = arith.constant 0 : i32
        %gather3A_2354 = tpu.memref_slice %arg9[%gather3A_2349, %gather3A_2350, %gather3A_2351, %gather3A_2352, %gather3A_2353] : memref<8x2x4x8x128xf32, #tpu.memory_space<vmem>> -> memref<1x1x4x8x128xf32, #tpu.memory_space<vmem>>
        %gather3A_2355 = tpu.memref_squeeze %gather3A_2354 : memref<1x1x4x8x128xf32, #tpu.memory_space<vmem>> -> memref<4x8x128xf32, #tpu.memory_space<vmem>>
        %gather3A_2356 = tpu.vector_load_idx %gather3A_2355[%add3A_9, %and3A_6, %broadcast_in_dim3A_2323] : memref<4x8x128xf32, #tpu.memory_space<vmem>>[vector<16xi32>, vector<16xi32>, vector<16xi32>], vector<16xf32>,
        tpu.vector_store_idx %arg10[%iota3A, %broadcast_in_dim3A_2324], %gather3A_2332 : memref<32x512xf32, #tpu.memory_space<vmem>>[vector<16xi32>, vector<16xi32>], vector<16xf32>,
        tpu.vector_store_idx %arg10[%add3A_12, %broadcast_in_dim3A_2324], %gather3A_2340 : memref<32x512xf32, #tpu.memory_space<vmem>>[vector<16xi32>, vector<16xi32>], vector<16xf32>,
        tpu.vector_store_idx %arg11[%iota3A, %broadcast_in_dim3A_2324], %gather3A_2348 : memref<32x512xf32, #tpu.memory_space<vmem>>[vector<16xi32>, vector<16xi32>], vector<16xf32>,
        tpu.vector_store_idx %arg11[%add3A_12, %broadcast_in_dim3A_2324], %gather3A_2356 : memref<32x512xf32, #tpu.memory_space<vmem>>[vector<16xi32>, vector<16xi32>], vector<16xf32>,
      } else {
      }
      %slice3A_1046 = vector.extract_strided_slice %get3A_701 {offsets = [6], sizes = [1], strides = [1]} : vector<16xi32> to vector<1xi32>
      %squeeze3A_1047 = vector.extract %slice3A_1046[0] : i32 from vector<1xi32>
      %shift_right_logical3A_1048 = arith.constant 7 : i32
      %shift_right_logical3A_1049 = arith.shrui %squeeze3A_1047, %shift_right_logical3A_1048 : i32
      %mul3A_1050 = arith.constant 128 : i32
      %mul3A_1051 = arith.muli %shift_right_logical3A_1049, %mul3A_1050 : i32
      %multiple_of3A_1052 = tpu.assume_multiple %mul3A_1051, 128 : i32
      %dma_start3A_1053 = arith.constant 6 : i32
      %dma_start3A_1054 = arith.constant 0 : i32
      %dma_start3A_1055 = arith.constant 0 : i32
      %dma_start3A_1056 = arith.constant 0 : i32
      %dma_start3A_1057 = arith.constant 0 : i32
      %dma_start3A_1058 = tpu.memref_slice %arg9[%dma_start3A_1053, %dma_start3A_1054, %dma_start3A_1055, %dma_start3A_1056, %dma_start3A_1057] : memref<8x2x4x8x128xf32, #tpu.memory_space<vmem>> -> memref<1x1x4x8x128xf32, #tpu.memory_space<vmem>>
      %dma_start3A_1059 = tpu.memref_squeeze %dma_start3A_1058 : memref<1x1x4x8x128xf32, #tpu.memory_space<vmem>> -> memref<4x8x128xf32, #tpu.memory_space<vmem>>
      %dma_start3A_1060 = arith.constant 0 : i32
      %dma_start3A_1061 = arith.constant 0 : i32
      %dma_start3A_1062 = tpu.memref_slice %arg4[%dma_start3A_1060, %dma_start3A_1061, %multiple_of3A_1052] : memref<4x8x1000000xf32, #tpu.memory_space<hbm>> -> memref<4x8x128xf32, #tpu.memory_space<hbm>>
      %dma_start3A_1063 = arith.constant 0 : i32
      %dma_start3A_1064 = arith.constant 0 : i32
      %dma_start3A_1065 = arith.constant 0 : i32
      %dma_start3A_1066 = tpu.memref_slice %arg9[%dma_start3A_1053, %dma_start3A_1054, %dma_start3A_1063, %dma_start3A_1064, %dma_start3A_1065] : memref<8x2x4x8x128xf32, #tpu.memory_space<vmem>> -> memref<1x1x4x8x128xf32, #tpu.memory_space<vmem>>
      %dma_start3A_1067 = tpu.memref_squeeze %dma_start3A_1066 : memref<1x1x4x8x128xf32, #tpu.memory_space<vmem>> -> memref<4x8x128xf32, #tpu.memory_space<vmem>>
      %dma_start3A_1068 = arith.constant 0 : i32
      %dma_start3A_1069 = arith.constant 0 : i32
      %dma_start3A_1070 = tpu.memref_slice %arg4[%dma_start3A_1068, %dma_start3A_1069, %multiple_of3A_1052] : memref<4x8x1000000xf32, #tpu.memory_space<hbm>> -> memref<4x8x128xf32, #tpu.memory_space<hbm>>
      tpu.enqueue_dma source(%dma_start3A_1070 : memref<4x8x128xf32, #tpu.memory_space<hbm>>) target(%dma_start3A_1067 : memref<4x8x128xf32, #tpu.memory_space<vmem>>) target_semaphore(%arg19 : memref<!tpu.dma_semaphore, #tpu.memory_space<semaphore_mem>>)
      %slice3A_1071 = vector.extract_strided_slice %get3A_705 {offsets = [6], sizes = [1], strides = [1]} : vector<16xi32> to vector<1xi32>
      %squeeze3A_1072 = vector.extract %slice3A_1071[0] : i32 from vector<1xi32>
      %shift_right_logical3A_1073 = arith.constant 7 : i32
      %shift_right_logical3A_1074 = arith.shrui %squeeze3A_1072, %shift_right_logical3A_1073 : i32
      %mul3A_1075 = arith.constant 128 : i32
      %mul3A_1076 = arith.muli %shift_right_logical3A_1074, %mul3A_1075 : i32
      %multiple_of3A_1077 = tpu.assume_multiple %mul3A_1076, 128 : i32
      %dma_start3A_1078 = arith.constant 6 : i32
      %dma_start3A_1079 = arith.constant 1 : i32
      %dma_start3A_1080 = arith.constant 0 : i32
      %dma_start3A_1081 = arith.constant 0 : i32
      %dma_start3A_1082 = arith.constant 0 : i32
      %dma_start3A_1083 = tpu.memref_slice %arg9[%dma_start3A_1078, %dma_start3A_1079, %dma_start3A_1080, %dma_start3A_1081, %dma_start3A_1082] : memref<8x2x4x8x128xf32, #tpu.memory_space<vmem>> -> memref<1x1x4x8x128xf32, #tpu.memory_space<vmem>>
      %dma_start3A_1084 = tpu.memref_squeeze %dma_start3A_1083 : memref<1x1x4x8x128xf32, #tpu.memory_space<vmem>> -> memref<4x8x128xf32, #tpu.memory_space<vmem>>
      %dma_start3A_1085 = arith.constant 0 : i32
      %dma_start3A_1086 = arith.constant 0 : i32
      %dma_start3A_1087 = tpu.memref_slice %arg5[%dma_start3A_1085, %dma_start3A_1086, %multiple_of3A_1077] : memref<4x8x1000000xf32, #tpu.memory_space<hbm>> -> memref<4x8x128xf32, #tpu.memory_space<hbm>>
      %dma_start3A_1088 = arith.constant 0 : i32
      %dma_start3A_1089 = arith.constant 0 : i32
      %dma_start3A_1090 = arith.constant 0 : i32
      %dma_start3A_1091 = tpu.memref_slice %arg9[%dma_start3A_1078, %dma_start3A_1079, %dma_start3A_1088, %dma_start3A_1089, %dma_start3A_1090] : memref<8x2x4x8x128xf32, #tpu.memory_space<vmem>> -> memref<1x1x4x8x128xf32, #tpu.memory_space<vmem>>
      %dma_start3A_1092 = tpu.memref_squeeze %dma_start3A_1091 : memref<1x1x4x8x128xf32, #tpu.memory_space<vmem>> -> memref<4x8x128xf32, #tpu.memory_space<vmem>>
      %dma_start3A_1093 = arith.constant 0 : i32
      %dma_start3A_1094 = arith.constant 0 : i32
      %dma_start3A_1095 = tpu.memref_slice %arg5[%dma_start3A_1093, %dma_start3A_1094, %multiple_of3A_1077] : memref<4x8x1000000xf32, #tpu.memory_space<hbm>> -> memref<4x8x128xf32, #tpu.memory_space<hbm>>
      tpu.enqueue_dma source(%dma_start3A_1095 : memref<4x8x128xf32, #tpu.memory_space<hbm>>) target(%dma_start3A_1092 : memref<4x8x128xf32, #tpu.memory_space<vmem>>) target_semaphore(%arg19 : memref<!tpu.dma_semaphore, #tpu.memory_space<semaphore_mem>>)
      %gt3A_1096 = arith.constant 0 : i32
      %gt3A_1097 = arith.cmpi sgt, %scan3A_696, %gt3A_1096 : i32
      %convert_element_type3A_1098 = arith.extui %gt3A_1097 : i1 to i32
      %cond3A_1099 = arith.constant 0 : i32
      %cond3A_1100 = arith.cmpi ne, %convert_element_type3A_1098, %cond3A_1099 : i32
      scf.if %cond3A_1100 {
        %slice3A_2264 = vector.extract_strided_slice %get3A_711 {offsets = [15], sizes = [1], strides = [1]} : vector<16xi32> to vector<1xi32>
        %squeeze3A_2265 = vector.extract %slice3A_2264[0] : i32 from vector<1xi32>
        %slice3A_2266 = vector.extract_strided_slice %get3A_715 {offsets = [15], sizes = [1], strides = [1]} : vector<16xi32> to vector<1xi32>
        %squeeze3A_2267 = vector.extract %slice3A_2266[0] : i32 from vector<1xi32>
        %sub3A_2268 = arith.constant 1 : i32
        %sub3A_2269 = arith.subi %scan3A_696, %sub3A_2268 : i32
        %mul3A_2270 = arith.constant 16 : i32
        %mul3A_2271 = arith.muli %sub3A_2269, %mul3A_2270 : i32
        %add3A_2272 = arith.constant 16 : i32
        %add3A_2273 = arith.addi %mul3A_2271, %add3A_2272 : i32
        %sub3A_2274 = arith.constant 8 : i32
        %sub3A_2275 = arith.subi %add3A_2273, %sub3A_2274 : i32
        %add3A_2276 = arith.constant 7 : i32
        %add3A_2277 = arith.addi %sub3A_2275, %add3A_2276 : i32
        %dma_wait3A_2278 = arith.constant 7 : i32
        %dma_wait3A_2279 = arith.constant 0 : i32
        %dma_wait3A_2280 = arith.constant 0 : i32
        %dma_wait3A_2281 = arith.constant 0 : i32
        %dma_wait3A_2282 = arith.constant 0 : i32
        %dma_wait3A_2283 = tpu.memref_slice %arg9[%dma_wait3A_2278, %dma_wait3A_2279, %dma_wait3A_2280, %dma_wait3A_2281, %dma_wait3A_2282] : memref<8x2x4x8x128xf32, #tpu.memory_space<vmem>> -> memref<1x1x4x8x128xf32, #tpu.memory_space<vmem>>
        %dma_wait3A_2284 = tpu.memref_squeeze %dma_wait3A_2283 : memref<1x1x4x8x128xf32, #tpu.memory_space<vmem>> -> memref<4x8x128xf32, #tpu.memory_space<vmem>>
        %dma_wait3A_2285 = arith.constant 0 : i32
        %dma_wait3A_2286 = arith.constant 0 : i32
        %dma_wait3A_2287 = arith.constant 0 : i32
        %dma_wait3A_2288 = tpu.memref_slice %arg4[%dma_wait3A_2285, %dma_wait3A_2286, %dma_wait3A_2287] : memref<4x8x1000000xf32, #tpu.memory_space<hbm>> -> memref<4x8x128xf32, #tpu.memory_space<hbm>>
        %dma_wait3A_2289 = arith.constant 0 : i32
        %dma_wait3A_2290 = arith.constant 0 : i32
        %dma_wait3A_2291 = arith.constant 0 : i32
        %dma_wait3A_2292 = tpu.memref_slice %arg9[%dma_wait3A_2278, %dma_wait3A_2279, %dma_wait3A_2289, %dma_wait3A_2290, %dma_wait3A_2291] : memref<8x2x4x8x128xf32, #tpu.memory_space<vmem>> -> memref<1x1x4x8x128xf32, #tpu.memory_space<vmem>>
        %dma_wait3A_2293 = tpu.memref_squeeze %dma_wait3A_2292 : memref<1x1x4x8x128xf32, #tpu.memory_space<vmem>> -> memref<4x8x128xf32, #tpu.memory_space<vmem>>
        %dma_wait3A_2294 = arith.constant 0 : i32
        %dma_wait3A_2295 = arith.constant 0 : i32
        %dma_wait3A_2296 = arith.constant 0 : i32
        %dma_wait3A_2297 = tpu.memref_slice %arg4[%dma_wait3A_2294, %dma_wait3A_2295, %dma_wait3A_2296] : memref<4x8x1000000xf32, #tpu.memory_space<hbm>> -> memref<4x8x128xf32, #tpu.memory_space<hbm>>
        tpu.wait_dma2 semaphore(%arg20 : memref<!tpu.dma_semaphore, #tpu.memory_space<semaphore_mem>>) src(%dma_wait3A_2297 : memref<4x8x128xf32, #tpu.memory_space<hbm>>) dst(%dma_wait3A_2293 : memref<4x8x128xf32, #tpu.memory_space<vmem>>)
        %dma_wait3A_2298 = arith.constant 7 : i32
        %dma_wait3A_2299 = arith.constant 1 : i32
        %dma_wait3A_2300 = arith.constant 0 : i32
        %dma_wait3A_2301 = arith.constant 0 : i32
        %dma_wait3A_2302 = arith.constant 0 : i32
        %dma_wait3A_2303 = tpu.memref_slice %arg9[%dma_wait3A_2298, %dma_wait3A_2299, %dma_wait3A_2300, %dma_wait3A_2301, %dma_wait3A_2302] : memref<8x2x4x8x128xf32, #tpu.memory_space<vmem>> -> memref<1x1x4x8x128xf32, #tpu.memory_space<vmem>>
        %dma_wait3A_2304 = tpu.memref_squeeze %dma_wait3A_2303 : memref<1x1x4x8x128xf32, #tpu.memory_space<vmem>> -> memref<4x8x128xf32, #tpu.memory_space<vmem>>
        %dma_wait3A_2305 = arith.constant 0 : i32
        %dma_wait3A_2306 = arith.constant 0 : i32
        %dma_wait3A_2307 = arith.constant 0 : i32
        %dma_wait3A_2308 = tpu.memref_slice %arg4[%dma_wait3A_2305, %dma_wait3A_2306, %dma_wait3A_2307] : memref<4x8x1000000xf32, #tpu.memory_space<hbm>> -> memref<4x8x128xf32, #tpu.memory_space<hbm>>
        %dma_wait3A_2309 = arith.constant 0 : i32
        %dma_wait3A_2310 = arith.constant 0 : i32
        %dma_wait3A_2311 = arith.constant 0 : i32
        %dma_wait3A_2312 = tpu.memref_slice %arg9[%dma_wait3A_2298, %dma_wait3A_2299, %dma_wait3A_2309, %dma_wait3A_2310, %dma_wait3A_2311] : memref<8x2x4x8x128xf32, #tpu.memory_space<vmem>> -> memref<1x1x4x8x128xf32, #tpu.memory_space<vmem>>
        %dma_wait3A_2313 = tpu.memref_squeeze %dma_wait3A_2312 : memref<1x1x4x8x128xf32, #tpu.memory_space<vmem>> -> memref<4x8x128xf32, #tpu.memory_space<vmem>>
        %dma_wait3A_2314 = arith.constant 0 : i32
        %dma_wait3A_2315 = arith.constant 0 : i32
        %dma_wait3A_2316 = arith.constant 0 : i32
        %dma_wait3A_2317 = tpu.memref_slice %arg4[%dma_wait3A_2314, %dma_wait3A_2315, %dma_wait3A_2316] : memref<4x8x1000000xf32, #tpu.memory_space<hbm>> -> memref<4x8x128xf32, #tpu.memory_space<hbm>>
        tpu.wait_dma2 semaphore(%arg20 : memref<!tpu.dma_semaphore, #tpu.memory_space<semaphore_mem>>) src(%dma_wait3A_2317 : memref<4x8x128xf32, #tpu.memory_space<hbm>>) dst(%dma_wait3A_2313 : memref<4x8x128xf32, #tpu.memory_space<vmem>>)
        %and3A_2318 = arith.constant 127 : i32
        %and3A_2319 = arith.andi %squeeze3A_2265, %and3A_2318 : i32
        %broadcast_in_dim3A_2320 = vector.broadcast %and3A_2319 : i32 to vector<16xi32>
        %and3A_2321 = arith.constant 127 : i32
        %and3A_2322 = arith.andi %squeeze3A_2267, %and3A_2321 : i32
        %broadcast_in_dim3A_2323 = vector.broadcast %and3A_2322 : i32 to vector<16xi32>
        %broadcast_in_dim3A_2324 = vector.broadcast %add3A_2277 : i32 to vector<16xi32>
        %gather3A_2325 = arith.constant 7 : i32
        %gather3A_2326 = arith.constant 0 : i32
        %gather3A_2327 = arith.constant 0 : i32
        %gather3A_2328 = arith.constant 0 : i32
        %gather3A_2329 = arith.constant 0 : i32
        %gather3A_2330 = tpu.memref_slice %arg9[%gather3A_2325, %gather3A_2326, %gather3A_2327, %gather3A_2328, %gather3A_2329] : memref<8x2x4x8x128xf32, #tpu.memory_space<vmem>> -> memref<1x1x4x8x128xf32, #tpu.memory_space<vmem>>
        %gather3A_2331 = tpu.memref_squeeze %gather3A_2330 : memref<1x1x4x8x128xf32, #tpu.memory_space<vmem>> -> memref<4x8x128xf32, #tpu.memory_space<vmem>>
        %gather3A_2332 = tpu.vector_load_idx %gather3A_2331[%shift_right_logical3A_4, %and3A_6, %broadcast_in_dim3A_2320] : memref<4x8x128xf32, #tpu.memory_space<vmem>>[vector<16xi32>, vector<16xi32>, vector<16xi32>], vector<16xf32>,
        %gather3A_2333 = arith.constant 7 : i32
        %gather3A_2334 = arith.constant 0 : i32
        %gather3A_2335 = arith.constant 0 : i32
        %gather3A_2336 = arith.constant 0 : i32
        %gather3A_2337 = arith.constant 0 : i32
        %gather3A_2338 = tpu.memref_slice %arg9[%gather3A_2333, %gather3A_2334, %gather3A_2335, %gather3A_2336, %gather3A_2337] : memref<8x2x4x8x128xf32, #tpu.memory_space<vmem>> -> memref<1x1x4x8x128xf32, #tpu.memory_space<vmem>>
        %gather3A_2339 = tpu.memref_squeeze %gather3A_2338 : memref<1x1x4x8x128xf32, #tpu.memory_space<vmem>> -> memref<4x8x128xf32, #tpu.memory_space<vmem>>
        %gather3A_2340 = tpu.vector_load_idx %gather3A_2339[%add3A_9, %and3A_6, %broadcast_in_dim3A_2320] : memref<4x8x128xf32, #tpu.memory_space<vmem>>[vector<16xi32>, vector<16xi32>, vector<16xi32>], vector<16xf32>,
        %gather3A_2341 = arith.constant 7 : i32
        %gather3A_2342 = arith.constant 1 : i32
        %gather3A_2343 = arith.constant 0 : i32
        %gather3A_2344 = arith.constant 0 : i32
        %gather3A_2345 = arith.constant 0 : i32
        %gather3A_2346 = tpu.memref_slice %arg9[%gather3A_2341, %gather3A_2342, %gather3A_2343, %gather3A_2344, %gather3A_2345] : memref<8x2x4x8x128xf32, #tpu.memory_space<vmem>> -> memref<1x1x4x8x128xf32, #tpu.memory_space<vmem>>
        %gather3A_2347 = tpu.memref_squeeze %gather3A_2346 : memref<1x1x4x8x128xf32, #tpu.memory_space<vmem>> -> memref<4x8x128xf32, #tpu.memory_space<vmem>>
        %gather3A_2348 = tpu.vector_load_idx %gather3A_2347[%shift_right_logical3A_4, %and3A_6, %broadcast_in_dim3A_2323] : memref<4x8x128xf32, #tpu.memory_space<vmem>>[vector<16xi32>, vector<16xi32>, vector<16xi32>], vector<16xf32>,
        %gather3A_2349 = arith.constant 7 : i32
        %gather3A_2350 = arith.constant 1 : i32
        %gather3A_2351 = arith.constant 0 : i32
        %gather3A_2352 = arith.constant 0 : i32
        %gather3A_2353 = arith.constant 0 : i32
        %gather3A_2354 = tpu.memref_slice %arg9[%gather3A_2349, %gather3A_2350, %gather3A_2351, %gather3A_2352, %gather3A_2353] : memref<8x2x4x8x128xf32, #tpu.memory_space<vmem>> -> memref<1x1x4x8x128xf32, #tpu.memory_space<vmem>>
        %gather3A_2355 = tpu.memref_squeeze %gather3A_2354 : memref<1x1x4x8x128xf32, #tpu.memory_space<vmem>> -> memref<4x8x128xf32, #tpu.memory_space<vmem>>
        %gather3A_2356 = tpu.vector_load_idx %gather3A_2355[%add3A_9, %and3A_6, %broadcast_in_dim3A_2323] : memref<4x8x128xf32, #tpu.memory_space<vmem>>[vector<16xi32>, vector<16xi32>, vector<16xi32>], vector<16xf32>,
        tpu.vector_store_idx %arg10[%iota3A, %broadcast_in_dim3A_2324], %gather3A_2332 : memref<32x512xf32, #tpu.memory_space<vmem>>[vector<16xi32>, vector<16xi32>], vector<16xf32>,
        tpu.vector_store_idx %arg10[%add3A_12, %broadcast_in_dim3A_2324], %gather3A_2340 : memref<32x512xf32, #tpu.memory_space<vmem>>[vector<16xi32>, vector<16xi32>], vector<16xf32>,
        tpu.vector_store_idx %arg11[%iota3A, %broadcast_in_dim3A_2324], %gather3A_2348 : memref<32x512xf32, #tpu.memory_space<vmem>>[vector<16xi32>, vector<16xi32>], vector<16xf32>,
        tpu.vector_store_idx %arg11[%add3A_12, %broadcast_in_dim3A_2324], %gather3A_2356 : memref<32x512xf32, #tpu.memory_space<vmem>>[vector<16xi32>, vector<16xi32>], vector<16xf32>,
      } else {
      }
      %slice3A_1101 = vector.extract_strided_slice %get3A_701 {offsets = [7], sizes = [1], strides = [1]} : vector<16xi32> to vector<1xi32>
      %squeeze3A_1102 = vector.extract %slice3A_1101[0] : i32 from vector<1xi32>
      %shift_right_logical3A_1103 = arith.constant 7 : i32
      %shift_right_logical3A_1104 = arith.shrui %squeeze3A_1102, %shift_right_logical3A_1103 : i32
      %mul3A_1105 = arith.constant 128 : i32
      %mul3A_1106 = arith.muli %shift_right_logical3A_1104, %mul3A_1105 : i32
      %multiple_of3A_1107 = tpu.assume_multiple %mul3A_1106, 128 : i32
      %dma_start3A_1108 = arith.constant 7 : i32
      %dma_start3A_1109 = arith.constant 0 : i32
      %dma_start3A_1110 = arith.constant 0 : i32
      %dma_start3A_1111 = arith.constant 0 : i32
      %dma_start3A_1112 = arith.constant 0 : i32
      %dma_start3A_1113 = tpu.memref_slice %arg9[%dma_start3A_1108, %dma_start3A_1109, %dma_start3A_1110, %dma_start3A_1111, %dma_start3A_1112] : memref<8x2x4x8x128xf32, #tpu.memory_space<vmem>> -> memref<1x1x4x8x128xf32, #tpu.memory_space<vmem>>
      %dma_start3A_1114 = tpu.memref_squeeze %dma_start3A_1113 : memref<1x1x4x8x128xf32, #tpu.memory_space<vmem>> -> memref<4x8x128xf32, #tpu.memory_space<vmem>>
      %dma_start3A_1115 = arith.constant 0 : i32
      %dma_start3A_1116 = arith.constant 0 : i32
      %dma_start3A_1117 = tpu.memref_slice %arg4[%dma_start3A_1115, %dma_start3A_1116, %multiple_of3A_1107] : memref<4x8x1000000xf32, #tpu.memory_space<hbm>> -> memref<4x8x128xf32, #tpu.memory_space<hbm>>
      %dma_start3A_1118 = arith.constant 0 : i32
      %dma_start3A_1119 = arith.constant 0 : i32
      %dma_start3A_1120 = arith.constant 0 : i32
      %dma_start3A_1121 = tpu.memref_slice %arg9[%dma_start3A_1108, %dma_start3A_1109, %dma_start3A_1118, %dma_start3A_1119, %dma_start3A_1120] : memref<8x2x4x8x128xf32, #tpu.memory_space<vmem>> -> memref<1x1x4x8x128xf32, #tpu.memory_space<vmem>>
      %dma_start3A_1122 = tpu.memref_squeeze %dma_start3A_1121 : memref<1x1x4x8x128xf32, #tpu.memory_space<vmem>> -> memref<4x8x128xf32, #tpu.memory_space<vmem>>
      %dma_start3A_1123 = arith.constant 0 : i32
      %dma_start3A_1124 = arith.constant 0 : i32
      %dma_start3A_1125 = tpu.memref_slice %arg4[%dma_start3A_1123, %dma_start3A_1124, %multiple_of3A_1107] : memref<4x8x1000000xf32, #tpu.memory_space<hbm>> -> memref<4x8x128xf32, #tpu.memory_space<hbm>>
      tpu.enqueue_dma source(%dma_start3A_1125 : memref<4x8x128xf32, #tpu.memory_space<hbm>>) target(%dma_start3A_1122 : memref<4x8x128xf32, #tpu.memory_space<vmem>>) target_semaphore(%arg20 : memref<!tpu.dma_semaphore, #tpu.memory_space<semaphore_mem>>)
      %slice3A_1126 = vector.extract_strided_slice %get3A_705 {offsets = [7], sizes = [1], strides = [1]} : vector<16xi32> to vector<1xi32>
      %squeeze3A_1127 = vector.extract %slice3A_1126[0] : i32 from vector<1xi32>
      %shift_right_logical3A_1128 = arith.constant 7 : i32
      %shift_right_logical3A_1129 = arith.shrui %squeeze3A_1127, %shift_right_logical3A_1128 : i32
      %mul3A_1130 = arith.constant 128 : i32
      %mul3A_1131 = arith.muli %shift_right_logical3A_1129, %mul3A_1130 : i32
      %multiple_of3A_1132 = tpu.assume_multiple %mul3A_1131, 128 : i32
      %dma_start3A_1133 = arith.constant 7 : i32
      %dma_start3A_1134 = arith.constant 1 : i32
      %dma_start3A_1135 = arith.constant 0 : i32
      %dma_start3A_1136 = arith.constant 0 : i32
      %dma_start3A_1137 = arith.constant 0 : i32
      %dma_start3A_1138 = tpu.memref_slice %arg9[%dma_start3A_1133, %dma_start3A_1134, %dma_start3A_1135, %dma_start3A_1136, %dma_start3A_1137] : memref<8x2x4x8x128xf32, #tpu.memory_space<vmem>> -> memref<1x1x4x8x128xf32, #tpu.memory_space<vmem>>
      %dma_start3A_1139 = tpu.memref_squeeze %dma_start3A_1138 : memref<1x1x4x8x128xf32, #tpu.memory_space<vmem>> -> memref<4x8x128xf32, #tpu.memory_space<vmem>>
      %dma_start3A_1140 = arith.constant 0 : i32
      %dma_start3A_1141 = arith.constant 0 : i32
      %dma_start3A_1142 = tpu.memref_slice %arg5[%dma_start3A_1140, %dma_start3A_1141, %multiple_of3A_1132] : memref<4x8x1000000xf32, #tpu.memory_space<hbm>> -> memref<4x8x128xf32, #tpu.memory_space<hbm>>
      %dma_start3A_1143 = arith.constant 0 : i32
      %dma_start3A_1144 = arith.constant 0 : i32
      %dma_start3A_1145 = arith.constant 0 : i32
      %dma_start3A_1146 = tpu.memref_slice %arg9[%dma_start3A_1133, %dma_start3A_1134, %dma_start3A_1143, %dma_start3A_1144, %dma_start3A_1145] : memref<8x2x4x8x128xf32, #tpu.memory_space<vmem>> -> memref<1x1x4x8x128xf32, #tpu.memory_space<vmem>>
      %dma_start3A_1147 = tpu.memref_squeeze %dma_start3A_1146 : memref<1x1x4x8x128xf32, #tpu.memory_space<vmem>> -> memref<4x8x128xf32, #tpu.memory_space<vmem>>
      %dma_start3A_1148 = arith.constant 0 : i32
      %dma_start3A_1149 = arith.constant 0 : i32
      %dma_start3A_1150 = tpu.memref_slice %arg5[%dma_start3A_1148, %dma_start3A_1149, %multiple_of3A_1132] : memref<4x8x1000000xf32, #tpu.memory_space<hbm>> -> memref<4x8x128xf32, #tpu.memory_space<hbm>>
      tpu.enqueue_dma source(%dma_start3A_1150 : memref<4x8x128xf32, #tpu.memory_space<hbm>>) target(%dma_start3A_1147 : memref<4x8x128xf32, #tpu.memory_space<vmem>>) target_semaphore(%arg20 : memref<!tpu.dma_semaphore, #tpu.memory_space<semaphore_mem>>)
      %slice3A_1151 = vector.extract_strided_slice %get3A_701 {offsets = [0], sizes = [1], strides = [1]} : vector<16xi32> to vector<1xi32>
      %squeeze3A_1152 = vector.extract %slice3A_1151[0] : i32 from vector<1xi32>
      %slice3A_1153 = vector.extract_strided_slice %get3A_705 {offsets = [0], sizes = [1], strides = [1]} : vector<16xi32> to vector<1xi32>
      %squeeze3A_1154 = vector.extract %slice3A_1153[0] : i32 from vector<1xi32>
      %mul3A_1155 = arith.constant 16 : i32
      %mul3A_1156 = arith.muli %scan3A_696, %mul3A_1155 : i32
      %add3A_1157 = arith.constant 8 : i32
      %add3A_1158 = arith.addi %mul3A_1156, %add3A_1157 : i32
      %sub3A_1159 = arith.constant 8 : i32
      %sub3A_1160 = arith.subi %add3A_1158, %sub3A_1159 : i32
      %dma_wait3A_1161 = arith.constant 0 : i32
      %dma_wait3A_1162 = arith.constant 0 : i32
      %dma_wait3A_1163 = arith.constant 0 : i32
      %dma_wait3A_1164 = arith.constant 0 : i32
      %dma_wait3A_1165 = arith.constant 0 : i32
      %dma_wait3A_1166 = tpu.memref_slice %arg9[%dma_wait3A_1161, %dma_wait3A_1162, %dma_wait3A_1163, %dma_wait3A_1164, %dma_wait3A_1165] : memref<8x2x4x8x128xf32, #tpu.memory_space<vmem>> -> memref<1x1x4x8x128xf32, #tpu.memory_space<vmem>>
      %dma_wait3A_1167 = tpu.memref_squeeze %dma_wait3A_1166 : memref<1x1x4x8x128xf32, #tpu.memory_space<vmem>> -> memref<4x8x128xf32, #tpu.memory_space<vmem>>
      %dma_wait3A_1168 = arith.constant 0 : i32
      %dma_wait3A_1169 = arith.constant 0 : i32
      %dma_wait3A_1170 = arith.constant 0 : i32
      %dma_wait3A_1171 = tpu.memref_slice %arg4[%dma_wait3A_1168, %dma_wait3A_1169, %dma_wait3A_1170] : memref<4x8x1000000xf32, #tpu.memory_space<hbm>> -> memref<4x8x128xf32, #tpu.memory_space<hbm>>
      %dma_wait3A_1172 = arith.constant 0 : i32
      %dma_wait3A_1173 = arith.constant 0 : i32
      %dma_wait3A_1174 = arith.constant 0 : i32
      %dma_wait3A_1175 = tpu.memref_slice %arg9[%dma_wait3A_1161, %dma_wait3A_1162, %dma_wait3A_1172, %dma_wait3A_1173, %dma_wait3A_1174] : memref<8x2x4x8x128xf32, #tpu.memory_space<vmem>> -> memref<1x1x4x8x128xf32, #tpu.memory_space<vmem>>
      %dma_wait3A_1176 = tpu.memref_squeeze %dma_wait3A_1175 : memref<1x1x4x8x128xf32, #tpu.memory_space<vmem>> -> memref<4x8x128xf32, #tpu.memory_space<vmem>>
      %dma_wait3A_1177 = arith.constant 0 : i32
      %dma_wait3A_1178 = arith.constant 0 : i32
      %dma_wait3A_1179 = arith.constant 0 : i32
      %dma_wait3A_1180 = tpu.memref_slice %arg4[%dma_wait3A_1177, %dma_wait3A_1178, %dma_wait3A_1179] : memref<4x8x1000000xf32, #tpu.memory_space<hbm>> -> memref<4x8x128xf32, #tpu.memory_space<hbm>>
      tpu.wait_dma2 semaphore(%arg13 : memref<!tpu.dma_semaphore, #tpu.memory_space<semaphore_mem>>) src(%dma_wait3A_1180 : memref<4x8x128xf32, #tpu.memory_space<hbm>>) dst(%dma_wait3A_1176 : memref<4x8x128xf32, #tpu.memory_space<vmem>>)
      %dma_wait3A_1181 = arith.constant 0 : i32
      %dma_wait3A_1182 = arith.constant 1 : i32
      %dma_wait3A_1183 = arith.constant 0 : i32
      %dma_wait3A_1184 = arith.constant 0 : i32
      %dma_wait3A_1185 = arith.constant 0 : i32
      %dma_wait3A_1186 = tpu.memref_slice %arg9[%dma_wait3A_1181, %dma_wait3A_1182, %dma_wait3A_1183, %dma_wait3A_1184, %dma_wait3A_1185] : memref<8x2x4x8x128xf32, #tpu.memory_space<vmem>> -> memref<1x1x4x8x128xf32, #tpu.memory_space<vmem>>
      %dma_wait3A_1187 = tpu.memref_squeeze %dma_wait3A_1186 : memref<1x1x4x8x128xf32, #tpu.memory_space<vmem>> -> memref<4x8x128xf32, #tpu.memory_space<vmem>>
      %dma_wait3A_1188 = arith.constant 0 : i32
      %dma_wait3A_1189 = arith.constant 0 : i32
      %dma_wait3A_1190 = arith.constant 0 : i32
      %dma_wait3A_1191 = tpu.memref_slice %arg4[%dma_wait3A_1188, %dma_wait3A_1189, %dma_wait3A_1190] : memref<4x8x1000000xf32, #tpu.memory_space<hbm>> -> memref<4x8x128xf32, #tpu.memory_space<hbm>>
      %dma_wait3A_1192 = arith.constant 0 : i32
      %dma_wait3A_1193 = arith.constant 0 : i32
      %dma_wait3A_1194 = arith.constant 0 : i32
      %dma_wait3A_1195 = tpu.memref_slice %arg9[%dma_wait3A_1181, %dma_wait3A_1182, %dma_wait3A_1192, %dma_wait3A_1193, %dma_wait3A_1194] : memref<8x2x4x8x128xf32, #tpu.memory_space<vmem>> -> memref<1x1x4x8x128xf32, #tpu.memory_space<vmem>>
      %dma_wait3A_1196 = tpu.memref_squeeze %dma_wait3A_1195 : memref<1x1x4x8x128xf32, #tpu.memory_space<vmem>> -> memref<4x8x128xf32, #tpu.memory_space<vmem>>
      %dma_wait3A_1197 = arith.constant 0 : i32
      %dma_wait3A_1198 = arith.constant 0 : i32
      %dma_wait3A_1199 = arith.constant 0 : i32
      %dma_wait3A_1200 = tpu.memref_slice %arg4[%dma_wait3A_1197, %dma_wait3A_1198, %dma_wait3A_1199] : memref<4x8x1000000xf32, #tpu.memory_space<hbm>> -> memref<4x8x128xf32, #tpu.memory_space<hbm>>
      tpu.wait_dma2 semaphore(%arg13 : memref<!tpu.dma_semaphore, #tpu.memory_space<semaphore_mem>>) src(%dma_wait3A_1200 : memref<4x8x128xf32, #tpu.memory_space<hbm>>) dst(%dma_wait3A_1196 : memref<4x8x128xf32, #tpu.memory_space<vmem>>)
      %and3A_1201 = arith.constant 127 : i32
      %and3A_1202 = arith.andi %squeeze3A_1152, %and3A_1201 : i32
      %broadcast_in_dim3A_1203 = vector.broadcast %and3A_1202 : i32 to vector<16xi32>
      %and3A_1204 = arith.constant 127 : i32
      %and3A_1205 = arith.andi %squeeze3A_1154, %and3A_1204 : i32
      %broadcast_in_dim3A_1206 = vector.broadcast %and3A_1205 : i32 to vector<16xi32>
      %broadcast_in_dim3A_1207 = vector.broadcast %sub3A_1160 : i32 to vector<16xi32>
      %gather3A_1208 = arith.constant 0 : i32
      %gather3A_1209 = arith.constant 0 : i32
      %gather3A_1210 = arith.constant 0 : i32
      %gather3A_1211 = arith.constant 0 : i32
      %gather3A_1212 = arith.constant 0 : i32
      %gather3A_1213 = tpu.memref_slice %arg9[%gather3A_1208, %gather3A_1209, %gather3A_1210, %gather3A_1211, %gather3A_1212] : memref<8x2x4x8x128xf32, #tpu.memory_space<vmem>> -> memref<1x1x4x8x128xf32, #tpu.memory_space<vmem>>
      %gather3A_1214 = tpu.memref_squeeze %gather3A_1213 : memref<1x1x4x8x128xf32, #tpu.memory_space<vmem>> -> memref<4x8x128xf32, #tpu.memory_space<vmem>>
      %gather3A_1215 = tpu.vector_load_idx %gather3A_1214[%shift_right_logical3A_4, %and3A_6, %broadcast_in_dim3A_1203] : memref<4x8x128xf32, #tpu.memory_space<vmem>>[vector<16xi32>, vector<16xi32>, vector<16xi32>], vector<16xf32>,
      %gather3A_1216 = arith.constant 0 : i32
      %gather3A_1217 = arith.constant 0 : i32
      %gather3A_1218 = arith.constant 0 : i32
      %gather3A_1219 = arith.constant 0 : i32
      %gather3A_1220 = arith.constant 0 : i32
      %gather3A_1221 = tpu.memref_slice %arg9[%gather3A_1216, %gather3A_1217, %gather3A_1218, %gather3A_1219, %gather3A_1220] : memref<8x2x4x8x128xf32, #tpu.memory_space<vmem>> -> memref<1x1x4x8x128xf32, #tpu.memory_space<vmem>>
      %gather3A_1222 = tpu.memref_squeeze %gather3A_1221 : memref<1x1x4x8x128xf32, #tpu.memory_space<vmem>> -> memref<4x8x128xf32, #tpu.memory_space<vmem>>
      %gather3A_1223 = tpu.vector_load_idx %gather3A_1222[%add3A_9, %and3A_6, %broadcast_in_dim3A_1203] : memref<4x8x128xf32, #tpu.memory_space<vmem>>[vector<16xi32>, vector<16xi32>, vector<16xi32>], vector<16xf32>,
      %gather3A_1224 = arith.constant 0 : i32
      %gather3A_1225 = arith.constant 1 : i32
      %gather3A_1226 = arith.constant 0 : i32
      %gather3A_1227 = arith.constant 0 : i32
      %gather3A_1228 = arith.constant 0 : i32
      %gather3A_1229 = tpu.memref_slice %arg9[%gather3A_1224, %gather3A_1225, %gather3A_1226, %gather3A_1227, %gather3A_1228] : memref<8x2x4x8x128xf32, #tpu.memory_space<vmem>> -> memref<1x1x4x8x128xf32, #tpu.memory_space<vmem>>
      %gather3A_1230 = tpu.memref_squeeze %gather3A_1229 : memref<1x1x4x8x128xf32, #tpu.memory_space<vmem>> -> memref<4x8x128xf32, #tpu.memory_space<vmem>>
      %gather3A_1231 = tpu.vector_load_idx %gather3A_1230[%shift_right_logical3A_4, %and3A_6, %broadcast_in_dim3A_1206] : memref<4x8x128xf32, #tpu.memory_space<vmem>>[vector<16xi32>, vector<16xi32>, vector<16xi32>], vector<16xf32>,
      %gather3A_1232 = arith.constant 0 : i32
      %gather3A_1233 = arith.constant 1 : i32
      %gather3A_1234 = arith.constant 0 : i32
      %gather3A_1235 = arith.constant 0 : i32
      %gather3A_1236 = arith.constant 0 : i32
      %gather3A_1237 = tpu.memref_slice %arg9[%gather3A_1232, %gather3A_1233, %gather3A_1234, %gather3A_1235, %gather3A_1236] : memref<8x2x4x8x128xf32, #tpu.memory_space<vmem>> -> memref<1x1x4x8x128xf32, #tpu.memory_space<vmem>>
      %gather3A_1238 = tpu.memref_squeeze %gather3A_1237 : memref<1x1x4x8x128xf32, #tpu.memory_space<vmem>> -> memref<4x8x128xf32, #tpu.memory_space<vmem>>
      %gather3A_1239 = tpu.vector_load_idx %gather3A_1238[%add3A_9, %and3A_6, %broadcast_in_dim3A_1206] : memref<4x8x128xf32, #tpu.memory_space<vmem>>[vector<16xi32>, vector<16xi32>, vector<16xi32>], vector<16xf32>,
      tpu.vector_store_idx %arg10[%iota3A, %broadcast_in_dim3A_1207], %gather3A_1215 : memref<32x512xf32, #tpu.memory_space<vmem>>[vector<16xi32>, vector<16xi32>], vector<16xf32>,
      tpu.vector_store_idx %arg10[%add3A_12, %broadcast_in_dim3A_1207], %gather3A_1223 : memref<32x512xf32, #tpu.memory_space<vmem>>[vector<16xi32>, vector<16xi32>], vector<16xf32>,
      tpu.vector_store_idx %arg11[%iota3A, %broadcast_in_dim3A_1207], %gather3A_1231 : memref<32x512xf32, #tpu.memory_space<vmem>>[vector<16xi32>, vector<16xi32>], vector<16xf32>,
      tpu.vector_store_idx %arg11[%add3A_12, %broadcast_in_dim3A_1207], %gather3A_1239 : memref<32x512xf32, #tpu.memory_space<vmem>>[vector<16xi32>, vector<16xi32>], vector<16xf32>,
      %slice3A_1240 = vector.extract_strided_slice %get3A_701 {offsets = [8], sizes = [1], strides = [1]} : vector<16xi32> to vector<1xi32>
      %squeeze3A_1241 = vector.extract %slice3A_1240[0] : i32 from vector<1xi32>
      %shift_right_logical3A_1242 = arith.constant 7 : i32
      %shift_right_logical3A_1243 = arith.shrui %squeeze3A_1241, %shift_right_logical3A_1242 : i32
      %mul3A_1244 = arith.constant 128 : i32
      %mul3A_1245 = arith.muli %shift_right_logical3A_1243, %mul3A_1244 : i32
      %multiple_of3A_1246 = tpu.assume_multiple %mul3A_1245, 128 : i32
      %dma_start3A_1247 = arith.constant 0 : i32
      %dma_start3A_1248 = arith.constant 0 : i32
      %dma_start3A_1249 = arith.constant 0 : i32
      %dma_start3A_1250 = arith.constant 0 : i32
      %dma_start3A_1251 = arith.constant 0 : i32
      %dma_start3A_1252 = tpu.memref_slice %arg9[%dma_start3A_1247, %dma_start3A_1248, %dma_start3A_1249, %dma_start3A_1250, %dma_start3A_1251] : memref<8x2x4x8x128xf32, #tpu.memory_space<vmem>> -> memref<1x1x4x8x128xf32, #tpu.memory_space<vmem>>
      %dma_start3A_1253 = tpu.memref_squeeze %dma_start3A_1252 : memref<1x1x4x8x128xf32, #tpu.memory_space<vmem>> -> memref<4x8x128xf32, #tpu.memory_space<vmem>>
      %dma_start3A_1254 = arith.constant 0 : i32
      %dma_start3A_1255 = arith.constant 0 : i32
      %dma_start3A_1256 = tpu.memref_slice %arg4[%dma_start3A_1254, %dma_start3A_1255, %multiple_of3A_1246] : memref<4x8x1000000xf32, #tpu.memory_space<hbm>> -> memref<4x8x128xf32, #tpu.memory_space<hbm>>
      %dma_start3A_1257 = arith.constant 0 : i32
      %dma_start3A_1258 = arith.constant 0 : i32
      %dma_start3A_1259 = arith.constant 0 : i32
      %dma_start3A_1260 = tpu.memref_slice %arg9[%dma_start3A_1247, %dma_start3A_1248, %dma_start3A_1257, %dma_start3A_1258, %dma_start3A_1259] : memref<8x2x4x8x128xf32, #tpu.memory_space<vmem>> -> memref<1x1x4x8x128xf32, #tpu.memory_space<vmem>>
      %dma_start3A_1261 = tpu.memref_squeeze %dma_start3A_1260 : memref<1x1x4x8x128xf32, #tpu.memory_space<vmem>> -> memref<4x8x128xf32, #tpu.memory_space<vmem>>
      %dma_start3A_1262 = arith.constant 0 : i32
      %dma_start3A_1263 = arith.constant 0 : i32
      %dma_start3A_1264 = tpu.memref_slice %arg4[%dma_start3A_1262, %dma_start3A_1263, %multiple_of3A_1246] : memref<4x8x1000000xf32, #tpu.memory_space<hbm>> -> memref<4x8x128xf32, #tpu.memory_space<hbm>>
      tpu.enqueue_dma source(%dma_start3A_1264 : memref<4x8x128xf32, #tpu.memory_space<hbm>>) target(%dma_start3A_1261 : memref<4x8x128xf32, #tpu.memory_space<vmem>>) target_semaphore(%arg13 : memref<!tpu.dma_semaphore, #tpu.memory_space<semaphore_mem>>)
      %slice3A_1265 = vector.extract_strided_slice %get3A_705 {offsets = [8], sizes = [1], strides = [1]} : vector<16xi32> to vector<1xi32>
      %squeeze3A_1266 = vector.extract %slice3A_1265[0] : i32 from vector<1xi32>
      %shift_right_logical3A_1267 = arith.constant 7 : i32
      %shift_right_logical3A_1268 = arith.shrui %squeeze3A_1266, %shift_right_logical3A_1267 : i32
      %mul3A_1269 = arith.constant 128 : i32
      %mul3A_1270 = arith.muli %shift_right_logical3A_1268, %mul3A_1269 : i32
      %multiple_of3A_1271 = tpu.assume_multiple %mul3A_1270, 128 : i32
      %dma_start3A_1272 = arith.constant 0 : i32
      %dma_start3A_1273 = arith.constant 1 : i32
      %dma_start3A_1274 = arith.constant 0 : i32
      %dma_start3A_1275 = arith.constant 0 : i32
      %dma_start3A_1276 = arith.constant 0 : i32
      %dma_start3A_1277 = tpu.memref_slice %arg9[%dma_start3A_1272, %dma_start3A_1273, %dma_start3A_1274, %dma_start3A_1275, %dma_start3A_1276] : memref<8x2x4x8x128xf32, #tpu.memory_space<vmem>> -> memref<1x1x4x8x128xf32, #tpu.memory_space<vmem>>
      %dma_start3A_1278 = tpu.memref_squeeze %dma_start3A_1277 : memref<1x1x4x8x128xf32, #tpu.memory_space<vmem>> -> memref<4x8x128xf32, #tpu.memory_space<vmem>>
      %dma_start3A_1279 = arith.constant 0 : i32
      %dma_start3A_1280 = arith.constant 0 : i32
      %dma_start3A_1281 = tpu.memref_slice %arg5[%dma_start3A_1279, %dma_start3A_1280, %multiple_of3A_1271] : memref<4x8x1000000xf32, #tpu.memory_space<hbm>> -> memref<4x8x128xf32, #tpu.memory_space<hbm>>
      %dma_start3A_1282 = arith.constant 0 : i32
      %dma_start3A_1283 = arith.constant 0 : i32
      %dma_start3A_1284 = arith.constant 0 : i32
      %dma_start3A_1285 = tpu.memref_slice %arg9[%dma_start3A_1272, %dma_start3A_1273, %dma_start3A_1282, %dma_start3A_1283, %dma_start3A_1284] : memref<8x2x4x8x128xf32, #tpu.memory_space<vmem>> -> memref<1x1x4x8x128xf32, #tpu.memory_space<vmem>>
      %dma_start3A_1286 = tpu.memref_squeeze %dma_start3A_1285 : memref<1x1x4x8x128xf32, #tpu.memory_space<vmem>> -> memref<4x8x128xf32, #tpu.memory_space<vmem>>
      %dma_start3A_1287 = arith.constant 0 : i32
      %dma_start3A_1288 = arith.constant 0 : i32
      %dma_start3A_1289 = tpu.memref_slice %arg5[%dma_start3A_1287, %dma_start3A_1288, %multiple_of3A_1271] : memref<4x8x1000000xf32, #tpu.memory_space<hbm>> -> memref<4x8x128xf32, #tpu.memory_space<hbm>>
      tpu.enqueue_dma source(%dma_start3A_1289 : memref<4x8x128xf32, #tpu.memory_space<hbm>>) target(%dma_start3A_1286 : memref<4x8x128xf32, #tpu.memory_space<vmem>>) target_semaphore(%arg13 : memref<!tpu.dma_semaphore, #tpu.memory_space<semaphore_mem>>)
      %slice3A_1290 = vector.extract_strided_slice %get3A_701 {offsets = [1], sizes = [1], strides = [1]} : vector<16xi32> to vector<1xi32>
      %squeeze3A_1291 = vector.extract %slice3A_1290[0] : i32 from vector<1xi32>
      %slice3A_1292 = vector.extract_strided_slice %get3A_705 {offsets = [1], sizes = [1], strides = [1]} : vector<16xi32> to vector<1xi32>
      %squeeze3A_1293 = vector.extract %slice3A_1292[0] : i32 from vector<1xi32>
      %mul3A_1294 = arith.constant 16 : i32
      %mul3A_1295 = arith.muli %scan3A_696, %mul3A_1294 : i32
      %add3A_1296 = arith.constant 9 : i32
      %add3A_1297 = arith.addi %mul3A_1295, %add3A_1296 : i32
      %sub3A_1298 = arith.constant 8 : i32
      %sub3A_1299 = arith.subi %add3A_1297, %sub3A_1298 : i32
      %dma_wait3A_1300 = arith.constant 1 : i32
      %dma_wait3A_1301 = arith.constant 0 : i32
      %dma_wait3A_1302 = arith.constant 0 : i32
      %dma_wait3A_1303 = arith.constant 0 : i32
      %dma_wait3A_1304 = arith.constant 0 : i32
      %dma_wait3A_1305 = tpu.memref_slice %arg9[%dma_wait3A_1300, %dma_wait3A_1301, %dma_wait3A_1302, %dma_wait3A_1303, %dma_wait3A_1304] : memref<8x2x4x8x128xf32, #tpu.memory_space<vmem>> -> memref<1x1x4x8x128xf32, #tpu.memory_space<vmem>>
      %dma_wait3A_1306 = tpu.memref_squeeze %dma_wait3A_1305 : memref<1x1x4x8x128xf32, #tpu.memory_space<vmem>> -> memref<4x8x128xf32, #tpu.memory_space<vmem>>
      %dma_wait3A_1307 = arith.constant 0 : i32
      %dma_wait3A_1308 = arith.constant 0 : i32
      %dma_wait3A_1309 = arith.constant 0 : i32
      %dma_wait3A_1310 = tpu.memref_slice %arg4[%dma_wait3A_1307, %dma_wait3A_1308, %dma_wait3A_1309] : memref<4x8x1000000xf32, #tpu.memory_space<hbm>> -> memref<4x8x128xf32, #tpu.memory_space<hbm>>
      %dma_wait3A_1311 = arith.constant 0 : i32
      %dma_wait3A_1312 = arith.constant 0 : i32
      %dma_wait3A_1313 = arith.constant 0 : i32
      %dma_wait3A_1314 = tpu.memref_slice %arg9[%dma_wait3A_1300, %dma_wait3A_1301, %dma_wait3A_1311, %dma_wait3A_1312, %dma_wait3A_1313] : memref<8x2x4x8x128xf32, #tpu.memory_space<vmem>> -> memref<1x1x4x8x128xf32, #tpu.memory_space<vmem>>
      %dma_wait3A_1315 = tpu.memref_squeeze %dma_wait3A_1314 : memref<1x1x4x8x128xf32, #tpu.memory_space<vmem>> -> memref<4x8x128xf32, #tpu.memory_space<vmem>>
      %dma_wait3A_1316 = arith.constant 0 : i32
      %dma_wait3A_1317 = arith.constant 0 : i32
      %dma_wait3A_1318 = arith.constant 0 : i32
      %dma_wait3A_1319 = tpu.memref_slice %arg4[%dma_wait3A_1316, %dma_wait3A_1317, %dma_wait3A_1318] : memref<4x8x1000000xf32, #tpu.memory_space<hbm>> -> memref<4x8x128xf32, #tpu.memory_space<hbm>>
      tpu.wait_dma2 semaphore(%arg14 : memref<!tpu.dma_semaphore, #tpu.memory_space<semaphore_mem>>) src(%dma_wait3A_1319 : memref<4x8x128xf32, #tpu.memory_space<hbm>>) dst(%dma_wait3A_1315 : memref<4x8x128xf32, #tpu.memory_space<vmem>>)
      %dma_wait3A_1320 = arith.constant 1 : i32
      %dma_wait3A_1321 = arith.constant 1 : i32
      %dma_wait3A_1322 = arith.constant 0 : i32
      %dma_wait3A_1323 = arith.constant 0 : i32
      %dma_wait3A_1324 = arith.constant 0 : i32
      %dma_wait3A_1325 = tpu.memref_slice %arg9[%dma_wait3A_1320, %dma_wait3A_1321, %dma_wait3A_1322, %dma_wait3A_1323, %dma_wait3A_1324] : memref<8x2x4x8x128xf32, #tpu.memory_space<vmem>> -> memref<1x1x4x8x128xf32, #tpu.memory_space<vmem>>
      %dma_wait3A_1326 = tpu.memref_squeeze %dma_wait3A_1325 : memref<1x1x4x8x128xf32, #tpu.memory_space<vmem>> -> memref<4x8x128xf32, #tpu.memory_space<vmem>>
      %dma_wait3A_1327 = arith.constant 0 : i32
      %dma_wait3A_1328 = arith.constant 0 : i32
      %dma_wait3A_1329 = arith.constant 0 : i32
      %dma_wait3A_1330 = tpu.memref_slice %arg4[%dma_wait3A_1327, %dma_wait3A_1328, %dma_wait3A_1329] : memref<4x8x1000000xf32, #tpu.memory_space<hbm>> -> memref<4x8x128xf32, #tpu.memory_space<hbm>>
      %dma_wait3A_1331 = arith.constant 0 : i32
      %dma_wait3A_1332 = arith.constant 0 : i32
      %dma_wait3A_1333 = arith.constant 0 : i32
      %dma_wait3A_1334 = tpu.memref_slice %arg9[%dma_wait3A_1320, %dma_wait3A_1321, %dma_wait3A_1331, %dma_wait3A_1332, %dma_wait3A_1333] : memref<8x2x4x8x128xf32, #tpu.memory_space<vmem>> -> memref<1x1x4x8x128xf32, #tpu.memory_space<vmem>>
      %dma_wait3A_1335 = tpu.memref_squeeze %dma_wait3A_1334 : memref<1x1x4x8x128xf32, #tpu.memory_space<vmem>> -> memref<4x8x128xf32, #tpu.memory_space<vmem>>
      %dma_wait3A_1336 = arith.constant 0 : i32
      %dma_wait3A_1337 = arith.constant 0 : i32
      %dma_wait3A_1338 = arith.constant 0 : i32
      %dma_wait3A_1339 = tpu.memref_slice %arg4[%dma_wait3A_1336, %dma_wait3A_1337, %dma_wait3A_1338] : memref<4x8x1000000xf32, #tpu.memory_space<hbm>> -> memref<4x8x128xf32, #tpu.memory_space<hbm>>
      tpu.wait_dma2 semaphore(%arg14 : memref<!tpu.dma_semaphore, #tpu.memory_space<semaphore_mem>>) src(%dma_wait3A_1339 : memref<4x8x128xf32, #tpu.memory_space<hbm>>) dst(%dma_wait3A_1335 : memref<4x8x128xf32, #tpu.memory_space<vmem>>)
      %and3A_1340 = arith.constant 127 : i32
      %and3A_1341 = arith.andi %squeeze3A_1291, %and3A_1340 : i32
      %broadcast_in_dim3A_1342 = vector.broadcast %and3A_1341 : i32 to vector<16xi32>
      %and3A_1343 = arith.constant 127 : i32
      %and3A_1344 = arith.andi %squeeze3A_1293, %and3A_1343 : i32
      %broadcast_in_dim3A_1345 = vector.broadcast %and3A_1344 : i32 to vector<16xi32>
      %broadcast_in_dim3A_1346 = vector.broadcast %sub3A_1299 : i32 to vector<16xi32>
      %gather3A_1347 = arith.constant 1 : i32
      %gather3A_1348 = arith.constant 0 : i32
      %gather3A_1349 = arith.constant 0 : i32
      %gather3A_1350 = arith.constant 0 : i32
      %gather3A_1351 = arith.constant 0 : i32
      %gather3A_1352 = tpu.memref_slice %arg9[%gather3A_1347, %gather3A_1348, %gather3A_1349, %gather3A_1350, %gather3A_1351] : memref<8x2x4x8x128xf32, #tpu.memory_space<vmem>> -> memref<1x1x4x8x128xf32, #tpu.memory_space<vmem>>
      %gather3A_1353 = tpu.memref_squeeze %gather3A_1352 : memref<1x1x4x8x128xf32, #tpu.memory_space<vmem>> -> memref<4x8x128xf32, #tpu.memory_space<vmem>>
      %gather3A_1354 = tpu.vector_load_idx %gather3A_1353[%shift_right_logical3A_4, %and3A_6, %broadcast_in_dim3A_1342] : memref<4x8x128xf32, #tpu.memory_space<vmem>>[vector<16xi32>, vector<16xi32>, vector<16xi32>], vector<16xf32>,
      %gather3A_1355 = arith.constant 1 : i32
      %gather3A_1356 = arith.constant 0 : i32
      %gather3A_1357 = arith.constant 0 : i32
      %gather3A_1358 = arith.constant 0 : i32
      %gather3A_1359 = arith.constant 0 : i32
      %gather3A_1360 = tpu.memref_slice %arg9[%gather3A_1355, %gather3A_1356, %gather3A_1357, %gather3A_1358, %gather3A_1359] : memref<8x2x4x8x128xf32, #tpu.memory_space<vmem>> -> memref<1x1x4x8x128xf32, #tpu.memory_space<vmem>>
      %gather3A_1361 = tpu.memref_squeeze %gather3A_1360 : memref<1x1x4x8x128xf32, #tpu.memory_space<vmem>> -> memref<4x8x128xf32, #tpu.memory_space<vmem>>
      %gather3A_1362 = tpu.vector_load_idx %gather3A_1361[%add3A_9, %and3A_6, %broadcast_in_dim3A_1342] : memref<4x8x128xf32, #tpu.memory_space<vmem>>[vector<16xi32>, vector<16xi32>, vector<16xi32>], vector<16xf32>,
      %gather3A_1363 = arith.constant 1 : i32
      %gather3A_1364 = arith.constant 1 : i32
      %gather3A_1365 = arith.constant 0 : i32
      %gather3A_1366 = arith.constant 0 : i32
      %gather3A_1367 = arith.constant 0 : i32
      %gather3A_1368 = tpu.memref_slice %arg9[%gather3A_1363, %gather3A_1364, %gather3A_1365, %gather3A_1366, %gather3A_1367] : memref<8x2x4x8x128xf32, #tpu.memory_space<vmem>> -> memref<1x1x4x8x128xf32, #tpu.memory_space<vmem>>
      %gather3A_1369 = tpu.memref_squeeze %gather3A_1368 : memref<1x1x4x8x128xf32, #tpu.memory_space<vmem>> -> memref<4x8x128xf32, #tpu.memory_space<vmem>>
      %gather3A_1370 = tpu.vector_load_idx %gather3A_1369[%shift_right_logical3A_4, %and3A_6, %broadcast_in_dim3A_1345] : memref<4x8x128xf32, #tpu.memory_space<vmem>>[vector<16xi32>, vector<16xi32>, vector<16xi32>], vector<16xf32>,
      %gather3A_1371 = arith.constant 1 : i32
      %gather3A_1372 = arith.constant 1 : i32
      %gather3A_1373 = arith.constant 0 : i32
      %gather3A_1374 = arith.constant 0 : i32
      %gather3A_1375 = arith.constant 0 : i32
      %gather3A_1376 = tpu.memref_slice %arg9[%gather3A_1371, %gather3A_1372, %gather3A_1373, %gather3A_1374, %gather3A_1375] : memref<8x2x4x8x128xf32, #tpu.memory_space<vmem>> -> memref<1x1x4x8x128xf32, #tpu.memory_space<vmem>>
      %gather3A_1377 = tpu.memref_squeeze %gather3A_1376 : memref<1x1x4x8x128xf32, #tpu.memory_space<vmem>> -> memref<4x8x128xf32, #tpu.memory_space<vmem>>
      %gather3A_1378 = tpu.vector_load_idx %gather3A_1377[%add3A_9, %and3A_6, %broadcast_in_dim3A_1345] : memref<4x8x128xf32, #tpu.memory_space<vmem>>[vector<16xi32>, vector<16xi32>, vector<16xi32>], vector<16xf32>,
      tpu.vector_store_idx %arg10[%iota3A, %broadcast_in_dim3A_1346], %gather3A_1354 : memref<32x512xf32, #tpu.memory_space<vmem>>[vector<16xi32>, vector<16xi32>], vector<16xf32>,
      tpu.vector_store_idx %arg10[%add3A_12, %broadcast_in_dim3A_1346], %gather3A_1362 : memref<32x512xf32, #tpu.memory_space<vmem>>[vector<16xi32>, vector<16xi32>], vector<16xf32>,
      tpu.vector_store_idx %arg11[%iota3A, %broadcast_in_dim3A_1346], %gather3A_1370 : memref<32x512xf32, #tpu.memory_space<vmem>>[vector<16xi32>, vector<16xi32>], vector<16xf32>,
      tpu.vector_store_idx %arg11[%add3A_12, %broadcast_in_dim3A_1346], %gather3A_1378 : memref<32x512xf32, #tpu.memory_space<vmem>>[vector<16xi32>, vector<16xi32>], vector<16xf32>,
      %slice3A_1379 = vector.extract_strided_slice %get3A_701 {offsets = [9], sizes = [1], strides = [1]} : vector<16xi32> to vector<1xi32>
      %squeeze3A_1380 = vector.extract %slice3A_1379[0] : i32 from vector<1xi32>
      %shift_right_logical3A_1381 = arith.constant 7 : i32
      %shift_right_logical3A_1382 = arith.shrui %squeeze3A_1380, %shift_right_logical3A_1381 : i32
      %mul3A_1383 = arith.constant 128 : i32
      %mul3A_1384 = arith.muli %shift_right_logical3A_1382, %mul3A_1383 : i32
      %multiple_of3A_1385 = tpu.assume_multiple %mul3A_1384, 128 : i32
      %dma_start3A_1386 = arith.constant 1 : i32
      %dma_start3A_1387 = arith.constant 0 : i32
      %dma_start3A_1388 = arith.constant 0 : i32
      %dma_start3A_1389 = arith.constant 0 : i32
      %dma_start3A_1390 = arith.constant 0 : i32
      %dma_start3A_1391 = tpu.memref_slice %arg9[%dma_start3A_1386, %dma_start3A_1387, %dma_start3A_1388, %dma_start3A_1389, %dma_start3A_1390] : memref<8x2x4x8x128xf32, #tpu.memory_space<vmem>> -> memref<1x1x4x8x128xf32, #tpu.memory_space<vmem>>
      %dma_start3A_1392 = tpu.memref_squeeze %dma_start3A_1391 : memref<1x1x4x8x128xf32, #tpu.memory_space<vmem>> -> memref<4x8x128xf32, #tpu.memory_space<vmem>>
      %dma_start3A_1393 = arith.constant 0 : i32
      %dma_start3A_1394 = arith.constant 0 : i32
      %dma_start3A_1395 = tpu.memref_slice %arg4[%dma_start3A_1393, %dma_start3A_1394, %multiple_of3A_1385] : memref<4x8x1000000xf32, #tpu.memory_space<hbm>> -> memref<4x8x128xf32, #tpu.memory_space<hbm>>
      %dma_start3A_1396 = arith.constant 0 : i32
      %dma_start3A_1397 = arith.constant 0 : i32
      %dma_start3A_1398 = arith.constant 0 : i32
      %dma_start3A_1399 = tpu.memref_slice %arg9[%dma_start3A_1386, %dma_start3A_1387, %dma_start3A_1396, %dma_start3A_1397, %dma_start3A_1398] : memref<8x2x4x8x128xf32, #tpu.memory_space<vmem>> -> memref<1x1x4x8x128xf32, #tpu.memory_space<vmem>>
      %dma_start3A_1400 = tpu.memref_squeeze %dma_start3A_1399 : memref<1x1x4x8x128xf32, #tpu.memory_space<vmem>> -> memref<4x8x128xf32, #tpu.memory_space<vmem>>
      %dma_start3A_1401 = arith.constant 0 : i32
      %dma_start3A_1402 = arith.constant 0 : i32
      %dma_start3A_1403 = tpu.memref_slice %arg4[%dma_start3A_1401, %dma_start3A_1402, %multiple_of3A_1385] : memref<4x8x1000000xf32, #tpu.memory_space<hbm>> -> memref<4x8x128xf32, #tpu.memory_space<hbm>>
      tpu.enqueue_dma source(%dma_start3A_1403 : memref<4x8x128xf32, #tpu.memory_space<hbm>>) target(%dma_start3A_1400 : memref<4x8x128xf32, #tpu.memory_space<vmem>>) target_semaphore(%arg14 : memref<!tpu.dma_semaphore, #tpu.memory_space<semaphore_mem>>)
      %slice3A_1404 = vector.extract_strided_slice %get3A_705 {offsets = [9], sizes = [1], strides = [1]} : vector<16xi32> to vector<1xi32>
      %squeeze3A_1405 = vector.extract %slice3A_1404[0] : i32 from vector<1xi32>
      %shift_right_logical3A_1406 = arith.constant 7 : i32
      %shift_right_logical3A_1407 = arith.shrui %squeeze3A_1405, %shift_right_logical3A_1406 : i32
      %mul3A_1408 = arith.constant 128 : i32
      %mul3A_1409 = arith.muli %shift_right_logical3A_1407, %mul3A_1408 : i32
      %multiple_of3A_1410 = tpu.assume_multiple %mul3A_1409, 128 : i32
      %dma_start3A_1411 = arith.constant 1 : i32
      %dma_start3A_1412 = arith.constant 1 : i32
      %dma_start3A_1413 = arith.constant 0 : i32
      %dma_start3A_1414 = arith.constant 0 : i32
      %dma_start3A_1415 = arith.constant 0 : i32
      %dma_start3A_1416 = tpu.memref_slice %arg9[%dma_start3A_1411, %dma_start3A_1412, %dma_start3A_1413, %dma_start3A_1414, %dma_start3A_1415] : memref<8x2x4x8x128xf32, #tpu.memory_space<vmem>> -> memref<1x1x4x8x128xf32, #tpu.memory_space<vmem>>
      %dma_start3A_1417 = tpu.memref_squeeze %dma_start3A_1416 : memref<1x1x4x8x128xf32, #tpu.memory_space<vmem>> -> memref<4x8x128xf32, #tpu.memory_space<vmem>>
      %dma_start3A_1418 = arith.constant 0 : i32
      %dma_start3A_1419 = arith.constant 0 : i32
      %dma_start3A_1420 = tpu.memref_slice %arg5[%dma_start3A_1418, %dma_start3A_1419, %multiple_of3A_1410] : memref<4x8x1000000xf32, #tpu.memory_space<hbm>> -> memref<4x8x128xf32, #tpu.memory_space<hbm>>
      %dma_start3A_1421 = arith.constant 0 : i32
      %dma_start3A_1422 = arith.constant 0 : i32
      %dma_start3A_1423 = arith.constant 0 : i32
      %dma_start3A_1424 = tpu.memref_slice %arg9[%dma_start3A_1411, %dma_start3A_1412, %dma_start3A_1421, %dma_start3A_1422, %dma_start3A_1423] : memref<8x2x4x8x128xf32, #tpu.memory_space<vmem>> -> memref<1x1x4x8x128xf32, #tpu.memory_space<vmem>>
      %dma_start3A_1425 = tpu.memref_squeeze %dma_start3A_1424 : memref<1x1x4x8x128xf32, #tpu.memory_space<vmem>> -> memref<4x8x128xf32, #tpu.memory_space<vmem>>
      %dma_start3A_1426 = arith.constant 0 : i32
      %dma_start3A_1427 = arith.constant 0 : i32
      %dma_start3A_1428 = tpu.memref_slice %arg5[%dma_start3A_1426, %dma_start3A_1427, %multiple_of3A_1410] : memref<4x8x1000000xf32, #tpu.memory_space<hbm>> -> memref<4x8x128xf32, #tpu.memory_space<hbm>>
      tpu.enqueue_dma source(%dma_start3A_1428 : memref<4x8x128xf32, #tpu.memory_space<hbm>>) target(%dma_start3A_1425 : memref<4x8x128xf32, #tpu.memory_space<vmem>>) target_semaphore(%arg14 : memref<!tpu.dma_semaphore, #tpu.memory_space<semaphore_mem>>)
      %slice3A_1429 = vector.extract_strided_slice %get3A_701 {offsets = [2], sizes = [1], strides = [1]} : vector<16xi32> to vector<1xi32>
      %squeeze3A_1430 = vector.extract %slice3A_1429[0] : i32 from vector<1xi32>
      %slice3A_1431 = vector.extract_strided_slice %get3A_705 {offsets = [2], sizes = [1], strides = [1]} : vector<16xi32> to vector<1xi32>
      %squeeze3A_1432 = vector.extract %slice3A_1431[0] : i32 from vector<1xi32>
      %mul3A_1433 = arith.constant 16 : i32
      %mul3A_1434 = arith.muli %scan3A_696, %mul3A_1433 : i32
      %add3A_1435 = arith.constant 10 : i32
      %add3A_1436 = arith.addi %mul3A_1434, %add3A_1435 : i32
      %sub3A_1437 = arith.constant 8 : i32
      %sub3A_1438 = arith.subi %add3A_1436, %sub3A_1437 : i32
      %dma_wait3A_1439 = arith.constant 2 : i32
      %dma_wait3A_1440 = arith.constant 0 : i32
      %dma_wait3A_1441 = arith.constant 0 : i32
      %dma_wait3A_1442 = arith.constant 0 : i32
      %dma_wait3A_1443 = arith.constant 0 : i32
      %dma_wait3A_1444 = tpu.memref_slice %arg9[%dma_wait3A_1439, %dma_wait3A_1440, %dma_wait3A_1441, %dma_wait3A_1442, %dma_wait3A_1443] : memref<8x2x4x8x128xf32, #tpu.memory_space<vmem>> -> memref<1x1x4x8x128xf32, #tpu.memory_space<vmem>>
      %dma_wait3A_1445 = tpu.memref_squeeze %dma_wait3A_1444 : memref<1x1x4x8x128xf32, #tpu.memory_space<vmem>> -> memref<4x8x128xf32, #tpu.memory_space<vmem>>
      %dma_wait3A_1446 = arith.constant 0 : i32
      %dma_wait3A_1447 = arith.constant 0 : i32
      %dma_wait3A_1448 = arith.constant 0 : i32
      %dma_wait3A_1449 = tpu.memref_slice %arg4[%dma_wait3A_1446, %dma_wait3A_1447, %dma_wait3A_1448] : memref<4x8x1000000xf32, #tpu.memory_space<hbm>> -> memref<4x8x128xf32, #tpu.memory_space<hbm>>
      %dma_wait3A_1450 = arith.constant 0 : i32
      %dma_wait3A_1451 = arith.constant 0 : i32
      %dma_wait3A_1452 = arith.constant 0 : i32
      %dma_wait3A_1453 = tpu.memref_slice %arg9[%dma_wait3A_1439, %dma_wait3A_1440, %dma_wait3A_1450, %dma_wait3A_1451, %dma_wait3A_1452] : memref<8x2x4x8x128xf32, #tpu.memory_space<vmem>> -> memref<1x1x4x8x128xf32, #tpu.memory_space<vmem>>
      %dma_wait3A_1454 = tpu.memref_squeeze %dma_wait3A_1453 : memref<1x1x4x8x128xf32, #tpu.memory_space<vmem>> -> memref<4x8x128xf32, #tpu.memory_space<vmem>>
      %dma_wait3A_1455 = arith.constant 0 : i32
      %dma_wait3A_1456 = arith.constant 0 : i32
      %dma_wait3A_1457 = arith.constant 0 : i32
      %dma_wait3A_1458 = tpu.memref_slice %arg4[%dma_wait3A_1455, %dma_wait3A_1456, %dma_wait3A_1457] : memref<4x8x1000000xf32, #tpu.memory_space<hbm>> -> memref<4x8x128xf32, #tpu.memory_space<hbm>>
      tpu.wait_dma2 semaphore(%arg15 : memref<!tpu.dma_semaphore, #tpu.memory_space<semaphore_mem>>) src(%dma_wait3A_1458 : memref<4x8x128xf32, #tpu.memory_space<hbm>>) dst(%dma_wait3A_1454 : memref<4x8x128xf32, #tpu.memory_space<vmem>>)
      %dma_wait3A_1459 = arith.constant 2 : i32
      %dma_wait3A_1460 = arith.constant 1 : i32
      %dma_wait3A_1461 = arith.constant 0 : i32
      %dma_wait3A_1462 = arith.constant 0 : i32
      %dma_wait3A_1463 = arith.constant 0 : i32
      %dma_wait3A_1464 = tpu.memref_slice %arg9[%dma_wait3A_1459, %dma_wait3A_1460, %dma_wait3A_1461, %dma_wait3A_1462, %dma_wait3A_1463] : memref<8x2x4x8x128xf32, #tpu.memory_space<vmem>> -> memref<1x1x4x8x128xf32, #tpu.memory_space<vmem>>
      %dma_wait3A_1465 = tpu.memref_squeeze %dma_wait3A_1464 : memref<1x1x4x8x128xf32, #tpu.memory_space<vmem>> -> memref<4x8x128xf32, #tpu.memory_space<vmem>>
      %dma_wait3A_1466 = arith.constant 0 : i32
      %dma_wait3A_1467 = arith.constant 0 : i32
      %dma_wait3A_1468 = arith.constant 0 : i32
      %dma_wait3A_1469 = tpu.memref_slice %arg4[%dma_wait3A_1466, %dma_wait3A_1467, %dma_wait3A_1468] : memref<4x8x1000000xf32, #tpu.memory_space<hbm>> -> memref<4x8x128xf32, #tpu.memory_space<hbm>>
      %dma_wait3A_1470 = arith.constant 0 : i32
      %dma_wait3A_1471 = arith.constant 0 : i32
      %dma_wait3A_1472 = arith.constant 0 : i32
      %dma_wait3A_1473 = tpu.memref_slice %arg9[%dma_wait3A_1459, %dma_wait3A_1460, %dma_wait3A_1470, %dma_wait3A_1471, %dma_wait3A_1472] : memref<8x2x4x8x128xf32, #tpu.memory_space<vmem>> -> memref<1x1x4x8x128xf32, #tpu.memory_space<vmem>>
      %dma_wait3A_1474 = tpu.memref_squeeze %dma_wait3A_1473 : memref<1x1x4x8x128xf32, #tpu.memory_space<vmem>> -> memref<4x8x128xf32, #tpu.memory_space<vmem>>
      %dma_wait3A_1475 = arith.constant 0 : i32
      %dma_wait3A_1476 = arith.constant 0 : i32
      %dma_wait3A_1477 = arith.constant 0 : i32
      %dma_wait3A_1478 = tpu.memref_slice %arg4[%dma_wait3A_1475, %dma_wait3A_1476, %dma_wait3A_1477] : memref<4x8x1000000xf32, #tpu.memory_space<hbm>> -> memref<4x8x128xf32, #tpu.memory_space<hbm>>
      tpu.wait_dma2 semaphore(%arg15 : memref<!tpu.dma_semaphore, #tpu.memory_space<semaphore_mem>>) src(%dma_wait3A_1478 : memref<4x8x128xf32, #tpu.memory_space<hbm>>) dst(%dma_wait3A_1474 : memref<4x8x128xf32, #tpu.memory_space<vmem>>)
      %and3A_1479 = arith.constant 127 : i32
      %and3A_1480 = arith.andi %squeeze3A_1430, %and3A_1479 : i32
      %broadcast_in_dim3A_1481 = vector.broadcast %and3A_1480 : i32 to vector<16xi32>
      %and3A_1482 = arith.constant 127 : i32
      %and3A_1483 = arith.andi %squeeze3A_1432, %and3A_1482 : i32
      %broadcast_in_dim3A_1484 = vector.broadcast %and3A_1483 : i32 to vector<16xi32>
      %broadcast_in_dim3A_1485 = vector.broadcast %sub3A_1438 : i32 to vector<16xi32>
      %gather3A_1486 = arith.constant 2 : i32
      %gather3A_1487 = arith.constant 0 : i32
      %gather3A_1488 = arith.constant 0 : i32
      %gather3A_1489 = arith.constant 0 : i32
      %gather3A_1490 = arith.constant 0 : i32
      %gather3A_1491 = tpu.memref_slice %arg9[%gather3A_1486, %gather3A_1487, %gather3A_1488, %gather3A_1489, %gather3A_1490] : memref<8x2x4x8x128xf32, #tpu.memory_space<vmem>> -> memref<1x1x4x8x128xf32, #tpu.memory_space<vmem>>
      %gather3A_1492 = tpu.memref_squeeze %gather3A_1491 : memref<1x1x4x8x128xf32, #tpu.memory_space<vmem>> -> memref<4x8x128xf32, #tpu.memory_space<vmem>>
      %gather3A_1493 = tpu.vector_load_idx %gather3A_1492[%shift_right_logical3A_4, %and3A_6, %broadcast_in_dim3A_1481] : memref<4x8x128xf32, #tpu.memory_space<vmem>>[vector<16xi32>, vector<16xi32>, vector<16xi32>], vector<16xf32>,
      %gather3A_1494 = arith.constant 2 : i32
      %gather3A_1495 = arith.constant 0 : i32
      %gather3A_1496 = arith.constant 0 : i32
      %gather3A_1497 = arith.constant 0 : i32
      %gather3A_1498 = arith.constant 0 : i32
      %gather3A_1499 = tpu.memref_slice %arg9[%gather3A_1494, %gather3A_1495, %gather3A_1496, %gather3A_1497, %gather3A_1498] : memref<8x2x4x8x128xf32, #tpu.memory_space<vmem>> -> memref<1x1x4x8x128xf32, #tpu.memory_space<vmem>>
      %gather3A_1500 = tpu.memref_squeeze %gather3A_1499 : memref<1x1x4x8x128xf32, #tpu.memory_space<vmem>> -> memref<4x8x128xf32, #tpu.memory_space<vmem>>
      %gather3A_1501 = tpu.vector_load_idx %gather3A_1500[%add3A_9, %and3A_6, %broadcast_in_dim3A_1481] : memref<4x8x128xf32, #tpu.memory_space<vmem>>[vector<16xi32>, vector<16xi32>, vector<16xi32>], vector<16xf32>,
      %gather3A_1502 = arith.constant 2 : i32
      %gather3A_1503 = arith.constant 1 : i32
      %gather3A_1504 = arith.constant 0 : i32
      %gather3A_1505 = arith.constant 0 : i32
      %gather3A_1506 = arith.constant 0 : i32
      %gather3A_1507 = tpu.memref_slice %arg9[%gather3A_1502, %gather3A_1503, %gather3A_1504, %gather3A_1505, %gather3A_1506] : memref<8x2x4x8x128xf32, #tpu.memory_space<vmem>> -> memref<1x1x4x8x128xf32, #tpu.memory_space<vmem>>
      %gather3A_1508 = tpu.memref_squeeze %gather3A_1507 : memref<1x1x4x8x128xf32, #tpu.memory_space<vmem>> -> memref<4x8x128xf32, #tpu.memory_space<vmem>>
      %gather3A_1509 = tpu.vector_load_idx %gather3A_1508[%shift_right_logical3A_4, %and3A_6, %broadcast_in_dim3A_1484] : memref<4x8x128xf32, #tpu.memory_space<vmem>>[vector<16xi32>, vector<16xi32>, vector<16xi32>], vector<16xf32>,
      %gather3A_1510 = arith.constant 2 : i32
      %gather3A_1511 = arith.constant 1 : i32
      %gather3A_1512 = arith.constant 0 : i32
      %gather3A_1513 = arith.constant 0 : i32
      %gather3A_1514 = arith.constant 0 : i32
      %gather3A_1515 = tpu.memref_slice %arg9[%gather3A_1510, %gather3A_1511, %gather3A_1512, %gather3A_1513, %gather3A_1514] : memref<8x2x4x8x128xf32, #tpu.memory_space<vmem>> -> memref<1x1x4x8x128xf32, #tpu.memory_space<vmem>>
      %gather3A_1516 = tpu.memref_squeeze %gather3A_1515 : memref<1x1x4x8x128xf32, #tpu.memory_space<vmem>> -> memref<4x8x128xf32, #tpu.memory_space<vmem>>
      %gather3A_1517 = tpu.vector_load_idx %gather3A_1516[%add3A_9, %and3A_6, %broadcast_in_dim3A_1484] : memref<4x8x128xf32, #tpu.memory_space<vmem>>[vector<16xi32>, vector<16xi32>, vector<16xi32>], vector<16xf32>,
      tpu.vector_store_idx %arg10[%iota3A, %broadcast_in_dim3A_1485], %gather3A_1493 : memref<32x512xf32, #tpu.memory_space<vmem>>[vector<16xi32>, vector<16xi32>], vector<16xf32>,
      tpu.vector_store_idx %arg10[%add3A_12, %broadcast_in_dim3A_1485], %gather3A_1501 : memref<32x512xf32, #tpu.memory_space<vmem>>[vector<16xi32>, vector<16xi32>], vector<16xf32>,
      tpu.vector_store_idx %arg11[%iota3A, %broadcast_in_dim3A_1485], %gather3A_1509 : memref<32x512xf32, #tpu.memory_space<vmem>>[vector<16xi32>, vector<16xi32>], vector<16xf32>,
      tpu.vector_store_idx %arg11[%add3A_12, %broadcast_in_dim3A_1485], %gather3A_1517 : memref<32x512xf32, #tpu.memory_space<vmem>>[vector<16xi32>, vector<16xi32>], vector<16xf32>,
      %slice3A_1518 = vector.extract_strided_slice %get3A_701 {offsets = [10], sizes = [1], strides = [1]} : vector<16xi32> to vector<1xi32>
      %squeeze3A_1519 = vector.extract %slice3A_1518[0] : i32 from vector<1xi32>
      %shift_right_logical3A_1520 = arith.constant 7 : i32
      %shift_right_logical3A_1521 = arith.shrui %squeeze3A_1519, %shift_right_logical3A_1520 : i32
      %mul3A_1522 = arith.constant 128 : i32
      %mul3A_1523 = arith.muli %shift_right_logical3A_1521, %mul3A_1522 : i32
      %multiple_of3A_1524 = tpu.assume_multiple %mul3A_1523, 128 : i32
      %dma_start3A_1525 = arith.constant 2 : i32
      %dma_start3A_1526 = arith.constant 0 : i32
      %dma_start3A_1527 = arith.constant 0 : i32
      %dma_start3A_1528 = arith.constant 0 : i32
      %dma_start3A_1529 = arith.constant 0 : i32
      %dma_start3A_1530 = tpu.memref_slice %arg9[%dma_start3A_1525, %dma_start3A_1526, %dma_start3A_1527, %dma_start3A_1528, %dma_start3A_1529] : memref<8x2x4x8x128xf32, #tpu.memory_space<vmem>> -> memref<1x1x4x8x128xf32, #tpu.memory_space<vmem>>
      %dma_start3A_1531 = tpu.memref_squeeze %dma_start3A_1530 : memref<1x1x4x8x128xf32, #tpu.memory_space<vmem>> -> memref<4x8x128xf32, #tpu.memory_space<vmem>>
      %dma_start3A_1532 = arith.constant 0 : i32
      %dma_start3A_1533 = arith.constant 0 : i32
      %dma_start3A_1534 = tpu.memref_slice %arg4[%dma_start3A_1532, %dma_start3A_1533, %multiple_of3A_1524] : memref<4x8x1000000xf32, #tpu.memory_space<hbm>> -> memref<4x8x128xf32, #tpu.memory_space<hbm>>
      %dma_start3A_1535 = arith.constant 0 : i32
      %dma_start3A_1536 = arith.constant 0 : i32
      %dma_start3A_1537 = arith.constant 0 : i32
      %dma_start3A_1538 = tpu.memref_slice %arg9[%dma_start3A_1525, %dma_start3A_1526, %dma_start3A_1535, %dma_start3A_1536, %dma_start3A_1537] : memref<8x2x4x8x128xf32, #tpu.memory_space<vmem>> -> memref<1x1x4x8x128xf32, #tpu.memory_space<vmem>>
      %dma_start3A_1539 = tpu.memref_squeeze %dma_start3A_1538 : memref<1x1x4x8x128xf32, #tpu.memory_space<vmem>> -> memref<4x8x128xf32, #tpu.memory_space<vmem>>
      %dma_start3A_1540 = arith.constant 0 : i32
      %dma_start3A_1541 = arith.constant 0 : i32
      %dma_start3A_1542 = tpu.memref_slice %arg4[%dma_start3A_1540, %dma_start3A_1541, %multiple_of3A_1524] : memref<4x8x1000000xf32, #tpu.memory_space<hbm>> -> memref<4x8x128xf32, #tpu.memory_space<hbm>>
      tpu.enqueue_dma source(%dma_start3A_1542 : memref<4x8x128xf32, #tpu.memory_space<hbm>>) target(%dma_start3A_1539 : memref<4x8x128xf32, #tpu.memory_space<vmem>>) target_semaphore(%arg15 : memref<!tpu.dma_semaphore, #tpu.memory_space<semaphore_mem>>)
      %slice3A_1543 = vector.extract_strided_slice %get3A_705 {offsets = [10], sizes = [1], strides = [1]} : vector<16xi32> to vector<1xi32>
      %squeeze3A_1544 = vector.extract %slice3A_1543[0] : i32 from vector<1xi32>
      %shift_right_logical3A_1545 = arith.constant 7 : i32
      %shift_right_logical3A_1546 = arith.shrui %squeeze3A_1544, %shift_right_logical3A_1545 : i32
      %mul3A_1547 = arith.constant 128 : i32
      %mul3A_1548 = arith.muli %shift_right_logical3A_1546, %mul3A_1547 : i32
      %multiple_of3A_1549 = tpu.assume_multiple %mul3A_1548, 128 : i32
      %dma_start3A_1550 = arith.constant 2 : i32
      %dma_start3A_1551 = arith.constant 1 : i32
      %dma_start3A_1552 = arith.constant 0 : i32
      %dma_start3A_1553 = arith.constant 0 : i32
      %dma_start3A_1554 = arith.constant 0 : i32
      %dma_start3A_1555 = tpu.memref_slice %arg9[%dma_start3A_1550, %dma_start3A_1551, %dma_start3A_1552, %dma_start3A_1553, %dma_start3A_1554] : memref<8x2x4x8x128xf32, #tpu.memory_space<vmem>> -> memref<1x1x4x8x128xf32, #tpu.memory_space<vmem>>
      %dma_start3A_1556 = tpu.memref_squeeze %dma_start3A_1555 : memref<1x1x4x8x128xf32, #tpu.memory_space<vmem>> -> memref<4x8x128xf32, #tpu.memory_space<vmem>>
      %dma_start3A_1557 = arith.constant 0 : i32
      %dma_start3A_1558 = arith.constant 0 : i32
      %dma_start3A_1559 = tpu.memref_slice %arg5[%dma_start3A_1557, %dma_start3A_1558, %multiple_of3A_1549] : memref<4x8x1000000xf32, #tpu.memory_space<hbm>> -> memref<4x8x128xf32, #tpu.memory_space<hbm>>
      %dma_start3A_1560 = arith.constant 0 : i32
      %dma_start3A_1561 = arith.constant 0 : i32
      %dma_start3A_1562 = arith.constant 0 : i32
      %dma_start3A_1563 = tpu.memref_slice %arg9[%dma_start3A_1550, %dma_start3A_1551, %dma_start3A_1560, %dma_start3A_1561, %dma_start3A_1562] : memref<8x2x4x8x128xf32, #tpu.memory_space<vmem>> -> memref<1x1x4x8x128xf32, #tpu.memory_space<vmem>>
      %dma_start3A_1564 = tpu.memref_squeeze %dma_start3A_1563 : memref<1x1x4x8x128xf32, #tpu.memory_space<vmem>> -> memref<4x8x128xf32, #tpu.memory_space<vmem>>
      %dma_start3A_1565 = arith.constant 0 : i32
      %dma_start3A_1566 = arith.constant 0 : i32
      %dma_start3A_1567 = tpu.memref_slice %arg5[%dma_start3A_1565, %dma_start3A_1566, %multiple_of3A_1549] : memref<4x8x1000000xf32, #tpu.memory_space<hbm>> -> memref<4x8x128xf32, #tpu.memory_space<hbm>>
      tpu.enqueue_dma source(%dma_start3A_1567 : memref<4x8x128xf32, #tpu.memory_space<hbm>>) target(%dma_start3A_1564 : memref<4x8x128xf32, #tpu.memory_space<vmem>>) target_semaphore(%arg15 : memref<!tpu.dma_semaphore, #tpu.memory_space<semaphore_mem>>)
      %slice3A_1568 = vector.extract_strided_slice %get3A_701 {offsets = [3], sizes = [1], strides = [1]} : vector<16xi32> to vector<1xi32>
      %squeeze3A_1569 = vector.extract %slice3A_1568[0] : i32 from vector<1xi32>
      %slice3A_1570 = vector.extract_strided_slice %get3A_705 {offsets = [3], sizes = [1], strides = [1]} : vector<16xi32> to vector<1xi32>
      %squeeze3A_1571 = vector.extract %slice3A_1570[0] : i32 from vector<1xi32>
      %mul3A_1572 = arith.constant 16 : i32
      %mul3A_1573 = arith.muli %scan3A_696, %mul3A_1572 : i32
      %add3A_1574 = arith.constant 11 : i32
      %add3A_1575 = arith.addi %mul3A_1573, %add3A_1574 : i32
      %sub3A_1576 = arith.constant 8 : i32
      %sub3A_1577 = arith.subi %add3A_1575, %sub3A_1576 : i32
      %dma_wait3A_1578 = arith.constant 3 : i32
      %dma_wait3A_1579 = arith.constant 0 : i32
      %dma_wait3A_1580 = arith.constant 0 : i32
      %dma_wait3A_1581 = arith.constant 0 : i32
      %dma_wait3A_1582 = arith.constant 0 : i32
      %dma_wait3A_1583 = tpu.memref_slice %arg9[%dma_wait3A_1578, %dma_wait3A_1579, %dma_wait3A_1580, %dma_wait3A_1581, %dma_wait3A_1582] : memref<8x2x4x8x128xf32, #tpu.memory_space<vmem>> -> memref<1x1x4x8x128xf32, #tpu.memory_space<vmem>>
      %dma_wait3A_1584 = tpu.memref_squeeze %dma_wait3A_1583 : memref<1x1x4x8x128xf32, #tpu.memory_space<vmem>> -> memref<4x8x128xf32, #tpu.memory_space<vmem>>
      %dma_wait3A_1585 = arith.constant 0 : i32
      %dma_wait3A_1586 = arith.constant 0 : i32
      %dma_wait3A_1587 = arith.constant 0 : i32
      %dma_wait3A_1588 = tpu.memref_slice %arg4[%dma_wait3A_1585, %dma_wait3A_1586, %dma_wait3A_1587] : memref<4x8x1000000xf32, #tpu.memory_space<hbm>> -> memref<4x8x128xf32, #tpu.memory_space<hbm>>
      %dma_wait3A_1589 = arith.constant 0 : i32
      %dma_wait3A_1590 = arith.constant 0 : i32
      %dma_wait3A_1591 = arith.constant 0 : i32
      %dma_wait3A_1592 = tpu.memref_slice %arg9[%dma_wait3A_1578, %dma_wait3A_1579, %dma_wait3A_1589, %dma_wait3A_1590, %dma_wait3A_1591] : memref<8x2x4x8x128xf32, #tpu.memory_space<vmem>> -> memref<1x1x4x8x128xf32, #tpu.memory_space<vmem>>
      %dma_wait3A_1593 = tpu.memref_squeeze %dma_wait3A_1592 : memref<1x1x4x8x128xf32, #tpu.memory_space<vmem>> -> memref<4x8x128xf32, #tpu.memory_space<vmem>>
      %dma_wait3A_1594 = arith.constant 0 : i32
      %dma_wait3A_1595 = arith.constant 0 : i32
      %dma_wait3A_1596 = arith.constant 0 : i32
      %dma_wait3A_1597 = tpu.memref_slice %arg4[%dma_wait3A_1594, %dma_wait3A_1595, %dma_wait3A_1596] : memref<4x8x1000000xf32, #tpu.memory_space<hbm>> -> memref<4x8x128xf32, #tpu.memory_space<hbm>>
      tpu.wait_dma2 semaphore(%arg16 : memref<!tpu.dma_semaphore, #tpu.memory_space<semaphore_mem>>) src(%dma_wait3A_1597 : memref<4x8x128xf32, #tpu.memory_space<hbm>>) dst(%dma_wait3A_1593 : memref<4x8x128xf32, #tpu.memory_space<vmem>>)
      %dma_wait3A_1598 = arith.constant 3 : i32
      %dma_wait3A_1599 = arith.constant 1 : i32
      %dma_wait3A_1600 = arith.constant 0 : i32
      %dma_wait3A_1601 = arith.constant 0 : i32
      %dma_wait3A_1602 = arith.constant 0 : i32
      %dma_wait3A_1603 = tpu.memref_slice %arg9[%dma_wait3A_1598, %dma_wait3A_1599, %dma_wait3A_1600, %dma_wait3A_1601, %dma_wait3A_1602] : memref<8x2x4x8x128xf32, #tpu.memory_space<vmem>> -> memref<1x1x4x8x128xf32, #tpu.memory_space<vmem>>
      %dma_wait3A_1604 = tpu.memref_squeeze %dma_wait3A_1603 : memref<1x1x4x8x128xf32, #tpu.memory_space<vmem>> -> memref<4x8x128xf32, #tpu.memory_space<vmem>>
      %dma_wait3A_1605 = arith.constant 0 : i32
      %dma_wait3A_1606 = arith.constant 0 : i32
      %dma_wait3A_1607 = arith.constant 0 : i32
      %dma_wait3A_1608 = tpu.memref_slice %arg4[%dma_wait3A_1605, %dma_wait3A_1606, %dma_wait3A_1607] : memref<4x8x1000000xf32, #tpu.memory_space<hbm>> -> memref<4x8x128xf32, #tpu.memory_space<hbm>>
      %dma_wait3A_1609 = arith.constant 0 : i32
      %dma_wait3A_1610 = arith.constant 0 : i32
      %dma_wait3A_1611 = arith.constant 0 : i32
      %dma_wait3A_1612 = tpu.memref_slice %arg9[%dma_wait3A_1598, %dma_wait3A_1599, %dma_wait3A_1609, %dma_wait3A_1610, %dma_wait3A_1611] : memref<8x2x4x8x128xf32, #tpu.memory_space<vmem>> -> memref<1x1x4x8x128xf32, #tpu.memory_space<vmem>>
      %dma_wait3A_1613 = tpu.memref_squeeze %dma_wait3A_1612 : memref<1x1x4x8x128xf32, #tpu.memory_space<vmem>> -> memref<4x8x128xf32, #tpu.memory_space<vmem>>
      %dma_wait3A_1614 = arith.constant 0 : i32
      %dma_wait3A_1615 = arith.constant 0 : i32
      %dma_wait3A_1616 = arith.constant 0 : i32
      %dma_wait3A_1617 = tpu.memref_slice %arg4[%dma_wait3A_1614, %dma_wait3A_1615, %dma_wait3A_1616] : memref<4x8x1000000xf32, #tpu.memory_space<hbm>> -> memref<4x8x128xf32, #tpu.memory_space<hbm>>
      tpu.wait_dma2 semaphore(%arg16 : memref<!tpu.dma_semaphore, #tpu.memory_space<semaphore_mem>>) src(%dma_wait3A_1617 : memref<4x8x128xf32, #tpu.memory_space<hbm>>) dst(%dma_wait3A_1613 : memref<4x8x128xf32, #tpu.memory_space<vmem>>)
      %and3A_1618 = arith.constant 127 : i32
      %and3A_1619 = arith.andi %squeeze3A_1569, %and3A_1618 : i32
      %broadcast_in_dim3A_1620 = vector.broadcast %and3A_1619 : i32 to vector<16xi32>
      %and3A_1621 = arith.constant 127 : i32
      %and3A_1622 = arith.andi %squeeze3A_1571, %and3A_1621 : i32
      %broadcast_in_dim3A_1623 = vector.broadcast %and3A_1622 : i32 to vector<16xi32>
      %broadcast_in_dim3A_1624 = vector.broadcast %sub3A_1577 : i32 to vector<16xi32>
      %gather3A_1625 = arith.constant 3 : i32
      %gather3A_1626 = arith.constant 0 : i32
      %gather3A_1627 = arith.constant 0 : i32
      %gather3A_1628 = arith.constant 0 : i32
      %gather3A_1629 = arith.constant 0 : i32
      %gather3A_1630 = tpu.memref_slice %arg9[%gather3A_1625, %gather3A_1626, %gather3A_1627, %gather3A_1628, %gather3A_1629] : memref<8x2x4x8x128xf32, #tpu.memory_space<vmem>> -> memref<1x1x4x8x128xf32, #tpu.memory_space<vmem>>
      %gather3A_1631 = tpu.memref_squeeze %gather3A_1630 : memref<1x1x4x8x128xf32, #tpu.memory_space<vmem>> -> memref<4x8x128xf32, #tpu.memory_space<vmem>>
      %gather3A_1632 = tpu.vector_load_idx %gather3A_1631[%shift_right_logical3A_4, %and3A_6, %broadcast_in_dim3A_1620] : memref<4x8x128xf32, #tpu.memory_space<vmem>>[vector<16xi32>, vector<16xi32>, vector<16xi32>], vector<16xf32>,
      %gather3A_1633 = arith.constant 3 : i32
      %gather3A_1634 = arith.constant 0 : i32
      %gather3A_1635 = arith.constant 0 : i32
      %gather3A_1636 = arith.constant 0 : i32
      %gather3A_1637 = arith.constant 0 : i32
      %gather3A_1638 = tpu.memref_slice %arg9[%gather3A_1633, %gather3A_1634, %gather3A_1635, %gather3A_1636, %gather3A_1637] : memref<8x2x4x8x128xf32, #tpu.memory_space<vmem>> -> memref<1x1x4x8x128xf32, #tpu.memory_space<vmem>>
      %gather3A_1639 = tpu.memref_squeeze %gather3A_1638 : memref<1x1x4x8x128xf32, #tpu.memory_space<vmem>> -> memref<4x8x128xf32, #tpu.memory_space<vmem>>
      %gather3A_1640 = tpu.vector_load_idx %gather3A_1639[%add3A_9, %and3A_6, %broadcast_in_dim3A_1620] : memref<4x8x128xf32, #tpu.memory_space<vmem>>[vector<16xi32>, vector<16xi32>, vector<16xi32>], vector<16xf32>,
      %gather3A_1641 = arith.constant 3 : i32
      %gather3A_1642 = arith.constant 1 : i32
      %gather3A_1643 = arith.constant 0 : i32
      %gather3A_1644 = arith.constant 0 : i32
      %gather3A_1645 = arith.constant 0 : i32
      %gather3A_1646 = tpu.memref_slice %arg9[%gather3A_1641, %gather3A_1642, %gather3A_1643, %gather3A_1644, %gather3A_1645] : memref<8x2x4x8x128xf32, #tpu.memory_space<vmem>> -> memref<1x1x4x8x128xf32, #tpu.memory_space<vmem>>
      %gather3A_1647 = tpu.memref_squeeze %gather3A_1646 : memref<1x1x4x8x128xf32, #tpu.memory_space<vmem>> -> memref<4x8x128xf32, #tpu.memory_space<vmem>>
      %gather3A_1648 = tpu.vector_load_idx %gather3A_1647[%shift_right_logical3A_4, %and3A_6, %broadcast_in_dim3A_1623] : memref<4x8x128xf32, #tpu.memory_space<vmem>>[vector<16xi32>, vector<16xi32>, vector<16xi32>], vector<16xf32>,
      %gather3A_1649 = arith.constant 3 : i32
      %gather3A_1650 = arith.constant 1 : i32
      %gather3A_1651 = arith.constant 0 : i32
      %gather3A_1652 = arith.constant 0 : i32
      %gather3A_1653 = arith.constant 0 : i32
      %gather3A_1654 = tpu.memref_slice %arg9[%gather3A_1649, %gather3A_1650, %gather3A_1651, %gather3A_1652, %gather3A_1653] : memref<8x2x4x8x128xf32, #tpu.memory_space<vmem>> -> memref<1x1x4x8x128xf32, #tpu.memory_space<vmem>>
      %gather3A_1655 = tpu.memref_squeeze %gather3A_1654 : memref<1x1x4x8x128xf32, #tpu.memory_space<vmem>> -> memref<4x8x128xf32, #tpu.memory_space<vmem>>
      %gather3A_1656 = tpu.vector_load_idx %gather3A_1655[%add3A_9, %and3A_6, %broadcast_in_dim3A_1623] : memref<4x8x128xf32, #tpu.memory_space<vmem>>[vector<16xi32>, vector<16xi32>, vector<16xi32>], vector<16xf32>,
      tpu.vector_store_idx %arg10[%iota3A, %broadcast_in_dim3A_1624], %gather3A_1632 : memref<32x512xf32, #tpu.memory_space<vmem>>[vector<16xi32>, vector<16xi32>], vector<16xf32>,
      tpu.vector_store_idx %arg10[%add3A_12, %broadcast_in_dim3A_1624], %gather3A_1640 : memref<32x512xf32, #tpu.memory_space<vmem>>[vector<16xi32>, vector<16xi32>], vector<16xf32>,
      tpu.vector_store_idx %arg11[%iota3A, %broadcast_in_dim3A_1624], %gather3A_1648 : memref<32x512xf32, #tpu.memory_space<vmem>>[vector<16xi32>, vector<16xi32>], vector<16xf32>,
      tpu.vector_store_idx %arg11[%add3A_12, %broadcast_in_dim3A_1624], %gather3A_1656 : memref<32x512xf32, #tpu.memory_space<vmem>>[vector<16xi32>, vector<16xi32>], vector<16xf32>,
      %slice3A_1657 = vector.extract_strided_slice %get3A_701 {offsets = [11], sizes = [1], strides = [1]} : vector<16xi32> to vector<1xi32>
      %squeeze3A_1658 = vector.extract %slice3A_1657[0] : i32 from vector<1xi32>
      %shift_right_logical3A_1659 = arith.constant 7 : i32
      %shift_right_logical3A_1660 = arith.shrui %squeeze3A_1658, %shift_right_logical3A_1659 : i32
      %mul3A_1661 = arith.constant 128 : i32
      %mul3A_1662 = arith.muli %shift_right_logical3A_1660, %mul3A_1661 : i32
      %multiple_of3A_1663 = tpu.assume_multiple %mul3A_1662, 128 : i32
      %dma_start3A_1664 = arith.constant 3 : i32
      %dma_start3A_1665 = arith.constant 0 : i32
      %dma_start3A_1666 = arith.constant 0 : i32
      %dma_start3A_1667 = arith.constant 0 : i32
      %dma_start3A_1668 = arith.constant 0 : i32
      %dma_start3A_1669 = tpu.memref_slice %arg9[%dma_start3A_1664, %dma_start3A_1665, %dma_start3A_1666, %dma_start3A_1667, %dma_start3A_1668] : memref<8x2x4x8x128xf32, #tpu.memory_space<vmem>> -> memref<1x1x4x8x128xf32, #tpu.memory_space<vmem>>
      %dma_start3A_1670 = tpu.memref_squeeze %dma_start3A_1669 : memref<1x1x4x8x128xf32, #tpu.memory_space<vmem>> -> memref<4x8x128xf32, #tpu.memory_space<vmem>>
      %dma_start3A_1671 = arith.constant 0 : i32
      %dma_start3A_1672 = arith.constant 0 : i32
      %dma_start3A_1673 = tpu.memref_slice %arg4[%dma_start3A_1671, %dma_start3A_1672, %multiple_of3A_1663] : memref<4x8x1000000xf32, #tpu.memory_space<hbm>> -> memref<4x8x128xf32, #tpu.memory_space<hbm>>
      %dma_start3A_1674 = arith.constant 0 : i32
      %dma_start3A_1675 = arith.constant 0 : i32
      %dma_start3A_1676 = arith.constant 0 : i32
      %dma_start3A_1677 = tpu.memref_slice %arg9[%dma_start3A_1664, %dma_start3A_1665, %dma_start3A_1674, %dma_start3A_1675, %dma_start3A_1676] : memref<8x2x4x8x128xf32, #tpu.memory_space<vmem>> -> memref<1x1x4x8x128xf32, #tpu.memory_space<vmem>>
      %dma_start3A_1678 = tpu.memref_squeeze %dma_start3A_1677 : memref<1x1x4x8x128xf32, #tpu.memory_space<vmem>> -> memref<4x8x128xf32, #tpu.memory_space<vmem>>
      %dma_start3A_1679 = arith.constant 0 : i32
      %dma_start3A_1680 = arith.constant 0 : i32
      %dma_start3A_1681 = tpu.memref_slice %arg4[%dma_start3A_1679, %dma_start3A_1680, %multiple_of3A_1663] : memref<4x8x1000000xf32, #tpu.memory_space<hbm>> -> memref<4x8x128xf32, #tpu.memory_space<hbm>>
      tpu.enqueue_dma source(%dma_start3A_1681 : memref<4x8x128xf32, #tpu.memory_space<hbm>>) target(%dma_start3A_1678 : memref<4x8x128xf32, #tpu.memory_space<vmem>>) target_semaphore(%arg16 : memref<!tpu.dma_semaphore, #tpu.memory_space<semaphore_mem>>)
      %slice3A_1682 = vector.extract_strided_slice %get3A_705 {offsets = [11], sizes = [1], strides = [1]} : vector<16xi32> to vector<1xi32>
      %squeeze3A_1683 = vector.extract %slice3A_1682[0] : i32 from vector<1xi32>
      %shift_right_logical3A_1684 = arith.constant 7 : i32
      %shift_right_logical3A_1685 = arith.shrui %squeeze3A_1683, %shift_right_logical3A_1684 : i32
      %mul3A_1686 = arith.constant 128 : i32
      %mul3A_1687 = arith.muli %shift_right_logical3A_1685, %mul3A_1686 : i32
      %multiple_of3A_1688 = tpu.assume_multiple %mul3A_1687, 128 : i32
      %dma_start3A_1689 = arith.constant 3 : i32
      %dma_start3A_1690 = arith.constant 1 : i32
      %dma_start3A_1691 = arith.constant 0 : i32
      %dma_start3A_1692 = arith.constant 0 : i32
      %dma_start3A_1693 = arith.constant 0 : i32
      %dma_start3A_1694 = tpu.memref_slice %arg9[%dma_start3A_1689, %dma_start3A_1690, %dma_start3A_1691, %dma_start3A_1692, %dma_start3A_1693] : memref<8x2x4x8x128xf32, #tpu.memory_space<vmem>> -> memref<1x1x4x8x128xf32, #tpu.memory_space<vmem>>
      %dma_start3A_1695 = tpu.memref_squeeze %dma_start3A_1694 : memref<1x1x4x8x128xf32, #tpu.memory_space<vmem>> -> memref<4x8x128xf32, #tpu.memory_space<vmem>>
      %dma_start3A_1696 = arith.constant 0 : i32
      %dma_start3A_1697 = arith.constant 0 : i32
      %dma_start3A_1698 = tpu.memref_slice %arg5[%dma_start3A_1696, %dma_start3A_1697, %multiple_of3A_1688] : memref<4x8x1000000xf32, #tpu.memory_space<hbm>> -> memref<4x8x128xf32, #tpu.memory_space<hbm>>
      %dma_start3A_1699 = arith.constant 0 : i32
      %dma_start3A_1700 = arith.constant 0 : i32
      %dma_start3A_1701 = arith.constant 0 : i32
      %dma_start3A_1702 = tpu.memref_slice %arg9[%dma_start3A_1689, %dma_start3A_1690, %dma_start3A_1699, %dma_start3A_1700, %dma_start3A_1701] : memref<8x2x4x8x128xf32, #tpu.memory_space<vmem>> -> memref<1x1x4x8x128xf32, #tpu.memory_space<vmem>>
      %dma_start3A_1703 = tpu.memref_squeeze %dma_start3A_1702 : memref<1x1x4x8x128xf32, #tpu.memory_space<vmem>> -> memref<4x8x128xf32, #tpu.memory_space<vmem>>
      %dma_start3A_1704 = arith.constant 0 : i32
      %dma_start3A_1705 = arith.constant 0 : i32
      %dma_start3A_1706 = tpu.memref_slice %arg5[%dma_start3A_1704, %dma_start3A_1705, %multiple_of3A_1688] : memref<4x8x1000000xf32, #tpu.memory_space<hbm>> -> memref<4x8x128xf32, #tpu.memory_space<hbm>>
      tpu.enqueue_dma source(%dma_start3A_1706 : memref<4x8x128xf32, #tpu.memory_space<hbm>>) target(%dma_start3A_1703 : memref<4x8x128xf32, #tpu.memory_space<vmem>>) target_semaphore(%arg16 : memref<!tpu.dma_semaphore, #tpu.memory_space<semaphore_mem>>)
      %slice3A_1707 = vector.extract_strided_slice %get3A_701 {offsets = [4], sizes = [1], strides = [1]} : vector<16xi32> to vector<1xi32>
      %squeeze3A_1708 = vector.extract %slice3A_1707[0] : i32 from vector<1xi32>
      %slice3A_1709 = vector.extract_strided_slice %get3A_705 {offsets = [4], sizes = [1], strides = [1]} : vector<16xi32> to vector<1xi32>
      %squeeze3A_1710 = vector.extract %slice3A_1709[0] : i32 from vector<1xi32>
      %mul3A_1711 = arith.constant 16 : i32
      %mul3A_1712 = arith.muli %scan3A_696, %mul3A_1711 : i32
      %add3A_1713 = arith.constant 12 : i32
      %add3A_1714 = arith.addi %mul3A_1712, %add3A_1713 : i32
      %sub3A_1715 = arith.constant 8 : i32
      %sub3A_1716 = arith.subi %add3A_1714, %sub3A_1715 : i32
      %dma_wait3A_1717 = arith.constant 4 : i32
      %dma_wait3A_1718 = arith.constant 0 : i32
      %dma_wait3A_1719 = arith.constant 0 : i32
      %dma_wait3A_1720 = arith.constant 0 : i32
      %dma_wait3A_1721 = arith.constant 0 : i32
      %dma_wait3A_1722 = tpu.memref_slice %arg9[%dma_wait3A_1717, %dma_wait3A_1718, %dma_wait3A_1719, %dma_wait3A_1720, %dma_wait3A_1721] : memref<8x2x4x8x128xf32, #tpu.memory_space<vmem>> -> memref<1x1x4x8x128xf32, #tpu.memory_space<vmem>>
      %dma_wait3A_1723 = tpu.memref_squeeze %dma_wait3A_1722 : memref<1x1x4x8x128xf32, #tpu.memory_space<vmem>> -> memref<4x8x128xf32, #tpu.memory_space<vmem>>
      %dma_wait3A_1724 = arith.constant 0 : i32
      %dma_wait3A_1725 = arith.constant 0 : i32
      %dma_wait3A_1726 = arith.constant 0 : i32
      %dma_wait3A_1727 = tpu.memref_slice %arg4[%dma_wait3A_1724, %dma_wait3A_1725, %dma_wait3A_1726] : memref<4x8x1000000xf32, #tpu.memory_space<hbm>> -> memref<4x8x128xf32, #tpu.memory_space<hbm>>
      %dma_wait3A_1728 = arith.constant 0 : i32
      %dma_wait3A_1729 = arith.constant 0 : i32
      %dma_wait3A_1730 = arith.constant 0 : i32
      %dma_wait3A_1731 = tpu.memref_slice %arg9[%dma_wait3A_1717, %dma_wait3A_1718, %dma_wait3A_1728, %dma_wait3A_1729, %dma_wait3A_1730] : memref<8x2x4x8x128xf32, #tpu.memory_space<vmem>> -> memref<1x1x4x8x128xf32, #tpu.memory_space<vmem>>
      %dma_wait3A_1732 = tpu.memref_squeeze %dma_wait3A_1731 : memref<1x1x4x8x128xf32, #tpu.memory_space<vmem>> -> memref<4x8x128xf32, #tpu.memory_space<vmem>>
      %dma_wait3A_1733 = arith.constant 0 : i32
      %dma_wait3A_1734 = arith.constant 0 : i32
      %dma_wait3A_1735 = arith.constant 0 : i32
      %dma_wait3A_1736 = tpu.memref_slice %arg4[%dma_wait3A_1733, %dma_wait3A_1734, %dma_wait3A_1735] : memref<4x8x1000000xf32, #tpu.memory_space<hbm>> -> memref<4x8x128xf32, #tpu.memory_space<hbm>>
      tpu.wait_dma2 semaphore(%arg17 : memref<!tpu.dma_semaphore, #tpu.memory_space<semaphore_mem>>) src(%dma_wait3A_1736 : memref<4x8x128xf32, #tpu.memory_space<hbm>>) dst(%dma_wait3A_1732 : memref<4x8x128xf32, #tpu.memory_space<vmem>>)
      %dma_wait3A_1737 = arith.constant 4 : i32
      %dma_wait3A_1738 = arith.constant 1 : i32
      %dma_wait3A_1739 = arith.constant 0 : i32
      %dma_wait3A_1740 = arith.constant 0 : i32
      %dma_wait3A_1741 = arith.constant 0 : i32
      %dma_wait3A_1742 = tpu.memref_slice %arg9[%dma_wait3A_1737, %dma_wait3A_1738, %dma_wait3A_1739, %dma_wait3A_1740, %dma_wait3A_1741] : memref<8x2x4x8x128xf32, #tpu.memory_space<vmem>> -> memref<1x1x4x8x128xf32, #tpu.memory_space<vmem>>
      %dma_wait3A_1743 = tpu.memref_squeeze %dma_wait3A_1742 : memref<1x1x4x8x128xf32, #tpu.memory_space<vmem>> -> memref<4x8x128xf32, #tpu.memory_space<vmem>>
      %dma_wait3A_1744 = arith.constant 0 : i32
      %dma_wait3A_1745 = arith.constant 0 : i32
      %dma_wait3A_1746 = arith.constant 0 : i32
      %dma_wait3A_1747 = tpu.memref_slice %arg4[%dma_wait3A_1744, %dma_wait3A_1745, %dma_wait3A_1746] : memref<4x8x1000000xf32, #tpu.memory_space<hbm>> -> memref<4x8x128xf32, #tpu.memory_space<hbm>>
      %dma_wait3A_1748 = arith.constant 0 : i32
      %dma_wait3A_1749 = arith.constant 0 : i32
      %dma_wait3A_1750 = arith.constant 0 : i32
      %dma_wait3A_1751 = tpu.memref_slice %arg9[%dma_wait3A_1737, %dma_wait3A_1738, %dma_wait3A_1748, %dma_wait3A_1749, %dma_wait3A_1750] : memref<8x2x4x8x128xf32, #tpu.memory_space<vmem>> -> memref<1x1x4x8x128xf32, #tpu.memory_space<vmem>>
      %dma_wait3A_1752 = tpu.memref_squeeze %dma_wait3A_1751 : memref<1x1x4x8x128xf32, #tpu.memory_space<vmem>> -> memref<4x8x128xf32, #tpu.memory_space<vmem>>
      %dma_wait3A_1753 = arith.constant 0 : i32
      %dma_wait3A_1754 = arith.constant 0 : i32
      %dma_wait3A_1755 = arith.constant 0 : i32
      %dma_wait3A_1756 = tpu.memref_slice %arg4[%dma_wait3A_1753, %dma_wait3A_1754, %dma_wait3A_1755] : memref<4x8x1000000xf32, #tpu.memory_space<hbm>> -> memref<4x8x128xf32, #tpu.memory_space<hbm>>
      tpu.wait_dma2 semaphore(%arg17 : memref<!tpu.dma_semaphore, #tpu.memory_space<semaphore_mem>>) src(%dma_wait3A_1756 : memref<4x8x128xf32, #tpu.memory_space<hbm>>) dst(%dma_wait3A_1752 : memref<4x8x128xf32, #tpu.memory_space<vmem>>)
      %and3A_1757 = arith.constant 127 : i32
      %and3A_1758 = arith.andi %squeeze3A_1708, %and3A_1757 : i32
      %broadcast_in_dim3A_1759 = vector.broadcast %and3A_1758 : i32 to vector<16xi32>
      %and3A_1760 = arith.constant 127 : i32
      %and3A_1761 = arith.andi %squeeze3A_1710, %and3A_1760 : i32
      %broadcast_in_dim3A_1762 = vector.broadcast %and3A_1761 : i32 to vector<16xi32>
      %broadcast_in_dim3A_1763 = vector.broadcast %sub3A_1716 : i32 to vector<16xi32>
      %gather3A_1764 = arith.constant 4 : i32
      %gather3A_1765 = arith.constant 0 : i32
      %gather3A_1766 = arith.constant 0 : i32
      %gather3A_1767 = arith.constant 0 : i32
      %gather3A_1768 = arith.constant 0 : i32
      %gather3A_1769 = tpu.memref_slice %arg9[%gather3A_1764, %gather3A_1765, %gather3A_1766, %gather3A_1767, %gather3A_1768] : memref<8x2x4x8x128xf32, #tpu.memory_space<vmem>> -> memref<1x1x4x8x128xf32, #tpu.memory_space<vmem>>
      %gather3A_1770 = tpu.memref_squeeze %gather3A_1769 : memref<1x1x4x8x128xf32, #tpu.memory_space<vmem>> -> memref<4x8x128xf32, #tpu.memory_space<vmem>>
      %gather3A_1771 = tpu.vector_load_idx %gather3A_1770[%shift_right_logical3A_4, %and3A_6, %broadcast_in_dim3A_1759] : memref<4x8x128xf32, #tpu.memory_space<vmem>>[vector<16xi32>, vector<16xi32>, vector<16xi32>], vector<16xf32>,
      %gather3A_1772 = arith.constant 4 : i32
      %gather3A_1773 = arith.constant 0 : i32
      %gather3A_1774 = arith.constant 0 : i32
      %gather3A_1775 = arith.constant 0 : i32
      %gather3A_1776 = arith.constant 0 : i32
      %gather3A_1777 = tpu.memref_slice %arg9[%gather3A_1772, %gather3A_1773, %gather3A_1774, %gather3A_1775, %gather3A_1776] : memref<8x2x4x8x128xf32, #tpu.memory_space<vmem>> -> memref<1x1x4x8x128xf32, #tpu.memory_space<vmem>>
      %gather3A_1778 = tpu.memref_squeeze %gather3A_1777 : memref<1x1x4x8x128xf32, #tpu.memory_space<vmem>> -> memref<4x8x128xf32, #tpu.memory_space<vmem>>
      %gather3A_1779 = tpu.vector_load_idx %gather3A_1778[%add3A_9, %and3A_6, %broadcast_in_dim3A_1759] : memref<4x8x128xf32, #tpu.memory_space<vmem>>[vector<16xi32>, vector<16xi32>, vector<16xi32>], vector<16xf32>,
      %gather3A_1780 = arith.constant 4 : i32
      %gather3A_1781 = arith.constant 1 : i32
      %gather3A_1782 = arith.constant 0 : i32
      %gather3A_1783 = arith.constant 0 : i32
      %gather3A_1784 = arith.constant 0 : i32
      %gather3A_1785 = tpu.memref_slice %arg9[%gather3A_1780, %gather3A_1781, %gather3A_1782, %gather3A_1783, %gather3A_1784] : memref<8x2x4x8x128xf32, #tpu.memory_space<vmem>> -> memref<1x1x4x8x128xf32, #tpu.memory_space<vmem>>
      %gather3A_1786 = tpu.memref_squeeze %gather3A_1785 : memref<1x1x4x8x128xf32, #tpu.memory_space<vmem>> -> memref<4x8x128xf32, #tpu.memory_space<vmem>>
      %gather3A_1787 = tpu.vector_load_idx %gather3A_1786[%shift_right_logical3A_4, %and3A_6, %broadcast_in_dim3A_1762] : memref<4x8x128xf32, #tpu.memory_space<vmem>>[vector<16xi32>, vector<16xi32>, vector<16xi32>], vector<16xf32>,
      %gather3A_1788 = arith.constant 4 : i32
      %gather3A_1789 = arith.constant 1 : i32
      %gather3A_1790 = arith.constant 0 : i32
      %gather3A_1791 = arith.constant 0 : i32
      %gather3A_1792 = arith.constant 0 : i32
      %gather3A_1793 = tpu.memref_slice %arg9[%gather3A_1788, %gather3A_1789, %gather3A_1790, %gather3A_1791, %gather3A_1792] : memref<8x2x4x8x128xf32, #tpu.memory_space<vmem>> -> memref<1x1x4x8x128xf32, #tpu.memory_space<vmem>>
      %gather3A_1794 = tpu.memref_squeeze %gather3A_1793 : memref<1x1x4x8x128xf32, #tpu.memory_space<vmem>> -> memref<4x8x128xf32, #tpu.memory_space<vmem>>
      %gather3A_1795 = tpu.vector_load_idx %gather3A_1794[%add3A_9, %and3A_6, %broadcast_in_dim3A_1762] : memref<4x8x128xf32, #tpu.memory_space<vmem>>[vector<16xi32>, vector<16xi32>, vector<16xi32>], vector<16xf32>,
      tpu.vector_store_idx %arg10[%iota3A, %broadcast_in_dim3A_1763], %gather3A_1771 : memref<32x512xf32, #tpu.memory_space<vmem>>[vector<16xi32>, vector<16xi32>], vector<16xf32>,
      tpu.vector_store_idx %arg10[%add3A_12, %broadcast_in_dim3A_1763], %gather3A_1779 : memref<32x512xf32, #tpu.memory_space<vmem>>[vector<16xi32>, vector<16xi32>], vector<16xf32>,
      tpu.vector_store_idx %arg11[%iota3A, %broadcast_in_dim3A_1763], %gather3A_1787 : memref<32x512xf32, #tpu.memory_space<vmem>>[vector<16xi32>, vector<16xi32>], vector<16xf32>,
      tpu.vector_store_idx %arg11[%add3A_12, %broadcast_in_dim3A_1763], %gather3A_1795 : memref<32x512xf32, #tpu.memory_space<vmem>>[vector<16xi32>, vector<16xi32>], vector<16xf32>,
      %slice3A_1796 = vector.extract_strided_slice %get3A_701 {offsets = [12], sizes = [1], strides = [1]} : vector<16xi32> to vector<1xi32>
      %squeeze3A_1797 = vector.extract %slice3A_1796[0] : i32 from vector<1xi32>
      %shift_right_logical3A_1798 = arith.constant 7 : i32
      %shift_right_logical3A_1799 = arith.shrui %squeeze3A_1797, %shift_right_logical3A_1798 : i32
      %mul3A_1800 = arith.constant 128 : i32
      %mul3A_1801 = arith.muli %shift_right_logical3A_1799, %mul3A_1800 : i32
      %multiple_of3A_1802 = tpu.assume_multiple %mul3A_1801, 128 : i32
      %dma_start3A_1803 = arith.constant 4 : i32
      %dma_start3A_1804 = arith.constant 0 : i32
      %dma_start3A_1805 = arith.constant 0 : i32
      %dma_start3A_1806 = arith.constant 0 : i32
      %dma_start3A_1807 = arith.constant 0 : i32
      %dma_start3A_1808 = tpu.memref_slice %arg9[%dma_start3A_1803, %dma_start3A_1804, %dma_start3A_1805, %dma_start3A_1806, %dma_start3A_1807] : memref<8x2x4x8x128xf32, #tpu.memory_space<vmem>> -> memref<1x1x4x8x128xf32, #tpu.memory_space<vmem>>
      %dma_start3A_1809 = tpu.memref_squeeze %dma_start3A_1808 : memref<1x1x4x8x128xf32, #tpu.memory_space<vmem>> -> memref<4x8x128xf32, #tpu.memory_space<vmem>>
      %dma_start3A_1810 = arith.constant 0 : i32
      %dma_start3A_1811 = arith.constant 0 : i32
      %dma_start3A_1812 = tpu.memref_slice %arg4[%dma_start3A_1810, %dma_start3A_1811, %multiple_of3A_1802] : memref<4x8x1000000xf32, #tpu.memory_space<hbm>> -> memref<4x8x128xf32, #tpu.memory_space<hbm>>
      %dma_start3A_1813 = arith.constant 0 : i32
      %dma_start3A_1814 = arith.constant 0 : i32
      %dma_start3A_1815 = arith.constant 0 : i32
      %dma_start3A_1816 = tpu.memref_slice %arg9[%dma_start3A_1803, %dma_start3A_1804, %dma_start3A_1813, %dma_start3A_1814, %dma_start3A_1815] : memref<8x2x4x8x128xf32, #tpu.memory_space<vmem>> -> memref<1x1x4x8x128xf32, #tpu.memory_space<vmem>>
      %dma_start3A_1817 = tpu.memref_squeeze %dma_start3A_1816 : memref<1x1x4x8x128xf32, #tpu.memory_space<vmem>> -> memref<4x8x128xf32, #tpu.memory_space<vmem>>
      %dma_start3A_1818 = arith.constant 0 : i32
      %dma_start3A_1819 = arith.constant 0 : i32
      %dma_start3A_1820 = tpu.memref_slice %arg4[%dma_start3A_1818, %dma_start3A_1819, %multiple_of3A_1802] : memref<4x8x1000000xf32, #tpu.memory_space<hbm>> -> memref<4x8x128xf32, #tpu.memory_space<hbm>>
      tpu.enqueue_dma source(%dma_start3A_1820 : memref<4x8x128xf32, #tpu.memory_space<hbm>>) target(%dma_start3A_1817 : memref<4x8x128xf32, #tpu.memory_space<vmem>>) target_semaphore(%arg17 : memref<!tpu.dma_semaphore, #tpu.memory_space<semaphore_mem>>)
      %slice3A_1821 = vector.extract_strided_slice %get3A_705 {offsets = [12], sizes = [1], strides = [1]} : vector<16xi32> to vector<1xi32>
      %squeeze3A_1822 = vector.extract %slice3A_1821[0] : i32 from vector<1xi32>
      %shift_right_logical3A_1823 = arith.constant 7 : i32
      %shift_right_logical3A_1824 = arith.shrui %squeeze3A_1822, %shift_right_logical3A_1823 : i32
      %mul3A_1825 = arith.constant 128 : i32
      %mul3A_1826 = arith.muli %shift_right_logical3A_1824, %mul3A_1825 : i32
      %multiple_of3A_1827 = tpu.assume_multiple %mul3A_1826, 128 : i32
      %dma_start3A_1828 = arith.constant 4 : i32
      %dma_start3A_1829 = arith.constant 1 : i32
      %dma_start3A_1830 = arith.constant 0 : i32
      %dma_start3A_1831 = arith.constant 0 : i32
      %dma_start3A_1832 = arith.constant 0 : i32
      %dma_start3A_1833 = tpu.memref_slice %arg9[%dma_start3A_1828, %dma_start3A_1829, %dma_start3A_1830, %dma_start3A_1831, %dma_start3A_1832] : memref<8x2x4x8x128xf32, #tpu.memory_space<vmem>> -> memref<1x1x4x8x128xf32, #tpu.memory_space<vmem>>
      %dma_start3A_1834 = tpu.memref_squeeze %dma_start3A_1833 : memref<1x1x4x8x128xf32, #tpu.memory_space<vmem>> -> memref<4x8x128xf32, #tpu.memory_space<vmem>>
      %dma_start3A_1835 = arith.constant 0 : i32
      %dma_start3A_1836 = arith.constant 0 : i32
      %dma_start3A_1837 = tpu.memref_slice %arg5[%dma_start3A_1835, %dma_start3A_1836, %multiple_of3A_1827] : memref<4x8x1000000xf32, #tpu.memory_space<hbm>> -> memref<4x8x128xf32, #tpu.memory_space<hbm>>
      %dma_start3A_1838 = arith.constant 0 : i32
      %dma_start3A_1839 = arith.constant 0 : i32
      %dma_start3A_1840 = arith.constant 0 : i32
      %dma_start3A_1841 = tpu.memref_slice %arg9[%dma_start3A_1828, %dma_start3A_1829, %dma_start3A_1838, %dma_start3A_1839, %dma_start3A_1840] : memref<8x2x4x8x128xf32, #tpu.memory_space<vmem>> -> memref<1x1x4x8x128xf32, #tpu.memory_space<vmem>>
      %dma_start3A_1842 = tpu.memref_squeeze %dma_start3A_1841 : memref<1x1x4x8x128xf32, #tpu.memory_space<vmem>> -> memref<4x8x128xf32, #tpu.memory_space<vmem>>
      %dma_start3A_1843 = arith.constant 0 : i32
      %dma_start3A_1844 = arith.constant 0 : i32
      %dma_start3A_1845 = tpu.memref_slice %arg5[%dma_start3A_1843, %dma_start3A_1844, %multiple_of3A_1827] : memref<4x8x1000000xf32, #tpu.memory_space<hbm>> -> memref<4x8x128xf32, #tpu.memory_space<hbm>>
      tpu.enqueue_dma source(%dma_start3A_1845 : memref<4x8x128xf32, #tpu.memory_space<hbm>>) target(%dma_start3A_1842 : memref<4x8x128xf32, #tpu.memory_space<vmem>>) target_semaphore(%arg17 : memref<!tpu.dma_semaphore, #tpu.memory_space<semaphore_mem>>)
      %slice3A_1846 = vector.extract_strided_slice %get3A_701 {offsets = [5], sizes = [1], strides = [1]} : vector<16xi32> to vector<1xi32>
      %squeeze3A_1847 = vector.extract %slice3A_1846[0] : i32 from vector<1xi32>
      %slice3A_1848 = vector.extract_strided_slice %get3A_705 {offsets = [5], sizes = [1], strides = [1]} : vector<16xi32> to vector<1xi32>
      %squeeze3A_1849 = vector.extract %slice3A_1848[0] : i32 from vector<1xi32>
      %mul3A_1850 = arith.constant 16 : i32
      %mul3A_1851 = arith.muli %scan3A_696, %mul3A_1850 : i32
      %add3A_1852 = arith.constant 13 : i32
      %add3A_1853 = arith.addi %mul3A_1851, %add3A_1852 : i32
      %sub3A_1854 = arith.constant 8 : i32
      %sub3A_1855 = arith.subi %add3A_1853, %sub3A_1854 : i32
      %dma_wait3A_1856 = arith.constant 5 : i32
      %dma_wait3A_1857 = arith.constant 0 : i32
      %dma_wait3A_1858 = arith.constant 0 : i32
      %dma_wait3A_1859 = arith.constant 0 : i32
      %dma_wait3A_1860 = arith.constant 0 : i32
      %dma_wait3A_1861 = tpu.memref_slice %arg9[%dma_wait3A_1856, %dma_wait3A_1857, %dma_wait3A_1858, %dma_wait3A_1859, %dma_wait3A_1860] : memref<8x2x4x8x128xf32, #tpu.memory_space<vmem>> -> memref<1x1x4x8x128xf32, #tpu.memory_space<vmem>>
      %dma_wait3A_1862 = tpu.memref_squeeze %dma_wait3A_1861 : memref<1x1x4x8x128xf32, #tpu.memory_space<vmem>> -> memref<4x8x128xf32, #tpu.memory_space<vmem>>
      %dma_wait3A_1863 = arith.constant 0 : i32
      %dma_wait3A_1864 = arith.constant 0 : i32
      %dma_wait3A_1865 = arith.constant 0 : i32
      %dma_wait3A_1866 = tpu.memref_slice %arg4[%dma_wait3A_1863, %dma_wait3A_1864, %dma_wait3A_1865] : memref<4x8x1000000xf32, #tpu.memory_space<hbm>> -> memref<4x8x128xf32, #tpu.memory_space<hbm>>
      %dma_wait3A_1867 = arith.constant 0 : i32
      %dma_wait3A_1868 = arith.constant 0 : i32
      %dma_wait3A_1869 = arith.constant 0 : i32
      %dma_wait3A_1870 = tpu.memref_slice %arg9[%dma_wait3A_1856, %dma_wait3A_1857, %dma_wait3A_1867, %dma_wait3A_1868, %dma_wait3A_1869] : memref<8x2x4x8x128xf32, #tpu.memory_space<vmem>> -> memref<1x1x4x8x128xf32, #tpu.memory_space<vmem>>
      %dma_wait3A_1871 = tpu.memref_squeeze %dma_wait3A_1870 : memref<1x1x4x8x128xf32, #tpu.memory_space<vmem>> -> memref<4x8x128xf32, #tpu.memory_space<vmem>>
      %dma_wait3A_1872 = arith.constant 0 : i32
      %dma_wait3A_1873 = arith.constant 0 : i32
      %dma_wait3A_1874 = arith.constant 0 : i32
      %dma_wait3A_1875 = tpu.memref_slice %arg4[%dma_wait3A_1872, %dma_wait3A_1873, %dma_wait3A_1874] : memref<4x8x1000000xf32, #tpu.memory_space<hbm>> -> memref<4x8x128xf32, #tpu.memory_space<hbm>>
      tpu.wait_dma2 semaphore(%arg18 : memref<!tpu.dma_semaphore, #tpu.memory_space<semaphore_mem>>) src(%dma_wait3A_1875 : memref<4x8x128xf32, #tpu.memory_space<hbm>>) dst(%dma_wait3A_1871 : memref<4x8x128xf32, #tpu.memory_space<vmem>>)
      %dma_wait3A_1876 = arith.constant 5 : i32
      %dma_wait3A_1877 = arith.constant 1 : i32
      %dma_wait3A_1878 = arith.constant 0 : i32
      %dma_wait3A_1879 = arith.constant 0 : i32
      %dma_wait3A_1880 = arith.constant 0 : i32
      %dma_wait3A_1881 = tpu.memref_slice %arg9[%dma_wait3A_1876, %dma_wait3A_1877, %dma_wait3A_1878, %dma_wait3A_1879, %dma_wait3A_1880] : memref<8x2x4x8x128xf32, #tpu.memory_space<vmem>> -> memref<1x1x4x8x128xf32, #tpu.memory_space<vmem>>
      %dma_wait3A_1882 = tpu.memref_squeeze %dma_wait3A_1881 : memref<1x1x4x8x128xf32, #tpu.memory_space<vmem>> -> memref<4x8x128xf32, #tpu.memory_space<vmem>>
      %dma_wait3A_1883 = arith.constant 0 : i32
      %dma_wait3A_1884 = arith.constant 0 : i32
      %dma_wait3A_1885 = arith.constant 0 : i32
      %dma_wait3A_1886 = tpu.memref_slice %arg4[%dma_wait3A_1883, %dma_wait3A_1884, %dma_wait3A_1885] : memref<4x8x1000000xf32, #tpu.memory_space<hbm>> -> memref<4x8x128xf32, #tpu.memory_space<hbm>>
      %dma_wait3A_1887 = arith.constant 0 : i32
      %dma_wait3A_1888 = arith.constant 0 : i32
      %dma_wait3A_1889 = arith.constant 0 : i32
      %dma_wait3A_1890 = tpu.memref_slice %arg9[%dma_wait3A_1876, %dma_wait3A_1877, %dma_wait3A_1887, %dma_wait3A_1888, %dma_wait3A_1889] : memref<8x2x4x8x128xf32, #tpu.memory_space<vmem>> -> memref<1x1x4x8x128xf32, #tpu.memory_space<vmem>>
      %dma_wait3A_1891 = tpu.memref_squeeze %dma_wait3A_1890 : memref<1x1x4x8x128xf32, #tpu.memory_space<vmem>> -> memref<4x8x128xf32, #tpu.memory_space<vmem>>
      %dma_wait3A_1892 = arith.constant 0 : i32
      %dma_wait3A_1893 = arith.constant 0 : i32
      %dma_wait3A_1894 = arith.constant 0 : i32
      %dma_wait3A_1895 = tpu.memref_slice %arg4[%dma_wait3A_1892, %dma_wait3A_1893, %dma_wait3A_1894] : memref<4x8x1000000xf32, #tpu.memory_space<hbm>> -> memref<4x8x128xf32, #tpu.memory_space<hbm>>
      tpu.wait_dma2 semaphore(%arg18 : memref<!tpu.dma_semaphore, #tpu.memory_space<semaphore_mem>>) src(%dma_wait3A_1895 : memref<4x8x128xf32, #tpu.memory_space<hbm>>) dst(%dma_wait3A_1891 : memref<4x8x128xf32, #tpu.memory_space<vmem>>)
      %and3A_1896 = arith.constant 127 : i32
      %and3A_1897 = arith.andi %squeeze3A_1847, %and3A_1896 : i32
      %broadcast_in_dim3A_1898 = vector.broadcast %and3A_1897 : i32 to vector<16xi32>
      %and3A_1899 = arith.constant 127 : i32
      %and3A_1900 = arith.andi %squeeze3A_1849, %and3A_1899 : i32
      %broadcast_in_dim3A_1901 = vector.broadcast %and3A_1900 : i32 to vector<16xi32>
      %broadcast_in_dim3A_1902 = vector.broadcast %sub3A_1855 : i32 to vector<16xi32>
      %gather3A_1903 = arith.constant 5 : i32
      %gather3A_1904 = arith.constant 0 : i32
      %gather3A_1905 = arith.constant 0 : i32
      %gather3A_1906 = arith.constant 0 : i32
      %gather3A_1907 = arith.constant 0 : i32
      %gather3A_1908 = tpu.memref_slice %arg9[%gather3A_1903, %gather3A_1904, %gather3A_1905, %gather3A_1906, %gather3A_1907] : memref<8x2x4x8x128xf32, #tpu.memory_space<vmem>> -> memref<1x1x4x8x128xf32, #tpu.memory_space<vmem>>
      %gather3A_1909 = tpu.memref_squeeze %gather3A_1908 : memref<1x1x4x8x128xf32, #tpu.memory_space<vmem>> -> memref<4x8x128xf32, #tpu.memory_space<vmem>>
      %gather3A_1910 = tpu.vector_load_idx %gather3A_1909[%shift_right_logical3A_4, %and3A_6, %broadcast_in_dim3A_1898] : memref<4x8x128xf32, #tpu.memory_space<vmem>>[vector<16xi32>, vector<16xi32>, vector<16xi32>], vector<16xf32>,
      %gather3A_1911 = arith.constant 5 : i32
      %gather3A_1912 = arith.constant 0 : i32
      %gather3A_1913 = arith.constant 0 : i32
      %gather3A_1914 = arith.constant 0 : i32
      %gather3A_1915 = arith.constant 0 : i32
      %gather3A_1916 = tpu.memref_slice %arg9[%gather3A_1911, %gather3A_1912, %gather3A_1913, %gather3A_1914, %gather3A_1915] : memref<8x2x4x8x128xf32, #tpu.memory_space<vmem>> -> memref<1x1x4x8x128xf32, #tpu.memory_space<vmem>>
      %gather3A_1917 = tpu.memref_squeeze %gather3A_1916 : memref<1x1x4x8x128xf32, #tpu.memory_space<vmem>> -> memref<4x8x128xf32, #tpu.memory_space<vmem>>
      %gather3A_1918 = tpu.vector_load_idx %gather3A_1917[%add3A_9, %and3A_6, %broadcast_in_dim3A_1898] : memref<4x8x128xf32, #tpu.memory_space<vmem>>[vector<16xi32>, vector<16xi32>, vector<16xi32>], vector<16xf32>,
      %gather3A_1919 = arith.constant 5 : i32
      %gather3A_1920 = arith.constant 1 : i32
      %gather3A_1921 = arith.constant 0 : i32
      %gather3A_1922 = arith.constant 0 : i32
      %gather3A_1923 = arith.constant 0 : i32
      %gather3A_1924 = tpu.memref_slice %arg9[%gather3A_1919, %gather3A_1920, %gather3A_1921, %gather3A_1922, %gather3A_1923] : memref<8x2x4x8x128xf32, #tpu.memory_space<vmem>> -> memref<1x1x4x8x128xf32, #tpu.memory_space<vmem>>
      %gather3A_1925 = tpu.memref_squeeze %gather3A_1924 : memref<1x1x4x8x128xf32, #tpu.memory_space<vmem>> -> memref<4x8x128xf32, #tpu.memory_space<vmem>>
      %gather3A_1926 = tpu.vector_load_idx %gather3A_1925[%shift_right_logical3A_4, %and3A_6, %broadcast_in_dim3A_1901] : memref<4x8x128xf32, #tpu.memory_space<vmem>>[vector<16xi32>, vector<16xi32>, vector<16xi32>], vector<16xf32>,
      %gather3A_1927 = arith.constant 5 : i32
      %gather3A_1928 = arith.constant 1 : i32
      %gather3A_1929 = arith.constant 0 : i32
      %gather3A_1930 = arith.constant 0 : i32
      %gather3A_1931 = arith.constant 0 : i32
      %gather3A_1932 = tpu.memref_slice %arg9[%gather3A_1927, %gather3A_1928, %gather3A_1929, %gather3A_1930, %gather3A_1931] : memref<8x2x4x8x128xf32, #tpu.memory_space<vmem>> -> memref<1x1x4x8x128xf32, #tpu.memory_space<vmem>>
      %gather3A_1933 = tpu.memref_squeeze %gather3A_1932 : memref<1x1x4x8x128xf32, #tpu.memory_space<vmem>> -> memref<4x8x128xf32, #tpu.memory_space<vmem>>
      %gather3A_1934 = tpu.vector_load_idx %gather3A_1933[%add3A_9, %and3A_6, %broadcast_in_dim3A_1901] : memref<4x8x128xf32, #tpu.memory_space<vmem>>[vector<16xi32>, vector<16xi32>, vector<16xi32>], vector<16xf32>,
      tpu.vector_store_idx %arg10[%iota3A, %broadcast_in_dim3A_1902], %gather3A_1910 : memref<32x512xf32, #tpu.memory_space<vmem>>[vector<16xi32>, vector<16xi32>], vector<16xf32>,
      tpu.vector_store_idx %arg10[%add3A_12, %broadcast_in_dim3A_1902], %gather3A_1918 : memref<32x512xf32, #tpu.memory_space<vmem>>[vector<16xi32>, vector<16xi32>], vector<16xf32>,
      tpu.vector_store_idx %arg11[%iota3A, %broadcast_in_dim3A_1902], %gather3A_1926 : memref<32x512xf32, #tpu.memory_space<vmem>>[vector<16xi32>, vector<16xi32>], vector<16xf32>,
      tpu.vector_store_idx %arg11[%add3A_12, %broadcast_in_dim3A_1902], %gather3A_1934 : memref<32x512xf32, #tpu.memory_space<vmem>>[vector<16xi32>, vector<16xi32>], vector<16xf32>,
      %slice3A_1935 = vector.extract_strided_slice %get3A_701 {offsets = [13], sizes = [1], strides = [1]} : vector<16xi32> to vector<1xi32>
      %squeeze3A_1936 = vector.extract %slice3A_1935[0] : i32 from vector<1xi32>
      %shift_right_logical3A_1937 = arith.constant 7 : i32
      %shift_right_logical3A_1938 = arith.shrui %squeeze3A_1936, %shift_right_logical3A_1937 : i32
      %mul3A_1939 = arith.constant 128 : i32
      %mul3A_1940 = arith.muli %shift_right_logical3A_1938, %mul3A_1939 : i32
      %multiple_of3A_1941 = tpu.assume_multiple %mul3A_1940, 128 : i32
      %dma_start3A_1942 = arith.constant 5 : i32
      %dma_start3A_1943 = arith.constant 0 : i32
      %dma_start3A_1944 = arith.constant 0 : i32
      %dma_start3A_1945 = arith.constant 0 : i32
      %dma_start3A_1946 = arith.constant 0 : i32
      %dma_start3A_1947 = tpu.memref_slice %arg9[%dma_start3A_1942, %dma_start3A_1943, %dma_start3A_1944, %dma_start3A_1945, %dma_start3A_1946] : memref<8x2x4x8x128xf32, #tpu.memory_space<vmem>> -> memref<1x1x4x8x128xf32, #tpu.memory_space<vmem>>
      %dma_start3A_1948 = tpu.memref_squeeze %dma_start3A_1947 : memref<1x1x4x8x128xf32, #tpu.memory_space<vmem>> -> memref<4x8x128xf32, #tpu.memory_space<vmem>>
      %dma_start3A_1949 = arith.constant 0 : i32
      %dma_start3A_1950 = arith.constant 0 : i32
      %dma_start3A_1951 = tpu.memref_slice %arg4[%dma_start3A_1949, %dma_start3A_1950, %multiple_of3A_1941] : memref<4x8x1000000xf32, #tpu.memory_space<hbm>> -> memref<4x8x128xf32, #tpu.memory_space<hbm>>
      %dma_start3A_1952 = arith.constant 0 : i32
      %dma_start3A_1953 = arith.constant 0 : i32
      %dma_start3A_1954 = arith.constant 0 : i32
      %dma_start3A_1955 = tpu.memref_slice %arg9[%dma_start3A_1942, %dma_start3A_1943, %dma_start3A_1952, %dma_start3A_1953, %dma_start3A_1954] : memref<8x2x4x8x128xf32, #tpu.memory_space<vmem>> -> memref<1x1x4x8x128xf32, #tpu.memory_space<vmem>>
      %dma_start3A_1956 = tpu.memref_squeeze %dma_start3A_1955 : memref<1x1x4x8x128xf32, #tpu.memory_space<vmem>> -> memref<4x8x128xf32, #tpu.memory_space<vmem>>
      %dma_start3A_1957 = arith.constant 0 : i32
      %dma_start3A_1958 = arith.constant 0 : i32
      %dma_start3A_1959 = tpu.memref_slice %arg4[%dma_start3A_1957, %dma_start3A_1958, %multiple_of3A_1941] : memref<4x8x1000000xf32, #tpu.memory_space<hbm>> -> memref<4x8x128xf32, #tpu.memory_space<hbm>>
      tpu.enqueue_dma source(%dma_start3A_1959 : memref<4x8x128xf32, #tpu.memory_space<hbm>>) target(%dma_start3A_1956 : memref<4x8x128xf32, #tpu.memory_space<vmem>>) target_semaphore(%arg18 : memref<!tpu.dma_semaphore, #tpu.memory_space<semaphore_mem>>)
      %slice3A_1960 = vector.extract_strided_slice %get3A_705 {offsets = [13], sizes = [1], strides = [1]} : vector<16xi32> to vector<1xi32>
      %squeeze3A_1961 = vector.extract %slice3A_1960[0] : i32 from vector<1xi32>
      %shift_right_logical3A_1962 = arith.constant 7 : i32
      %shift_right_logical3A_1963 = arith.shrui %squeeze3A_1961, %shift_right_logical3A_1962 : i32
      %mul3A_1964 = arith.constant 128 : i32
      %mul3A_1965 = arith.muli %shift_right_logical3A_1963, %mul3A_1964 : i32
      %multiple_of3A_1966 = tpu.assume_multiple %mul3A_1965, 128 : i32
      %dma_start3A_1967 = arith.constant 5 : i32
      %dma_start3A_1968 = arith.constant 1 : i32
      %dma_start3A_1969 = arith.constant 0 : i32
      %dma_start3A_1970 = arith.constant 0 : i32
      %dma_start3A_1971 = arith.constant 0 : i32
      %dma_start3A_1972 = tpu.memref_slice %arg9[%dma_start3A_1967, %dma_start3A_1968, %dma_start3A_1969, %dma_start3A_1970, %dma_start3A_1971] : memref<8x2x4x8x128xf32, #tpu.memory_space<vmem>> -> memref<1x1x4x8x128xf32, #tpu.memory_space<vmem>>
      %dma_start3A_1973 = tpu.memref_squeeze %dma_start3A_1972 : memref<1x1x4x8x128xf32, #tpu.memory_space<vmem>> -> memref<4x8x128xf32, #tpu.memory_space<vmem>>
      %dma_start3A_1974 = arith.constant 0 : i32
      %dma_start3A_1975 = arith.constant 0 : i32
      %dma_start3A_1976 = tpu.memref_slice %arg5[%dma_start3A_1974, %dma_start3A_1975, %multiple_of3A_1966] : memref<4x8x1000000xf32, #tpu.memory_space<hbm>> -> memref<4x8x128xf32, #tpu.memory_space<hbm>>
      %dma_start3A_1977 = arith.constant 0 : i32
      %dma_start3A_1978 = arith.constant 0 : i32
      %dma_start3A_1979 = arith.constant 0 : i32
      %dma_start3A_1980 = tpu.memref_slice %arg9[%dma_start3A_1967, %dma_start3A_1968, %dma_start3A_1977, %dma_start3A_1978, %dma_start3A_1979] : memref<8x2x4x8x128xf32, #tpu.memory_space<vmem>> -> memref<1x1x4x8x128xf32, #tpu.memory_space<vmem>>
      %dma_start3A_1981 = tpu.memref_squeeze %dma_start3A_1980 : memref<1x1x4x8x128xf32, #tpu.memory_space<vmem>> -> memref<4x8x128xf32, #tpu.memory_space<vmem>>
      %dma_start3A_1982 = arith.constant 0 : i32
      %dma_start3A_1983 = arith.constant 0 : i32
      %dma_start3A_1984 = tpu.memref_slice %arg5[%dma_start3A_1982, %dma_start3A_1983, %multiple_of3A_1966] : memref<4x8x1000000xf32, #tpu.memory_space<hbm>> -> memref<4x8x128xf32, #tpu.memory_space<hbm>>
      tpu.enqueue_dma source(%dma_start3A_1984 : memref<4x8x128xf32, #tpu.memory_space<hbm>>) target(%dma_start3A_1981 : memref<4x8x128xf32, #tpu.memory_space<vmem>>) target_semaphore(%arg18 : memref<!tpu.dma_semaphore, #tpu.memory_space<semaphore_mem>>)
      %slice3A_1985 = vector.extract_strided_slice %get3A_701 {offsets = [6], sizes = [1], strides = [1]} : vector<16xi32> to vector<1xi32>
      %squeeze3A_1986 = vector.extract %slice3A_1985[0] : i32 from vector<1xi32>
      %slice3A_1987 = vector.extract_strided_slice %get3A_705 {offsets = [6], sizes = [1], strides = [1]} : vector<16xi32> to vector<1xi32>
      %squeeze3A_1988 = vector.extract %slice3A_1987[0] : i32 from vector<1xi32>
      %mul3A_1989 = arith.constant 16 : i32
      %mul3A_1990 = arith.muli %scan3A_696, %mul3A_1989 : i32
      %add3A_1991 = arith.constant 14 : i32
      %add3A_1992 = arith.addi %mul3A_1990, %add3A_1991 : i32
      %sub3A_1993 = arith.constant 8 : i32
      %sub3A_1994 = arith.subi %add3A_1992, %sub3A_1993 : i32
      %dma_wait3A_1995 = arith.constant 6 : i32
      %dma_wait3A_1996 = arith.constant 0 : i32
      %dma_wait3A_1997 = arith.constant 0 : i32
      %dma_wait3A_1998 = arith.constant 0 : i32
      %dma_wait3A_1999 = arith.constant 0 : i32
      %dma_wait3A_2000 = tpu.memref_slice %arg9[%dma_wait3A_1995, %dma_wait3A_1996, %dma_wait3A_1997, %dma_wait3A_1998, %dma_wait3A_1999] : memref<8x2x4x8x128xf32, #tpu.memory_space<vmem>> -> memref<1x1x4x8x128xf32, #tpu.memory_space<vmem>>
      %dma_wait3A_2001 = tpu.memref_squeeze %dma_wait3A_2000 : memref<1x1x4x8x128xf32, #tpu.memory_space<vmem>> -> memref<4x8x128xf32, #tpu.memory_space<vmem>>
      %dma_wait3A_2002 = arith.constant 0 : i32
      %dma_wait3A_2003 = arith.constant 0 : i32
      %dma_wait3A_2004 = arith.constant 0 : i32
      %dma_wait3A_2005 = tpu.memref_slice %arg4[%dma_wait3A_2002, %dma_wait3A_2003, %dma_wait3A_2004] : memref<4x8x1000000xf32, #tpu.memory_space<hbm>> -> memref<4x8x128xf32, #tpu.memory_space<hbm>>
      %dma_wait3A_2006 = arith.constant 0 : i32
      %dma_wait3A_2007 = arith.constant 0 : i32
      %dma_wait3A_2008 = arith.constant 0 : i32
      %dma_wait3A_2009 = tpu.memref_slice %arg9[%dma_wait3A_1995, %dma_wait3A_1996, %dma_wait3A_2006, %dma_wait3A_2007, %dma_wait3A_2008] : memref<8x2x4x8x128xf32, #tpu.memory_space<vmem>> -> memref<1x1x4x8x128xf32, #tpu.memory_space<vmem>>
      %dma_wait3A_2010 = tpu.memref_squeeze %dma_wait3A_2009 : memref<1x1x4x8x128xf32, #tpu.memory_space<vmem>> -> memref<4x8x128xf32, #tpu.memory_space<vmem>>
      %dma_wait3A_2011 = arith.constant 0 : i32
      %dma_wait3A_2012 = arith.constant 0 : i32
      %dma_wait3A_2013 = arith.constant 0 : i32
      %dma_wait3A_2014 = tpu.memref_slice %arg4[%dma_wait3A_2011, %dma_wait3A_2012, %dma_wait3A_2013] : memref<4x8x1000000xf32, #tpu.memory_space<hbm>> -> memref<4x8x128xf32, #tpu.memory_space<hbm>>
      tpu.wait_dma2 semaphore(%arg19 : memref<!tpu.dma_semaphore, #tpu.memory_space<semaphore_mem>>) src(%dma_wait3A_2014 : memref<4x8x128xf32, #tpu.memory_space<hbm>>) dst(%dma_wait3A_2010 : memref<4x8x128xf32, #tpu.memory_space<vmem>>)
      %dma_wait3A_2015 = arith.constant 6 : i32
      %dma_wait3A_2016 = arith.constant 1 : i32
      %dma_wait3A_2017 = arith.constant 0 : i32
      %dma_wait3A_2018 = arith.constant 0 : i32
      %dma_wait3A_2019 = arith.constant 0 : i32
      %dma_wait3A_2020 = tpu.memref_slice %arg9[%dma_wait3A_2015, %dma_wait3A_2016, %dma_wait3A_2017, %dma_wait3A_2018, %dma_wait3A_2019] : memref<8x2x4x8x128xf32, #tpu.memory_space<vmem>> -> memref<1x1x4x8x128xf32, #tpu.memory_space<vmem>>
      %dma_wait3A_2021 = tpu.memref_squeeze %dma_wait3A_2020 : memref<1x1x4x8x128xf32, #tpu.memory_space<vmem>> -> memref<4x8x128xf32, #tpu.memory_space<vmem>>
      %dma_wait3A_2022 = arith.constant 0 : i32
      %dma_wait3A_2023 = arith.constant 0 : i32
      %dma_wait3A_2024 = arith.constant 0 : i32
      %dma_wait3A_2025 = tpu.memref_slice %arg4[%dma_wait3A_2022, %dma_wait3A_2023, %dma_wait3A_2024] : memref<4x8x1000000xf32, #tpu.memory_space<hbm>> -> memref<4x8x128xf32, #tpu.memory_space<hbm>>
      %dma_wait3A_2026 = arith.constant 0 : i32
      %dma_wait3A_2027 = arith.constant 0 : i32
      %dma_wait3A_2028 = arith.constant 0 : i32
      %dma_wait3A_2029 = tpu.memref_slice %arg9[%dma_wait3A_2015, %dma_wait3A_2016, %dma_wait3A_2026, %dma_wait3A_2027, %dma_wait3A_2028] : memref<8x2x4x8x128xf32, #tpu.memory_space<vmem>> -> memref<1x1x4x8x128xf32, #tpu.memory_space<vmem>>
      %dma_wait3A_2030 = tpu.memref_squeeze %dma_wait3A_2029 : memref<1x1x4x8x128xf32, #tpu.memory_space<vmem>> -> memref<4x8x128xf32, #tpu.memory_space<vmem>>
      %dma_wait3A_2031 = arith.constant 0 : i32
      %dma_wait3A_2032 = arith.constant 0 : i32
      %dma_wait3A_2033 = arith.constant 0 : i32
      %dma_wait3A_2034 = tpu.memref_slice %arg4[%dma_wait3A_2031, %dma_wait3A_2032, %dma_wait3A_2033] : memref<4x8x1000000xf32, #tpu.memory_space<hbm>> -> memref<4x8x128xf32, #tpu.memory_space<hbm>>
      tpu.wait_dma2 semaphore(%arg19 : memref<!tpu.dma_semaphore, #tpu.memory_space<semaphore_mem>>) src(%dma_wait3A_2034 : memref<4x8x128xf32, #tpu.memory_space<hbm>>) dst(%dma_wait3A_2030 : memref<4x8x128xf32, #tpu.memory_space<vmem>>)
      %and3A_2035 = arith.constant 127 : i32
      %and3A_2036 = arith.andi %squeeze3A_1986, %and3A_2035 : i32
      %broadcast_in_dim3A_2037 = vector.broadcast %and3A_2036 : i32 to vector<16xi32>
      %and3A_2038 = arith.constant 127 : i32
      %and3A_2039 = arith.andi %squeeze3A_1988, %and3A_2038 : i32
      %broadcast_in_dim3A_2040 = vector.broadcast %and3A_2039 : i32 to vector<16xi32>
      %broadcast_in_dim3A_2041 = vector.broadcast %sub3A_1994 : i32 to vector<16xi32>
      %gather3A_2042 = arith.constant 6 : i32
      %gather3A_2043 = arith.constant 0 : i32
      %gather3A_2044 = arith.constant 0 : i32
      %gather3A_2045 = arith.constant 0 : i32
      %gather3A_2046 = arith.constant 0 : i32
      %gather3A_2047 = tpu.memref_slice %arg9[%gather3A_2042, %gather3A_2043, %gather3A_2044, %gather3A_2045, %gather3A_2046] : memref<8x2x4x8x128xf32, #tpu.memory_space<vmem>> -> memref<1x1x4x8x128xf32, #tpu.memory_space<vmem>>
      %gather3A_2048 = tpu.memref_squeeze %gather3A_2047 : memref<1x1x4x8x128xf32, #tpu.memory_space<vmem>> -> memref<4x8x128xf32, #tpu.memory_space<vmem>>
      %gather3A_2049 = tpu.vector_load_idx %gather3A_2048[%shift_right_logical3A_4, %and3A_6, %broadcast_in_dim3A_2037] : memref<4x8x128xf32, #tpu.memory_space<vmem>>[vector<16xi32>, vector<16xi32>, vector<16xi32>], vector<16xf32>,
      %gather3A_2050 = arith.constant 6 : i32
      %gather3A_2051 = arith.constant 0 : i32
      %gather3A_2052 = arith.constant 0 : i32
      %gather3A_2053 = arith.constant 0 : i32
      %gather3A_2054 = arith.constant 0 : i32
      %gather3A_2055 = tpu.memref_slice %arg9[%gather3A_2050, %gather3A_2051, %gather3A_2052, %gather3A_2053, %gather3A_2054] : memref<8x2x4x8x128xf32, #tpu.memory_space<vmem>> -> memref<1x1x4x8x128xf32, #tpu.memory_space<vmem>>
      %gather3A_2056 = tpu.memref_squeeze %gather3A_2055 : memref<1x1x4x8x128xf32, #tpu.memory_space<vmem>> -> memref<4x8x128xf32, #tpu.memory_space<vmem>>
      %gather3A_2057 = tpu.vector_load_idx %gather3A_2056[%add3A_9, %and3A_6, %broadcast_in_dim3A_2037] : memref<4x8x128xf32, #tpu.memory_space<vmem>>[vector<16xi32>, vector<16xi32>, vector<16xi32>], vector<16xf32>,
      %gather3A_2058 = arith.constant 6 : i32
      %gather3A_2059 = arith.constant 1 : i32
      %gather3A_2060 = arith.constant 0 : i32
      %gather3A_2061 = arith.constant 0 : i32
      %gather3A_2062 = arith.constant 0 : i32
      %gather3A_2063 = tpu.memref_slice %arg9[%gather3A_2058, %gather3A_2059, %gather3A_2060, %gather3A_2061, %gather3A_2062] : memref<8x2x4x8x128xf32, #tpu.memory_space<vmem>> -> memref<1x1x4x8x128xf32, #tpu.memory_space<vmem>>
      %gather3A_2064 = tpu.memref_squeeze %gather3A_2063 : memref<1x1x4x8x128xf32, #tpu.memory_space<vmem>> -> memref<4x8x128xf32, #tpu.memory_space<vmem>>
      %gather3A_2065 = tpu.vector_load_idx %gather3A_2064[%shift_right_logical3A_4, %and3A_6, %broadcast_in_dim3A_2040] : memref<4x8x128xf32, #tpu.memory_space<vmem>>[vector<16xi32>, vector<16xi32>, vector<16xi32>], vector<16xf32>,
      %gather3A_2066 = arith.constant 6 : i32
      %gather3A_2067 = arith.constant 1 : i32
      %gather3A_2068 = arith.constant 0 : i32
      %gather3A_2069 = arith.constant 0 : i32
      %gather3A_2070 = arith.constant 0 : i32
      %gather3A_2071 = tpu.memref_slice %arg9[%gather3A_2066, %gather3A_2067, %gather3A_2068, %gather3A_2069, %gather3A_2070] : memref<8x2x4x8x128xf32, #tpu.memory_space<vmem>> -> memref<1x1x4x8x128xf32, #tpu.memory_space<vmem>>
      %gather3A_2072 = tpu.memref_squeeze %gather3A_2071 : memref<1x1x4x8x128xf32, #tpu.memory_space<vmem>> -> memref<4x8x128xf32, #tpu.memory_space<vmem>>
      %gather3A_2073 = tpu.vector_load_idx %gather3A_2072[%add3A_9, %and3A_6, %broadcast_in_dim3A_2040] : memref<4x8x128xf32, #tpu.memory_space<vmem>>[vector<16xi32>, vector<16xi32>, vector<16xi32>], vector<16xf32>,
      tpu.vector_store_idx %arg10[%iota3A, %broadcast_in_dim3A_2041], %gather3A_2049 : memref<32x512xf32, #tpu.memory_space<vmem>>[vector<16xi32>, vector<16xi32>], vector<16xf32>,
      tpu.vector_store_idx %arg10[%add3A_12, %broadcast_in_dim3A_2041], %gather3A_2057 : memref<32x512xf32, #tpu.memory_space<vmem>>[vector<16xi32>, vector<16xi32>], vector<16xf32>,
      tpu.vector_store_idx %arg11[%iota3A, %broadcast_in_dim3A_2041], %gather3A_2065 : memref<32x512xf32, #tpu.memory_space<vmem>>[vector<16xi32>, vector<16xi32>], vector<16xf32>,
      tpu.vector_store_idx %arg11[%add3A_12, %broadcast_in_dim3A_2041], %gather3A_2073 : memref<32x512xf32, #tpu.memory_space<vmem>>[vector<16xi32>, vector<16xi32>], vector<16xf32>,
      %slice3A_2074 = vector.extract_strided_slice %get3A_701 {offsets = [14], sizes = [1], strides = [1]} : vector<16xi32> to vector<1xi32>
      %squeeze3A_2075 = vector.extract %slice3A_2074[0] : i32 from vector<1xi32>
      %shift_right_logical3A_2076 = arith.constant 7 : i32
      %shift_right_logical3A_2077 = arith.shrui %squeeze3A_2075, %shift_right_logical3A_2076 : i32
      %mul3A_2078 = arith.constant 128 : i32
      %mul3A_2079 = arith.muli %shift_right_logical3A_2077, %mul3A_2078 : i32
      %multiple_of3A_2080 = tpu.assume_multiple %mul3A_2079, 128 : i32
      %dma_start3A_2081 = arith.constant 6 : i32
      %dma_start3A_2082 = arith.constant 0 : i32
      %dma_start3A_2083 = arith.constant 0 : i32
      %dma_start3A_2084 = arith.constant 0 : i32
      %dma_start3A_2085 = arith.constant 0 : i32
      %dma_start3A_2086 = tpu.memref_slice %arg9[%dma_start3A_2081, %dma_start3A_2082, %dma_start3A_2083, %dma_start3A_2084, %dma_start3A_2085] : memref<8x2x4x8x128xf32, #tpu.memory_space<vmem>> -> memref<1x1x4x8x128xf32, #tpu.memory_space<vmem>>
      %dma_start3A_2087 = tpu.memref_squeeze %dma_start3A_2086 : memref<1x1x4x8x128xf32, #tpu.memory_space<vmem>> -> memref<4x8x128xf32, #tpu.memory_space<vmem>>
      %dma_start3A_2088 = arith.constant 0 : i32
      %dma_start3A_2089 = arith.constant 0 : i32
      %dma_start3A_2090 = tpu.memref_slice %arg4[%dma_start3A_2088, %dma_start3A_2089, %multiple_of3A_2080] : memref<4x8x1000000xf32, #tpu.memory_space<hbm>> -> memref<4x8x128xf32, #tpu.memory_space<hbm>>
      %dma_start3A_2091 = arith.constant 0 : i32
      %dma_start3A_2092 = arith.constant 0 : i32
      %dma_start3A_2093 = arith.constant 0 : i32
      %dma_start3A_2094 = tpu.memref_slice %arg9[%dma_start3A_2081, %dma_start3A_2082, %dma_start3A_2091, %dma_start3A_2092, %dma_start3A_2093] : memref<8x2x4x8x128xf32, #tpu.memory_space<vmem>> -> memref<1x1x4x8x128xf32, #tpu.memory_space<vmem>>
      %dma_start3A_2095 = tpu.memref_squeeze %dma_start3A_2094 : memref<1x1x4x8x128xf32, #tpu.memory_space<vmem>> -> memref<4x8x128xf32, #tpu.memory_space<vmem>>
      %dma_start3A_2096 = arith.constant 0 : i32
      %dma_start3A_2097 = arith.constant 0 : i32
      %dma_start3A_2098 = tpu.memref_slice %arg4[%dma_start3A_2096, %dma_start3A_2097, %multiple_of3A_2080] : memref<4x8x1000000xf32, #tpu.memory_space<hbm>> -> memref<4x8x128xf32, #tpu.memory_space<hbm>>
      tpu.enqueue_dma source(%dma_start3A_2098 : memref<4x8x128xf32, #tpu.memory_space<hbm>>) target(%dma_start3A_2095 : memref<4x8x128xf32, #tpu.memory_space<vmem>>) target_semaphore(%arg19 : memref<!tpu.dma_semaphore, #tpu.memory_space<semaphore_mem>>)
      %slice3A_2099 = vector.extract_strided_slice %get3A_705 {offsets = [14], sizes = [1], strides = [1]} : vector<16xi32> to vector<1xi32>
      %squeeze3A_2100 = vector.extract %slice3A_2099[0] : i32 from vector<1xi32>
      %shift_right_logical3A_2101 = arith.constant 7 : i32
      %shift_right_logical3A_2102 = arith.shrui %squeeze3A_2100, %shift_right_logical3A_2101 : i32
      %mul3A_2103 = arith.constant 128 : i32
      %mul3A_2104 = arith.muli %shift_right_logical3A_2102, %mul3A_2103 : i32
      %multiple_of3A_2105 = tpu.assume_multiple %mul3A_2104, 128 : i32
      %dma_start3A_2106 = arith.constant 6 : i32
      %dma_start3A_2107 = arith.constant 1 : i32
      %dma_start3A_2108 = arith.constant 0 : i32
      %dma_start3A_2109 = arith.constant 0 : i32
      %dma_start3A_2110 = arith.constant 0 : i32
      %dma_start3A_2111 = tpu.memref_slice %arg9[%dma_start3A_2106, %dma_start3A_2107, %dma_start3A_2108, %dma_start3A_2109, %dma_start3A_2110] : memref<8x2x4x8x128xf32, #tpu.memory_space<vmem>> -> memref<1x1x4x8x128xf32, #tpu.memory_space<vmem>>
      %dma_start3A_2112 = tpu.memref_squeeze %dma_start3A_2111 : memref<1x1x4x8x128xf32, #tpu.memory_space<vmem>> -> memref<4x8x128xf32, #tpu.memory_space<vmem>>
      %dma_start3A_2113 = arith.constant 0 : i32
      %dma_start3A_2114 = arith.constant 0 : i32
      %dma_start3A_2115 = tpu.memref_slice %arg5[%dma_start3A_2113, %dma_start3A_2114, %multiple_of3A_2105] : memref<4x8x1000000xf32, #tpu.memory_space<hbm>> -> memref<4x8x128xf32, #tpu.memory_space<hbm>>
      %dma_start3A_2116 = arith.constant 0 : i32
      %dma_start3A_2117 = arith.constant 0 : i32
      %dma_start3A_2118 = arith.constant 0 : i32
      %dma_start3A_2119 = tpu.memref_slice %arg9[%dma_start3A_2106, %dma_start3A_2107, %dma_start3A_2116, %dma_start3A_2117, %dma_start3A_2118] : memref<8x2x4x8x128xf32, #tpu.memory_space<vmem>> -> memref<1x1x4x8x128xf32, #tpu.memory_space<vmem>>
      %dma_start3A_2120 = tpu.memref_squeeze %dma_start3A_2119 : memref<1x1x4x8x128xf32, #tpu.memory_space<vmem>> -> memref<4x8x128xf32, #tpu.memory_space<vmem>>
      %dma_start3A_2121 = arith.constant 0 : i32
      %dma_start3A_2122 = arith.constant 0 : i32
      %dma_start3A_2123 = tpu.memref_slice %arg5[%dma_start3A_2121, %dma_start3A_2122, %multiple_of3A_2105] : memref<4x8x1000000xf32, #tpu.memory_space<hbm>> -> memref<4x8x128xf32, #tpu.memory_space<hbm>>
      tpu.enqueue_dma source(%dma_start3A_2123 : memref<4x8x128xf32, #tpu.memory_space<hbm>>) target(%dma_start3A_2120 : memref<4x8x128xf32, #tpu.memory_space<vmem>>) target_semaphore(%arg19 : memref<!tpu.dma_semaphore, #tpu.memory_space<semaphore_mem>>)
      %slice3A_2124 = vector.extract_strided_slice %get3A_701 {offsets = [7], sizes = [1], strides = [1]} : vector<16xi32> to vector<1xi32>
      %squeeze3A_2125 = vector.extract %slice3A_2124[0] : i32 from vector<1xi32>
      %slice3A_2126 = vector.extract_strided_slice %get3A_705 {offsets = [7], sizes = [1], strides = [1]} : vector<16xi32> to vector<1xi32>
      %squeeze3A_2127 = vector.extract %slice3A_2126[0] : i32 from vector<1xi32>
      %mul3A_2128 = arith.constant 16 : i32
      %mul3A_2129 = arith.muli %scan3A_696, %mul3A_2128 : i32
      %add3A_2130 = arith.constant 15 : i32
      %add3A_2131 = arith.addi %mul3A_2129, %add3A_2130 : i32
      %sub3A_2132 = arith.constant 8 : i32
      %sub3A_2133 = arith.subi %add3A_2131, %sub3A_2132 : i32
      %dma_wait3A_2134 = arith.constant 7 : i32
      %dma_wait3A_2135 = arith.constant 0 : i32
      %dma_wait3A_2136 = arith.constant 0 : i32
      %dma_wait3A_2137 = arith.constant 0 : i32
      %dma_wait3A_2138 = arith.constant 0 : i32
      %dma_wait3A_2139 = tpu.memref_slice %arg9[%dma_wait3A_2134, %dma_wait3A_2135, %dma_wait3A_2136, %dma_wait3A_2137, %dma_wait3A_2138] : memref<8x2x4x8x128xf32, #tpu.memory_space<vmem>> -> memref<1x1x4x8x128xf32, #tpu.memory_space<vmem>>
      %dma_wait3A_2140 = tpu.memref_squeeze %dma_wait3A_2139 : memref<1x1x4x8x128xf32, #tpu.memory_space<vmem>> -> memref<4x8x128xf32, #tpu.memory_space<vmem>>
      %dma_wait3A_2141 = arith.constant 0 : i32
      %dma_wait3A_2142 = arith.constant 0 : i32
      %dma_wait3A_2143 = arith.constant 0 : i32
      %dma_wait3A_2144 = tpu.memref_slice %arg4[%dma_wait3A_2141, %dma_wait3A_2142, %dma_wait3A_2143] : memref<4x8x1000000xf32, #tpu.memory_space<hbm>> -> memref<4x8x128xf32, #tpu.memory_space<hbm>>
      %dma_wait3A_2145 = arith.constant 0 : i32
      %dma_wait3A_2146 = arith.constant 0 : i32
      %dma_wait3A_2147 = arith.constant 0 : i32
      %dma_wait3A_2148 = tpu.memref_slice %arg9[%dma_wait3A_2134, %dma_wait3A_2135, %dma_wait3A_2145, %dma_wait3A_2146, %dma_wait3A_2147] : memref<8x2x4x8x128xf32, #tpu.memory_space<vmem>> -> memref<1x1x4x8x128xf32, #tpu.memory_space<vmem>>
      %dma_wait3A_2149 = tpu.memref_squeeze %dma_wait3A_2148 : memref<1x1x4x8x128xf32, #tpu.memory_space<vmem>> -> memref<4x8x128xf32, #tpu.memory_space<vmem>>
      %dma_wait3A_2150 = arith.constant 0 : i32
      %dma_wait3A_2151 = arith.constant 0 : i32
      %dma_wait3A_2152 = arith.constant 0 : i32
      %dma_wait3A_2153 = tpu.memref_slice %arg4[%dma_wait3A_2150, %dma_wait3A_2151, %dma_wait3A_2152] : memref<4x8x1000000xf32, #tpu.memory_space<hbm>> -> memref<4x8x128xf32, #tpu.memory_space<hbm>>
      tpu.wait_dma2 semaphore(%arg20 : memref<!tpu.dma_semaphore, #tpu.memory_space<semaphore_mem>>) src(%dma_wait3A_2153 : memref<4x8x128xf32, #tpu.memory_space<hbm>>) dst(%dma_wait3A_2149 : memref<4x8x128xf32, #tpu.memory_space<vmem>>)
      %dma_wait3A_2154 = arith.constant 7 : i32
      %dma_wait3A_2155 = arith.constant 1 : i32
      %dma_wait3A_2156 = arith.constant 0 : i32
      %dma_wait3A_2157 = arith.constant 0 : i32
      %dma_wait3A_2158 = arith.constant 0 : i32
      %dma_wait3A_2159 = tpu.memref_slice %arg9[%dma_wait3A_2154, %dma_wait3A_2155, %dma_wait3A_2156, %dma_wait3A_2157, %dma_wait3A_2158] : memref<8x2x4x8x128xf32, #tpu.memory_space<vmem>> -> memref<1x1x4x8x128xf32, #tpu.memory_space<vmem>>
      %dma_wait3A_2160 = tpu.memref_squeeze %dma_wait3A_2159 : memref<1x1x4x8x128xf32, #tpu.memory_space<vmem>> -> memref<4x8x128xf32, #tpu.memory_space<vmem>>
      %dma_wait3A_2161 = arith.constant 0 : i32
      %dma_wait3A_2162 = arith.constant 0 : i32
      %dma_wait3A_2163 = arith.constant 0 : i32
      %dma_wait3A_2164 = tpu.memref_slice %arg4[%dma_wait3A_2161, %dma_wait3A_2162, %dma_wait3A_2163] : memref<4x8x1000000xf32, #tpu.memory_space<hbm>> -> memref<4x8x128xf32, #tpu.memory_space<hbm>>
      %dma_wait3A_2165 = arith.constant 0 : i32
      %dma_wait3A_2166 = arith.constant 0 : i32
      %dma_wait3A_2167 = arith.constant 0 : i32
      %dma_wait3A_2168 = tpu.memref_slice %arg9[%dma_wait3A_2154, %dma_wait3A_2155, %dma_wait3A_2165, %dma_wait3A_2166, %dma_wait3A_2167] : memref<8x2x4x8x128xf32, #tpu.memory_space<vmem>> -> memref<1x1x4x8x128xf32, #tpu.memory_space<vmem>>
      %dma_wait3A_2169 = tpu.memref_squeeze %dma_wait3A_2168 : memref<1x1x4x8x128xf32, #tpu.memory_space<vmem>> -> memref<4x8x128xf32, #tpu.memory_space<vmem>>
      %dma_wait3A_2170 = arith.constant 0 : i32
      %dma_wait3A_2171 = arith.constant 0 : i32
      %dma_wait3A_2172 = arith.constant 0 : i32
      %dma_wait3A_2173 = tpu.memref_slice %arg4[%dma_wait3A_2170, %dma_wait3A_2171, %dma_wait3A_2172] : memref<4x8x1000000xf32, #tpu.memory_space<hbm>> -> memref<4x8x128xf32, #tpu.memory_space<hbm>>
      tpu.wait_dma2 semaphore(%arg20 : memref<!tpu.dma_semaphore, #tpu.memory_space<semaphore_mem>>) src(%dma_wait3A_2173 : memref<4x8x128xf32, #tpu.memory_space<hbm>>) dst(%dma_wait3A_2169 : memref<4x8x128xf32, #tpu.memory_space<vmem>>)
      %and3A_2174 = arith.constant 127 : i32
      %and3A_2175 = arith.andi %squeeze3A_2125, %and3A_2174 : i32
      %broadcast_in_dim3A_2176 = vector.broadcast %and3A_2175 : i32 to vector<16xi32>
      %and3A_2177 = arith.constant 127 : i32
      %and3A_2178 = arith.andi %squeeze3A_2127, %and3A_2177 : i32
      %broadcast_in_dim3A_2179 = vector.broadcast %and3A_2178 : i32 to vector<16xi32>
      %broadcast_in_dim3A_2180 = vector.broadcast %sub3A_2133 : i32 to vector<16xi32>
      %gather3A_2181 = arith.constant 7 : i32
      %gather3A_2182 = arith.constant 0 : i32
      %gather3A_2183 = arith.constant 0 : i32
      %gather3A_2184 = arith.constant 0 : i32
      %gather3A_2185 = arith.constant 0 : i32
      %gather3A_2186 = tpu.memref_slice %arg9[%gather3A_2181, %gather3A_2182, %gather3A_2183, %gather3A_2184, %gather3A_2185] : memref<8x2x4x8x128xf32, #tpu.memory_space<vmem>> -> memref<1x1x4x8x128xf32, #tpu.memory_space<vmem>>
      %gather3A_2187 = tpu.memref_squeeze %gather3A_2186 : memref<1x1x4x8x128xf32, #tpu.memory_space<vmem>> -> memref<4x8x128xf32, #tpu.memory_space<vmem>>
      %gather3A_2188 = tpu.vector_load_idx %gather3A_2187[%shift_right_logical3A_4, %and3A_6, %broadcast_in_dim3A_2176] : memref<4x8x128xf32, #tpu.memory_space<vmem>>[vector<16xi32>, vector<16xi32>, vector<16xi32>], vector<16xf32>,
      %gather3A_2189 = arith.constant 7 : i32
      %gather3A_2190 = arith.constant 0 : i32
      %gather3A_2191 = arith.constant 0 : i32
      %gather3A_2192 = arith.constant 0 : i32
      %gather3A_2193 = arith.constant 0 : i32
      %gather3A_2194 = tpu.memref_slice %arg9[%gather3A_2189, %gather3A_2190, %gather3A_2191, %gather3A_2192, %gather3A_2193] : memref<8x2x4x8x128xf32, #tpu.memory_space<vmem>> -> memref<1x1x4x8x128xf32, #tpu.memory_space<vmem>>
      %gather3A_2195 = tpu.memref_squeeze %gather3A_2194 : memref<1x1x4x8x128xf32, #tpu.memory_space<vmem>> -> memref<4x8x128xf32, #tpu.memory_space<vmem>>
      %gather3A_2196 = tpu.vector_load_idx %gather3A_2195[%add3A_9, %and3A_6, %broadcast_in_dim3A_2176] : memref<4x8x128xf32, #tpu.memory_space<vmem>>[vector<16xi32>, vector<16xi32>, vector<16xi32>], vector<16xf32>,
      %gather3A_2197 = arith.constant 7 : i32
      %gather3A_2198 = arith.constant 1 : i32
      %gather3A_2199 = arith.constant 0 : i32
      %gather3A_2200 = arith.constant 0 : i32
      %gather3A_2201 = arith.constant 0 : i32
      %gather3A_2202 = tpu.memref_slice %arg9[%gather3A_2197, %gather3A_2198, %gather3A_2199, %gather3A_2200, %gather3A_2201] : memref<8x2x4x8x128xf32, #tpu.memory_space<vmem>> -> memref<1x1x4x8x128xf32, #tpu.memory_space<vmem>>
      %gather3A_2203 = tpu.memref_squeeze %gather3A_2202 : memref<1x1x4x8x128xf32, #tpu.memory_space<vmem>> -> memref<4x8x128xf32, #tpu.memory_space<vmem>>
      %gather3A_2204 = tpu.vector_load_idx %gather3A_2203[%shift_right_logical3A_4, %and3A_6, %broadcast_in_dim3A_2179] : memref<4x8x128xf32, #tpu.memory_space<vmem>>[vector<16xi32>, vector<16xi32>, vector<16xi32>], vector<16xf32>,
      %gather3A_2205 = arith.constant 7 : i32
      %gather3A_2206 = arith.constant 1 : i32
      %gather3A_2207 = arith.constant 0 : i32
      %gather3A_2208 = arith.constant 0 : i32
      %gather3A_2209 = arith.constant 0 : i32
      %gather3A_2210 = tpu.memref_slice %arg9[%gather3A_2205, %gather3A_2206, %gather3A_2207, %gather3A_2208, %gather3A_2209] : memref<8x2x4x8x128xf32, #tpu.memory_space<vmem>> -> memref<1x1x4x8x128xf32, #tpu.memory_space<vmem>>
      %gather3A_2211 = tpu.memref_squeeze %gather3A_2210 : memref<1x1x4x8x128xf32, #tpu.memory_space<vmem>> -> memref<4x8x128xf32, #tpu.memory_space<vmem>>
      %gather3A_2212 = tpu.vector_load_idx %gather3A_2211[%add3A_9, %and3A_6, %broadcast_in_dim3A_2179] : memref<4x8x128xf32, #tpu.memory_space<vmem>>[vector<16xi32>, vector<16xi32>, vector<16xi32>], vector<16xf32>,
      tpu.vector_store_idx %arg10[%iota3A, %broadcast_in_dim3A_2180], %gather3A_2188 : memref<32x512xf32, #tpu.memory_space<vmem>>[vector<16xi32>, vector<16xi32>], vector<16xf32>,
      tpu.vector_store_idx %arg10[%add3A_12, %broadcast_in_dim3A_2180], %gather3A_2196 : memref<32x512xf32, #tpu.memory_space<vmem>>[vector<16xi32>, vector<16xi32>], vector<16xf32>,
      tpu.vector_store_idx %arg11[%iota3A, %broadcast_in_dim3A_2180], %gather3A_2204 : memref<32x512xf32, #tpu.memory_space<vmem>>[vector<16xi32>, vector<16xi32>], vector<16xf32>,
      tpu.vector_store_idx %arg11[%add3A_12, %broadcast_in_dim3A_2180], %gather3A_2212 : memref<32x512xf32, #tpu.memory_space<vmem>>[vector<16xi32>, vector<16xi32>], vector<16xf32>,
      %slice3A_2213 = vector.extract_strided_slice %get3A_701 {offsets = [15], sizes = [1], strides = [1]} : vector<16xi32> to vector<1xi32>
      %squeeze3A_2214 = vector.extract %slice3A_2213[0] : i32 from vector<1xi32>
      %shift_right_logical3A_2215 = arith.constant 7 : i32
      %shift_right_logical3A_2216 = arith.shrui %squeeze3A_2214, %shift_right_logical3A_2215 : i32
      %mul3A_2217 = arith.constant 128 : i32
      %mul3A_2218 = arith.muli %shift_right_logical3A_2216, %mul3A_2217 : i32
      %multiple_of3A_2219 = tpu.assume_multiple %mul3A_2218, 128 : i32
      %dma_start3A_2220 = arith.constant 7 : i32
      %dma_start3A_2221 = arith.constant 0 : i32
      %dma_start3A_2222 = arith.constant 0 : i32
      %dma_start3A_2223 = arith.constant 0 : i32
      %dma_start3A_2224 = arith.constant 0 : i32
      %dma_start3A_2225 = tpu.memref_slice %arg9[%dma_start3A_2220, %dma_start3A_2221, %dma_start3A_2222, %dma_start3A_2223, %dma_start3A_2224] : memref<8x2x4x8x128xf32, #tpu.memory_space<vmem>> -> memref<1x1x4x8x128xf32, #tpu.memory_space<vmem>>
      %dma_start3A_2226 = tpu.memref_squeeze %dma_start3A_2225 : memref<1x1x4x8x128xf32, #tpu.memory_space<vmem>> -> memref<4x8x128xf32, #tpu.memory_space<vmem>>
      %dma_start3A_2227 = arith.constant 0 : i32
      %dma_start3A_2228 = arith.constant 0 : i32
      %dma_start3A_2229 = tpu.memref_slice %arg4[%dma_start3A_2227, %dma_start3A_2228, %multiple_of3A_2219] : memref<4x8x1000000xf32, #tpu.memory_space<hbm>> -> memref<4x8x128xf32, #tpu.memory_space<hbm>>
      %dma_start3A_2230 = arith.constant 0 : i32
      %dma_start3A_2231 = arith.constant 0 : i32
      %dma_start3A_2232 = arith.constant 0 : i32
      %dma_start3A_2233 = tpu.memref_slice %arg9[%dma_start3A_2220, %dma_start3A_2221, %dma_start3A_2230, %dma_start3A_2231, %dma_start3A_2232] : memref<8x2x4x8x128xf32, #tpu.memory_space<vmem>> -> memref<1x1x4x8x128xf32, #tpu.memory_space<vmem>>
      %dma_start3A_2234 = tpu.memref_squeeze %dma_start3A_2233 : memref<1x1x4x8x128xf32, #tpu.memory_space<vmem>> -> memref<4x8x128xf32, #tpu.memory_space<vmem>>
      %dma_start3A_2235 = arith.constant 0 : i32
      %dma_start3A_2236 = arith.constant 0 : i32
      %dma_start3A_2237 = tpu.memref_slice %arg4[%dma_start3A_2235, %dma_start3A_2236, %multiple_of3A_2219] : memref<4x8x1000000xf32, #tpu.memory_space<hbm>> -> memref<4x8x128xf32, #tpu.memory_space<hbm>>
      tpu.enqueue_dma source(%dma_start3A_2237 : memref<4x8x128xf32, #tpu.memory_space<hbm>>) target(%dma_start3A_2234 : memref<4x8x128xf32, #tpu.memory_space<vmem>>) target_semaphore(%arg20 : memref<!tpu.dma_semaphore, #tpu.memory_space<semaphore_mem>>)
      %slice3A_2238 = vector.extract_strided_slice %get3A_705 {offsets = [15], sizes = [1], strides = [1]} : vector<16xi32> to vector<1xi32>
      %squeeze3A_2239 = vector.extract %slice3A_2238[0] : i32 from vector<1xi32>
      %shift_right_logical3A_2240 = arith.constant 7 : i32
      %shift_right_logical3A_2241 = arith.shrui %squeeze3A_2239, %shift_right_logical3A_2240 : i32
      %mul3A_2242 = arith.constant 128 : i32
      %mul3A_2243 = arith.muli %shift_right_logical3A_2241, %mul3A_2242 : i32
      %multiple_of3A_2244 = tpu.assume_multiple %mul3A_2243, 128 : i32
      %dma_start3A_2245 = arith.constant 7 : i32
      %dma_start3A_2246 = arith.constant 1 : i32
      %dma_start3A_2247 = arith.constant 0 : i32
      %dma_start3A_2248 = arith.constant 0 : i32
      %dma_start3A_2249 = arith.constant 0 : i32
      %dma_start3A_2250 = tpu.memref_slice %arg9[%dma_start3A_2245, %dma_start3A_2246, %dma_start3A_2247, %dma_start3A_2248, %dma_start3A_2249] : memref<8x2x4x8x128xf32, #tpu.memory_space<vmem>> -> memref<1x1x4x8x128xf32, #tpu.memory_space<vmem>>
      %dma_start3A_2251 = tpu.memref_squeeze %dma_start3A_2250 : memref<1x1x4x8x128xf32, #tpu.memory_space<vmem>> -> memref<4x8x128xf32, #tpu.memory_space<vmem>>
      %dma_start3A_2252 = arith.constant 0 : i32
      %dma_start3A_2253 = arith.constant 0 : i32
      %dma_start3A_2254 = tpu.memref_slice %arg5[%dma_start3A_2252, %dma_start3A_2253, %multiple_of3A_2244] : memref<4x8x1000000xf32, #tpu.memory_space<hbm>> -> memref<4x8x128xf32, #tpu.memory_space<hbm>>
      %dma_start3A_2255 = arith.constant 0 : i32
      %dma_start3A_2256 = arith.constant 0 : i32
      %dma_start3A_2257 = arith.constant 0 : i32
      %dma_start3A_2258 = tpu.memref_slice %arg9[%dma_start3A_2245, %dma_start3A_2246, %dma_start3A_2255, %dma_start3A_2256, %dma_start3A_2257] : memref<8x2x4x8x128xf32, #tpu.memory_space<vmem>> -> memref<1x1x4x8x128xf32, #tpu.memory_space<vmem>>
      %dma_start3A_2259 = tpu.memref_squeeze %dma_start3A_2258 : memref<1x1x4x8x128xf32, #tpu.memory_space<vmem>> -> memref<4x8x128xf32, #tpu.memory_space<vmem>>
      %dma_start3A_2260 = arith.constant 0 : i32
      %dma_start3A_2261 = arith.constant 0 : i32
      %dma_start3A_2262 = tpu.memref_slice %arg5[%dma_start3A_2260, %dma_start3A_2261, %multiple_of3A_2244] : memref<4x8x1000000xf32, #tpu.memory_space<hbm>> -> memref<4x8x128xf32, #tpu.memory_space<hbm>>
      tpu.enqueue_dma source(%dma_start3A_2262 : memref<4x8x128xf32, #tpu.memory_space<hbm>>) target(%dma_start3A_2259 : memref<4x8x128xf32, #tpu.memory_space<vmem>>) target_semaphore(%arg20 : memref<!tpu.dma_semaphore, #tpu.memory_space<semaphore_mem>>)
      %scan3A_2263 = arith.constant 0 : i32
      scf.yield %scan3A_2263 : i32
    }
    %scan3A_18 = arith.constant 32 : i32
    %get3A = arith.constant 496 : index
    %get3A_19 = tpu.vector_load %arg7[%get3A] {strides = array<i32>} : memref<512xi32, #tpu.memory_space<vmem>>, vector<16xi32>,
    %get3A_20 = arith.constant 496 : index
    %get3A_21 = tpu.vector_load %arg8[%get3A_20] {strides = array<i32>} : memref<512xi32, #tpu.memory_space<vmem>>, vector<16xi32>,
    %slice3A = vector.extract_strided_slice %get3A_19 {offsets = [8], sizes = [1], strides = [1]} : vector<16xi32> to vector<1xi32>
    %squeeze3A = vector.extract %slice3A[0] : i32 from vector<1xi32>
    %slice3A_22 = vector.extract_strided_slice %get3A_21 {offsets = [8], sizes = [1], strides = [1]} : vector<16xi32> to vector<1xi32>
    %squeeze3A_23 = vector.extract %slice3A_22[0] : i32 from vector<1xi32>
    %dma_wait3A = arith.constant 0 : i32
    %dma_wait3A_24 = arith.constant 0 : i32
    %dma_wait3A_25 = arith.constant 0 : i32
    %dma_wait3A_26 = arith.constant 0 : i32
    %dma_wait3A_27 = arith.constant 0 : i32
    %dma_wait3A_28 = tpu.memref_slice %arg9[%dma_wait3A, %dma_wait3A_24, %dma_wait3A_25, %dma_wait3A_26, %dma_wait3A_27] : memref<8x2x4x8x128xf32, #tpu.memory_space<vmem>> -> memref<1x1x4x8x128xf32, #tpu.memory_space<vmem>>
    %dma_wait3A_29 = tpu.memref_squeeze %dma_wait3A_28 : memref<1x1x4x8x128xf32, #tpu.memory_space<vmem>> -> memref<4x8x128xf32, #tpu.memory_space<vmem>>
    %dma_wait3A_30 = arith.constant 0 : i32
    %dma_wait3A_31 = arith.constant 0 : i32
    %dma_wait3A_32 = arith.constant 0 : i32
    %dma_wait3A_33 = tpu.memref_slice %arg4[%dma_wait3A_30, %dma_wait3A_31, %dma_wait3A_32] : memref<4x8x1000000xf32, #tpu.memory_space<hbm>> -> memref<4x8x128xf32, #tpu.memory_space<hbm>>
    %dma_wait3A_34 = arith.constant 0 : i32
    %dma_wait3A_35 = arith.constant 0 : i32
    %dma_wait3A_36 = arith.constant 0 : i32
    %dma_wait3A_37 = tpu.memref_slice %arg9[%dma_wait3A, %dma_wait3A_24, %dma_wait3A_34, %dma_wait3A_35, %dma_wait3A_36] : memref<8x2x4x8x128xf32, #tpu.memory_space<vmem>> -> memref<1x1x4x8x128xf32, #tpu.memory_space<vmem>>
    %dma_wait3A_38 = tpu.memref_squeeze %dma_wait3A_37 : memref<1x1x4x8x128xf32, #tpu.memory_space<vmem>> -> memref<4x8x128xf32, #tpu.memory_space<vmem>>
    %dma_wait3A_39 = arith.constant 0 : i32
    %dma_wait3A_40 = arith.constant 0 : i32
    %dma_wait3A_41 = arith.constant 0 : i32
    %dma_wait3A_42 = tpu.memref_slice %arg4[%dma_wait3A_39, %dma_wait3A_40, %dma_wait3A_41] : memref<4x8x1000000xf32, #tpu.memory_space<hbm>> -> memref<4x8x128xf32, #tpu.memory_space<hbm>>
    tpu.wait_dma2 semaphore(%arg13 : memref<!tpu.dma_semaphore, #tpu.memory_space<semaphore_mem>>) src(%dma_wait3A_42 : memref<4x8x128xf32, #tpu.memory_space<hbm>>) dst(%dma_wait3A_38 : memref<4x8x128xf32, #tpu.memory_space<vmem>>)
    %dma_wait3A_43 = arith.constant 0 : i32
    %dma_wait3A_44 = arith.constant 1 : i32
    %dma_wait3A_45 = arith.constant 0 : i32
    %dma_wait3A_46 = arith.constant 0 : i32
    %dma_wait3A_47 = arith.constant 0 : i32
    %dma_wait3A_48 = tpu.memref_slice %arg9[%dma_wait3A_43, %dma_wait3A_44, %dma_wait3A_45, %dma_wait3A_46, %dma_wait3A_47] : memref<8x2x4x8x128xf32, #tpu.memory_space<vmem>> -> memref<1x1x4x8x128xf32, #tpu.memory_space<vmem>>
    %dma_wait3A_49 = tpu.memref_squeeze %dma_wait3A_48 : memref<1x1x4x8x128xf32, #tpu.memory_space<vmem>> -> memref<4x8x128xf32, #tpu.memory_space<vmem>>
    %dma_wait3A_50 = arith.constant 0 : i32
    %dma_wait3A_51 = arith.constant 0 : i32
    %dma_wait3A_52 = arith.constant 0 : i32
    %dma_wait3A_53 = tpu.memref_slice %arg4[%dma_wait3A_50, %dma_wait3A_51, %dma_wait3A_52] : memref<4x8x1000000xf32, #tpu.memory_space<hbm>> -> memref<4x8x128xf32, #tpu.memory_space<hbm>>
    %dma_wait3A_54 = arith.constant 0 : i32
    %dma_wait3A_55 = arith.constant 0 : i32
    %dma_wait3A_56 = arith.constant 0 : i32
    %dma_wait3A_57 = tpu.memref_slice %arg9[%dma_wait3A_43, %dma_wait3A_44, %dma_wait3A_54, %dma_wait3A_55, %dma_wait3A_56] : memref<8x2x4x8x128xf32, #tpu.memory_space<vmem>> -> memref<1x1x4x8x128xf32, #tpu.memory_space<vmem>>
    %dma_wait3A_58 = tpu.memref_squeeze %dma_wait3A_57 : memref<1x1x4x8x128xf32, #tpu.memory_space<vmem>> -> memref<4x8x128xf32, #tpu.memory_space<vmem>>
    %dma_wait3A_59 = arith.constant 0 : i32
    %dma_wait3A_60 = arith.constant 0 : i32
    %dma_wait3A_61 = arith.constant 0 : i32
    %dma_wait3A_62 = tpu.memref_slice %arg4[%dma_wait3A_59, %dma_wait3A_60, %dma_wait3A_61] : memref<4x8x1000000xf32, #tpu.memory_space<hbm>> -> memref<4x8x128xf32, #tpu.memory_space<hbm>>
    tpu.wait_dma2 semaphore(%arg13 : memref<!tpu.dma_semaphore, #tpu.memory_space<semaphore_mem>>) src(%dma_wait3A_62 : memref<4x8x128xf32, #tpu.memory_space<hbm>>) dst(%dma_wait3A_58 : memref<4x8x128xf32, #tpu.memory_space<vmem>>)
    %and3A_63 = arith.constant 127 : i32
    %and3A_64 = arith.andi %squeeze3A, %and3A_63 : i32
    %broadcast_in_dim3A = vector.broadcast %and3A_64 : i32 to vector<16xi32>
    %and3A_65 = arith.constant 127 : i32
    %and3A_66 = arith.andi %squeeze3A_23, %and3A_65 : i32
    %broadcast_in_dim3A_67 = vector.broadcast %and3A_66 : i32 to vector<16xi32>
    %broadcast_in_dim3A_68 = arith.constant 504 : i32
    %broadcast_in_dim3A_69 = vector.broadcast %broadcast_in_dim3A_68 : i32 to vector<16xi32>
    %gather3A = arith.constant 0 : i32
    %gather3A_70 = arith.constant 0 : i32
    %gather3A_71 = arith.constant 0 : i32
    %gather3A_72 = arith.constant 0 : i32
    %gather3A_73 = arith.constant 0 : i32
    %gather3A_74 = tpu.memref_slice %arg9[%gather3A, %gather3A_70, %gather3A_71, %gather3A_72, %gather3A_73] : memref<8x2x4x8x128xf32, #tpu.memory_space<vmem>> -> memref<1x1x4x8x128xf32, #tpu.memory_space<vmem>>
    %gather3A_75 = tpu.memref_squeeze %gather3A_74 : memref<1x1x4x8x128xf32, #tpu.memory_space<vmem>> -> memref<4x8x128xf32, #tpu.memory_space<vmem>>
    %gather3A_76 = tpu.vector_load_idx %gather3A_75[%shift_right_logical3A_4, %and3A_6, %broadcast_in_dim3A] : memref<4x8x128xf32, #tpu.memory_space<vmem>>[vector<16xi32>, vector<16xi32>, vector<16xi32>], vector<16xf32>,
    %gather3A_77 = arith.constant 0 : i32
    %gather3A_78 = arith.constant 0 : i32
    %gather3A_79 = arith.constant 0 : i32
    %gather3A_80 = arith.constant 0 : i32
    %gather3A_81 = arith.constant 0 : i32
    %gather3A_82 = tpu.memref_slice %arg9[%gather3A_77, %gather3A_78, %gather3A_79, %gather3A_80, %gather3A_81] : memref<8x2x4x8x128xf32, #tpu.memory_space<vmem>> -> memref<1x1x4x8x128xf32, #tpu.memory_space<vmem>>
    %gather3A_83 = tpu.memref_squeeze %gather3A_82 : memref<1x1x4x8x128xf32, #tpu.memory_space<vmem>> -> memref<4x8x128xf32, #tpu.memory_space<vmem>>
    %gather3A_84 = tpu.vector_load_idx %gather3A_83[%add3A_9, %and3A_6, %broadcast_in_dim3A] : memref<4x8x128xf32, #tpu.memory_space<vmem>>[vector<16xi32>, vector<16xi32>, vector<16xi32>], vector<16xf32>,
    %gather3A_85 = arith.constant 0 : i32
    %gather3A_86 = arith.constant 1 : i32
    %gather3A_87 = arith.constant 0 : i32
    %gather3A_88 = arith.constant 0 : i32
    %gather3A_89 = arith.constant 0 : i32
    %gather3A_90 = tpu.memref_slice %arg9[%gather3A_85, %gather3A_86, %gather3A_87, %gather3A_88, %gather3A_89] : memref<8x2x4x8x128xf32, #tpu.memory_space<vmem>> -> memref<1x1x4x8x128xf32, #tpu.memory_space<vmem>>
    %gather3A_91 = tpu.memref_squeeze %gather3A_90 : memref<1x1x4x8x128xf32, #tpu.memory_space<vmem>> -> memref<4x8x128xf32, #tpu.memory_space<vmem>>
    %gather3A_92 = tpu.vector_load_idx %gather3A_91[%shift_right_logical3A_4, %and3A_6, %broadcast_in_dim3A_67] : memref<4x8x128xf32, #tpu.memory_space<vmem>>[vector<16xi32>, vector<16xi32>, vector<16xi32>], vector<16xf32>,
    %gather3A_93 = arith.constant 0 : i32
    %gather3A_94 = arith.constant 1 : i32
    %gather3A_95 = arith.constant 0 : i32
    %gather3A_96 = arith.constant 0 : i32
    %gather3A_97 = arith.constant 0 : i32
    %gather3A_98 = tpu.memref_slice %arg9[%gather3A_93, %gather3A_94, %gather3A_95, %gather3A_96, %gather3A_97] : memref<8x2x4x8x128xf32, #tpu.memory_space<vmem>> -> memref<1x1x4x8x128xf32, #tpu.memory_space<vmem>>
    %gather3A_99 = tpu.memref_squeeze %gather3A_98 : memref<1x1x4x8x128xf32, #tpu.memory_space<vmem>> -> memref<4x8x128xf32, #tpu.memory_space<vmem>>
    %gather3A_100 = tpu.vector_load_idx %gather3A_99[%add3A_9, %and3A_6, %broadcast_in_dim3A_67] : memref<4x8x128xf32, #tpu.memory_space<vmem>>[vector<16xi32>, vector<16xi32>, vector<16xi32>], vector<16xf32>,
    tpu.vector_store_idx %arg10[%iota3A, %broadcast_in_dim3A_69], %gather3A_76 : memref<32x512xf32, #tpu.memory_space<vmem>>[vector<16xi32>, vector<16xi32>], vector<16xf32>,
    tpu.vector_store_idx %arg10[%add3A_12, %broadcast_in_dim3A_69], %gather3A_84 : memref<32x512xf32, #tpu.memory_space<vmem>>[vector<16xi32>, vector<16xi32>], vector<16xf32>,
    tpu.vector_store_idx %arg11[%iota3A, %broadcast_in_dim3A_69], %gather3A_92 : memref<32x512xf32, #tpu.memory_space<vmem>>[vector<16xi32>, vector<16xi32>], vector<16xf32>,
    tpu.vector_store_idx %arg11[%add3A_12, %broadcast_in_dim3A_69], %gather3A_100 : memref<32x512xf32, #tpu.memory_space<vmem>>[vector<16xi32>, vector<16xi32>], vector<16xf32>,
    %slice3A_101 = vector.extract_strided_slice %get3A_19 {offsets = [9], sizes = [1], strides = [1]} : vector<16xi32> to vector<1xi32>
    %squeeze3A_102 = vector.extract %slice3A_101[0] : i32 from vector<1xi32>
    %slice3A_103 = vector.extract_strided_slice %get3A_21 {offsets = [9], sizes = [1], strides = [1]} : vector<16xi32> to vector<1xi32>
    %squeeze3A_104 = vector.extract %slice3A_103[0] : i32 from vector<1xi32>
    %dma_wait3A_105 = arith.constant 1 : i32
    %dma_wait3A_106 = arith.constant 0 : i32
    %dma_wait3A_107 = arith.constant 0 : i32
    %dma_wait3A_108 = arith.constant 0 : i32
    %dma_wait3A_109 = arith.constant 0 : i32
    %dma_wait3A_110 = tpu.memref_slice %arg9[%dma_wait3A_105, %dma_wait3A_106, %dma_wait3A_107, %dma_wait3A_108, %dma_wait3A_109] : memref<8x2x4x8x128xf32, #tpu.memory_space<vmem>> -> memref<1x1x4x8x128xf32, #tpu.memory_space<vmem>>
    %dma_wait3A_111 = tpu.memref_squeeze %dma_wait3A_110 : memref<1x1x4x8x128xf32, #tpu.memory_space<vmem>> -> memref<4x8x128xf32, #tpu.memory_space<vmem>>
    %dma_wait3A_112 = arith.constant 0 : i32
    %dma_wait3A_113 = arith.constant 0 : i32
    %dma_wait3A_114 = arith.constant 0 : i32
    %dma_wait3A_115 = tpu.memref_slice %arg4[%dma_wait3A_112, %dma_wait3A_113, %dma_wait3A_114] : memref<4x8x1000000xf32, #tpu.memory_space<hbm>> -> memref<4x8x128xf32, #tpu.memory_space<hbm>>
    %dma_wait3A_116 = arith.constant 0 : i32
    %dma_wait3A_117 = arith.constant 0 : i32
    %dma_wait3A_118 = arith.constant 0 : i32
    %dma_wait3A_119 = tpu.memref_slice %arg9[%dma_wait3A_105, %dma_wait3A_106, %dma_wait3A_116, %dma_wait3A_117, %dma_wait3A_118] : memref<8x2x4x8x128xf32, #tpu.memory_space<vmem>> -> memref<1x1x4x8x128xf32, #tpu.memory_space<vmem>>
    %dma_wait3A_120 = tpu.memref_squeeze %dma_wait3A_119 : memref<1x1x4x8x128xf32, #tpu.memory_space<vmem>> -> memref<4x8x128xf32, #tpu.memory_space<vmem>>
    %dma_wait3A_121 = arith.constant 0 : i32
    %dma_wait3A_122 = arith.constant 0 : i32
    %dma_wait3A_123 = arith.constant 0 : i32
    %dma_wait3A_124 = tpu.memref_slice %arg4[%dma_wait3A_121, %dma_wait3A_122, %dma_wait3A_123] : memref<4x8x1000000xf32, #tpu.memory_space<hbm>> -> memref<4x8x128xf32, #tpu.memory_space<hbm>>
    tpu.wait_dma2 semaphore(%arg14 : memref<!tpu.dma_semaphore, #tpu.memory_space<semaphore_mem>>) src(%dma_wait3A_124 : memref<4x8x128xf32, #tpu.memory_space<hbm>>) dst(%dma_wait3A_120 : memref<4x8x128xf32, #tpu.memory_space<vmem>>)
    %dma_wait3A_125 = arith.constant 1 : i32
    %dma_wait3A_126 = arith.constant 1 : i32
    %dma_wait3A_127 = arith.constant 0 : i32
    %dma_wait3A_128 = arith.constant 0 : i32
    %dma_wait3A_129 = arith.constant 0 : i32
    %dma_wait3A_130 = tpu.memref_slice %arg9[%dma_wait3A_125, %dma_wait3A_126, %dma_wait3A_127, %dma_wait3A_128, %dma_wait3A_129] : memref<8x2x4x8x128xf32, #tpu.memory_space<vmem>> -> memref<1x1x4x8x128xf32, #tpu.memory_space<vmem>>
    %dma_wait3A_131 = tpu.memref_squeeze %dma_wait3A_130 : memref<1x1x4x8x128xf32, #tpu.memory_space<vmem>> -> memref<4x8x128xf32, #tpu.memory_space<vmem>>
    %dma_wait3A_132 = arith.constant 0 : i32
    %dma_wait3A_133 = arith.constant 0 : i32
    %dma_wait3A_134 = arith.constant 0 : i32
    %dma_wait3A_135 = tpu.memref_slice %arg4[%dma_wait3A_132, %dma_wait3A_133, %dma_wait3A_134] : memref<4x8x1000000xf32, #tpu.memory_space<hbm>> -> memref<4x8x128xf32, #tpu.memory_space<hbm>>
    %dma_wait3A_136 = arith.constant 0 : i32
    %dma_wait3A_137 = arith.constant 0 : i32
    %dma_wait3A_138 = arith.constant 0 : i32
    %dma_wait3A_139 = tpu.memref_slice %arg9[%dma_wait3A_125, %dma_wait3A_126, %dma_wait3A_136, %dma_wait3A_137, %dma_wait3A_138] : memref<8x2x4x8x128xf32, #tpu.memory_space<vmem>> -> memref<1x1x4x8x128xf32, #tpu.memory_space<vmem>>
    %dma_wait3A_140 = tpu.memref_squeeze %dma_wait3A_139 : memref<1x1x4x8x128xf32, #tpu.memory_space<vmem>> -> memref<4x8x128xf32, #tpu.memory_space<vmem>>
    %dma_wait3A_141 = arith.constant 0 : i32
    %dma_wait3A_142 = arith.constant 0 : i32
    %dma_wait3A_143 = arith.constant 0 : i32
    %dma_wait3A_144 = tpu.memref_slice %arg4[%dma_wait3A_141, %dma_wait3A_142, %dma_wait3A_143] : memref<4x8x1000000xf32, #tpu.memory_space<hbm>> -> memref<4x8x128xf32, #tpu.memory_space<hbm>>
    tpu.wait_dma2 semaphore(%arg14 : memref<!tpu.dma_semaphore, #tpu.memory_space<semaphore_mem>>) src(%dma_wait3A_144 : memref<4x8x128xf32, #tpu.memory_space<hbm>>) dst(%dma_wait3A_140 : memref<4x8x128xf32, #tpu.memory_space<vmem>>)
    %and3A_145 = arith.constant 127 : i32
    %and3A_146 = arith.andi %squeeze3A_102, %and3A_145 : i32
    %broadcast_in_dim3A_147 = vector.broadcast %and3A_146 : i32 to vector<16xi32>
    %and3A_148 = arith.constant 127 : i32
    %and3A_149 = arith.andi %squeeze3A_104, %and3A_148 : i32
    %broadcast_in_dim3A_150 = vector.broadcast %and3A_149 : i32 to vector<16xi32>
    %broadcast_in_dim3A_151 = arith.constant 505 : i32
    %broadcast_in_dim3A_152 = vector.broadcast %broadcast_in_dim3A_151 : i32 to vector<16xi32>
    %gather3A_153 = arith.constant 1 : i32
    %gather3A_154 = arith.constant 0 : i32
    %gather3A_155 = arith.constant 0 : i32
    %gather3A_156 = arith.constant 0 : i32
    %gather3A_157 = arith.constant 0 : i32
    %gather3A_158 = tpu.memref_slice %arg9[%gather3A_153, %gather3A_154, %gather3A_155, %gather3A_156, %gather3A_157] : memref<8x2x4x8x128xf32, #tpu.memory_space<vmem>> -> memref<1x1x4x8x128xf32, #tpu.memory_space<vmem>>
    %gather3A_159 = tpu.memref_squeeze %gather3A_158 : memref<1x1x4x8x128xf32, #tpu.memory_space<vmem>> -> memref<4x8x128xf32, #tpu.memory_space<vmem>>
    %gather3A_160 = tpu.vector_load_idx %gather3A_159[%shift_right_logical3A_4, %and3A_6, %broadcast_in_dim3A_147] : memref<4x8x128xf32, #tpu.memory_space<vmem>>[vector<16xi32>, vector<16xi32>, vector<16xi32>], vector<16xf32>,
    %gather3A_161 = arith.constant 1 : i32
    %gather3A_162 = arith.constant 0 : i32
    %gather3A_163 = arith.constant 0 : i32
    %gather3A_164 = arith.constant 0 : i32
    %gather3A_165 = arith.constant 0 : i32
    %gather3A_166 = tpu.memref_slice %arg9[%gather3A_161, %gather3A_162, %gather3A_163, %gather3A_164, %gather3A_165] : memref<8x2x4x8x128xf32, #tpu.memory_space<vmem>> -> memref<1x1x4x8x128xf32, #tpu.memory_space<vmem>>
    %gather3A_167 = tpu.memref_squeeze %gather3A_166 : memref<1x1x4x8x128xf32, #tpu.memory_space<vmem>> -> memref<4x8x128xf32, #tpu.memory_space<vmem>>
    %gather3A_168 = tpu.vector_load_idx %gather3A_167[%add3A_9, %and3A_6, %broadcast_in_dim3A_147] : memref<4x8x128xf32, #tpu.memory_space<vmem>>[vector<16xi32>, vector<16xi32>, vector<16xi32>], vector<16xf32>,
    %gather3A_169 = arith.constant 1 : i32
    %gather3A_170 = arith.constant 1 : i32
    %gather3A_171 = arith.constant 0 : i32
    %gather3A_172 = arith.constant 0 : i32
    %gather3A_173 = arith.constant 0 : i32
    %gather3A_174 = tpu.memref_slice %arg9[%gather3A_169, %gather3A_170, %gather3A_171, %gather3A_172, %gather3A_173] : memref<8x2x4x8x128xf32, #tpu.memory_space<vmem>> -> memref<1x1x4x8x128xf32, #tpu.memory_space<vmem>>
    %gather3A_175 = tpu.memref_squeeze %gather3A_174 : memref<1x1x4x8x128xf32, #tpu.memory_space<vmem>> -> memref<4x8x128xf32, #tpu.memory_space<vmem>>
    %gather3A_176 = tpu.vector_load_idx %gather3A_175[%shift_right_logical3A_4, %and3A_6, %broadcast_in_dim3A_150] : memref<4x8x128xf32, #tpu.memory_space<vmem>>[vector<16xi32>, vector<16xi32>, vector<16xi32>], vector<16xf32>,
    %gather3A_177 = arith.constant 1 : i32
    %gather3A_178 = arith.constant 1 : i32
    %gather3A_179 = arith.constant 0 : i32
    %gather3A_180 = arith.constant 0 : i32
    %gather3A_181 = arith.constant 0 : i32
    %gather3A_182 = tpu.memref_slice %arg9[%gather3A_177, %gather3A_178, %gather3A_179, %gather3A_180, %gather3A_181] : memref<8x2x4x8x128xf32, #tpu.memory_space<vmem>> -> memref<1x1x4x8x128xf32, #tpu.memory_space<vmem>>
    %gather3A_183 = tpu.memref_squeeze %gather3A_182 : memref<1x1x4x8x128xf32, #tpu.memory_space<vmem>> -> memref<4x8x128xf32, #tpu.memory_space<vmem>>
    %gather3A_184 = tpu.vector_load_idx %gather3A_183[%add3A_9, %and3A_6, %broadcast_in_dim3A_150] : memref<4x8x128xf32, #tpu.memory_space<vmem>>[vector<16xi32>, vector<16xi32>, vector<16xi32>], vector<16xf32>,
    tpu.vector_store_idx %arg10[%iota3A, %broadcast_in_dim3A_152], %gather3A_160 : memref<32x512xf32, #tpu.memory_space<vmem>>[vector<16xi32>, vector<16xi32>], vector<16xf32>,
    tpu.vector_store_idx %arg10[%add3A_12, %broadcast_in_dim3A_152], %gather3A_168 : memref<32x512xf32, #tpu.memory_space<vmem>>[vector<16xi32>, vector<16xi32>], vector<16xf32>,
    tpu.vector_store_idx %arg11[%iota3A, %broadcast_in_dim3A_152], %gather3A_176 : memref<32x512xf32, #tpu.memory_space<vmem>>[vector<16xi32>, vector<16xi32>], vector<16xf32>,
    tpu.vector_store_idx %arg11[%add3A_12, %broadcast_in_dim3A_152], %gather3A_184 : memref<32x512xf32, #tpu.memory_space<vmem>>[vector<16xi32>, vector<16xi32>], vector<16xf32>,
    %slice3A_185 = vector.extract_strided_slice %get3A_19 {offsets = [10], sizes = [1], strides = [1]} : vector<16xi32> to vector<1xi32>
    %squeeze3A_186 = vector.extract %slice3A_185[0] : i32 from vector<1xi32>
    %slice3A_187 = vector.extract_strided_slice %get3A_21 {offsets = [10], sizes = [1], strides = [1]} : vector<16xi32> to vector<1xi32>
    %squeeze3A_188 = vector.extract %slice3A_187[0] : i32 from vector<1xi32>
    %dma_wait3A_189 = arith.constant 2 : i32
    %dma_wait3A_190 = arith.constant 0 : i32
    %dma_wait3A_191 = arith.constant 0 : i32
    %dma_wait3A_192 = arith.constant 0 : i32
    %dma_wait3A_193 = arith.constant 0 : i32
    %dma_wait3A_194 = tpu.memref_slice %arg9[%dma_wait3A_189, %dma_wait3A_190, %dma_wait3A_191, %dma_wait3A_192, %dma_wait3A_193] : memref<8x2x4x8x128xf32, #tpu.memory_space<vmem>> -> memref<1x1x4x8x128xf32, #tpu.memory_space<vmem>>
    %dma_wait3A_195 = tpu.memref_squeeze %dma_wait3A_194 : memref<1x1x4x8x128xf32, #tpu.memory_space<vmem>> -> memref<4x8x128xf32, #tpu.memory_space<vmem>>
    %dma_wait3A_196 = arith.constant 0 : i32
    %dma_wait3A_197 = arith.constant 0 : i32
    %dma_wait3A_198 = arith.constant 0 : i32
    %dma_wait3A_199 = tpu.memref_slice %arg4[%dma_wait3A_196, %dma_wait3A_197, %dma_wait3A_198] : memref<4x8x1000000xf32, #tpu.memory_space<hbm>> -> memref<4x8x128xf32, #tpu.memory_space<hbm>>
    %dma_wait3A_200 = arith.constant 0 : i32
    %dma_wait3A_201 = arith.constant 0 : i32
    %dma_wait3A_202 = arith.constant 0 : i32
    %dma_wait3A_203 = tpu.memref_slice %arg9[%dma_wait3A_189, %dma_wait3A_190, %dma_wait3A_200, %dma_wait3A_201, %dma_wait3A_202] : memref<8x2x4x8x128xf32, #tpu.memory_space<vmem>> -> memref<1x1x4x8x128xf32, #tpu.memory_space<vmem>>
    %dma_wait3A_204 = tpu.memref_squeeze %dma_wait3A_203 : memref<1x1x4x8x128xf32, #tpu.memory_space<vmem>> -> memref<4x8x128xf32, #tpu.memory_space<vmem>>
    %dma_wait3A_205 = arith.constant 0 : i32
    %dma_wait3A_206 = arith.constant 0 : i32
    %dma_wait3A_207 = arith.constant 0 : i32
    %dma_wait3A_208 = tpu.memref_slice %arg4[%dma_wait3A_205, %dma_wait3A_206, %dma_wait3A_207] : memref<4x8x1000000xf32, #tpu.memory_space<hbm>> -> memref<4x8x128xf32, #tpu.memory_space<hbm>>
    tpu.wait_dma2 semaphore(%arg15 : memref<!tpu.dma_semaphore, #tpu.memory_space<semaphore_mem>>) src(%dma_wait3A_208 : memref<4x8x128xf32, #tpu.memory_space<hbm>>) dst(%dma_wait3A_204 : memref<4x8x128xf32, #tpu.memory_space<vmem>>)
    %dma_wait3A_209 = arith.constant 2 : i32
    %dma_wait3A_210 = arith.constant 1 : i32
    %dma_wait3A_211 = arith.constant 0 : i32
    %dma_wait3A_212 = arith.constant 0 : i32
    %dma_wait3A_213 = arith.constant 0 : i32
    %dma_wait3A_214 = tpu.memref_slice %arg9[%dma_wait3A_209, %dma_wait3A_210, %dma_wait3A_211, %dma_wait3A_212, %dma_wait3A_213] : memref<8x2x4x8x128xf32, #tpu.memory_space<vmem>> -> memref<1x1x4x8x128xf32, #tpu.memory_space<vmem>>
    %dma_wait3A_215 = tpu.memref_squeeze %dma_wait3A_214 : memref<1x1x4x8x128xf32, #tpu.memory_space<vmem>> -> memref<4x8x128xf32, #tpu.memory_space<vmem>>
    %dma_wait3A_216 = arith.constant 0 : i32
    %dma_wait3A_217 = arith.constant 0 : i32
    %dma_wait3A_218 = arith.constant 0 : i32
    %dma_wait3A_219 = tpu.memref_slice %arg4[%dma_wait3A_216, %dma_wait3A_217, %dma_wait3A_218] : memref<4x8x1000000xf32, #tpu.memory_space<hbm>> -> memref<4x8x128xf32, #tpu.memory_space<hbm>>
    %dma_wait3A_220 = arith.constant 0 : i32
    %dma_wait3A_221 = arith.constant 0 : i32
    %dma_wait3A_222 = arith.constant 0 : i32
    %dma_wait3A_223 = tpu.memref_slice %arg9[%dma_wait3A_209, %dma_wait3A_210, %dma_wait3A_220, %dma_wait3A_221, %dma_wait3A_222] : memref<8x2x4x8x128xf32, #tpu.memory_space<vmem>> -> memref<1x1x4x8x128xf32, #tpu.memory_space<vmem>>
    %dma_wait3A_224 = tpu.memref_squeeze %dma_wait3A_223 : memref<1x1x4x8x128xf32, #tpu.memory_space<vmem>> -> memref<4x8x128xf32, #tpu.memory_space<vmem>>
    %dma_wait3A_225 = arith.constant 0 : i32
    %dma_wait3A_226 = arith.constant 0 : i32
    %dma_wait3A_227 = arith.constant 0 : i32
    %dma_wait3A_228 = tpu.memref_slice %arg4[%dma_wait3A_225, %dma_wait3A_226, %dma_wait3A_227] : memref<4x8x1000000xf32, #tpu.memory_space<hbm>> -> memref<4x8x128xf32, #tpu.memory_space<hbm>>
    tpu.wait_dma2 semaphore(%arg15 : memref<!tpu.dma_semaphore, #tpu.memory_space<semaphore_mem>>) src(%dma_wait3A_228 : memref<4x8x128xf32, #tpu.memory_space<hbm>>) dst(%dma_wait3A_224 : memref<4x8x128xf32, #tpu.memory_space<vmem>>)
    %and3A_229 = arith.constant 127 : i32
    %and3A_230 = arith.andi %squeeze3A_186, %and3A_229 : i32
    %broadcast_in_dim3A_231 = vector.broadcast %and3A_230 : i32 to vector<16xi32>
    %and3A_232 = arith.constant 127 : i32
    %and3A_233 = arith.andi %squeeze3A_188, %and3A_232 : i32
    %broadcast_in_dim3A_234 = vector.broadcast %and3A_233 : i32 to vector<16xi32>
    %broadcast_in_dim3A_235 = arith.constant 506 : i32
    %broadcast_in_dim3A_236 = vector.broadcast %broadcast_in_dim3A_235 : i32 to vector<16xi32>
    %gather3A_237 = arith.constant 2 : i32
    %gather3A_238 = arith.constant 0 : i32
    %gather3A_239 = arith.constant 0 : i32
    %gather3A_240 = arith.constant 0 : i32
    %gather3A_241 = arith.constant 0 : i32
    %gather3A_242 = tpu.memref_slice %arg9[%gather3A_237, %gather3A_238, %gather3A_239, %gather3A_240, %gather3A_241] : memref<8x2x4x8x128xf32, #tpu.memory_space<vmem>> -> memref<1x1x4x8x128xf32, #tpu.memory_space<vmem>>
    %gather3A_243 = tpu.memref_squeeze %gather3A_242 : memref<1x1x4x8x128xf32, #tpu.memory_space<vmem>> -> memref<4x8x128xf32, #tpu.memory_space<vmem>>
    %gather3A_244 = tpu.vector_load_idx %gather3A_243[%shift_right_logical3A_4, %and3A_6, %broadcast_in_dim3A_231] : memref<4x8x128xf32, #tpu.memory_space<vmem>>[vector<16xi32>, vector<16xi32>, vector<16xi32>], vector<16xf32>,
    %gather3A_245 = arith.constant 2 : i32
    %gather3A_246 = arith.constant 0 : i32
    %gather3A_247 = arith.constant 0 : i32
    %gather3A_248 = arith.constant 0 : i32
    %gather3A_249 = arith.constant 0 : i32
    %gather3A_250 = tpu.memref_slice %arg9[%gather3A_245, %gather3A_246, %gather3A_247, %gather3A_248, %gather3A_249] : memref<8x2x4x8x128xf32, #tpu.memory_space<vmem>> -> memref<1x1x4x8x128xf32, #tpu.memory_space<vmem>>
    %gather3A_251 = tpu.memref_squeeze %gather3A_250 : memref<1x1x4x8x128xf32, #tpu.memory_space<vmem>> -> memref<4x8x128xf32, #tpu.memory_space<vmem>>
    %gather3A_252 = tpu.vector_load_idx %gather3A_251[%add3A_9, %and3A_6, %broadcast_in_dim3A_231] : memref<4x8x128xf32, #tpu.memory_space<vmem>>[vector<16xi32>, vector<16xi32>, vector<16xi32>], vector<16xf32>,
    %gather3A_253 = arith.constant 2 : i32
    %gather3A_254 = arith.constant 1 : i32
    %gather3A_255 = arith.constant 0 : i32
    %gather3A_256 = arith.constant 0 : i32
    %gather3A_257 = arith.constant 0 : i32
    %gather3A_258 = tpu.memref_slice %arg9[%gather3A_253, %gather3A_254, %gather3A_255, %gather3A_256, %gather3A_257] : memref<8x2x4x8x128xf32, #tpu.memory_space<vmem>> -> memref<1x1x4x8x128xf32, #tpu.memory_space<vmem>>
    %gather3A_259 = tpu.memref_squeeze %gather3A_258 : memref<1x1x4x8x128xf32, #tpu.memory_space<vmem>> -> memref<4x8x128xf32, #tpu.memory_space<vmem>>
    %gather3A_260 = tpu.vector_load_idx %gather3A_259[%shift_right_logical3A_4, %and3A_6, %broadcast_in_dim3A_234] : memref<4x8x128xf32, #tpu.memory_space<vmem>>[vector<16xi32>, vector<16xi32>, vector<16xi32>], vector<16xf32>,
    %gather3A_261 = arith.constant 2 : i32
    %gather3A_262 = arith.constant 1 : i32
    %gather3A_263 = arith.constant 0 : i32
    %gather3A_264 = arith.constant 0 : i32
    %gather3A_265 = arith.constant 0 : i32
    %gather3A_266 = tpu.memref_slice %arg9[%gather3A_261, %gather3A_262, %gather3A_263, %gather3A_264, %gather3A_265] : memref<8x2x4x8x128xf32, #tpu.memory_space<vmem>> -> memref<1x1x4x8x128xf32, #tpu.memory_space<vmem>>
    %gather3A_267 = tpu.memref_squeeze %gather3A_266 : memref<1x1x4x8x128xf32, #tpu.memory_space<vmem>> -> memref<4x8x128xf32, #tpu.memory_space<vmem>>
    %gather3A_268 = tpu.vector_load_idx %gather3A_267[%add3A_9, %and3A_6, %broadcast_in_dim3A_234] : memref<4x8x128xf32, #tpu.memory_space<vmem>>[vector<16xi32>, vector<16xi32>, vector<16xi32>], vector<16xf32>,
    tpu.vector_store_idx %arg10[%iota3A, %broadcast_in_dim3A_236], %gather3A_244 : memref<32x512xf32, #tpu.memory_space<vmem>>[vector<16xi32>, vector<16xi32>], vector<16xf32>,
    tpu.vector_store_idx %arg10[%add3A_12, %broadcast_in_dim3A_236], %gather3A_252 : memref<32x512xf32, #tpu.memory_space<vmem>>[vector<16xi32>, vector<16xi32>], vector<16xf32>,
    tpu.vector_store_idx %arg11[%iota3A, %broadcast_in_dim3A_236], %gather3A_260 : memref<32x512xf32, #tpu.memory_space<vmem>>[vector<16xi32>, vector<16xi32>], vector<16xf32>,
    tpu.vector_store_idx %arg11[%add3A_12, %broadcast_in_dim3A_236], %gather3A_268 : memref<32x512xf32, #tpu.memory_space<vmem>>[vector<16xi32>, vector<16xi32>], vector<16xf32>,
    %slice3A_269 = vector.extract_strided_slice %get3A_19 {offsets = [11], sizes = [1], strides = [1]} : vector<16xi32> to vector<1xi32>
    %squeeze3A_270 = vector.extract %slice3A_269[0] : i32 from vector<1xi32>
    %slice3A_271 = vector.extract_strided_slice %get3A_21 {offsets = [11], sizes = [1], strides = [1]} : vector<16xi32> to vector<1xi32>
    %squeeze3A_272 = vector.extract %slice3A_271[0] : i32 from vector<1xi32>
    %dma_wait3A_273 = arith.constant 3 : i32
    %dma_wait3A_274 = arith.constant 0 : i32
    %dma_wait3A_275 = arith.constant 0 : i32
    %dma_wait3A_276 = arith.constant 0 : i32
    %dma_wait3A_277 = arith.constant 0 : i32
    %dma_wait3A_278 = tpu.memref_slice %arg9[%dma_wait3A_273, %dma_wait3A_274, %dma_wait3A_275, %dma_wait3A_276, %dma_wait3A_277] : memref<8x2x4x8x128xf32, #tpu.memory_space<vmem>> -> memref<1x1x4x8x128xf32, #tpu.memory_space<vmem>>
    %dma_wait3A_279 = tpu.memref_squeeze %dma_wait3A_278 : memref<1x1x4x8x128xf32, #tpu.memory_space<vmem>> -> memref<4x8x128xf32, #tpu.memory_space<vmem>>
    %dma_wait3A_280 = arith.constant 0 : i32
    %dma_wait3A_281 = arith.constant 0 : i32
    %dma_wait3A_282 = arith.constant 0 : i32
    %dma_wait3A_283 = tpu.memref_slice %arg4[%dma_wait3A_280, %dma_wait3A_281, %dma_wait3A_282] : memref<4x8x1000000xf32, #tpu.memory_space<hbm>> -> memref<4x8x128xf32, #tpu.memory_space<hbm>>
    %dma_wait3A_284 = arith.constant 0 : i32
    %dma_wait3A_285 = arith.constant 0 : i32
    %dma_wait3A_286 = arith.constant 0 : i32
    %dma_wait3A_287 = tpu.memref_slice %arg9[%dma_wait3A_273, %dma_wait3A_274, %dma_wait3A_284, %dma_wait3A_285, %dma_wait3A_286] : memref<8x2x4x8x128xf32, #tpu.memory_space<vmem>> -> memref<1x1x4x8x128xf32, #tpu.memory_space<vmem>>
    %dma_wait3A_288 = tpu.memref_squeeze %dma_wait3A_287 : memref<1x1x4x8x128xf32, #tpu.memory_space<vmem>> -> memref<4x8x128xf32, #tpu.memory_space<vmem>>
    %dma_wait3A_289 = arith.constant 0 : i32
    %dma_wait3A_290 = arith.constant 0 : i32
    %dma_wait3A_291 = arith.constant 0 : i32
    %dma_wait3A_292 = tpu.memref_slice %arg4[%dma_wait3A_289, %dma_wait3A_290, %dma_wait3A_291] : memref<4x8x1000000xf32, #tpu.memory_space<hbm>> -> memref<4x8x128xf32, #tpu.memory_space<hbm>>
    tpu.wait_dma2 semaphore(%arg16 : memref<!tpu.dma_semaphore, #tpu.memory_space<semaphore_mem>>) src(%dma_wait3A_292 : memref<4x8x128xf32, #tpu.memory_space<hbm>>) dst(%dma_wait3A_288 : memref<4x8x128xf32, #tpu.memory_space<vmem>>)
    %dma_wait3A_293 = arith.constant 3 : i32
    %dma_wait3A_294 = arith.constant 1 : i32
    %dma_wait3A_295 = arith.constant 0 : i32
    %dma_wait3A_296 = arith.constant 0 : i32
    %dma_wait3A_297 = arith.constant 0 : i32
    %dma_wait3A_298 = tpu.memref_slice %arg9[%dma_wait3A_293, %dma_wait3A_294, %dma_wait3A_295, %dma_wait3A_296, %dma_wait3A_297] : memref<8x2x4x8x128xf32, #tpu.memory_space<vmem>> -> memref<1x1x4x8x128xf32, #tpu.memory_space<vmem>>
    %dma_wait3A_299 = tpu.memref_squeeze %dma_wait3A_298 : memref<1x1x4x8x128xf32, #tpu.memory_space<vmem>> -> memref<4x8x128xf32, #tpu.memory_space<vmem>>
    %dma_wait3A_300 = arith.constant 0 : i32
    %dma_wait3A_301 = arith.constant 0 : i32
    %dma_wait3A_302 = arith.constant 0 : i32
    %dma_wait3A_303 = tpu.memref_slice %arg4[%dma_wait3A_300, %dma_wait3A_301, %dma_wait3A_302] : memref<4x8x1000000xf32, #tpu.memory_space<hbm>> -> memref<4x8x128xf32, #tpu.memory_space<hbm>>
    %dma_wait3A_304 = arith.constant 0 : i32
    %dma_wait3A_305 = arith.constant 0 : i32
    %dma_wait3A_306 = arith.constant 0 : i32
    %dma_wait3A_307 = tpu.memref_slice %arg9[%dma_wait3A_293, %dma_wait3A_294, %dma_wait3A_304, %dma_wait3A_305, %dma_wait3A_306] : memref<8x2x4x8x128xf32, #tpu.memory_space<vmem>> -> memref<1x1x4x8x128xf32, #tpu.memory_space<vmem>>
    %dma_wait3A_308 = tpu.memref_squeeze %dma_wait3A_307 : memref<1x1x4x8x128xf32, #tpu.memory_space<vmem>> -> memref<4x8x128xf32, #tpu.memory_space<vmem>>
    %dma_wait3A_309 = arith.constant 0 : i32
    %dma_wait3A_310 = arith.constant 0 : i32
    %dma_wait3A_311 = arith.constant 0 : i32
    %dma_wait3A_312 = tpu.memref_slice %arg4[%dma_wait3A_309, %dma_wait3A_310, %dma_wait3A_311] : memref<4x8x1000000xf32, #tpu.memory_space<hbm>> -> memref<4x8x128xf32, #tpu.memory_space<hbm>>
    tpu.wait_dma2 semaphore(%arg16 : memref<!tpu.dma_semaphore, #tpu.memory_space<semaphore_mem>>) src(%dma_wait3A_312 : memref<4x8x128xf32, #tpu.memory_space<hbm>>) dst(%dma_wait3A_308 : memref<4x8x128xf32, #tpu.memory_space<vmem>>)
    %and3A_313 = arith.constant 127 : i32
    %and3A_314 = arith.andi %squeeze3A_270, %and3A_313 : i32
    %broadcast_in_dim3A_315 = vector.broadcast %and3A_314 : i32 to vector<16xi32>
    %and3A_316 = arith.constant 127 : i32
    %and3A_317 = arith.andi %squeeze3A_272, %and3A_316 : i32
    %broadcast_in_dim3A_318 = vector.broadcast %and3A_317 : i32 to vector<16xi32>
    %broadcast_in_dim3A_319 = arith.constant 507 : i32
    %broadcast_in_dim3A_320 = vector.broadcast %broadcast_in_dim3A_319 : i32 to vector<16xi32>
    %gather3A_321 = arith.constant 3 : i32
    %gather3A_322 = arith.constant 0 : i32
    %gather3A_323 = arith.constant 0 : i32
    %gather3A_324 = arith.constant 0 : i32
    %gather3A_325 = arith.constant 0 : i32
    %gather3A_326 = tpu.memref_slice %arg9[%gather3A_321, %gather3A_322, %gather3A_323, %gather3A_324, %gather3A_325] : memref<8x2x4x8x128xf32, #tpu.memory_space<vmem>> -> memref<1x1x4x8x128xf32, #tpu.memory_space<vmem>>
    %gather3A_327 = tpu.memref_squeeze %gather3A_326 : memref<1x1x4x8x128xf32, #tpu.memory_space<vmem>> -> memref<4x8x128xf32, #tpu.memory_space<vmem>>
    %gather3A_328 = tpu.vector_load_idx %gather3A_327[%shift_right_logical3A_4, %and3A_6, %broadcast_in_dim3A_315] : memref<4x8x128xf32, #tpu.memory_space<vmem>>[vector<16xi32>, vector<16xi32>, vector<16xi32>], vector<16xf32>,
    %gather3A_329 = arith.constant 3 : i32
    %gather3A_330 = arith.constant 0 : i32
    %gather3A_331 = arith.constant 0 : i32
    %gather3A_332 = arith.constant 0 : i32
    %gather3A_333 = arith.constant 0 : i32
    %gather3A_334 = tpu.memref_slice %arg9[%gather3A_329, %gather3A_330, %gather3A_331, %gather3A_332, %gather3A_333] : memref<8x2x4x8x128xf32, #tpu.memory_space<vmem>> -> memref<1x1x4x8x128xf32, #tpu.memory_space<vmem>>
    %gather3A_335 = tpu.memref_squeeze %gather3A_334 : memref<1x1x4x8x128xf32, #tpu.memory_space<vmem>> -> memref<4x8x128xf32, #tpu.memory_space<vmem>>
    %gather3A_336 = tpu.vector_load_idx %gather3A_335[%add3A_9, %and3A_6, %broadcast_in_dim3A_315] : memref<4x8x128xf32, #tpu.memory_space<vmem>>[vector<16xi32>, vector<16xi32>, vector<16xi32>], vector<16xf32>,
    %gather3A_337 = arith.constant 3 : i32
    %gather3A_338 = arith.constant 1 : i32
    %gather3A_339 = arith.constant 0 : i32
    %gather3A_340 = arith.constant 0 : i32
    %gather3A_341 = arith.constant 0 : i32
    %gather3A_342 = tpu.memref_slice %arg9[%gather3A_337, %gather3A_338, %gather3A_339, %gather3A_340, %gather3A_341] : memref<8x2x4x8x128xf32, #tpu.memory_space<vmem>> -> memref<1x1x4x8x128xf32, #tpu.memory_space<vmem>>
    %gather3A_343 = tpu.memref_squeeze %gather3A_342 : memref<1x1x4x8x128xf32, #tpu.memory_space<vmem>> -> memref<4x8x128xf32, #tpu.memory_space<vmem>>
    %gather3A_344 = tpu.vector_load_idx %gather3A_343[%shift_right_logical3A_4, %and3A_6, %broadcast_in_dim3A_318] : memref<4x8x128xf32, #tpu.memory_space<vmem>>[vector<16xi32>, vector<16xi32>, vector<16xi32>], vector<16xf32>,
    %gather3A_345 = arith.constant 3 : i32
    %gather3A_346 = arith.constant 1 : i32
    %gather3A_347 = arith.constant 0 : i32
    %gather3A_348 = arith.constant 0 : i32
    %gather3A_349 = arith.constant 0 : i32
    %gather3A_350 = tpu.memref_slice %arg9[%gather3A_345, %gather3A_346, %gather3A_347, %gather3A_348, %gather3A_349] : memref<8x2x4x8x128xf32, #tpu.memory_space<vmem>> -> memref<1x1x4x8x128xf32, #tpu.memory_space<vmem>>
    %gather3A_351 = tpu.memref_squeeze %gather3A_350 : memref<1x1x4x8x128xf32, #tpu.memory_space<vmem>> -> memref<4x8x128xf32, #tpu.memory_space<vmem>>
    %gather3A_352 = tpu.vector_load_idx %gather3A_351[%add3A_9, %and3A_6, %broadcast_in_dim3A_318] : memref<4x8x128xf32, #tpu.memory_space<vmem>>[vector<16xi32>, vector<16xi32>, vector<16xi32>], vector<16xf32>,
    tpu.vector_store_idx %arg10[%iota3A, %broadcast_in_dim3A_320], %gather3A_328 : memref<32x512xf32, #tpu.memory_space<vmem>>[vector<16xi32>, vector<16xi32>], vector<16xf32>,
    tpu.vector_store_idx %arg10[%add3A_12, %broadcast_in_dim3A_320], %gather3A_336 : memref<32x512xf32, #tpu.memory_space<vmem>>[vector<16xi32>, vector<16xi32>], vector<16xf32>,
    tpu.vector_store_idx %arg11[%iota3A, %broadcast_in_dim3A_320], %gather3A_344 : memref<32x512xf32, #tpu.memory_space<vmem>>[vector<16xi32>, vector<16xi32>], vector<16xf32>,
    tpu.vector_store_idx %arg11[%add3A_12, %broadcast_in_dim3A_320], %gather3A_352 : memref<32x512xf32, #tpu.memory_space<vmem>>[vector<16xi32>, vector<16xi32>], vector<16xf32>,
    %slice3A_353 = vector.extract_strided_slice %get3A_19 {offsets = [12], sizes = [1], strides = [1]} : vector<16xi32> to vector<1xi32>
    %squeeze3A_354 = vector.extract %slice3A_353[0] : i32 from vector<1xi32>
    %slice3A_355 = vector.extract_strided_slice %get3A_21 {offsets = [12], sizes = [1], strides = [1]} : vector<16xi32> to vector<1xi32>
    %squeeze3A_356 = vector.extract %slice3A_355[0] : i32 from vector<1xi32>
    %dma_wait3A_357 = arith.constant 4 : i32
    %dma_wait3A_358 = arith.constant 0 : i32
    %dma_wait3A_359 = arith.constant 0 : i32
    %dma_wait3A_360 = arith.constant 0 : i32
    %dma_wait3A_361 = arith.constant 0 : i32
    %dma_wait3A_362 = tpu.memref_slice %arg9[%dma_wait3A_357, %dma_wait3A_358, %dma_wait3A_359, %dma_wait3A_360, %dma_wait3A_361] : memref<8x2x4x8x128xf32, #tpu.memory_space<vmem>> -> memref<1x1x4x8x128xf32, #tpu.memory_space<vmem>>
    %dma_wait3A_363 = tpu.memref_squeeze %dma_wait3A_362 : memref<1x1x4x8x128xf32, #tpu.memory_space<vmem>> -> memref<4x8x128xf32, #tpu.memory_space<vmem>>
    %dma_wait3A_364 = arith.constant 0 : i32
    %dma_wait3A_365 = arith.constant 0 : i32
    %dma_wait3A_366 = arith.constant 0 : i32
    %dma_wait3A_367 = tpu.memref_slice %arg4[%dma_wait3A_364, %dma_wait3A_365, %dma_wait3A_366] : memref<4x8x1000000xf32, #tpu.memory_space<hbm>> -> memref<4x8x128xf32, #tpu.memory_space<hbm>>
    %dma_wait3A_368 = arith.constant 0 : i32
    %dma_wait3A_369 = arith.constant 0 : i32
    %dma_wait3A_370 = arith.constant 0 : i32
    %dma_wait3A_371 = tpu.memref_slice %arg9[%dma_wait3A_357, %dma_wait3A_358, %dma_wait3A_368, %dma_wait3A_369, %dma_wait3A_370] : memref<8x2x4x8x128xf32, #tpu.memory_space<vmem>> -> memref<1x1x4x8x128xf32, #tpu.memory_space<vmem>>
    %dma_wait3A_372 = tpu.memref_squeeze %dma_wait3A_371 : memref<1x1x4x8x128xf32, #tpu.memory_space<vmem>> -> memref<4x8x128xf32, #tpu.memory_space<vmem>>
    %dma_wait3A_373 = arith.constant 0 : i32
    %dma_wait3A_374 = arith.constant 0 : i32
    %dma_wait3A_375 = arith.constant 0 : i32
    %dma_wait3A_376 = tpu.memref_slice %arg4[%dma_wait3A_373, %dma_wait3A_374, %dma_wait3A_375] : memref<4x8x1000000xf32, #tpu.memory_space<hbm>> -> memref<4x8x128xf32, #tpu.memory_space<hbm>>
    tpu.wait_dma2 semaphore(%arg17 : memref<!tpu.dma_semaphore, #tpu.memory_space<semaphore_mem>>) src(%dma_wait3A_376 : memref<4x8x128xf32, #tpu.memory_space<hbm>>) dst(%dma_wait3A_372 : memref<4x8x128xf32, #tpu.memory_space<vmem>>)
    %dma_wait3A_377 = arith.constant 4 : i32
    %dma_wait3A_378 = arith.constant 1 : i32
    %dma_wait3A_379 = arith.constant 0 : i32
    %dma_wait3A_380 = arith.constant 0 : i32
    %dma_wait3A_381 = arith.constant 0 : i32
    %dma_wait3A_382 = tpu.memref_slice %arg9[%dma_wait3A_377, %dma_wait3A_378, %dma_wait3A_379, %dma_wait3A_380, %dma_wait3A_381] : memref<8x2x4x8x128xf32, #tpu.memory_space<vmem>> -> memref<1x1x4x8x128xf32, #tpu.memory_space<vmem>>
    %dma_wait3A_383 = tpu.memref_squeeze %dma_wait3A_382 : memref<1x1x4x8x128xf32, #tpu.memory_space<vmem>> -> memref<4x8x128xf32, #tpu.memory_space<vmem>>
    %dma_wait3A_384 = arith.constant 0 : i32
    %dma_wait3A_385 = arith.constant 0 : i32
    %dma_wait3A_386 = arith.constant 0 : i32
    %dma_wait3A_387 = tpu.memref_slice %arg4[%dma_wait3A_384, %dma_wait3A_385, %dma_wait3A_386] : memref<4x8x1000000xf32, #tpu.memory_space<hbm>> -> memref<4x8x128xf32, #tpu.memory_space<hbm>>
    %dma_wait3A_388 = arith.constant 0 : i32
    %dma_wait3A_389 = arith.constant 0 : i32
    %dma_wait3A_390 = arith.constant 0 : i32
    %dma_wait3A_391 = tpu.memref_slice %arg9[%dma_wait3A_377, %dma_wait3A_378, %dma_wait3A_388, %dma_wait3A_389, %dma_wait3A_390] : memref<8x2x4x8x128xf32, #tpu.memory_space<vmem>> -> memref<1x1x4x8x128xf32, #tpu.memory_space<vmem>>
    %dma_wait3A_392 = tpu.memref_squeeze %dma_wait3A_391 : memref<1x1x4x8x128xf32, #tpu.memory_space<vmem>> -> memref<4x8x128xf32, #tpu.memory_space<vmem>>
    %dma_wait3A_393 = arith.constant 0 : i32
    %dma_wait3A_394 = arith.constant 0 : i32
    %dma_wait3A_395 = arith.constant 0 : i32
    %dma_wait3A_396 = tpu.memref_slice %arg4[%dma_wait3A_393, %dma_wait3A_394, %dma_wait3A_395] : memref<4x8x1000000xf32, #tpu.memory_space<hbm>> -> memref<4x8x128xf32, #tpu.memory_space<hbm>>
    tpu.wait_dma2 semaphore(%arg17 : memref<!tpu.dma_semaphore, #tpu.memory_space<semaphore_mem>>) src(%dma_wait3A_396 : memref<4x8x128xf32, #tpu.memory_space<hbm>>) dst(%dma_wait3A_392 : memref<4x8x128xf32, #tpu.memory_space<vmem>>)
    %and3A_397 = arith.constant 127 : i32
    %and3A_398 = arith.andi %squeeze3A_354, %and3A_397 : i32
    %broadcast_in_dim3A_399 = vector.broadcast %and3A_398 : i32 to vector<16xi32>
    %and3A_400 = arith.constant 127 : i32
    %and3A_401 = arith.andi %squeeze3A_356, %and3A_400 : i32
    %broadcast_in_dim3A_402 = vector.broadcast %and3A_401 : i32 to vector<16xi32>
    %broadcast_in_dim3A_403 = arith.constant 508 : i32
    %broadcast_in_dim3A_404 = vector.broadcast %broadcast_in_dim3A_403 : i32 to vector<16xi32>
    %gather3A_405 = arith.constant 4 : i32
    %gather3A_406 = arith.constant 0 : i32
    %gather3A_407 = arith.constant 0 : i32
    %gather3A_408 = arith.constant 0 : i32
    %gather3A_409 = arith.constant 0 : i32
    %gather3A_410 = tpu.memref_slice %arg9[%gather3A_405, %gather3A_406, %gather3A_407, %gather3A_408, %gather3A_409] : memref<8x2x4x8x128xf32, #tpu.memory_space<vmem>> -> memref<1x1x4x8x128xf32, #tpu.memory_space<vmem>>
    %gather3A_411 = tpu.memref_squeeze %gather3A_410 : memref<1x1x4x8x128xf32, #tpu.memory_space<vmem>> -> memref<4x8x128xf32, #tpu.memory_space<vmem>>
    %gather3A_412 = tpu.vector_load_idx %gather3A_411[%shift_right_logical3A_4, %and3A_6, %broadcast_in_dim3A_399] : memref<4x8x128xf32, #tpu.memory_space<vmem>>[vector<16xi32>, vector<16xi32>, vector<16xi32>], vector<16xf32>,
    %gather3A_413 = arith.constant 4 : i32
    %gather3A_414 = arith.constant 0 : i32
    %gather3A_415 = arith.constant 0 : i32
    %gather3A_416 = arith.constant 0 : i32
    %gather3A_417 = arith.constant 0 : i32
    %gather3A_418 = tpu.memref_slice %arg9[%gather3A_413, %gather3A_414, %gather3A_415, %gather3A_416, %gather3A_417] : memref<8x2x4x8x128xf32, #tpu.memory_space<vmem>> -> memref<1x1x4x8x128xf32, #tpu.memory_space<vmem>>
    %gather3A_419 = tpu.memref_squeeze %gather3A_418 : memref<1x1x4x8x128xf32, #tpu.memory_space<vmem>> -> memref<4x8x128xf32, #tpu.memory_space<vmem>>
    %gather3A_420 = tpu.vector_load_idx %gather3A_419[%add3A_9, %and3A_6, %broadcast_in_dim3A_399] : memref<4x8x128xf32, #tpu.memory_space<vmem>>[vector<16xi32>, vector<16xi32>, vector<16xi32>], vector<16xf32>,
    %gather3A_421 = arith.constant 4 : i32
    %gather3A_422 = arith.constant 1 : i32
    %gather3A_423 = arith.constant 0 : i32
    %gather3A_424 = arith.constant 0 : i32
    %gather3A_425 = arith.constant 0 : i32
    %gather3A_426 = tpu.memref_slice %arg9[%gather3A_421, %gather3A_422, %gather3A_423, %gather3A_424, %gather3A_425] : memref<8x2x4x8x128xf32, #tpu.memory_space<vmem>> -> memref<1x1x4x8x128xf32, #tpu.memory_space<vmem>>
    %gather3A_427 = tpu.memref_squeeze %gather3A_426 : memref<1x1x4x8x128xf32, #tpu.memory_space<vmem>> -> memref<4x8x128xf32, #tpu.memory_space<vmem>>
    %gather3A_428 = tpu.vector_load_idx %gather3A_427[%shift_right_logical3A_4, %and3A_6, %broadcast_in_dim3A_402] : memref<4x8x128xf32, #tpu.memory_space<vmem>>[vector<16xi32>, vector<16xi32>, vector<16xi32>], vector<16xf32>,
    %gather3A_429 = arith.constant 4 : i32
    %gather3A_430 = arith.constant 1 : i32
    %gather3A_431 = arith.constant 0 : i32
    %gather3A_432 = arith.constant 0 : i32
    %gather3A_433 = arith.constant 0 : i32
    %gather3A_434 = tpu.memref_slice %arg9[%gather3A_429, %gather3A_430, %gather3A_431, %gather3A_432, %gather3A_433] : memref<8x2x4x8x128xf32, #tpu.memory_space<vmem>> -> memref<1x1x4x8x128xf32, #tpu.memory_space<vmem>>
    %gather3A_435 = tpu.memref_squeeze %gather3A_434 : memref<1x1x4x8x128xf32, #tpu.memory_space<vmem>> -> memref<4x8x128xf32, #tpu.memory_space<vmem>>
    %gather3A_436 = tpu.vector_load_idx %gather3A_435[%add3A_9, %and3A_6, %broadcast_in_dim3A_402] : memref<4x8x128xf32, #tpu.memory_space<vmem>>[vector<16xi32>, vector<16xi32>, vector<16xi32>], vector<16xf32>,
    tpu.vector_store_idx %arg10[%iota3A, %broadcast_in_dim3A_404], %gather3A_412 : memref<32x512xf32, #tpu.memory_space<vmem>>[vector<16xi32>, vector<16xi32>], vector<16xf32>,
    tpu.vector_store_idx %arg10[%add3A_12, %broadcast_in_dim3A_404], %gather3A_420 : memref<32x512xf32, #tpu.memory_space<vmem>>[vector<16xi32>, vector<16xi32>], vector<16xf32>,
    tpu.vector_store_idx %arg11[%iota3A, %broadcast_in_dim3A_404], %gather3A_428 : memref<32x512xf32, #tpu.memory_space<vmem>>[vector<16xi32>, vector<16xi32>], vector<16xf32>,
    tpu.vector_store_idx %arg11[%add3A_12, %broadcast_in_dim3A_404], %gather3A_436 : memref<32x512xf32, #tpu.memory_space<vmem>>[vector<16xi32>, vector<16xi32>], vector<16xf32>,
    %slice3A_437 = vector.extract_strided_slice %get3A_19 {offsets = [13], sizes = [1], strides = [1]} : vector<16xi32> to vector<1xi32>
    %squeeze3A_438 = vector.extract %slice3A_437[0] : i32 from vector<1xi32>
    %slice3A_439 = vector.extract_strided_slice %get3A_21 {offsets = [13], sizes = [1], strides = [1]} : vector<16xi32> to vector<1xi32>
    %squeeze3A_440 = vector.extract %slice3A_439[0] : i32 from vector<1xi32>
    %dma_wait3A_441 = arith.constant 5 : i32
    %dma_wait3A_442 = arith.constant 0 : i32
    %dma_wait3A_443 = arith.constant 0 : i32
    %dma_wait3A_444 = arith.constant 0 : i32
    %dma_wait3A_445 = arith.constant 0 : i32
    %dma_wait3A_446 = tpu.memref_slice %arg9[%dma_wait3A_441, %dma_wait3A_442, %dma_wait3A_443, %dma_wait3A_444, %dma_wait3A_445] : memref<8x2x4x8x128xf32, #tpu.memory_space<vmem>> -> memref<1x1x4x8x128xf32, #tpu.memory_space<vmem>>
    %dma_wait3A_447 = tpu.memref_squeeze %dma_wait3A_446 : memref<1x1x4x8x128xf32, #tpu.memory_space<vmem>> -> memref<4x8x128xf32, #tpu.memory_space<vmem>>
    %dma_wait3A_448 = arith.constant 0 : i32
    %dma_wait3A_449 = arith.constant 0 : i32
    %dma_wait3A_450 = arith.constant 0 : i32
    %dma_wait3A_451 = tpu.memref_slice %arg4[%dma_wait3A_448, %dma_wait3A_449, %dma_wait3A_450] : memref<4x8x1000000xf32, #tpu.memory_space<hbm>> -> memref<4x8x128xf32, #tpu.memory_space<hbm>>
    %dma_wait3A_452 = arith.constant 0 : i32
    %dma_wait3A_453 = arith.constant 0 : i32
    %dma_wait3A_454 = arith.constant 0 : i32
    %dma_wait3A_455 = tpu.memref_slice %arg9[%dma_wait3A_441, %dma_wait3A_442, %dma_wait3A_452, %dma_wait3A_453, %dma_wait3A_454] : memref<8x2x4x8x128xf32, #tpu.memory_space<vmem>> -> memref<1x1x4x8x128xf32, #tpu.memory_space<vmem>>
    %dma_wait3A_456 = tpu.memref_squeeze %dma_wait3A_455 : memref<1x1x4x8x128xf32, #tpu.memory_space<vmem>> -> memref<4x8x128xf32, #tpu.memory_space<vmem>>
    %dma_wait3A_457 = arith.constant 0 : i32
    %dma_wait3A_458 = arith.constant 0 : i32
    %dma_wait3A_459 = arith.constant 0 : i32
    %dma_wait3A_460 = tpu.memref_slice %arg4[%dma_wait3A_457, %dma_wait3A_458, %dma_wait3A_459] : memref<4x8x1000000xf32, #tpu.memory_space<hbm>> -> memref<4x8x128xf32, #tpu.memory_space<hbm>>
    tpu.wait_dma2 semaphore(%arg18 : memref<!tpu.dma_semaphore, #tpu.memory_space<semaphore_mem>>) src(%dma_wait3A_460 : memref<4x8x128xf32, #tpu.memory_space<hbm>>) dst(%dma_wait3A_456 : memref<4x8x128xf32, #tpu.memory_space<vmem>>)
    %dma_wait3A_461 = arith.constant 5 : i32
    %dma_wait3A_462 = arith.constant 1 : i32
    %dma_wait3A_463 = arith.constant 0 : i32
    %dma_wait3A_464 = arith.constant 0 : i32
    %dma_wait3A_465 = arith.constant 0 : i32
    %dma_wait3A_466 = tpu.memref_slice %arg9[%dma_wait3A_461, %dma_wait3A_462, %dma_wait3A_463, %dma_wait3A_464, %dma_wait3A_465] : memref<8x2x4x8x128xf32, #tpu.memory_space<vmem>> -> memref<1x1x4x8x128xf32, #tpu.memory_space<vmem>>
    %dma_wait3A_467 = tpu.memref_squeeze %dma_wait3A_466 : memref<1x1x4x8x128xf32, #tpu.memory_space<vmem>> -> memref<4x8x128xf32, #tpu.memory_space<vmem>>
    %dma_wait3A_468 = arith.constant 0 : i32
    %dma_wait3A_469 = arith.constant 0 : i32
    %dma_wait3A_470 = arith.constant 0 : i32
    %dma_wait3A_471 = tpu.memref_slice %arg4[%dma_wait3A_468, %dma_wait3A_469, %dma_wait3A_470] : memref<4x8x1000000xf32, #tpu.memory_space<hbm>> -> memref<4x8x128xf32, #tpu.memory_space<hbm>>
    %dma_wait3A_472 = arith.constant 0 : i32
    %dma_wait3A_473 = arith.constant 0 : i32
    %dma_wait3A_474 = arith.constant 0 : i32
    %dma_wait3A_475 = tpu.memref_slice %arg9[%dma_wait3A_461, %dma_wait3A_462, %dma_wait3A_472, %dma_wait3A_473, %dma_wait3A_474] : memref<8x2x4x8x128xf32, #tpu.memory_space<vmem>> -> memref<1x1x4x8x128xf32, #tpu.memory_space<vmem>>
    %dma_wait3A_476 = tpu.memref_squeeze %dma_wait3A_475 : memref<1x1x4x8x128xf32, #tpu.memory_space<vmem>> -> memref<4x8x128xf32, #tpu.memory_space<vmem>>
    %dma_wait3A_477 = arith.constant 0 : i32
    %dma_wait3A_478 = arith.constant 0 : i32
    %dma_wait3A_479 = arith.constant 0 : i32
    %dma_wait3A_480 = tpu.memref_slice %arg4[%dma_wait3A_477, %dma_wait3A_478, %dma_wait3A_479] : memref<4x8x1000000xf32, #tpu.memory_space<hbm>> -> memref<4x8x128xf32, #tpu.memory_space<hbm>>
    tpu.wait_dma2 semaphore(%arg18 : memref<!tpu.dma_semaphore, #tpu.memory_space<semaphore_mem>>) src(%dma_wait3A_480 : memref<4x8x128xf32, #tpu.memory_space<hbm>>) dst(%dma_wait3A_476 : memref<4x8x128xf32, #tpu.memory_space<vmem>>)
    %and3A_481 = arith.constant 127 : i32
    %and3A_482 = arith.andi %squeeze3A_438, %and3A_481 : i32
    %broadcast_in_dim3A_483 = vector.broadcast %and3A_482 : i32 to vector<16xi32>
    %and3A_484 = arith.constant 127 : i32
    %and3A_485 = arith.andi %squeeze3A_440, %and3A_484 : i32
    %broadcast_in_dim3A_486 = vector.broadcast %and3A_485 : i32 to vector<16xi32>
    %broadcast_in_dim3A_487 = arith.constant 509 : i32
    %broadcast_in_dim3A_488 = vector.broadcast %broadcast_in_dim3A_487 : i32 to vector<16xi32>
    %gather3A_489 = arith.constant 5 : i32
    %gather3A_490 = arith.constant 0 : i32
    %gather3A_491 = arith.constant 0 : i32
    %gather3A_492 = arith.constant 0 : i32
    %gather3A_493 = arith.constant 0 : i32
    %gather3A_494 = tpu.memref_slice %arg9[%gather3A_489, %gather3A_490, %gather3A_491, %gather3A_492, %gather3A_493] : memref<8x2x4x8x128xf32, #tpu.memory_space<vmem>> -> memref<1x1x4x8x128xf32, #tpu.memory_space<vmem>>
    %gather3A_495 = tpu.memref_squeeze %gather3A_494 : memref<1x1x4x8x128xf32, #tpu.memory_space<vmem>> -> memref<4x8x128xf32, #tpu.memory_space<vmem>>
    %gather3A_496 = tpu.vector_load_idx %gather3A_495[%shift_right_logical3A_4, %and3A_6, %broadcast_in_dim3A_483] : memref<4x8x128xf32, #tpu.memory_space<vmem>>[vector<16xi32>, vector<16xi32>, vector<16xi32>], vector<16xf32>,
    %gather3A_497 = arith.constant 5 : i32
    %gather3A_498 = arith.constant 0 : i32
    %gather3A_499 = arith.constant 0 : i32
    %gather3A_500 = arith.constant 0 : i32
    %gather3A_501 = arith.constant 0 : i32
    %gather3A_502 = tpu.memref_slice %arg9[%gather3A_497, %gather3A_498, %gather3A_499, %gather3A_500, %gather3A_501] : memref<8x2x4x8x128xf32, #tpu.memory_space<vmem>> -> memref<1x1x4x8x128xf32, #tpu.memory_space<vmem>>
    %gather3A_503 = tpu.memref_squeeze %gather3A_502 : memref<1x1x4x8x128xf32, #tpu.memory_space<vmem>> -> memref<4x8x128xf32, #tpu.memory_space<vmem>>
    %gather3A_504 = tpu.vector_load_idx %gather3A_503[%add3A_9, %and3A_6, %broadcast_in_dim3A_483] : memref<4x8x128xf32, #tpu.memory_space<vmem>>[vector<16xi32>, vector<16xi32>, vector<16xi32>], vector<16xf32>,
    %gather3A_505 = arith.constant 5 : i32
    %gather3A_506 = arith.constant 1 : i32
    %gather3A_507 = arith.constant 0 : i32
    %gather3A_508 = arith.constant 0 : i32
    %gather3A_509 = arith.constant 0 : i32
    %gather3A_510 = tpu.memref_slice %arg9[%gather3A_505, %gather3A_506, %gather3A_507, %gather3A_508, %gather3A_509] : memref<8x2x4x8x128xf32, #tpu.memory_space<vmem>> -> memref<1x1x4x8x128xf32, #tpu.memory_space<vmem>>
    %gather3A_511 = tpu.memref_squeeze %gather3A_510 : memref<1x1x4x8x128xf32, #tpu.memory_space<vmem>> -> memref<4x8x128xf32, #tpu.memory_space<vmem>>
    %gather3A_512 = tpu.vector_load_idx %gather3A_511[%shift_right_logical3A_4, %and3A_6, %broadcast_in_dim3A_486] : memref<4x8x128xf32, #tpu.memory_space<vmem>>[vector<16xi32>, vector<16xi32>, vector<16xi32>], vector<16xf32>,
    %gather3A_513 = arith.constant 5 : i32
    %gather3A_514 = arith.constant 1 : i32
    %gather3A_515 = arith.constant 0 : i32
    %gather3A_516 = arith.constant 0 : i32
    %gather3A_517 = arith.constant 0 : i32
    %gather3A_518 = tpu.memref_slice %arg9[%gather3A_513, %gather3A_514, %gather3A_515, %gather3A_516, %gather3A_517] : memref<8x2x4x8x128xf32, #tpu.memory_space<vmem>> -> memref<1x1x4x8x128xf32, #tpu.memory_space<vmem>>
    %gather3A_519 = tpu.memref_squeeze %gather3A_518 : memref<1x1x4x8x128xf32, #tpu.memory_space<vmem>> -> memref<4x8x128xf32, #tpu.memory_space<vmem>>
    %gather3A_520 = tpu.vector_load_idx %gather3A_519[%add3A_9, %and3A_6, %broadcast_in_dim3A_486] : memref<4x8x128xf32, #tpu.memory_space<vmem>>[vector<16xi32>, vector<16xi32>, vector<16xi32>], vector<16xf32>,
    tpu.vector_store_idx %arg10[%iota3A, %broadcast_in_dim3A_488], %gather3A_496 : memref<32x512xf32, #tpu.memory_space<vmem>>[vector<16xi32>, vector<16xi32>], vector<16xf32>,
    tpu.vector_store_idx %arg10[%add3A_12, %broadcast_in_dim3A_488], %gather3A_504 : memref<32x512xf32, #tpu.memory_space<vmem>>[vector<16xi32>, vector<16xi32>], vector<16xf32>,
    tpu.vector_store_idx %arg11[%iota3A, %broadcast_in_dim3A_488], %gather3A_512 : memref<32x512xf32, #tpu.memory_space<vmem>>[vector<16xi32>, vector<16xi32>], vector<16xf32>,
    tpu.vector_store_idx %arg11[%add3A_12, %broadcast_in_dim3A_488], %gather3A_520 : memref<32x512xf32, #tpu.memory_space<vmem>>[vector<16xi32>, vector<16xi32>], vector<16xf32>,
    %slice3A_521 = vector.extract_strided_slice %get3A_19 {offsets = [14], sizes = [1], strides = [1]} : vector<16xi32> to vector<1xi32>
    %squeeze3A_522 = vector.extract %slice3A_521[0] : i32 from vector<1xi32>
    %slice3A_523 = vector.extract_strided_slice %get3A_21 {offsets = [14], sizes = [1], strides = [1]} : vector<16xi32> to vector<1xi32>
    %squeeze3A_524 = vector.extract %slice3A_523[0] : i32 from vector<1xi32>
    %dma_wait3A_525 = arith.constant 6 : i32
    %dma_wait3A_526 = arith.constant 0 : i32
    %dma_wait3A_527 = arith.constant 0 : i32
    %dma_wait3A_528 = arith.constant 0 : i32
    %dma_wait3A_529 = arith.constant 0 : i32
    %dma_wait3A_530 = tpu.memref_slice %arg9[%dma_wait3A_525, %dma_wait3A_526, %dma_wait3A_527, %dma_wait3A_528, %dma_wait3A_529] : memref<8x2x4x8x128xf32, #tpu.memory_space<vmem>> -> memref<1x1x4x8x128xf32, #tpu.memory_space<vmem>>
    %dma_wait3A_531 = tpu.memref_squeeze %dma_wait3A_530 : memref<1x1x4x8x128xf32, #tpu.memory_space<vmem>> -> memref<4x8x128xf32, #tpu.memory_space<vmem>>
    %dma_wait3A_532 = arith.constant 0 : i32
    %dma_wait3A_533 = arith.constant 0 : i32
    %dma_wait3A_534 = arith.constant 0 : i32
    %dma_wait3A_535 = tpu.memref_slice %arg4[%dma_wait3A_532, %dma_wait3A_533, %dma_wait3A_534] : memref<4x8x1000000xf32, #tpu.memory_space<hbm>> -> memref<4x8x128xf32, #tpu.memory_space<hbm>>
    %dma_wait3A_536 = arith.constant 0 : i32
    %dma_wait3A_537 = arith.constant 0 : i32
    %dma_wait3A_538 = arith.constant 0 : i32
    %dma_wait3A_539 = tpu.memref_slice %arg9[%dma_wait3A_525, %dma_wait3A_526, %dma_wait3A_536, %dma_wait3A_537, %dma_wait3A_538] : memref<8x2x4x8x128xf32, #tpu.memory_space<vmem>> -> memref<1x1x4x8x128xf32, #tpu.memory_space<vmem>>
    %dma_wait3A_540 = tpu.memref_squeeze %dma_wait3A_539 : memref<1x1x4x8x128xf32, #tpu.memory_space<vmem>> -> memref<4x8x128xf32, #tpu.memory_space<vmem>>
    %dma_wait3A_541 = arith.constant 0 : i32
    %dma_wait3A_542 = arith.constant 0 : i32
    %dma_wait3A_543 = arith.constant 0 : i32
    %dma_wait3A_544 = tpu.memref_slice %arg4[%dma_wait3A_541, %dma_wait3A_542, %dma_wait3A_543] : memref<4x8x1000000xf32, #tpu.memory_space<hbm>> -> memref<4x8x128xf32, #tpu.memory_space<hbm>>
    tpu.wait_dma2 semaphore(%arg19 : memref<!tpu.dma_semaphore, #tpu.memory_space<semaphore_mem>>) src(%dma_wait3A_544 : memref<4x8x128xf32, #tpu.memory_space<hbm>>) dst(%dma_wait3A_540 : memref<4x8x128xf32, #tpu.memory_space<vmem>>)
    %dma_wait3A_545 = arith.constant 6 : i32
    %dma_wait3A_546 = arith.constant 1 : i32
    %dma_wait3A_547 = arith.constant 0 : i32
    %dma_wait3A_548 = arith.constant 0 : i32
    %dma_wait3A_549 = arith.constant 0 : i32
    %dma_wait3A_550 = tpu.memref_slice %arg9[%dma_wait3A_545, %dma_wait3A_546, %dma_wait3A_547, %dma_wait3A_548, %dma_wait3A_549] : memref<8x2x4x8x128xf32, #tpu.memory_space<vmem>> -> memref<1x1x4x8x128xf32, #tpu.memory_space<vmem>>
    %dma_wait3A_551 = tpu.memref_squeeze %dma_wait3A_550 : memref<1x1x4x8x128xf32, #tpu.memory_space<vmem>> -> memref<4x8x128xf32, #tpu.memory_space<vmem>>
    %dma_wait3A_552 = arith.constant 0 : i32
    %dma_wait3A_553 = arith.constant 0 : i32
    %dma_wait3A_554 = arith.constant 0 : i32
    %dma_wait3A_555 = tpu.memref_slice %arg4[%dma_wait3A_552, %dma_wait3A_553, %dma_wait3A_554] : memref<4x8x1000000xf32, #tpu.memory_space<hbm>> -> memref<4x8x128xf32, #tpu.memory_space<hbm>>
    %dma_wait3A_556 = arith.constant 0 : i32
    %dma_wait3A_557 = arith.constant 0 : i32
    %dma_wait3A_558 = arith.constant 0 : i32
    %dma_wait3A_559 = tpu.memref_slice %arg9[%dma_wait3A_545, %dma_wait3A_546, %dma_wait3A_556, %dma_wait3A_557, %dma_wait3A_558] : memref<8x2x4x8x128xf32, #tpu.memory_space<vmem>> -> memref<1x1x4x8x128xf32, #tpu.memory_space<vmem>>
    %dma_wait3A_560 = tpu.memref_squeeze %dma_wait3A_559 : memref<1x1x4x8x128xf32, #tpu.memory_space<vmem>> -> memref<4x8x128xf32, #tpu.memory_space<vmem>>
    %dma_wait3A_561 = arith.constant 0 : i32
    %dma_wait3A_562 = arith.constant 0 : i32
    %dma_wait3A_563 = arith.constant 0 : i32
    %dma_wait3A_564 = tpu.memref_slice %arg4[%dma_wait3A_561, %dma_wait3A_562, %dma_wait3A_563] : memref<4x8x1000000xf32, #tpu.memory_space<hbm>> -> memref<4x8x128xf32, #tpu.memory_space<hbm>>
    tpu.wait_dma2 semaphore(%arg19 : memref<!tpu.dma_semaphore, #tpu.memory_space<semaphore_mem>>) src(%dma_wait3A_564 : memref<4x8x128xf32, #tpu.memory_space<hbm>>) dst(%dma_wait3A_560 : memref<4x8x128xf32, #tpu.memory_space<vmem>>)
    %and3A_565 = arith.constant 127 : i32
    %and3A_566 = arith.andi %squeeze3A_522, %and3A_565 : i32
    %broadcast_in_dim3A_567 = vector.broadcast %and3A_566 : i32 to vector<16xi32>
    %and3A_568 = arith.constant 127 : i32
    %and3A_569 = arith.andi %squeeze3A_524, %and3A_568 : i32
    %broadcast_in_dim3A_570 = vector.broadcast %and3A_569 : i32 to vector<16xi32>
    %broadcast_in_dim3A_571 = arith.constant 510 : i32
    %broadcast_in_dim3A_572 = vector.broadcast %broadcast_in_dim3A_571 : i32 to vector<16xi32>
    %gather3A_573 = arith.constant 6 : i32
    %gather3A_574 = arith.constant 0 : i32
    %gather3A_575 = arith.constant 0 : i32
    %gather3A_576 = arith.constant 0 : i32
    %gather3A_577 = arith.constant 0 : i32
    %gather3A_578 = tpu.memref_slice %arg9[%gather3A_573, %gather3A_574, %gather3A_575, %gather3A_576, %gather3A_577] : memref<8x2x4x8x128xf32, #tpu.memory_space<vmem>> -> memref<1x1x4x8x128xf32, #tpu.memory_space<vmem>>
    %gather3A_579 = tpu.memref_squeeze %gather3A_578 : memref<1x1x4x8x128xf32, #tpu.memory_space<vmem>> -> memref<4x8x128xf32, #tpu.memory_space<vmem>>
    %gather3A_580 = tpu.vector_load_idx %gather3A_579[%shift_right_logical3A_4, %and3A_6, %broadcast_in_dim3A_567] : memref<4x8x128xf32, #tpu.memory_space<vmem>>[vector<16xi32>, vector<16xi32>, vector<16xi32>], vector<16xf32>,
    %gather3A_581 = arith.constant 6 : i32
    %gather3A_582 = arith.constant 0 : i32
    %gather3A_583 = arith.constant 0 : i32
    %gather3A_584 = arith.constant 0 : i32
    %gather3A_585 = arith.constant 0 : i32
    %gather3A_586 = tpu.memref_slice %arg9[%gather3A_581, %gather3A_582, %gather3A_583, %gather3A_584, %gather3A_585] : memref<8x2x4x8x128xf32, #tpu.memory_space<vmem>> -> memref<1x1x4x8x128xf32, #tpu.memory_space<vmem>>
    %gather3A_587 = tpu.memref_squeeze %gather3A_586 : memref<1x1x4x8x128xf32, #tpu.memory_space<vmem>> -> memref<4x8x128xf32, #tpu.memory_space<vmem>>
    %gather3A_588 = tpu.vector_load_idx %gather3A_587[%add3A_9, %and3A_6, %broadcast_in_dim3A_567] : memref<4x8x128xf32, #tpu.memory_space<vmem>>[vector<16xi32>, vector<16xi32>, vector<16xi32>], vector<16xf32>,
    %gather3A_589 = arith.constant 6 : i32
    %gather3A_590 = arith.constant 1 : i32
    %gather3A_591 = arith.constant 0 : i32
    %gather3A_592 = arith.constant 0 : i32
    %gather3A_593 = arith.constant 0 : i32
    %gather3A_594 = tpu.memref_slice %arg9[%gather3A_589, %gather3A_590, %gather3A_591, %gather3A_592, %gather3A_593] : memref<8x2x4x8x128xf32, #tpu.memory_space<vmem>> -> memref<1x1x4x8x128xf32, #tpu.memory_space<vmem>>
    %gather3A_595 = tpu.memref_squeeze %gather3A_594 : memref<1x1x4x8x128xf32, #tpu.memory_space<vmem>> -> memref<4x8x128xf32, #tpu.memory_space<vmem>>
    %gather3A_596 = tpu.vector_load_idx %gather3A_595[%shift_right_logical3A_4, %and3A_6, %broadcast_in_dim3A_570] : memref<4x8x128xf32, #tpu.memory_space<vmem>>[vector<16xi32>, vector<16xi32>, vector<16xi32>], vector<16xf32>,
    %gather3A_597 = arith.constant 6 : i32
    %gather3A_598 = arith.constant 1 : i32
    %gather3A_599 = arith.constant 0 : i32
    %gather3A_600 = arith.constant 0 : i32
    %gather3A_601 = arith.constant 0 : i32
    %gather3A_602 = tpu.memref_slice %arg9[%gather3A_597, %gather3A_598, %gather3A_599, %gather3A_600, %gather3A_601] : memref<8x2x4x8x128xf32, #tpu.memory_space<vmem>> -> memref<1x1x4x8x128xf32, #tpu.memory_space<vmem>>
    %gather3A_603 = tpu.memref_squeeze %gather3A_602 : memref<1x1x4x8x128xf32, #tpu.memory_space<vmem>> -> memref<4x8x128xf32, #tpu.memory_space<vmem>>
    %gather3A_604 = tpu.vector_load_idx %gather3A_603[%add3A_9, %and3A_6, %broadcast_in_dim3A_570] : memref<4x8x128xf32, #tpu.memory_space<vmem>>[vector<16xi32>, vector<16xi32>, vector<16xi32>], vector<16xf32>,
    tpu.vector_store_idx %arg10[%iota3A, %broadcast_in_dim3A_572], %gather3A_580 : memref<32x512xf32, #tpu.memory_space<vmem>>[vector<16xi32>, vector<16xi32>], vector<16xf32>,
    tpu.vector_store_idx %arg10[%add3A_12, %broadcast_in_dim3A_572], %gather3A_588 : memref<32x512xf32, #tpu.memory_space<vmem>>[vector<16xi32>, vector<16xi32>], vector<16xf32>,
    tpu.vector_store_idx %arg11[%iota3A, %broadcast_in_dim3A_572], %gather3A_596 : memref<32x512xf32, #tpu.memory_space<vmem>>[vector<16xi32>, vector<16xi32>], vector<16xf32>,
    tpu.vector_store_idx %arg11[%add3A_12, %broadcast_in_dim3A_572], %gather3A_604 : memref<32x512xf32, #tpu.memory_space<vmem>>[vector<16xi32>, vector<16xi32>], vector<16xf32>,
    %slice3A_605 = vector.extract_strided_slice %get3A_19 {offsets = [15], sizes = [1], strides = [1]} : vector<16xi32> to vector<1xi32>
    %squeeze3A_606 = vector.extract %slice3A_605[0] : i32 from vector<1xi32>
    %slice3A_607 = vector.extract_strided_slice %get3A_21 {offsets = [15], sizes = [1], strides = [1]} : vector<16xi32> to vector<1xi32>
    %squeeze3A_608 = vector.extract %slice3A_607[0] : i32 from vector<1xi32>
    %dma_wait3A_609 = arith.constant 7 : i32
    %dma_wait3A_610 = arith.constant 0 : i32
    %dma_wait3A_611 = arith.constant 0 : i32
    %dma_wait3A_612 = arith.constant 0 : i32
    %dma_wait3A_613 = arith.constant 0 : i32
    %dma_wait3A_614 = tpu.memref_slice %arg9[%dma_wait3A_609, %dma_wait3A_610, %dma_wait3A_611, %dma_wait3A_612, %dma_wait3A_613] : memref<8x2x4x8x128xf32, #tpu.memory_space<vmem>> -> memref<1x1x4x8x128xf32, #tpu.memory_space<vmem>>
    %dma_wait3A_615 = tpu.memref_squeeze %dma_wait3A_614 : memref<1x1x4x8x128xf32, #tpu.memory_space<vmem>> -> memref<4x8x128xf32, #tpu.memory_space<vmem>>
    %dma_wait3A_616 = arith.constant 0 : i32
    %dma_wait3A_617 = arith.constant 0 : i32
    %dma_wait3A_618 = arith.constant 0 : i32
    %dma_wait3A_619 = tpu.memref_slice %arg4[%dma_wait3A_616, %dma_wait3A_617, %dma_wait3A_618] : memref<4x8x1000000xf32, #tpu.memory_space<hbm>> -> memref<4x8x128xf32, #tpu.memory_space<hbm>>
    %dma_wait3A_620 = arith.constant 0 : i32
    %dma_wait3A_621 = arith.constant 0 : i32
    %dma_wait3A_622 = arith.constant 0 : i32
    %dma_wait3A_623 = tpu.memref_slice %arg9[%dma_wait3A_609, %dma_wait3A_610, %dma_wait3A_620, %dma_wait3A_621, %dma_wait3A_622] : memref<8x2x4x8x128xf32, #tpu.memory_space<vmem>> -> memref<1x1x4x8x128xf32, #tpu.memory_space<vmem>>
    %dma_wait3A_624 = tpu.memref_squeeze %dma_wait3A_623 : memref<1x1x4x8x128xf32, #tpu.memory_space<vmem>> -> memref<4x8x128xf32, #tpu.memory_space<vmem>>
    %dma_wait3A_625 = arith.constant 0 : i32
    %dma_wait3A_626 = arith.constant 0 : i32
    %dma_wait3A_627 = arith.constant 0 : i32
    %dma_wait3A_628 = tpu.memref_slice %arg4[%dma_wait3A_625, %dma_wait3A_626, %dma_wait3A_627] : memref<4x8x1000000xf32, #tpu.memory_space<hbm>> -> memref<4x8x128xf32, #tpu.memory_space<hbm>>
    tpu.wait_dma2 semaphore(%arg20 : memref<!tpu.dma_semaphore, #tpu.memory_space<semaphore_mem>>) src(%dma_wait3A_628 : memref<4x8x128xf32, #tpu.memory_space<hbm>>) dst(%dma_wait3A_624 : memref<4x8x128xf32, #tpu.memory_space<vmem>>)
    %dma_wait3A_629 = arith.constant 7 : i32
    %dma_wait3A_630 = arith.constant 1 : i32
    %dma_wait3A_631 = arith.constant 0 : i32
    %dma_wait3A_632 = arith.constant 0 : i32
    %dma_wait3A_633 = arith.constant 0 : i32
    %dma_wait3A_634 = tpu.memref_slice %arg9[%dma_wait3A_629, %dma_wait3A_630, %dma_wait3A_631, %dma_wait3A_632, %dma_wait3A_633] : memref<8x2x4x8x128xf32, #tpu.memory_space<vmem>> -> memref<1x1x4x8x128xf32, #tpu.memory_space<vmem>>
    %dma_wait3A_635 = tpu.memref_squeeze %dma_wait3A_634 : memref<1x1x4x8x128xf32, #tpu.memory_space<vmem>> -> memref<4x8x128xf32, #tpu.memory_space<vmem>>
    %dma_wait3A_636 = arith.constant 0 : i32
    %dma_wait3A_637 = arith.constant 0 : i32
    %dma_wait3A_638 = arith.constant 0 : i32
    %dma_wait3A_639 = tpu.memref_slice %arg4[%dma_wait3A_636, %dma_wait3A_637, %dma_wait3A_638] : memref<4x8x1000000xf32, #tpu.memory_space<hbm>> -> memref<4x8x128xf32, #tpu.memory_space<hbm>>
    %dma_wait3A_640 = arith.constant 0 : i32
    %dma_wait3A_641 = arith.constant 0 : i32
    %dma_wait3A_642 = arith.constant 0 : i32
    %dma_wait3A_643 = tpu.memref_slice %arg9[%dma_wait3A_629, %dma_wait3A_630, %dma_wait3A_640, %dma_wait3A_641, %dma_wait3A_642] : memref<8x2x4x8x128xf32, #tpu.memory_space<vmem>> -> memref<1x1x4x8x128xf32, #tpu.memory_space<vmem>>
    %dma_wait3A_644 = tpu.memref_squeeze %dma_wait3A_643 : memref<1x1x4x8x128xf32, #tpu.memory_space<vmem>> -> memref<4x8x128xf32, #tpu.memory_space<vmem>>
    %dma_wait3A_645 = arith.constant 0 : i32
    %dma_wait3A_646 = arith.constant 0 : i32
    %dma_wait3A_647 = arith.constant 0 : i32
    %dma_wait3A_648 = tpu.memref_slice %arg4[%dma_wait3A_645, %dma_wait3A_646, %dma_wait3A_647] : memref<4x8x1000000xf32, #tpu.memory_space<hbm>> -> memref<4x8x128xf32, #tpu.memory_space<hbm>>
    tpu.wait_dma2 semaphore(%arg20 : memref<!tpu.dma_semaphore, #tpu.memory_space<semaphore_mem>>) src(%dma_wait3A_648 : memref<4x8x128xf32, #tpu.memory_space<hbm>>) dst(%dma_wait3A_644 : memref<4x8x128xf32, #tpu.memory_space<vmem>>)
    %and3A_649 = arith.constant 127 : i32
    %and3A_650 = arith.andi %squeeze3A_606, %and3A_649 : i32
    %broadcast_in_dim3A_651 = vector.broadcast %and3A_650 : i32 to vector<16xi32>
    %and3A_652 = arith.constant 127 : i32
    %and3A_653 = arith.andi %squeeze3A_608, %and3A_652 : i32
    %broadcast_in_dim3A_654 = vector.broadcast %and3A_653 : i32 to vector<16xi32>
    %broadcast_in_dim3A_655 = arith.constant 511 : i32
    %broadcast_in_dim3A_656 = vector.broadcast %broadcast_in_dim3A_655 : i32 to vector<16xi32>
    %gather3A_657 = arith.constant 7 : i32
    %gather3A_658 = arith.constant 0 : i32
    %gather3A_659 = arith.constant 0 : i32
    %gather3A_660 = arith.constant 0 : i32
    %gather3A_661 = arith.constant 0 : i32
    %gather3A_662 = tpu.memref_slice %arg9[%gather3A_657, %gather3A_658, %gather3A_659, %gather3A_660, %gather3A_661] : memref<8x2x4x8x128xf32, #tpu.memory_space<vmem>> -> memref<1x1x4x8x128xf32, #tpu.memory_space<vmem>>
    %gather3A_663 = tpu.memref_squeeze %gather3A_662 : memref<1x1x4x8x128xf32, #tpu.memory_space<vmem>> -> memref<4x8x128xf32, #tpu.memory_space<vmem>>
    %gather3A_664 = tpu.vector_load_idx %gather3A_663[%shift_right_logical3A_4, %and3A_6, %broadcast_in_dim3A_651] : memref<4x8x128xf32, #tpu.memory_space<vmem>>[vector<16xi32>, vector<16xi32>, vector<16xi32>], vector<16xf32>,
    %gather3A_665 = arith.constant 7 : i32
    %gather3A_666 = arith.constant 0 : i32
    %gather3A_667 = arith.constant 0 : i32
    %gather3A_668 = arith.constant 0 : i32
    %gather3A_669 = arith.constant 0 : i32
    %gather3A_670 = tpu.memref_slice %arg9[%gather3A_665, %gather3A_666, %gather3A_667, %gather3A_668, %gather3A_669] : memref<8x2x4x8x128xf32, #tpu.memory_space<vmem>> -> memref<1x1x4x8x128xf32, #tpu.memory_space<vmem>>
    %gather3A_671 = tpu.memref_squeeze %gather3A_670 : memref<1x1x4x8x128xf32, #tpu.memory_space<vmem>> -> memref<4x8x128xf32, #tpu.memory_space<vmem>>
    %gather3A_672 = tpu.vector_load_idx %gather3A_671[%add3A_9, %and3A_6, %broadcast_in_dim3A_651] : memref<4x8x128xf32, #tpu.memory_space<vmem>>[vector<16xi32>, vector<16xi32>, vector<16xi32>], vector<16xf32>,
    %gather3A_673 = arith.constant 7 : i32
    %gather3A_674 = arith.constant 1 : i32
    %gather3A_675 = arith.constant 0 : i32
    %gather3A_676 = arith.constant 0 : i32
    %gather3A_677 = arith.constant 0 : i32
    %gather3A_678 = tpu.memref_slice %arg9[%gather3A_673, %gather3A_674, %gather3A_675, %gather3A_676, %gather3A_677] : memref<8x2x4x8x128xf32, #tpu.memory_space<vmem>> -> memref<1x1x4x8x128xf32, #tpu.memory_space<vmem>>
    %gather3A_679 = tpu.memref_squeeze %gather3A_678 : memref<1x1x4x8x128xf32, #tpu.memory_space<vmem>> -> memref<4x8x128xf32, #tpu.memory_space<vmem>>
    %gather3A_680 = tpu.vector_load_idx %gather3A_679[%shift_right_logical3A_4, %and3A_6, %broadcast_in_dim3A_654] : memref<4x8x128xf32, #tpu.memory_space<vmem>>[vector<16xi32>, vector<16xi32>, vector<16xi32>], vector<16xf32>,
    %gather3A_681 = arith.constant 7 : i32
    %gather3A_682 = arith.constant 1 : i32
    %gather3A_683 = arith.constant 0 : i32
    %gather3A_684 = arith.constant 0 : i32
    %gather3A_685 = arith.constant 0 : i32
    %gather3A_686 = tpu.memref_slice %arg9[%gather3A_681, %gather3A_682, %gather3A_683, %gather3A_684, %gather3A_685] : memref<8x2x4x8x128xf32, #tpu.memory_space<vmem>> -> memref<1x1x4x8x128xf32, #tpu.memory_space<vmem>>
    %gather3A_687 = tpu.memref_squeeze %gather3A_686 : memref<1x1x4x8x128xf32, #tpu.memory_space<vmem>> -> memref<4x8x128xf32, #tpu.memory_space<vmem>>
    %gather3A_688 = tpu.vector_load_idx %gather3A_687[%add3A_9, %and3A_6, %broadcast_in_dim3A_654] : memref<4x8x128xf32, #tpu.memory_space<vmem>>[vector<16xi32>, vector<16xi32>, vector<16xi32>], vector<16xf32>,
    tpu.vector_store_idx %arg10[%iota3A, %broadcast_in_dim3A_656], %gather3A_664 : memref<32x512xf32, #tpu.memory_space<vmem>>[vector<16xi32>, vector<16xi32>], vector<16xf32>,
    tpu.vector_store_idx %arg10[%add3A_12, %broadcast_in_dim3A_656], %gather3A_672 : memref<32x512xf32, #tpu.memory_space<vmem>>[vector<16xi32>, vector<16xi32>], vector<16xf32>,
    tpu.vector_store_idx %arg11[%iota3A, %broadcast_in_dim3A_656], %gather3A_680 : memref<32x512xf32, #tpu.memory_space<vmem>>[vector<16xi32>, vector<16xi32>], vector<16xf32>,
    tpu.vector_store_idx %arg11[%add3A_12, %broadcast_in_dim3A_656], %gather3A_688 : memref<32x512xf32, #tpu.memory_space<vmem>>[vector<16xi32>, vector<16xi32>], vector<16xf32>,
    %scan3A_689 = arith.constant 0 : i32
    %scan3A_690 = arith.constant 0 : i32
    %scan3A_691 = arith.constant 32 : i32
    %scan3A_692 = arith.addi %scan3A_690, %scan3A_691 : i32
    %scan3A_693 = arith.constant 1 : i32
    %scan3A_694 = scf.for %scan3A_696 = %scan3A_690 to %scan3A_692 step %scan3A_693 iter_args(%scan3A_697 = %scan3A_689) -> (i32)  : i32 {
      %broadcast_in_dim3A_698 = arith.constant 0.000000e+00 : f32
      %broadcast_in_dim3A_699 = vector.broadcast %broadcast_in_dim3A_698 : f32 to vector<16xf32>
      %mul3A_700 = arith.constant 16 : i32
      %mul3A_701 = arith.muli %scan3A_696, %mul3A_700 : i32
      %get3A_702 = arith.constant 0 : i32
      %get3A_703 = arith.index_cast %get3A_702 : i32 to index
      %get3A_704 = arith.index_cast %mul3A_701 : i32 to index
      %get3A_705 = tpu.vector_load %arg10[%get3A_703, %get3A_704] {strides = array<i32>} : memref<32x512xf32, #tpu.memory_space<vmem>>, vector<16xf32>,
      %mul3A_706 = arith.constant 16 : i32
      %mul3A_707 = arith.muli %scan3A_696, %mul3A_706 : i32
      %get3A_708 = arith.constant 0 : i32
      %get3A_709 = arith.index_cast %get3A_708 : i32 to index
      %get3A_710 = arith.index_cast %mul3A_707 : i32 to index
      %get3A_711 = tpu.vector_load %arg11[%get3A_709, %get3A_710] {strides = array<i32>} : memref<32x512xf32, #tpu.memory_space<vmem>>, vector<16xf32>,
      %mul3A_712 = arith.mulf %get3A_705, %get3A_711 : vector<16xf32>
      %add3A_713 = arith.addf %broadcast_in_dim3A_699, %mul3A_712 : vector<16xf32>
      %mul3A_714 = arith.constant 16 : i32
      %mul3A_715 = arith.muli %scan3A_696, %mul3A_714 : i32
      %get3A_716 = arith.constant 1 : i32
      %get3A_717 = arith.index_cast %get3A_716 : i32 to index
      %get3A_718 = arith.index_cast %mul3A_715 : i32 to index
      %get3A_719 = tpu.vector_load %arg10[%get3A_717, %get3A_718] {strides = array<i32>} : memref<32x512xf32, #tpu.memory_space<vmem>>, vector<16xf32>,
      %mul3A_720 = arith.constant 16 : i32
      %mul3A_721 = arith.muli %scan3A_696, %mul3A_720 : i32
      %get3A_722 = arith.constant 1 : i32
      %get3A_723 = arith.index_cast %get3A_722 : i32 to index
      %get3A_724 = arith.index_cast %mul3A_721 : i32 to index
      %get3A_725 = tpu.vector_load %arg11[%get3A_723, %get3A_724] {strides = array<i32>} : memref<32x512xf32, #tpu.memory_space<vmem>>, vector<16xf32>,
      %mul3A_726 = arith.mulf %get3A_719, %get3A_725 : vector<16xf32>
      %add3A_727 = arith.addf %add3A_713, %mul3A_726 : vector<16xf32>
      %mul3A_728 = arith.constant 16 : i32
      %mul3A_729 = arith.muli %scan3A_696, %mul3A_728 : i32
      %get3A_730 = arith.constant 2 : i32
      %get3A_731 = arith.index_cast %get3A_730 : i32 to index
      %get3A_732 = arith.index_cast %mul3A_729 : i32 to index
      %get3A_733 = tpu.vector_load %arg10[%get3A_731, %get3A_732] {strides = array<i32>} : memref<32x512xf32, #tpu.memory_space<vmem>>, vector<16xf32>,
      %mul3A_734 = arith.constant 16 : i32
      %mul3A_735 = arith.muli %scan3A_696, %mul3A_734 : i32
      %get3A_736 = arith.constant 2 : i32
      %get3A_737 = arith.index_cast %get3A_736 : i32 to index
      %get3A_738 = arith.index_cast %mul3A_735 : i32 to index
      %get3A_739 = tpu.vector_load %arg11[%get3A_737, %get3A_738] {strides = array<i32>} : memref<32x512xf32, #tpu.memory_space<vmem>>, vector<16xf32>,
      %mul3A_740 = arith.mulf %get3A_733, %get3A_739 : vector<16xf32>
      %add3A_741 = arith.addf %add3A_727, %mul3A_740 : vector<16xf32>
      %mul3A_742 = arith.constant 16 : i32
      %mul3A_743 = arith.muli %scan3A_696, %mul3A_742 : i32
      %get3A_744 = arith.constant 3 : i32
      %get3A_745 = arith.index_cast %get3A_744 : i32 to index
      %get3A_746 = arith.index_cast %mul3A_743 : i32 to index
      %get3A_747 = tpu.vector_load %arg10[%get3A_745, %get3A_746] {strides = array<i32>} : memref<32x512xf32, #tpu.memory_space<vmem>>, vector<16xf32>,
      %mul3A_748 = arith.constant 16 : i32
      %mul3A_749 = arith.muli %scan3A_696, %mul3A_748 : i32
      %get3A_750 = arith.constant 3 : i32
      %get3A_751 = arith.index_cast %get3A_750 : i32 to index
      %get3A_752 = arith.index_cast %mul3A_749 : i32 to index
      %get3A_753 = tpu.vector_load %arg11[%get3A_751, %get3A_752] {strides = array<i32>} : memref<32x512xf32, #tpu.memory_space<vmem>>, vector<16xf32>,
      %mul3A_754 = arith.mulf %get3A_747, %get3A_753 : vector<16xf32>
      %add3A_755 = arith.addf %add3A_741, %mul3A_754 : vector<16xf32>
      %mul3A_756 = arith.constant 16 : i32
      %mul3A_757 = arith.muli %scan3A_696, %mul3A_756 : i32
      %get3A_758 = arith.constant 4 : i32
      %get3A_759 = arith.index_cast %get3A_758 : i32 to index
      %get3A_760 = arith.index_cast %mul3A_757 : i32 to index
      %get3A_761 = tpu.vector_load %arg10[%get3A_759, %get3A_760] {strides = array<i32>} : memref<32x512xf32, #tpu.memory_space<vmem>>, vector<16xf32>,
      %mul3A_762 = arith.constant 16 : i32
      %mul3A_763 = arith.muli %scan3A_696, %mul3A_762 : i32
      %get3A_764 = arith.constant 4 : i32
      %get3A_765 = arith.index_cast %get3A_764 : i32 to index
      %get3A_766 = arith.index_cast %mul3A_763 : i32 to index
      %get3A_767 = tpu.vector_load %arg11[%get3A_765, %get3A_766] {strides = array<i32>} : memref<32x512xf32, #tpu.memory_space<vmem>>, vector<16xf32>,
      %mul3A_768 = arith.mulf %get3A_761, %get3A_767 : vector<16xf32>
      %add3A_769 = arith.addf %add3A_755, %mul3A_768 : vector<16xf32>
      %mul3A_770 = arith.constant 16 : i32
      %mul3A_771 = arith.muli %scan3A_696, %mul3A_770 : i32
      %get3A_772 = arith.constant 5 : i32
      %get3A_773 = arith.index_cast %get3A_772 : i32 to index
      %get3A_774 = arith.index_cast %mul3A_771 : i32 to index
      %get3A_775 = tpu.vector_load %arg10[%get3A_773, %get3A_774] {strides = array<i32>} : memref<32x512xf32, #tpu.memory_space<vmem>>, vector<16xf32>,
      %mul3A_776 = arith.constant 16 : i32
      %mul3A_777 = arith.muli %scan3A_696, %mul3A_776 : i32
      %get3A_778 = arith.constant 5 : i32
      %get3A_779 = arith.index_cast %get3A_778 : i32 to index
      %get3A_780 = arith.index_cast %mul3A_777 : i32 to index
      %get3A_781 = tpu.vector_load %arg11[%get3A_779, %get3A_780] {strides = array<i32>} : memref<32x512xf32, #tpu.memory_space<vmem>>, vector<16xf32>,
      %mul3A_782 = arith.mulf %get3A_775, %get3A_781 : vector<16xf32>
      %add3A_783 = arith.addf %add3A_769, %mul3A_782 : vector<16xf32>
      %mul3A_784 = arith.constant 16 : i32
      %mul3A_785 = arith.muli %scan3A_696, %mul3A_784 : i32
      %get3A_786 = arith.constant 6 : i32
      %get3A_787 = arith.index_cast %get3A_786 : i32 to index
      %get3A_788 = arith.index_cast %mul3A_785 : i32 to index
      %get3A_789 = tpu.vector_load %arg10[%get3A_787, %get3A_788] {strides = array<i32>} : memref<32x512xf32, #tpu.memory_space<vmem>>, vector<16xf32>,
      %mul3A_790 = arith.constant 16 : i32
      %mul3A_791 = arith.muli %scan3A_696, %mul3A_790 : i32
      %get3A_792 = arith.constant 6 : i32
      %get3A_793 = arith.index_cast %get3A_792 : i32 to index
      %get3A_794 = arith.index_cast %mul3A_791 : i32 to index
      %get3A_795 = tpu.vector_load %arg11[%get3A_793, %get3A_794] {strides = array<i32>} : memref<32x512xf32, #tpu.memory_space<vmem>>, vector<16xf32>,
      %mul3A_796 = arith.mulf %get3A_789, %get3A_795 : vector<16xf32>
      %add3A_797 = arith.addf %add3A_783, %mul3A_796 : vector<16xf32>
      %mul3A_798 = arith.constant 16 : i32
      %mul3A_799 = arith.muli %scan3A_696, %mul3A_798 : i32
      %get3A_800 = arith.constant 7 : i32
      %get3A_801 = arith.index_cast %get3A_800 : i32 to index
      %get3A_802 = arith.index_cast %mul3A_799 : i32 to index
      %get3A_803 = tpu.vector_load %arg10[%get3A_801, %get3A_802] {strides = array<i32>} : memref<32x512xf32, #tpu.memory_space<vmem>>, vector<16xf32>,
      %mul3A_804 = arith.constant 16 : i32
      %mul3A_805 = arith.muli %scan3A_696, %mul3A_804 : i32
      %get3A_806 = arith.constant 7 : i32
      %get3A_807 = arith.index_cast %get3A_806 : i32 to index
      %get3A_808 = arith.index_cast %mul3A_805 : i32 to index
      %get3A_809 = tpu.vector_load %arg11[%get3A_807, %get3A_808] {strides = array<i32>} : memref<32x512xf32, #tpu.memory_space<vmem>>, vector<16xf32>,
      %mul3A_810 = arith.mulf %get3A_803, %get3A_809 : vector<16xf32>
      %add3A_811 = arith.addf %add3A_797, %mul3A_810 : vector<16xf32>
      %mul3A_812 = arith.constant 16 : i32
      %mul3A_813 = arith.muli %scan3A_696, %mul3A_812 : i32
      %get3A_814 = arith.constant 8 : i32
      %get3A_815 = arith.index_cast %get3A_814 : i32 to index
      %get3A_816 = arith.index_cast %mul3A_813 : i32 to index
      %get3A_817 = tpu.vector_load %arg10[%get3A_815, %get3A_816] {strides = array<i32>} : memref<32x512xf32, #tpu.memory_space<vmem>>, vector<16xf32>,
      %mul3A_818 = arith.constant 16 : i32
      %mul3A_819 = arith.muli %scan3A_696, %mul3A_818 : i32
      %get3A_820 = arith.constant 8 : i32
      %get3A_821 = arith.index_cast %get3A_820 : i32 to index
      %get3A_822 = arith.index_cast %mul3A_819 : i32 to index
      %get3A_823 = tpu.vector_load %arg11[%get3A_821, %get3A_822] {strides = array<i32>} : memref<32x512xf32, #tpu.memory_space<vmem>>, vector<16xf32>,
      %mul3A_824 = arith.mulf %get3A_817, %get3A_823 : vector<16xf32>
      %add3A_825 = arith.addf %add3A_811, %mul3A_824 : vector<16xf32>
      %mul3A_826 = arith.constant 16 : i32
      %mul3A_827 = arith.muli %scan3A_696, %mul3A_826 : i32
      %get3A_828 = arith.constant 9 : i32
      %get3A_829 = arith.index_cast %get3A_828 : i32 to index
      %get3A_830 = arith.index_cast %mul3A_827 : i32 to index
      %get3A_831 = tpu.vector_load %arg10[%get3A_829, %get3A_830] {strides = array<i32>} : memref<32x512xf32, #tpu.memory_space<vmem>>, vector<16xf32>,
      %mul3A_832 = arith.constant 16 : i32
      %mul3A_833 = arith.muli %scan3A_696, %mul3A_832 : i32
      %get3A_834 = arith.constant 9 : i32
      %get3A_835 = arith.index_cast %get3A_834 : i32 to index
      %get3A_836 = arith.index_cast %mul3A_833 : i32 to index
      %get3A_837 = tpu.vector_load %arg11[%get3A_835, %get3A_836] {strides = array<i32>} : memref<32x512xf32, #tpu.memory_space<vmem>>, vector<16xf32>,
      %mul3A_838 = arith.mulf %get3A_831, %get3A_837 : vector<16xf32>
      %add3A_839 = arith.addf %add3A_825, %mul3A_838 : vector<16xf32>
      %mul3A_840 = arith.constant 16 : i32
      %mul3A_841 = arith.muli %scan3A_696, %mul3A_840 : i32
      %get3A_842 = arith.constant 10 : i32
      %get3A_843 = arith.index_cast %get3A_842 : i32 to index
      %get3A_844 = arith.index_cast %mul3A_841 : i32 to index
      %get3A_845 = tpu.vector_load %arg10[%get3A_843, %get3A_844] {strides = array<i32>} : memref<32x512xf32, #tpu.memory_space<vmem>>, vector<16xf32>,
      %mul3A_846 = arith.constant 16 : i32
      %mul3A_847 = arith.muli %scan3A_696, %mul3A_846 : i32
      %get3A_848 = arith.constant 10 : i32
      %get3A_849 = arith.index_cast %get3A_848 : i32 to index
      %get3A_850 = arith.index_cast %mul3A_847 : i32 to index
      %get3A_851 = tpu.vector_load %arg11[%get3A_849, %get3A_850] {strides = array<i32>} : memref<32x512xf32, #tpu.memory_space<vmem>>, vector<16xf32>,
      %mul3A_852 = arith.mulf %get3A_845, %get3A_851 : vector<16xf32>
      %add3A_853 = arith.addf %add3A_839, %mul3A_852 : vector<16xf32>
      %mul3A_854 = arith.constant 16 : i32
      %mul3A_855 = arith.muli %scan3A_696, %mul3A_854 : i32
      %get3A_856 = arith.constant 11 : i32
      %get3A_857 = arith.index_cast %get3A_856 : i32 to index
      %get3A_858 = arith.index_cast %mul3A_855 : i32 to index
      %get3A_859 = tpu.vector_load %arg10[%get3A_857, %get3A_858] {strides = array<i32>} : memref<32x512xf32, #tpu.memory_space<vmem>>, vector<16xf32>,
      %mul3A_860 = arith.constant 16 : i32
      %mul3A_861 = arith.muli %scan3A_696, %mul3A_860 : i32
      %get3A_862 = arith.constant 11 : i32
      %get3A_863 = arith.index_cast %get3A_862 : i32 to index
      %get3A_864 = arith.index_cast %mul3A_861 : i32 to index
      %get3A_865 = tpu.vector_load %arg11[%get3A_863, %get3A_864] {strides = array<i32>} : memref<32x512xf32, #tpu.memory_space<vmem>>, vector<16xf32>,
      %mul3A_866 = arith.mulf %get3A_859, %get3A_865 : vector<16xf32>
      %add3A_867 = arith.addf %add3A_853, %mul3A_866 : vector<16xf32>
      %mul3A_868 = arith.constant 16 : i32
      %mul3A_869 = arith.muli %scan3A_696, %mul3A_868 : i32
      %get3A_870 = arith.constant 12 : i32
      %get3A_871 = arith.index_cast %get3A_870 : i32 to index
      %get3A_872 = arith.index_cast %mul3A_869 : i32 to index
      %get3A_873 = tpu.vector_load %arg10[%get3A_871, %get3A_872] {strides = array<i32>} : memref<32x512xf32, #tpu.memory_space<vmem>>, vector<16xf32>,
      %mul3A_874 = arith.constant 16 : i32
      %mul3A_875 = arith.muli %scan3A_696, %mul3A_874 : i32
      %get3A_876 = arith.constant 12 : i32
      %get3A_877 = arith.index_cast %get3A_876 : i32 to index
      %get3A_878 = arith.index_cast %mul3A_875 : i32 to index
      %get3A_879 = tpu.vector_load %arg11[%get3A_877, %get3A_878] {strides = array<i32>} : memref<32x512xf32, #tpu.memory_space<vmem>>, vector<16xf32>,
      %mul3A_880 = arith.mulf %get3A_873, %get3A_879 : vector<16xf32>
      %add3A_881 = arith.addf %add3A_867, %mul3A_880 : vector<16xf32>
      %mul3A_882 = arith.constant 16 : i32
      %mul3A_883 = arith.muli %scan3A_696, %mul3A_882 : i32
      %get3A_884 = arith.constant 13 : i32
      %get3A_885 = arith.index_cast %get3A_884 : i32 to index
      %get3A_886 = arith.index_cast %mul3A_883 : i32 to index
      %get3A_887 = tpu.vector_load %arg10[%get3A_885, %get3A_886] {strides = array<i32>} : memref<32x512xf32, #tpu.memory_space<vmem>>, vector<16xf32>,
      %mul3A_888 = arith.constant 16 : i32
      %mul3A_889 = arith.muli %scan3A_696, %mul3A_888 : i32
      %get3A_890 = arith.constant 13 : i32
      %get3A_891 = arith.index_cast %get3A_890 : i32 to index
      %get3A_892 = arith.index_cast %mul3A_889 : i32 to index
      %get3A_893 = tpu.vector_load %arg11[%get3A_891, %get3A_892] {strides = array<i32>} : memref<32x512xf32, #tpu.memory_space<vmem>>, vector<16xf32>,
      %mul3A_894 = arith.mulf %get3A_887, %get3A_893 : vector<16xf32>
      %add3A_895 = arith.addf %add3A_881, %mul3A_894 : vector<16xf32>
      %mul3A_896 = arith.constant 16 : i32
      %mul3A_897 = arith.muli %scan3A_696, %mul3A_896 : i32
      %get3A_898 = arith.constant 14 : i32
      %get3A_899 = arith.index_cast %get3A_898 : i32 to index
      %get3A_900 = arith.index_cast %mul3A_897 : i32 to index
      %get3A_901 = tpu.vector_load %arg10[%get3A_899, %get3A_900] {strides = array<i32>} : memref<32x512xf32, #tpu.memory_space<vmem>>, vector<16xf32>,
      %mul3A_902 = arith.constant 16 : i32
      %mul3A_903 = arith.muli %scan3A_696, %mul3A_902 : i32
      %get3A_904 = arith.constant 14 : i32
      %get3A_905 = arith.index_cast %get3A_904 : i32 to index
      %get3A_906 = arith.index_cast %mul3A_903 : i32 to index
      %get3A_907 = tpu.vector_load %arg11[%get3A_905, %get3A_906] {strides = array<i32>} : memref<32x512xf32, #tpu.memory_space<vmem>>, vector<16xf32>,
      %mul3A_908 = arith.mulf %get3A_901, %get3A_907 : vector<16xf32>
      %add3A_909 = arith.addf %add3A_895, %mul3A_908 : vector<16xf32>
      %mul3A_910 = arith.constant 16 : i32
      %mul3A_911 = arith.muli %scan3A_696, %mul3A_910 : i32
      %get3A_912 = arith.constant 15 : i32
      %get3A_913 = arith.index_cast %get3A_912 : i32 to index
      %get3A_914 = arith.index_cast %mul3A_911 : i32 to index
      %get3A_915 = tpu.vector_load %arg10[%get3A_913, %get3A_914] {strides = array<i32>} : memref<32x512xf32, #tpu.memory_space<vmem>>, vector<16xf32>,
      %mul3A_916 = arith.constant 16 : i32
      %mul3A_917 = arith.muli %scan3A_696, %mul3A_916 : i32
      %get3A_918 = arith.constant 15 : i32
      %get3A_919 = arith.index_cast %get3A_918 : i32 to index
      %get3A_920 = arith.index_cast %mul3A_917 : i32 to index
      %get3A_921 = tpu.vector_load %arg11[%get3A_919, %get3A_920] {strides = array<i32>} : memref<32x512xf32, #tpu.memory_space<vmem>>, vector<16xf32>,
      %mul3A_922 = arith.mulf %get3A_915, %get3A_921 : vector<16xf32>
      %add3A_923 = arith.addf %add3A_909, %mul3A_922 : vector<16xf32>
      %mul3A_924 = arith.constant 16 : i32
      %mul3A_925 = arith.muli %scan3A_696, %mul3A_924 : i32
      %get3A_926 = arith.constant 16 : i32
      %get3A_927 = arith.index_cast %get3A_926 : i32 to index
      %get3A_928 = arith.index_cast %mul3A_925 : i32 to index
      %get3A_929 = tpu.vector_load %arg10[%get3A_927, %get3A_928] {strides = array<i32>} : memref<32x512xf32, #tpu.memory_space<vmem>>, vector<16xf32>,
      %mul3A_930 = arith.constant 16 : i32
      %mul3A_931 = arith.muli %scan3A_696, %mul3A_930 : i32
      %get3A_932 = arith.constant 16 : i32
      %get3A_933 = arith.index_cast %get3A_932 : i32 to index
      %get3A_934 = arith.index_cast %mul3A_931 : i32 to index
      %get3A_935 = tpu.vector_load %arg11[%get3A_933, %get3A_934] {strides = array<i32>} : memref<32x512xf32, #tpu.memory_space<vmem>>, vector<16xf32>,
      %mul3A_936 = arith.mulf %get3A_929, %get3A_935 : vector<16xf32>
      %add3A_937 = arith.addf %add3A_923, %mul3A_936 : vector<16xf32>
      %mul3A_938 = arith.constant 16 : i32
      %mul3A_939 = arith.muli %scan3A_696, %mul3A_938 : i32
      %get3A_940 = arith.constant 17 : i32
      %get3A_941 = arith.index_cast %get3A_940 : i32 to index
      %get3A_942 = arith.index_cast %mul3A_939 : i32 to index
      %get3A_943 = tpu.vector_load %arg10[%get3A_941, %get3A_942] {strides = array<i32>} : memref<32x512xf32, #tpu.memory_space<vmem>>, vector<16xf32>,
      %mul3A_944 = arith.constant 16 : i32
      %mul3A_945 = arith.muli %scan3A_696, %mul3A_944 : i32
      %get3A_946 = arith.constant 17 : i32
      %get3A_947 = arith.index_cast %get3A_946 : i32 to index
      %get3A_948 = arith.index_cast %mul3A_945 : i32 to index
      %get3A_949 = tpu.vector_load %arg11[%get3A_947, %get3A_948] {strides = array<i32>} : memref<32x512xf32, #tpu.memory_space<vmem>>, vector<16xf32>,
      %mul3A_950 = arith.mulf %get3A_943, %get3A_949 : vector<16xf32>
      %add3A_951 = arith.addf %add3A_937, %mul3A_950 : vector<16xf32>
      %mul3A_952 = arith.constant 16 : i32
      %mul3A_953 = arith.muli %scan3A_696, %mul3A_952 : i32
      %get3A_954 = arith.constant 18 : i32
      %get3A_955 = arith.index_cast %get3A_954 : i32 to index
      %get3A_956 = arith.index_cast %mul3A_953 : i32 to index
      %get3A_957 = tpu.vector_load %arg10[%get3A_955, %get3A_956] {strides = array<i32>} : memref<32x512xf32, #tpu.memory_space<vmem>>, vector<16xf32>,
      %mul3A_958 = arith.constant 16 : i32
      %mul3A_959 = arith.muli %scan3A_696, %mul3A_958 : i32
      %get3A_960 = arith.constant 18 : i32
      %get3A_961 = arith.index_cast %get3A_960 : i32 to index
      %get3A_962 = arith.index_cast %mul3A_959 : i32 to index
      %get3A_963 = tpu.vector_load %arg11[%get3A_961, %get3A_962] {strides = array<i32>} : memref<32x512xf32, #tpu.memory_space<vmem>>, vector<16xf32>,
      %mul3A_964 = arith.mulf %get3A_957, %get3A_963 : vector<16xf32>
      %add3A_965 = arith.addf %add3A_951, %mul3A_964 : vector<16xf32>
      %mul3A_966 = arith.constant 16 : i32
      %mul3A_967 = arith.muli %scan3A_696, %mul3A_966 : i32
      %get3A_968 = arith.constant 19 : i32
      %get3A_969 = arith.index_cast %get3A_968 : i32 to index
      %get3A_970 = arith.index_cast %mul3A_967 : i32 to index
      %get3A_971 = tpu.vector_load %arg10[%get3A_969, %get3A_970] {strides = array<i32>} : memref<32x512xf32, #tpu.memory_space<vmem>>, vector<16xf32>,
      %mul3A_972 = arith.constant 16 : i32
      %mul3A_973 = arith.muli %scan3A_696, %mul3A_972 : i32
      %get3A_974 = arith.constant 19 : i32
      %get3A_975 = arith.index_cast %get3A_974 : i32 to index
      %get3A_976 = arith.index_cast %mul3A_973 : i32 to index
      %get3A_977 = tpu.vector_load %arg11[%get3A_975, %get3A_976] {strides = array<i32>} : memref<32x512xf32, #tpu.memory_space<vmem>>, vector<16xf32>,
      %mul3A_978 = arith.mulf %get3A_971, %get3A_977 : vector<16xf32>
      %add3A_979 = arith.addf %add3A_965, %mul3A_978 : vector<16xf32>
      %mul3A_980 = arith.constant 16 : i32
      %mul3A_981 = arith.muli %scan3A_696, %mul3A_980 : i32
      %get3A_982 = arith.constant 20 : i32
      %get3A_983 = arith.index_cast %get3A_982 : i32 to index
      %get3A_984 = arith.index_cast %mul3A_981 : i32 to index
      %get3A_985 = tpu.vector_load %arg10[%get3A_983, %get3A_984] {strides = array<i32>} : memref<32x512xf32, #tpu.memory_space<vmem>>, vector<16xf32>,
      %mul3A_986 = arith.constant 16 : i32
      %mul3A_987 = arith.muli %scan3A_696, %mul3A_986 : i32
      %get3A_988 = arith.constant 20 : i32
      %get3A_989 = arith.index_cast %get3A_988 : i32 to index
      %get3A_990 = arith.index_cast %mul3A_987 : i32 to index
      %get3A_991 = tpu.vector_load %arg11[%get3A_989, %get3A_990] {strides = array<i32>} : memref<32x512xf32, #tpu.memory_space<vmem>>, vector<16xf32>,
      %mul3A_992 = arith.mulf %get3A_985, %get3A_991 : vector<16xf32>
      %add3A_993 = arith.addf %add3A_979, %mul3A_992 : vector<16xf32>
      %mul3A_994 = arith.constant 16 : i32
      %mul3A_995 = arith.muli %scan3A_696, %mul3A_994 : i32
      %get3A_996 = arith.constant 21 : i32
      %get3A_997 = arith.index_cast %get3A_996 : i32 to index
      %get3A_998 = arith.index_cast %mul3A_995 : i32 to index
      %get3A_999 = tpu.vector_load %arg10[%get3A_997, %get3A_998] {strides = array<i32>} : memref<32x512xf32, #tpu.memory_space<vmem>>, vector<16xf32>,
      %mul3A_1000 = arith.constant 16 : i32
      %mul3A_1001 = arith.muli %scan3A_696, %mul3A_1000 : i32
      %get3A_1002 = arith.constant 21 : i32
      %get3A_1003 = arith.index_cast %get3A_1002 : i32 to index
      %get3A_1004 = arith.index_cast %mul3A_1001 : i32 to index
      %get3A_1005 = tpu.vector_load %arg11[%get3A_1003, %get3A_1004] {strides = array<i32>} : memref<32x512xf32, #tpu.memory_space<vmem>>, vector<16xf32>,
      %mul3A_1006 = arith.mulf %get3A_999, %get3A_1005 : vector<16xf32>
      %add3A_1007 = arith.addf %add3A_993, %mul3A_1006 : vector<16xf32>
      %mul3A_1008 = arith.constant 16 : i32
      %mul3A_1009 = arith.muli %scan3A_696, %mul3A_1008 : i32
      %get3A_1010 = arith.constant 22 : i32
      %get3A_1011 = arith.index_cast %get3A_1010 : i32 to index
      %get3A_1012 = arith.index_cast %mul3A_1009 : i32 to index
      %get3A_1013 = tpu.vector_load %arg10[%get3A_1011, %get3A_1012] {strides = array<i32>} : memref<32x512xf32, #tpu.memory_space<vmem>>, vector<16xf32>,
      %mul3A_1014 = arith.constant 16 : i32
      %mul3A_1015 = arith.muli %scan3A_696, %mul3A_1014 : i32
      %get3A_1016 = arith.constant 22 : i32
      %get3A_1017 = arith.index_cast %get3A_1016 : i32 to index
      %get3A_1018 = arith.index_cast %mul3A_1015 : i32 to index
      %get3A_1019 = tpu.vector_load %arg11[%get3A_1017, %get3A_1018] {strides = array<i32>} : memref<32x512xf32, #tpu.memory_space<vmem>>, vector<16xf32>,
      %mul3A_1020 = arith.mulf %get3A_1013, %get3A_1019 : vector<16xf32>
      %add3A_1021 = arith.addf %add3A_1007, %mul3A_1020 : vector<16xf32>
      %mul3A_1022 = arith.constant 16 : i32
      %mul3A_1023 = arith.muli %scan3A_696, %mul3A_1022 : i32
      %get3A_1024 = arith.constant 23 : i32
      %get3A_1025 = arith.index_cast %get3A_1024 : i32 to index
      %get3A_1026 = arith.index_cast %mul3A_1023 : i32 to index
      %get3A_1027 = tpu.vector_load %arg10[%get3A_1025, %get3A_1026] {strides = array<i32>} : memref<32x512xf32, #tpu.memory_space<vmem>>, vector<16xf32>,
      %mul3A_1028 = arith.constant 16 : i32
      %mul3A_1029 = arith.muli %scan3A_696, %mul3A_1028 : i32
      %get3A_1030 = arith.constant 23 : i32
      %get3A_1031 = arith.index_cast %get3A_1030 : i32 to index
      %get3A_1032 = arith.index_cast %mul3A_1029 : i32 to index
      %get3A_1033 = tpu.vector_load %arg11[%get3A_1031, %get3A_1032] {strides = array<i32>} : memref<32x512xf32, #tpu.memory_space<vmem>>, vector<16xf32>,
      %mul3A_1034 = arith.mulf %get3A_1027, %get3A_1033 : vector<16xf32>
      %add3A_1035 = arith.addf %add3A_1021, %mul3A_1034 : vector<16xf32>
      %mul3A_1036 = arith.constant 16 : i32
      %mul3A_1037 = arith.muli %scan3A_696, %mul3A_1036 : i32
      %get3A_1038 = arith.constant 24 : i32
      %get3A_1039 = arith.index_cast %get3A_1038 : i32 to index
      %get3A_1040 = arith.index_cast %mul3A_1037 : i32 to index
      %get3A_1041 = tpu.vector_load %arg10[%get3A_1039, %get3A_1040] {strides = array<i32>} : memref<32x512xf32, #tpu.memory_space<vmem>>, vector<16xf32>,
      %mul3A_1042 = arith.constant 16 : i32
      %mul3A_1043 = arith.muli %scan3A_696, %mul3A_1042 : i32
      %get3A_1044 = arith.constant 24 : i32
      %get3A_1045 = arith.index_cast %get3A_1044 : i32 to index
      %get3A_1046 = arith.index_cast %mul3A_1043 : i32 to index
      %get3A_1047 = tpu.vector_load %arg11[%get3A_1045, %get3A_1046] {strides = array<i32>} : memref<32x512xf32, #tpu.memory_space<vmem>>, vector<16xf32>,
      %mul3A_1048 = arith.mulf %get3A_1041, %get3A_1047 : vector<16xf32>
      %add3A_1049 = arith.addf %add3A_1035, %mul3A_1048 : vector<16xf32>
      %mul3A_1050 = arith.constant 16 : i32
      %mul3A_1051 = arith.muli %scan3A_696, %mul3A_1050 : i32
      %get3A_1052 = arith.constant 25 : i32
      %get3A_1053 = arith.index_cast %get3A_1052 : i32 to index
      %get3A_1054 = arith.index_cast %mul3A_1051 : i32 to index
      %get3A_1055 = tpu.vector_load %arg10[%get3A_1053, %get3A_1054] {strides = array<i32>} : memref<32x512xf32, #tpu.memory_space<vmem>>, vector<16xf32>,
      %mul3A_1056 = arith.constant 16 : i32
      %mul3A_1057 = arith.muli %scan3A_696, %mul3A_1056 : i32
      %get3A_1058 = arith.constant 25 : i32
      %get3A_1059 = arith.index_cast %get3A_1058 : i32 to index
      %get3A_1060 = arith.index_cast %mul3A_1057 : i32 to index
      %get3A_1061 = tpu.vector_load %arg11[%get3A_1059, %get3A_1060] {strides = array<i32>} : memref<32x512xf32, #tpu.memory_space<vmem>>, vector<16xf32>,
      %mul3A_1062 = arith.mulf %get3A_1055, %get3A_1061 : vector<16xf32>
      %add3A_1063 = arith.addf %add3A_1049, %mul3A_1062 : vector<16xf32>
      %mul3A_1064 = arith.constant 16 : i32
      %mul3A_1065 = arith.muli %scan3A_696, %mul3A_1064 : i32
      %get3A_1066 = arith.constant 26 : i32
      %get3A_1067 = arith.index_cast %get3A_1066 : i32 to index
      %get3A_1068 = arith.index_cast %mul3A_1065 : i32 to index
      %get3A_1069 = tpu.vector_load %arg10[%get3A_1067, %get3A_1068] {strides = array<i32>} : memref<32x512xf32, #tpu.memory_space<vmem>>, vector<16xf32>,
      %mul3A_1070 = arith.constant 16 : i32
      %mul3A_1071 = arith.muli %scan3A_696, %mul3A_1070 : i32
      %get3A_1072 = arith.constant 26 : i32
      %get3A_1073 = arith.index_cast %get3A_1072 : i32 to index
      %get3A_1074 = arith.index_cast %mul3A_1071 : i32 to index
      %get3A_1075 = tpu.vector_load %arg11[%get3A_1073, %get3A_1074] {strides = array<i32>} : memref<32x512xf32, #tpu.memory_space<vmem>>, vector<16xf32>,
      %mul3A_1076 = arith.mulf %get3A_1069, %get3A_1075 : vector<16xf32>
      %add3A_1077 = arith.addf %add3A_1063, %mul3A_1076 : vector<16xf32>
      %mul3A_1078 = arith.constant 16 : i32
      %mul3A_1079 = arith.muli %scan3A_696, %mul3A_1078 : i32
      %get3A_1080 = arith.constant 27 : i32
      %get3A_1081 = arith.index_cast %get3A_1080 : i32 to index
      %get3A_1082 = arith.index_cast %mul3A_1079 : i32 to index
      %get3A_1083 = tpu.vector_load %arg10[%get3A_1081, %get3A_1082] {strides = array<i32>} : memref<32x512xf32, #tpu.memory_space<vmem>>, vector<16xf32>,
      %mul3A_1084 = arith.constant 16 : i32
      %mul3A_1085 = arith.muli %scan3A_696, %mul3A_1084 : i32
      %get3A_1086 = arith.constant 27 : i32
      %get3A_1087 = arith.index_cast %get3A_1086 : i32 to index
      %get3A_1088 = arith.index_cast %mul3A_1085 : i32 to index
      %get3A_1089 = tpu.vector_load %arg11[%get3A_1087, %get3A_1088] {strides = array<i32>} : memref<32x512xf32, #tpu.memory_space<vmem>>, vector<16xf32>,
      %mul3A_1090 = arith.mulf %get3A_1083, %get3A_1089 : vector<16xf32>
      %add3A_1091 = arith.addf %add3A_1077, %mul3A_1090 : vector<16xf32>
      %mul3A_1092 = arith.constant 16 : i32
      %mul3A_1093 = arith.muli %scan3A_696, %mul3A_1092 : i32
      %get3A_1094 = arith.constant 28 : i32
      %get3A_1095 = arith.index_cast %get3A_1094 : i32 to index
      %get3A_1096 = arith.index_cast %mul3A_1093 : i32 to index
      %get3A_1097 = tpu.vector_load %arg10[%get3A_1095, %get3A_1096] {strides = array<i32>} : memref<32x512xf32, #tpu.memory_space<vmem>>, vector<16xf32>,
      %mul3A_1098 = arith.constant 16 : i32
      %mul3A_1099 = arith.muli %scan3A_696, %mul3A_1098 : i32
      %get3A_1100 = arith.constant 28 : i32
      %get3A_1101 = arith.index_cast %get3A_1100 : i32 to index
      %get3A_1102 = arith.index_cast %mul3A_1099 : i32 to index
      %get3A_1103 = tpu.vector_load %arg11[%get3A_1101, %get3A_1102] {strides = array<i32>} : memref<32x512xf32, #tpu.memory_space<vmem>>, vector<16xf32>,
      %mul3A_1104 = arith.mulf %get3A_1097, %get3A_1103 : vector<16xf32>
      %add3A_1105 = arith.addf %add3A_1091, %mul3A_1104 : vector<16xf32>
      %mul3A_1106 = arith.constant 16 : i32
      %mul3A_1107 = arith.muli %scan3A_696, %mul3A_1106 : i32
      %get3A_1108 = arith.constant 29 : i32
      %get3A_1109 = arith.index_cast %get3A_1108 : i32 to index
      %get3A_1110 = arith.index_cast %mul3A_1107 : i32 to index
      %get3A_1111 = tpu.vector_load %arg10[%get3A_1109, %get3A_1110] {strides = array<i32>} : memref<32x512xf32, #tpu.memory_space<vmem>>, vector<16xf32>,
      %mul3A_1112 = arith.constant 16 : i32
      %mul3A_1113 = arith.muli %scan3A_696, %mul3A_1112 : i32
      %get3A_1114 = arith.constant 29 : i32
      %get3A_1115 = arith.index_cast %get3A_1114 : i32 to index
      %get3A_1116 = arith.index_cast %mul3A_1113 : i32 to index
      %get3A_1117 = tpu.vector_load %arg11[%get3A_1115, %get3A_1116] {strides = array<i32>} : memref<32x512xf32, #tpu.memory_space<vmem>>, vector<16xf32>,
      %mul3A_1118 = arith.mulf %get3A_1111, %get3A_1117 : vector<16xf32>
      %add3A_1119 = arith.addf %add3A_1105, %mul3A_1118 : vector<16xf32>
      %mul3A_1120 = arith.constant 16 : i32
      %mul3A_1121 = arith.muli %scan3A_696, %mul3A_1120 : i32
      %get3A_1122 = arith.constant 30 : i32
      %get3A_1123 = arith.index_cast %get3A_1122 : i32 to index
      %get3A_1124 = arith.index_cast %mul3A_1121 : i32 to index
      %get3A_1125 = tpu.vector_load %arg10[%get3A_1123, %get3A_1124] {strides = array<i32>} : memref<32x512xf32, #tpu.memory_space<vmem>>, vector<16xf32>,
      %mul3A_1126 = arith.constant 16 : i32
      %mul3A_1127 = arith.muli %scan3A_696, %mul3A_1126 : i32
      %get3A_1128 = arith.constant 30 : i32
      %get3A_1129 = arith.index_cast %get3A_1128 : i32 to index
      %get3A_1130 = arith.index_cast %mul3A_1127 : i32 to index
      %get3A_1131 = tpu.vector_load %arg11[%get3A_1129, %get3A_1130] {strides = array<i32>} : memref<32x512xf32, #tpu.memory_space<vmem>>, vector<16xf32>,
      %mul3A_1132 = arith.mulf %get3A_1125, %get3A_1131 : vector<16xf32>
      %add3A_1133 = arith.addf %add3A_1119, %mul3A_1132 : vector<16xf32>
      %mul3A_1134 = arith.constant 16 : i32
      %mul3A_1135 = arith.muli %scan3A_696, %mul3A_1134 : i32
      %get3A_1136 = arith.constant 31 : i32
      %get3A_1137 = arith.index_cast %get3A_1136 : i32 to index
      %get3A_1138 = arith.index_cast %mul3A_1135 : i32 to index
      %get3A_1139 = tpu.vector_load %arg10[%get3A_1137, %get3A_1138] {strides = array<i32>} : memref<32x512xf32, #tpu.memory_space<vmem>>, vector<16xf32>,
      %mul3A_1140 = arith.constant 16 : i32
      %mul3A_1141 = arith.muli %scan3A_696, %mul3A_1140 : i32
      %get3A_1142 = arith.constant 31 : i32
      %get3A_1143 = arith.index_cast %get3A_1142 : i32 to index
      %get3A_1144 = arith.index_cast %mul3A_1141 : i32 to index
      %get3A_1145 = tpu.vector_load %arg11[%get3A_1143, %get3A_1144] {strides = array<i32>} : memref<32x512xf32, #tpu.memory_space<vmem>>, vector<16xf32>,
      %mul3A_1146 = arith.mulf %get3A_1139, %get3A_1145 : vector<16xf32>
      %add3A_1147 = arith.addf %add3A_1133, %mul3A_1146 : vector<16xf32>
      %mul3A_1148 = arith.constant 16 : i32
      %mul3A_1149 = arith.muli %scan3A_696, %mul3A_1148 : i32
      %swap3A = arith.index_cast %mul3A_1149 : i32 to index
      %swap3A_1150 = tpu.vector_load %arg12[%swap3A] {strides = array<i32>} : memref<512xf32, #tpu.memory_space<vmem>>, vector<16xf32>,
      tpu.vector_store %arg12[%swap3A], %add3A_1147 {strides = array<i32>} : memref<512xf32, #tpu.memory_space<vmem>>, vector<16xf32>,
      %scan3A_1151 = arith.constant 0 : i32
      scf.yield %scan3A_1151 : i32
    }
    %scan3A_695 = arith.constant 32 : i32
    "tpu.region"() ({
      %run_scoped3A = tpu.sem_alloc : memref<!tpu.dma_semaphore, #tpu.memory_space<semaphore_mem>>
      %dma_start3A = tpu.memref_slice %arg6[%mul3A_2] : memref<16384xf32, #tpu.memory_space<hbm>> -> memref<512xf32, #tpu.memory_space<hbm>>
      %dma_start3A_696 = tpu.memref_slice %arg6[%mul3A_2] : memref<16384xf32, #tpu.memory_space<hbm>> -> memref<512xf32, #tpu.memory_space<hbm>>
      tpu.enqueue_dma source(%arg12 : memref<512xf32, #tpu.memory_space<vmem>>) target(%dma_start3A_696 : memref<512xf32, #tpu.memory_space<hbm>>) target_semaphore(%run_scoped3A : memref<!tpu.dma_semaphore, #tpu.memory_space<semaphore_mem>>)
      %dma_wait3A_697 = tpu.memref_slice %arg6[%mul3A_2] : memref<16384xf32, #tpu.memory_space<hbm>> -> memref<512xf32, #tpu.memory_space<hbm>>
      %dma_wait3A_698 = tpu.memref_slice %arg6[%mul3A_2] : memref<16384xf32, #tpu.memory_space<hbm>> -> memref<512xf32, #tpu.memory_space<hbm>>
      tpu.wait_dma2 semaphore(%run_scoped3A : memref<!tpu.dma_semaphore, #tpu.memory_space<semaphore_mem>>) src(%arg12 : memref<512xf32, #tpu.memory_space<vmem>>) dst(%dma_wait3A_698 : memref<512xf32, #tpu.memory_space<hbm>>)
      tpu.yield
    }) : () -> ()
    return
  }
}

</mosaic_0001>

<sc_bundles>
// kernel: _sc_dot.3.cloned.1.call-start
scs
__scs_entry_jumppad:
0x0: {  	(pc) =	sbr.rel $0x88, $3  }
0x1: {  	(tag) =	ssettag $0x0;
	lr =	simm.s32 $0x1  }
0x2: {  	[smem:$0x3F9D] =	sst lr;
	_ =	strace $0xD0000000  }
0x3: {  	_ = 	snop  }
0x4: {  	_ = 	snop  }
0x5: {  	_ = 	snop  }
0x6: {  	_ = 	snop  }
0x7: {  	_ = 	snop  }
__scs_overlays_trampoline_lowered:
0x8: {  	[smem:$0x3FAC] =	sst s0  }
0x9: {  	[smem:$0x3FAD] =	sst s1  }
0xa: {  	[smem:$0x3FAE] =	sst s2  }
0xb: {  	[smem:$0x3FAF] =	sst s3  }
0xc: {  	[smem:$0x3FB0] =	sst s4  }
0xd: {  	[smem:$0x3FB1] =	sst s5  }
0xe: {  	[smem:$0x3FB2] =	sst s6  }
0xf: {  	[smem:$0x3FB3] =	sst s7  }
0x10: {  	[smem:$0x3FB4] =	sst s8  }
0x11: {  	[smem:$0x3FB5] =	sst s9;
	s0 =	simm.s32 @!p0 $0x0  }
0x12: {  	s1 =	sld [smem:$0x3F9B];
	s0 =	simm.s32 @p0 $0x1  }
0x13: {  	[smem:$0x3FB6] =	sst s0;
	s0 =	simm.s32 @!p1 $0x0  }
0x14: {  	s2 =	sld [smem:$0x3F9A];
	s0 =	simm.s32 @p1 $0x1  }
0x15: {  	[smem:$0x3FB7] =	sst s0;
	s0 =	simm.s32 @!p2 $0x0  }
0x16: {  	s3 =	sld [smem:$0x3FDB];
	s0 =	simm.s32 @p2 $0x1  }
0x17: {  	s4 =	simm.s32 $0x1BF5;
	[smem:$0x3FB9] =	sst s0  }
0x18: {  	s0 =	sld [smem:$0x3F9C];
	_ =	swait.ge [sflag:s4], $0x0  }
0x19: {  	s7 =	sld [smem:$0x3F9D]  }
0x1a: {  	s8 =	sadd.s32 $0xFFFFE003, lr  }
0x1b: {  	s9 =	sadd.s32 $0xFFFFFEF7, lr;
	s5 =	simm.s32 $0xFFFFFFFF;
	p2 =	slt.u32 s8, $0xFFFFF086  }
0x1c: {  	p1 =	slt.u32 s9, $0xF7A;
	s5 =	simm.s32 @!p2 $0x0  }
0x1d: {  	s5 =	simm.s32 @p1 $0x1;
	p0 =	seq.s32 s7, s2  }
0x1e: {  	s7 =	smul.u32 @!p0 $0xF7A, s2;
	p2 =	seq.s32 @!p0 s5, $0x0  }
0x1f: {  	s9 =	smul.u32 $0xF7A, s1;
	s8 =	simm.s32 @!p0 $0x1BF5;
	p2 =	por !p2, p0  }
0x20: {  	[sflag:s8] =	ssyncset.s32 @!p0 $0xFFFFF086;
	s6 =	sadd.s32 @!p0 s3, s7;
	s7 =	simm.s32 @!p0 $0x108  }
0x21: {  	s3 =	sadd.s32 s3, s9;
	s6 =	sadd.s32 @!p0 $0x88, s6;
	s7 =	simm.s32 @p2 $0x1082  }
0x22: {  	[simem:s7], [sflag:s8] =	dma.local @!p0 [hbm:s6], $0xF7A  }
0x23: {  	s9 =	sor.u32 $0xD0000000, s2;
	s6 =	simm.s32 $0x108;
	_ =	swait.ge @!p0 [sflag:s8], $0x0  }
0x24: {  	s3 =	sadd.s32 $0x88, s3;
	s6 =	simm.s32 @!p1 $0x1082;
	[sflag:s4] =	ssyncset.s32 $0xFFFFF086  }
0x25: {  	[simem:s6], [sflag:s4] =	dma.local [hbm:s3], $0xF7A  }
0x26: {  	[smem:$0x3F9D] =	sst s1;
	(tag) =	ssettag s2;
	_ =	strace s9  }
0x27: {  	s1 =	sld [smem:$0x3FAD]  }
0x28: {  	s2 =	sld [smem:$0x3FAE]  }
0x29: {  	s4 =	sld [smem:$0x3FB0]  }
0x2a: {  	p0 =	seq.s32 s5, $0x0;
	s5 =	sld [smem:$0x3FB1]  }
0x2b: {  	s6 =	sld [smem:$0x3FB2]  }
0x2c: {  	s7 =	sld [smem:$0x3FB3]  }
0x2d: {  	s3 =	simm.s32 $0x108;
	s8 =	sld [smem:$0x3FB4]  }
0x2e: {  	s3 =	simm.s32 @!p0 $0x1082;
	s9 =	sld [smem:$0x3FB5]  }
0x2f: {  	lr =	sadd.s32 s0, s3;
	s0 =	sld [smem:$0x3FAC]  }
0x30: {  	s3 =	sld [smem:$0x3FAF]  }
0x31: {  	[smem:$0x3FB8] =	sst s10  }
0x32: {  	s10 =	sld [smem:$0x3FB6];
	_ =	sdelay $0x3  }
0x33: {  	p0 =	seq.s32 s10, $0x1;
	s10 =	sld [smem:$0x3FB8];
	_ =	sdelay $0x3  }
0x34: {  	[smem:$0x3FB8] =	sst s10  }
0x35: {  	s10 =	sld [smem:$0x3FB7];
	_ =	sdelay $0x3  }
0x36: {  	p1 =	seq.s32 s10, $0x1;
	s10 =	sld [smem:$0x3FB8];
	_ =	sdelay $0x3  }
0x37: {  	[smem:$0x3FB8] =	sst s10  }
0x38: {  	s10 =	sld [smem:$0x3FB9]  }
0x39: {  	_ = 	snop;
	(pc) =	sbr.ind lr, $3  }
0x3a: {  	_ = 	snop  }
0x3b: {  	_ = 	snop  }
0x3c: {  	p2 =	seq.s32 s10, $0x1;
	s10 =	sld [smem:$0x3FB8]  }
0x3d: {  	_ =	shalt  }
0x3e: {  	_ =	shalt  }
0x3f: {  	_ =	shalt  }
0x40: {  	_ =	shalt  }
0x41: {  	_ =	shalt  }
0x42: {  	_ =	shalt  }
0x43: {  	_ =	shalt  }
0x44: {  	_ =	shalt  }
0x45: {  	_ =	shalt  }
0x46: {  	_ =	shalt  }
0x47: {  	_ =	shalt  }
0x48: {  	_ =	shalt  }
0x49: {  	_ =	shalt  }
0x4a: {  	_ =	shalt  }
0x4b: {  	_ =	shalt  }
0x4c: {  	_ =	shalt  }
0x4d: {  	_ =	shalt  }
0x4e: {  	_ =	shalt  }
0x4f: {  	_ =	shalt  }
0x50: {  	_ =	shalt  }
0x51: {  	_ =	shalt  }
0x52: {  	_ =	shalt  }
0x53: {  	_ =	shalt  }
0x54: {  	_ =	shalt  }
0x55: {  	_ =	shalt  }
0x56: {  	_ =	shalt  }
0x57: {  	_ =	shalt  }
0x58: {  	_ =	shalt  }
0x59: {  	_ =	shalt  }
0x5a: {  	_ =	shalt  }
0x5b: {  	_ =	shalt  }
0x5c: {  	_ =	shalt  }
0x5d: {  	_ =	shalt  }
0x5e: {  	_ =	shalt  }
0x5f: {  	_ =	shalt  }
0x60: {  	_ =	shalt  }
0x61: {  	_ =	shalt  }
0x62: {  	_ =	shalt  }
0x63: {  	_ =	shalt  }
0x64: {  	_ =	shalt  }
0x65: {  	_ =	shalt  }
0x66: {  	_ =	shalt  }
0x67: {  	_ =	shalt  }
0x68: {  	_ =	shalt  }
0x69: {  	_ =	shalt  }
0x6a: {  	_ =	shalt  }
0x6b: {  	_ =	shalt  }
0x6c: {  	_ =	shalt  }
0x6d: {  	_ =	shalt  }
0x6e: {  	_ =	shalt  }
0x6f: {  	_ =	shalt  }
0x70: {  	_ =	shalt  }
0x71: {  	_ =	shalt  }
0x72: {  	_ =	shalt  }
0x73: {  	_ =	shalt  }
0x74: {  	_ =	shalt  }
0x75: {  	_ =	shalt  }
0x76: {  	_ =	shalt  }
0x77: {  	_ =	shalt  }
0x78: {  	_ =	shalt  }
0x79: {  	_ =	shalt  }
0x7a: {  	_ =	shalt  }
0x7b: {  	_ =	shalt  }
0x7c: {  	_ =	shalt  }
0x7d: {  	_ =	shalt  }
0x7e: {  	_ =	shalt  }
0x7f: {  	_ =	shalt  }
0x80: {  	_ =	shalt  }
0x81: {  	_ =	shalt  }
0x82: {  	_ =	shalt  }
0x83: {  	_ =	shalt  }
0x84: {  	_ =	shalt  }
0x85: {  	_ =	shalt  }
0x86: {  	_ =	shalt  }
0x87: {  	_ =	shalt  }
.Lfunc_end0:
.L_simem_size_0:
called_computation_lowered:
.L_overlay_start_0:
0x88: {  	s2 =	sld [smem:$0x3FD9]  }
0x89: {  	s3 =	sld [smem:$0x3FFE];
	_ =	sdelay $0x1  }
0x8a: {  	s1 =	srdreg.scid  }
0x8b: {  	s0 =	sand.u32 $0x1, s1  }
0x8c: {  	s18 =	sshll.u32 s0, $0xA;
	s2 =	sadd.s32 s3, s2  }
0x8d: {  	s2 =	sadd.s32 s2, s18  }
0x8e: {  	[smem:$0x3FC4] =	sst s2  }
0x8f: {  	_ = 	snop  }
0x90: {  	s2 =	sld [smem:$0x3FC9]  }
0x91: {  	s19 =	sld [smem:$0x3FC8]  }
0x92: {  	s4 =	sld [smem:$0x3FC7]  }
0x93: {  	s5 =	sld [smem:$0x3FC6]  }
0x94: {  	s6 =	sld [smem:$0x3FD0];
	(tm) =	ssettm $0x1  }
0x95: {  	s7 =	sld [smem:$0x3FFB];
	_ =	sdelay $0x3  }
0x96: {  	_ =	strace s7  }
0x97: {  	s7 =	sld [smem:$0x3FFC];
	_ =	sdelay $0x3  }
0x98: {  	_ =	strace s7  }
0x99: {  	s7 =	sld [smem:$0x3FFD];
	_ =	sdelay $0x3  }
0x9a: {  	_ =	strace s7  }
0x9b: {  	_ =	strace $0x8FFFFFFF  }
0x9c: {  	s20 =	sld [smem:$0x3FDB];
	_ =	sdelay $0x1  }
0x9d: {  	s8 =	simm.s32 $_scs_section_size  }
0x9e: {  	s9 =	simm.s32 $_size__tile_overlayer_lowered;
	s10 =	simm.s32 $_tile_overlayer_lowered  }
0x9f: {  	s23 =	simm.s32 $0x1BFF;
	s22 =	sshll.u32 s10, $0x1;
	s7 =	sadd.s32 s8, s20  }
0xa0: {  	s11 =	simm.s32 $0x0;
	s21 =	sshll.u32 s9, $0x1;
	s9 =	sadd.s32 s22, s7  }
0xa1: {  	[timem:s11], [sflag:s23] =	dma.local [hbm:s9], s21  }
0xa2: {  	_ =	swait.ge [sflag:s23], s21  }
0xa3: {  	s8 =	ssub.s32 $0x0, s21;
	[sflag:s23] =	ssyncset.done $0x0  }
0xa4: {  	[sflag:s23] =	ssyncadd.s32 s8;
	_ =	sdelay $0x1  }
0xa5: {  	s24 =	simm.s32 $0x1B8B  }
0xa6: {  	_ =	swait.ge [sflag:s24], $0x1  }
0xa7: {  	[sflag:s24] =	ssyncset.done $0x0  }
0xa8: {  	s25 =	simm.s32 $0x1B8E;
	[sflag:s24] =	ssyncadd.s32 $0xFFFFFFFF  }
0xa9: {  	s26 =	simm.s32 $execute0_lowered;
	[smem:$0x3FD2] =	sst s25  }
0xaa: {  	s8 =	sshll.u32 s26, $0x1;
	_ =	strace $0x80000046;
	[dreg:$0x1] =	wrdreg $0xFFFFFFFF  }
0xab: {  	s28 =	simm.s32 $_size_execute0_lowered;
	s7 =	sadd.s32 s7, s8;
	[dreg:$0x0] =	wrdreg $0x0  }
0xac: {  	s8 =	sshll.u32 s28, $0x1;
	[dreg:$0x2] =	wrdreg s7  }
0xad: {  	[dreg:$0x3] =	wrdreg s8  }
0xae: {  	[dreg:$0x4] =	wrdreg $0xC0  }
0xaf: {  	_ =	task [dreg:s11], $0x5FFFF  }
0xb0: {  	[dreg:$0x1] =	wrdreg $0xFFFFFFFF  }
0xb1: {  	[dreg:$0x0] =	wrdreg $0x60  }
0xb2: {  	[dreg:$0x2] =	wrdreg s2  }
0xb3: {  	[dreg:$0x3] =	wrdreg s19  }
0xb4: {  	[dreg:$0x4] =	wrdreg s4  }
0xb5: {  	[dreg:$0x5] =	wrdreg s5  }
0xb6: {  	[dreg:$0x6] =	wrdreg s6  }
0xb7: {  	[dreg:$0x7] =	wrdreg $0x9  }
0xb8: {  	_ =	task.clear_ibuf [dreg:s11], $0x8FFFF;
	_ =	strace $0x90000046  }
0xb9: {  	s29 =	simm.s32 $0x9;
	_ =	strace $0x80000048  }
0xba: {  	_ =	swait.ge [sflag:s29], $0x1  }
0xbb: {  	[sflag:s29] =	ssyncadd.s32 $0xFFFFFFFF  }
0xbc: {  	_ =	strace $0x90000048  }
0xbd: {  	_ =	sfence  }
0xbe: {  	s30 =	sld [smem:$0x0];
	_ =	sdelay $0x2  }
0xbf: {  	s31 =	sshll.u32 s1, $0xD;
	s1 =	sshrl.u32 s1, $0x2  }
0xc0: {  	s3 =	sand.u32 $0x4000, s31;
	s1 =	sadd.s32 s1, s30  }
0xc1: {  	s0 =	sor.u32 s3, s0;
	s1 =	sshll.u32 s1, $0x11  }
0xc2: {  	s0 =	sor.u32 s1, s0  }
0xc3: {  	s0 =	sadd.s32 $0x8F2B, s0  }
0xc4: {  	[sflag:s0] =	ssyncadd.remote.s32 $0x1  }
0xc5: {  	_ =	sfence.sel $0xFFFF  }
0xc6: {  	[dreg:$0x0] =	wrdreg $0xFFFFFFFF;
	(pc) =	sbr.abs _section_cstart, $3  }
0xc7: {  	[dreg:$0x1] =	wrdreg $0xFFFFFFFF  }
0xc8: {  	_ =	task.clear_ibuf [dreg:s11], $0x2FFFF;
	_ =	strace $0x9FFFFFFF  }
0xc9: {  	(tm) =	ssettm $0x7FFFFFFF  }
tec
execute0_lowered:
.L_overlay_start_1:
0x0: {  	(tag) =	ssettag $0x1  }
0x1: {  	v0 =	vimm.s32 $0x1380;
	vm14 =	vcmask $0x300;
	vm13 =	vcmask $0x704  }
0x2: {  	vm12 =	vcmask $0xB08;
	vm11 =	vcmask $0xF0C;
	v1 =	vlaneseq.u32  }
0x3: {  	vm10 =	vcmask $0x1310;
	vm9 =	vcmask $0x1714;
	vm4 =	vcmask $0x1B18  }
0x4: {  	vm0 =	vcmask $0x1F1C;
	v3 =	vimm.s32 $0x3380;
	v4 =	vimm.s32 $0x1FF8  }
0x5: {  	vm1 =	vcmask $0x2320;
	vm2 =	vcmask $0x2724;
	vm3 =	vcmask $0x2B28  }
0x6: {  	vm5 =	vcmask $0x2F2C;
	vm6 =	vcmask $0x3330;
	vm7 =	vcmask $0x3734  }
0x7: {  	vm8 =	vcmask $0x3B38;
	v5 =	vimm.s32 $0x3FF8;
	v6 =	vimm.s32 $0x1FF9  }
0x8: {  	v7 =	vimm.s32 $0x3FF9;
	v8 =	vimm.s32 $0x1FFA;
	v9 =	vimm.s32 $0x3FFA  }
0x9: {  	v10 =	vimm.s32 $0x1FFB;
	v11 =	vimm.s32 $0x3FFB;
	v12 =	vimm.s32 $0x1FFC  }
0xa: {  	v13 =	vimm.s32 $0x3FFC;
	v14 =	vimm.s32 $0x1FFD;
	v15 =	vimm.s32 $0x3FFD  }
0xb: {  	v16 =	vimm.s32 $0x1FFE;
	v17 =	vimm.s32 $0x3FFE;
	v18 =	vimm.s32 $0x1FFF  }
0xc: {  	v19 =	vimm.s32 $0x3FFF;
	v0 =	vsel vm14, $0x0, v0;
	v3 =	vsel vm14, $0x2000, v3  }
0xd: {  	v4 =	vsel vm14, $0xC78, v4;
	v5 =	vsel vm14, $0x2C78, v5;
	v6 =	vsel vm14, $0xC79, v6  }
0xe: {  	v7 =	vsel vm14, $0x2C79, v7;
	v8 =	vsel vm14, $0xC7A, v8;
	v9 =	vsel vm14, $0x2C7A, v9  }
0xf: {  	v10 =	vsel vm14, $0xC7B, v10;
	v11 =	vsel vm14, $0x2C7B, v11;
	v12 =	vsel vm14, $0xC7C, v12  }
0x10: {  	v13 =	vsel vm14, $0x2C7C, v13;
	v14 =	vsel vm14, $0xC7D, v14;
	v15 =	vsel vm14, $0x2C7D, v15  }
0x11: {  	v16 =	vsel vm14, $0xC7E, v16;
	v17 =	vsel vm14, $0x2C7E, v17;
	v18 =	vsel vm14, $0xC7F, v18  }
0x12: {  	v19 =	vsel vm14, $0x2C7F, v19;
	v0 =	vsel vm13, $0x80, v0;
	v3 =	vsel vm13, $0x2080, v3  }
0x13: {  	v4 =	vsel vm13, $0xCF8, v4;
	v5 =	vsel vm13, $0x2CF8, v5;
	v6 =	vsel vm13, $0xCF9, v6  }
0x14: {  	v7 =	vsel vm13, $0x2CF9, v7;
	v8 =	vsel vm13, $0xCFA, v8;
	v9 =	vsel vm13, $0x2CFA, v9  }
0x15: {  	v10 =	vsel vm13, $0xCFB, v10;
	v11 =	vsel vm13, $0x2CFB, v11;
	v12 =	vsel vm13, $0xCFC, v12  }
0x16: {  	v13 =	vsel vm13, $0x2CFC, v13;
	v14 =	vsel vm13, $0xCFD, v14;
	v15 =	vsel vm13, $0x2CFD, v15  }
0x17: {  	v16 =	vsel vm13, $0xCFE, v16;
	v17 =	vsel vm13, $0x2CFE, v17;
	v18 =	vsel vm13, $0xCFF, v18  }
0x18: {  	v19 =	vsel vm13, $0x2CFF, v19;
	v0 =	vsel vm12, $0x100, v0;
	v3 =	vsel vm12, $0x2100, v3  }
0x19: {  	v4 =	vsel vm12, $0xD78, v4;
	v5 =	vsel vm12, $0x2D78, v5;
	v6 =	vsel vm12, $0xD79, v6  }
0x1a: {  	v7 =	vsel vm12, $0x2D79, v7;
	v8 =	vsel vm12, $0xD7A, v8;
	v9 =	vsel vm12, $0x2D7A, v9  }
0x1b: {  	v10 =	vsel vm12, $0xD7B, v10;
	v11 =	vsel vm12, $0x2D7B, v11;
	v12 =	vsel vm12, $0xD7C, v12  }
0x1c: {  	v13 =	vsel vm12, $0x2D7C, v13;
	v14 =	vsel vm12, $0xD7D, v14;
	v15 =	vsel vm12, $0x2D7D, v15  }
0x1d: {  	v16 =	vsel vm12, $0xD7E, v16;
	v17 =	vsel vm12, $0x2D7E, v17;
	v18 =	vsel vm12, $0xD7F, v18  }
0x1e: {  	v19 =	vsel vm12, $0x2D7F, v19;
	v2 =	vsel vm11, $0x180, v0;
	v0 =	vmul.u32 $0x80, v1  }
0x1f: {  	v3 =	vsel vm11, $0x2180, v3;
	v4 =	vsel vm11, $0xDF8, v4;
	v5 =	vsel vm11, $0x2DF8, v5  }
0x20: {  	v6 =	vsel vm11, $0xDF9, v6;
	v7 =	vsel vm11, $0x2DF9, v7;
	v8 =	vsel vm11, $0xDFA, v8  }
0x21: {  	v9 =	vsel vm11, $0x2DFA, v9;
	v10 =	vsel vm11, $0xDFB, v10;
	v11 =	vsel vm11, $0x2DFB, v11  }
0x22: {  	v12 =	vsel vm11, $0xDFC, v12;
	v13 =	vsel vm11, $0x2DFC, v13;
	v14 =	vsel vm11, $0xDFD, v14  }
0x23: {  	v15 =	vsel vm11, $0x2DFD, v15;
	v16 =	vsel vm11, $0xDFE, v16;
	v17 =	vsel vm11, $0x2DFE, v17  }
0x24: {  	v18 =	vsel vm11, $0xDFF, v18;
	v19 =	vsel vm11, $0x2DFF, v19;
	v1 =	vsel vm10, $0x200, v2  }
0x25: {  	v3 =	vsel vm10, $0x2200, v3;
	v4 =	vsel vm10, $0xE78, v4;
	v5 =	vsel vm10, $0x2E78, v5  }
0x26: {  	v6 =	vsel vm10, $0xE79, v6;
	v7 =	vsel vm10, $0x2E79, v7;
	v8 =	vsel vm10, $0xE7A, v8  }
0x27: {  	v9 =	vsel vm10, $0x2E7A, v9;
	v10 =	vsel vm10, $0xE7B, v10;
	v11 =	vsel vm10, $0x2E7B, v11  }
0x28: {  	v12 =	vsel vm10, $0xE7C, v12;
	v13 =	vsel vm10, $0x2E7C, v13;
	v14 =	vsel vm10, $0xE7D, v14  }
0x29: {  	v15 =	vsel vm10, $0x2E7D, v15;
	v16 =	vsel vm10, $0xE7E, v16;
	v17 =	vsel vm10, $0x2E7E, v17  }
0x2a: {  	v18 =	vsel vm10, $0xE7F, v18;
	v19 =	vsel vm10, $0x2E7F, v19;
	v2 =	vsel vm9, $0x280, v1  }
0x2b: {  	v1 =	vor.u32 $0x800, v0;
	v3 =	vsel vm9, $0x2280, v3;
	v4 =	vsel vm9, $0xEF8, v4  }
0x2c: {  	v5 =	vsel vm9, $0x2EF8, v5;
	v6 =	vsel vm9, $0xEF9, v6;
	v7 =	vsel vm9, $0x2EF9, v7  }
0x2d: {  	v8 =	vsel vm9, $0xEFA, v8;
	v9 =	vsel vm9, $0x2EFA, v9;
	v10 =	vsel vm9, $0xEFB, v10  }
0x2e: {  	v11 =	vsel vm9, $0x2EFB, v11;
	v12 =	vsel vm9, $0xEFC, v12;
	v13 =	vsel vm9, $0x2EFC, v13  }
0x2f: {  	v14 =	vsel vm9, $0xEFD, v14;
	v15 =	vsel vm9, $0x2EFD, v15;
	v16 =	vsel vm9, $0xEFE, v16  }
0x30: {  	v17 =	vsel vm9, $0x2EFE, v17;
	v18 =	vsel vm9, $0xEFF, v18;
	v19 =	vsel vm9, $0x2EFF, v19  }
0x31: {  	v2 =	vsel vm4, $0x300, v2;
	v3 =	vsel vm4, $0x2300, v3;
	v4 =	vsel vm4, $0xF78, v4  }
0x32: {  	v5 =	vsel vm4, $0x2F78, v5;
	v6 =	vsel vm4, $0xF79, v6;
	v7 =	vsel vm4, $0x2F79, v7  }
0x33: {  	v8 =	vsel vm4, $0xF7A, v8;
	v9 =	vsel vm4, $0x2F7A, v9;
	v10 =	vsel vm4, $0xF7B, v10  }
0x34: {  	v11 =	vsel vm4, $0x2F7B, v11;
	v12 =	vsel vm4, $0xF7C, v12;
	v13 =	vsel vm4, $0x2F7C, v13  }
0x35: {  	v14 =	vsel vm4, $0xF7D, v14;
	v15 =	vsel vm4, $0x2F7D, v15;
	v16 =	vsel vm4, $0xF7E, v16  }
0x36: {  	v17 =	vsel vm4, $0x2F7E, v17;
	v18 =	vsel vm4, $0xF7F, v18;
	v19 =	vsel vm4, $0x2F7F, v19  }
0x37: {  	v2 =	vsel vm0, $0x380, v2;
	v3 =	vsel vm0, $0x2380, v3;
	v4 =	vsel vm0, $0xFF8, v4  }
0x38: {  	v5 =	vsel vm0, $0x2FF8, v5;
	v6 =	vsel vm0, $0xFF9, v6;
	v7 =	vsel vm0, $0x2FF9, v7  }
0x39: {  	v8 =	vsel vm0, $0xFFA, v8;
	v9 =	vsel vm0, $0x2FFA, v9;
	v10 =	vsel vm0, $0xFFB, v10  }
0x3a: {  	v11 =	vsel vm0, $0x2FFB, v11;
	v12 =	vsel vm0, $0xFFC, v12;
	v13 =	vsel vm0, $0x2FFC, v13  }
0x3b: {  	v14 =	vsel vm0, $0xFFD, v14;
	v15 =	vsel vm0, $0x2FFD, v15;
	v16 =	vsel vm0, $0xFFE, v16  }
0x3c: {  	v17 =	vsel vm0, $0x2FFE, v17;
	v18 =	vsel vm0, $0xFFF, v18;
	v19 =	vsel vm0, $0x2FFF, v19  }
0x3d: {  	v2 =	vsel vm1, $0x1000, v2;
	v3 =	vsel vm1, $0x3000, v3;
	v4 =	vsel vm1, $0x1C78, v4  }
0x3e: {  	v5 =	vsel vm1, $0x3C78, v5;
	v6 =	vsel vm1, $0x1C79, v6;
	v7 =	vsel vm1, $0x3C79, v7  }
0x3f: {  	v8 =	vsel vm1, $0x1C7A, v8;
	v9 =	vsel vm1, $0x3C7A, v9;
	v10 =	vsel vm1, $0x1C7B, v10  }
0x40: {  	v11 =	vsel vm1, $0x3C7B, v11;
	v12 =	vsel vm1, $0x1C7C, v12;
	v13 =	vsel vm1, $0x3C7C, v13  }
0x41: {  	v14 =	vsel vm1, $0x1C7D, v14;
	v15 =	vsel vm1, $0x3C7D, v15;
	v16 =	vsel vm1, $0x1C7E, v16  }
0x42: {  	v17 =	vsel vm1, $0x3C7E, v17;
	v18 =	vsel vm1, $0x1C7F, v18;
	v19 =	vsel vm1, $0x3C7F, v19  }
0x43: {  	v2 =	vsel vm2, $0x1080, v2;
	v3 =	vsel vm2, $0x3080, v3;
	v4 =	vsel vm2, $0x1CF8, v4  }
0x44: {  	v5 =	vsel vm2, $0x3CF8, v5;
	v6 =	vsel vm2, $0x1CF9, v6;
	v7 =	vsel vm2, $0x3CF9, v7  }
0x45: {  	v8 =	vsel vm2, $0x1CFA, v8;
	v9 =	vsel vm2, $0x3CFA, v9;
	v10 =	vsel vm2, $0x1CFB, v10  }
0x46: {  	v11 =	vsel vm2, $0x3CFB, v11;
	v12 =	vsel vm2, $0x1CFC, v12;
	v13 =	vsel vm2, $0x3CFC, v13  }
0x47: {  	v14 =	vsel vm2, $0x1CFD, v14;
	v15 =	vsel vm2, $0x3CFD, v15;
	v16 =	vsel vm2, $0x1CFE, v16  }
0x48: {  	v17 =	vsel vm2, $0x3CFE, v17;
	v18 =	vsel vm2, $0x1CFF, v18;
	v19 =	vsel vm2, $0x3CFF, v19  }
0x49: {  	v2 =	vsel vm3, $0x1100, v2;
	v3 =	vsel vm3, $0x3100, v3;
	v4 =	vsel vm3, $0x1D78, v4  }
0x4a: {  	v5 =	vsel vm3, $0x3D78, v5;
	v6 =	vsel vm3, $0x1D79, v6;
	v7 =	vsel vm3, $0x3D79, v7  }
0x4b: {  	v8 =	vsel vm3, $0x1D7A, v8;
	v9 =	vsel vm3, $0x3D7A, v9;
	v10 =	vsel vm3, $0x1D7B, v10  }
0x4c: {  	v11 =	vsel vm3, $0x3D7B, v11;
	v12 =	vsel vm3, $0x1D7C, v12;
	v13 =	vsel vm3, $0x3D7C, v13  }
0x4d: {  	v14 =	vsel vm3, $0x1D7D, v14;
	v15 =	vsel vm3, $0x3D7D, v15;
	v16 =	vsel vm3, $0x1D7E, v16  }
0x4e: {  	v17 =	vsel vm3, $0x3D7E, v17;
	v18 =	vsel vm3, $0x1D7F, v18;
	v19 =	vsel vm3, $0x3D7F, v19  }
0x4f: {  	v2 =	vsel vm5, $0x1180, v2;
	v3 =	vsel vm5, $0x3180, v3;
	v4 =	vsel vm5, $0x1DF8, v4  }
0x50: {  	v5 =	vsel vm5, $0x3DF8, v5;
	v6 =	vsel vm5, $0x1DF9, v6;
	v7 =	vsel vm5, $0x3DF9, v7  }
0x51: {  	v8 =	vsel vm5, $0x1DFA, v8;
	v9 =	vsel vm5, $0x3DFA, v9;
	v10 =	vsel vm5, $0x1DFB, v10  }
0x52: {  	v11 =	vsel vm5, $0x3DFB, v11;
	v12 =	vsel vm5, $0x1DFC, v12;
	v13 =	vsel vm5, $0x3DFC, v13  }
0x53: {  	v14 =	vsel vm5, $0x1DFD, v14;
	v15 =	vsel vm5, $0x3DFD, v15;
	v16 =	vsel vm5, $0x1DFE, v16  }
0x54: {  	v17 =	vsel vm5, $0x3DFE, v17;
	v18 =	vsel vm5, $0x1DFF, v18;
	v19 =	vsel vm5, $0x3DFF, v19  }
0x55: {  	v2 =	vsel vm6, $0x1200, v2;
	v3 =	vsel vm6, $0x3200, v3;
	v4 =	vsel vm6, $0x1E78, v4  }
0x56: {  	v5 =	vsel vm6, $0x3E78, v5;
	v6 =	vsel vm6, $0x1E79, v6;
	v7 =	vsel vm6, $0x3E79, v7  }
0x57: {  	s2 =	rddreg [dreg:$0x0];
	v8 =	vsel vm6, $0x1E7A, v8;
	v9 =	vsel vm6, $0x3E7A, v9;
	v10 =	vsel vm6, $0x1E7B, v10  }
0x58: {  	s3 =	rddreg [dreg:$0x1];
	v11 =	vsel vm6, $0x3E7B, v11;
	v12 =	vsel vm6, $0x1E7C, v12;
	v13 =	vsel vm6, $0x3E7C, v13  }
0x59: {  	s0 =	rddreg [dreg:$0x2];
	v14 =	vsel vm6, $0x1E7D, v14;
	v15 =	vsel vm6, $0x3E7D, v15;
	v16 =	vsel vm6, $0x1E7E, v16  }
0x5a: {  	s1 =	rddreg [dreg:$0x3];
	v17 =	vsel vm6, $0x3E7E, v17;
	v18 =	vsel vm6, $0x1E7F, v18;
	v19 =	vsel vm6, $0x3E7F, v19  }
0x5b: {  	s4 =	rddreg [dreg:$0x4];
	s5 =	srdreg.scid;
	s12 =	simm.s32 $0x0;
	v2 =	vsel vm7, $0x1280, v2;
	v3 =	vsel vm7, $0x3280, v3;
	v4 =	vsel vm7, $0x1EF8, v4  }
0x5c: {  	s7 =	stileid.u32;
	s10 =	simm.s32 $0x7A1400;
	s11 =	simm.s32 $0x400;
	v5 =	vsel vm7, $0x3EF8, v5;
	v6 =	vsel vm7, $0x1EF9, v6;
	v7 =	vsel vm7, $0x3EF9, v7  }
0x5d: {  	s16 =	simm.s32 $0x2400;
	s18 =	simm.s32 $0x4400;
	s20 =	simm.s32 $0x6400;
	v8 =	vsel vm7, $0x1EFA, v8;
	v9 =	vsel vm7, $0x3EFA, v9;
	v10 =	vsel vm7, $0x1EFB, v10  }
0x5e: {  	s22 =	simm.s32 $0x8400;
	s24 =	simm.s32 $0xA400;
	s29 =	simm.s32 $0x10400;
	v11 =	vsel vm7, $0x3EFB, v11;
	v12 =	vsel vm7, $0x1EFC, v12;
	v13 =	vsel vm7, $0x3EFC, v13  }
0x5f: {  	s30 =	simm.s32 $0x14400;
	s5 =	sand.u32 $0x1, s5;
	s7 =	sshll.u32 s7, $0x7;
	v14 =	vsel vm7, $0x1EFD, v14;
	v15 =	vsel vm7, $0x3EFD, v15;
	v16 =	vsel vm7, $0x1EFE, v16  }
0x60: {  	[smem:$0x7FF] =	sst s12;
	s6 =	ssub.s32 $0x2, s5;
	s5 =	sshll.u32 s5, $0x6;
	v17 =	vsel vm7, $0x3EFE, v17;
	v18 =	vsel vm7, $0x1EFF, v18;
	v19 =	vsel vm7, $0x3EFF, v19  }
0x61: {  	s9 =	simm.s32 $0xE400;
	_ =	strace $0x80000047;
	s5 =	sor.u32 s5, s7;
	v2 =	vsel vm8, $0x1300, v2;
	v3 =	vsel vm8, $0x3300, v3;
	v4 =	vsel vm8, $0x1F78, v4  }
0x62: {  	s8 =	sshrl.u32 s6, $0x1;
	s7 =	simm.s32 $0xD400;
	s2 =	sadd.s32 s2, s5;
	v5 =	vsel vm8, $0x3F78, v5;
	v6 =	vsel vm8, $0x1F79, v6;
	v7 =	vsel vm8, $0x3F79, v7  }
0x63: {  	s6 =	ssub.s32 s6, s8;
	s26 =	sadd.s32 s3, s5;
	[dreg:$0x6] =	wrdreg s2;
	v8 =	vsel vm8, $0x1F7A, v8;
	v9 =	vsel vm8, $0x3F7A, v9;
	v10 =	vsel vm8, $0x1F7B, v10  }
0x64: {  	s28 =	sadd.s32 s4, s5;
	s3 =	simm.s32 $0x9;
	[dreg:$0x7] =	wrdreg s26;
	v11 =	vsel vm8, $0x3F7B, v11;
	v12 =	vsel vm8, $0x1F7C, v12;
	v13 =	vsel vm8, $0x3F7C, v13  }
0x65: {  	s4 =	simm.s32 $0x0;
	[dreg:$0x8] =	wrdreg s28;
	s31 =	smax.u32 s6, $0x1;
	v14 =	vsel vm8, $0x1F7D, v14;
	v15 =	vsel vm8, $0x3F7D, v15;
	v16 =	vsel vm8, $0x1F7E, v16  }
0x66: {  	s6 =	simm.s32 $0xB400;
	s26 =	simm.s32 $0xC400;
	[dreg:$0x9] =	wrdreg s31;
	v17 =	vsel vm8, $0x3F7E, v17;
	v18 =	vsel vm8, $0x1F7F, v18;
	v19 =	vsel vm8, $0x3F7F, v19  }
.LBB2_1:
0x67: {  	[dreg:$0xa] =	wrdreg s4  }
0x68: {  	s2 =	rddreg [dreg:$0x6]  }
0x69: {  	[tilespmem:s12], [sflag:$0x9] =	stream.linear.gather [hbm4b:s2+s12], $0x200, $0x38;
	[tilespmem:$0x18600] =	vst v63  }
0x6a: {  	_ =	swait.ge [sflag:s3], $0x200  }
0x6b: {  	[sflag:s3] =	ssyncset.done $0x0  }
0x6c: {  	s8 =	simm.s32 $0x200;
	s31 =	rddreg [dreg:$0x7];
	[sflag:s3] =	ssyncadd.s32 $0xFFFFFE00  }
0x6d: {  	[tilespmem:s8], [sflag:$0x9] =	stream.linear.gather [hbm4b:s31+s12], $0x200, $0x38;
	[tilespmem:$0x18600] =	vst v63  }
0x6e: {  	_ =	swait.ge [sflag:s3], $0x200  }
0x6f: {  	s4 =	simm.s32 $0xFFFFFFF8;
	[sflag:s3] =	ssyncset.done $0x0  }
0x70: {  	s13 =	simm.s32 $0x0;
	s12 =	simm.s32 $0xFFFFFFFF;
	[sflag:s3] =	ssyncadd.s32 $0xFFFFFE00  }
.LBB2_2:
0x71: {  	p0 =	sgt.s32 s12, $0x0;
	s2 =	smov.u32 s12  }
0x72: {  	s2 =	simm.s32 @!p0 $0x0  }
0x73: {  	s2 =	sshll.u32 s2, $0x4  }
0x74: {  	v22 =	vld [tilespmem:s2+$0x0]  }
0x75: {  	v23 =	vld [tilespmem:s2+$0x200];
	_ =	sdelay $0x2  }
0x76: {  	p0 =	seq.s32 s4, $0xFFFFFFF8  }
0x77: {  	(v2sf) =	vpush @!p0 v22, $0x8  }
0x78: {  	(v2sf) =	vpush @!p0 v23, $0x8;
	_ =	sdelay $0xd  }
0x79: {  	s2 =	spop @!p0 (v2sf)  }
0x7a: {  	v21 =	vld [tilespmem:s13+$0x0];
	s3 =	simm.s32 @!p0 $0x1;
	s14 =	spop @!p0 (v2sf)  }
0x7b: {  	v20 =	vld [tilespmem:s8+$0x0];
	_ =	swait.ge @!p0 [sflag:s3], $0x1000  }
0x7c: {  	[sflag:s3] =	ssyncset.done @!p0 $0x0  }
0x7d: {  	[sflag:s3] =	ssyncadd.s32 @!p0 $0xFFFFF000  }
0x7e: {  	_ =	swait.ge @!p0 [sflag:s3], $0x1000  }
0x7f: {  	(v2sf) =	vpush v21, $0x0  }
0x80: {  	(v2sf) =	vpush v20, $0x0;
	_ =	sdelay $0xa  }
0x81: {  	s2 =	sand.u32 @!p0 $0x7F, s2  }
0x82: {  	v25 =	vmov @!p0 s4;
	v24 =	vor.u32 @!p0 s2, v0  }
0x83: {  	v28 =	vshll.u32 @!p0 v25, $0x3;
	s14 =	sand.u32 @!p0 $0x7F, s14;
	v26 =	vor.u32 @!p0 s2, v1  }
0x84: {  	v25 =	vand.u32 @!p0 $0x78, v25;
	v27 =	vor.u32 @!p0 s14, v0;
	s15 =	spop (v2sf);
	(v2sf) =	vpush @!p0 v22, $0x9  }
0x85: {  	v28 =	vand.u32 @!p0 $0xFFFFFC00, v28;
	v29 =	vor.u32 @!p0 s14, v1;
	[sflag:s3] =	ssyncset.done @!p0 $0x0;
	s14 =	spop (v2sf);
	(v2sf) =	vpush @!p0 v23, $0x9  }
0x86: {  	v25 =	vor.u32 @!p0 v25, v28;
	[sflag:s3] =	ssyncadd.s32 @!p0 $0xFFFFF000  }
0x87: {  	v28 =	vadd.s32 @!p0 v2, v25;
	v24 =	vld.idx.msk @!p0 [tilespmem:v24+s11+$0x0], $0xffff  }
0x88: {  	v25 =	vadd.s32 @!p0 v3, v25;
	s2 =	simm.s32 @!p0 $0x1400;
	v26 =	vld.idx.msk @!p0 [tilespmem:v26+s11+$0x0], $0xffff  }
0x89: {  	v27 =	vld.idx.msk @!p0 [tilespmem:v27+s2+$0x0], $0xffff  }
0x8a: {  	v29 =	vld.idx.msk @!p0 [tilespmem:v29+s2+$0x0], $0xffff;
	_ =	sdelay $0x1  }
0x8b: {  	[tilespmem:v28+s29+$0x0] =	vst.idx.msk @!p0 $0xffff, v24  }
0x8c: {  	[tilespmem:v25+s29+$0x0] =	vst.idx.msk @!p0 $0xffff, v26  }
0x8d: {  	[tilespmem:v28+s30+$0x0] =	vst.idx.msk @!p0 $0xffff, v27;
	s3 =	sand.u32 $0xFFFFF80, s15  }
0x8e: {  	[tilespmem:v25+s30+$0x0] =	vst.idx.msk @!p0 $0xffff, v29;
	s2 =	sadd.s32 s0, s3;
	s5 =	sand.u32 $0xFFFFF80, s14  }
0x8f: {  	[tilespmem:s11], [sflag:$0x1] =	stream.strided.gather [hbm4b:s2+s11], $0x1000, s10, s11, $0x38;
	[tilespmem:$0x18600] =	vst v63  }
0x90: {  	s17 =	simm.s32 $0x1400;
	s2 =	sadd.s32 s1, s5  }
0x91: {  	[tilespmem:s17], [sflag:$0x1] =	stream.strided.gather [hbm4b:s2+s11], $0x1000, s10, s11, $0x38;
	[tilespmem:$0x18600] =	vst v63  }
0x92: {  	s2 =	spop @!p0 (v2sf)  }
0x93: {  	s3 =	simm.s32 @!p0 $0x2;
	s16 =	spop @!p0 (v2sf)  }
0x94: {  	_ =	swait.ge @!p0 [sflag:s3], $0x1000  }
0x95: {  	[sflag:s3] =	ssyncset.done @!p0 $0x0  }
0x96: {  	[sflag:s3] =	ssyncadd.s32 @!p0 $0xFFFFF000  }
0x97: {  	_ =	swait.ge @!p0 [sflag:s3], $0x1000  }
0x98: {  	(v2sf) =	vpush v21, $0x1;
	_ =	sdelay $0x2  }
0x99: {  	s2 =	sand.u32 @!p0 $0x7F, s2  }
0x9a: {  	s17 =	sadd.s32 @!p0 $0x1, s4;
	v24 =	vor.u32 @!p0 s2, v0;
	(v2sf) =	vpush v20, $0x1  }
0x9b: {  	v25 =	vmov @!p0 s17;
	s16 =	sand.u32 @!p0 $0x7F, s16;
	v26 =	vor.u32 @!p0 s2, v1  }
0x9c: {  	v28 =	vshll.u32 @!p0 v25, $0x3;
	v27 =	vor.u32 @!p0 s16, v0  }
0x9d: {  	v25 =	vand.u32 @!p0 $0x79, v25;
	v28 =	vand.u32 @!p0 $0xFFFFFC00, v28;
	v29 =	vor.u32 @!p0 s16, v1;
	[sflag:s3] =	ssyncset.done @!p0 $0x0  }
0x9e: {  	v25 =	vor.u32 @!p0 v25, v28;
	s2 =	simm.s32 @!p0 $0x2400;
	[sflag:s3] =	ssyncadd.s32 @!p0 $0xFFFFF000  }
0x9f: {  	v28 =	vadd.s32 @!p0 v2, v25;
	v24 =	vld.idx.msk @!p0 [tilespmem:v24+s2+$0x0], $0xffff  }
0xa0: {  	v25 =	vadd.s32 @!p0 v3, v25;
	v26 =	vld.idx.msk @!p0 [tilespmem:v26+s2+$0x0], $0xffff;
	s2 =	simm.s32 @!p0 $0x3400  }
0xa1: {  	v27 =	vld.idx.msk @!p0 [tilespmem:v27+s2+$0x0], $0xffff  }
0xa2: {  	v29 =	vld.idx.msk @!p0 [tilespmem:v29+s2+$0x0], $0xffff;
	_ =	sdelay $0x1  }
0xa3: {  	[tilespmem:v28+s29+$0x0] =	vst.idx.msk @!p0 $0xffff, v24  }
0xa4: {  	[tilespmem:v25+s29+$0x0] =	vst.idx.msk @!p0 $0xffff, v26;
	s17 =	spop (v2sf)  }
0xa5: {  	[tilespmem:v28+s30+$0x0] =	vst.idx.msk @!p0 $0xffff, v27;
	s19 =	sand.u32 $0xFFFFF80, s17  }
0xa6: {  	s16 =	simm.s32 @!p0 $0x2400;
	[tilespmem:v25+s30+$0x0] =	vst.idx.msk @!p0 $0xffff, v29;
	s2 =	sadd.s32 s0, s19  }
0xa7: {  	(v2sf) =	vpush @!p0 v22, $0xA;
	[tilespmem:s16], [sflag:$0x2] =	stream.strided.gather [hbm4b:s2+s11], $0x1000, s10, s11, $0x38;
	[tilespmem:$0x18600] =	vst v63  }
0xa8: {  	s16 =	spop (v2sf);
	(v2sf) =	vpush @!p0 v23, $0xA;
	_ =	sdelay $0xa  }
0xa9: {  	s21 =	sand.u32 $0xFFFFF80, s16  }
0xaa: {  	s23 =	simm.s32 $0x3400;
	s2 =	sadd.s32 s1, s21  }
0xab: {  	[tilespmem:s23], [sflag:$0x2] =	stream.strided.gather [hbm4b:s2+s11], $0x1000, s10, s11, $0x38;
	[tilespmem:$0x18600] =	vst v63  }
0xac: {  	s2 =	spop @!p0 (v2sf)  }
0xad: {  	s3 =	simm.s32 @!p0 $0x3;
	s18 =	spop @!p0 (v2sf)  }
0xae: {  	_ =	swait.ge @!p0 [sflag:s3], $0x1000  }
0xaf: {  	[sflag:s3] =	ssyncset.done @!p0 $0x0  }
0xb0: {  	[sflag:s3] =	ssyncadd.s32 @!p0 $0xFFFFF000  }
0xb1: {  	_ =	swait.ge @!p0 [sflag:s3], $0x1000  }
0xb2: {  	(v2sf) =	vpush v21, $0x2;
	_ =	sdelay $0x2  }
0xb3: {  	s2 =	sand.u32 @!p0 $0x7F, s2  }
0xb4: {  	s19 =	sadd.s32 @!p0 $0x2, s4;
	v24 =	vor.u32 @!p0 s2, v0;
	(v2sf) =	vpush v20, $0x2  }
0xb5: {  	v25 =	vmov @!p0 s19;
	v26 =	vor.u32 @!p0 s2, v1;
	s18 =	sand.u32 @!p0 $0x7F, s18  }
0xb6: {  	v28 =	vshll.u32 @!p0 v25, $0x3;
	v27 =	vor.u32 @!p0 s18, v0  }
0xb7: {  	v25 =	vand.u32 @!p0 $0x7A, v25;
	v28 =	vand.u32 @!p0 $0xFFFFFC00, v28;
	v29 =	vor.u32 @!p0 s18, v1;
	[sflag:s3] =	ssyncset.done @!p0 $0x0  }
0xb8: {  	v25 =	vor.u32 @!p0 v25, v28;
	s2 =	simm.s32 @!p0 $0x4400;
	[sflag:s3] =	ssyncadd.s32 @!p0 $0xFFFFF000  }
0xb9: {  	v28 =	vadd.s32 @!p0 v2, v25;
	v24 =	vld.idx.msk @!p0 [tilespmem:v24+s2+$0x0], $0xffff  }
0xba: {  	v25 =	vadd.s32 @!p0 v3, v25;
	v26 =	vld.idx.msk @!p0 [tilespmem:v26+s2+$0x0], $0xffff;
	s2 =	simm.s32 @!p0 $0x5400  }
0xbb: {  	v27 =	vld.idx.msk @!p0 [tilespmem:v27+s2+$0x0], $0xffff  }
0xbc: {  	v29 =	vld.idx.msk @!p0 [tilespmem:v29+s2+$0x0], $0xffff;
	_ =	sdelay $0x1  }
0xbd: {  	[tilespmem:v28+s29+$0x0] =	vst.idx.msk @!p0 $0xffff, v24  }
0xbe: {  	[tilespmem:v25+s29+$0x0] =	vst.idx.msk @!p0 $0xffff, v26;
	s19 =	spop (v2sf)  }
0xbf: {  	[tilespmem:v28+s30+$0x0] =	vst.idx.msk @!p0 $0xffff, v27;
	s25 =	sand.u32 $0xFFFFF80, s19  }
0xc0: {  	s18 =	simm.s32 @!p0 $0x4400;
	[tilespmem:v25+s30+$0x0] =	vst.idx.msk @!p0 $0xffff, v29;
	s2 =	sadd.s32 s0, s25  }
0xc1: {  	(v2sf) =	vpush @!p0 v22, $0xB;
	[tilespmem:s18], [sflag:$0x3] =	stream.strided.gather [hbm4b:s2+s11], $0x1000, s10, s11, $0x38;
	[tilespmem:$0x18600] =	vst v63  }
0xc2: {  	s18 =	spop (v2sf);
	(v2sf) =	vpush @!p0 v23, $0xB;
	_ =	sdelay $0xa  }
0xc3: {  	s28 =	sand.u32 $0xFFFFF80, s18  }
0xc4: {  	s31 =	simm.s32 $0x5400;
	s2 =	sadd.s32 s1, s28  }
0xc5: {  	[tilespmem:s31], [sflag:$0x3] =	stream.strided.gather [hbm4b:s2+s11], $0x1000, s10, s11, $0x38;
	[tilespmem:$0x18600] =	vst v63  }
0xc6: {  	s2 =	spop @!p0 (v2sf)  }
0xc7: {  	s3 =	simm.s32 @!p0 $0x4;
	s20 =	spop @!p0 (v2sf)  }
0xc8: {  	_ =	swait.ge @!p0 [sflag:s3], $0x1000  }
0xc9: {  	[sflag:s3] =	ssyncset.done @!p0 $0x0  }
0xca: {  	[sflag:s3] =	ssyncadd.s32 @!p0 $0xFFFFF000  }
0xcb: {  	_ =	swait.ge @!p0 [sflag:s3], $0x1000  }
0xcc: {  	(v2sf) =	vpush v21, $0x3;
	_ =	sdelay $0x2  }
0xcd: {  	s2 =	sand.u32 @!p0 $0x7F, s2  }
0xce: {  	s21 =	sadd.s32 @!p0 $0x3, s4;
	v24 =	vor.u32 @!p0 s2, v0;
	(v2sf) =	vpush v20, $0x3  }
0xcf: {  	v25 =	vmov @!p0 s21;
	v26 =	vor.u32 @!p0 s2, v1;
	s20 =	sand.u32 @!p0 $0x7F, s20  }
0xd0: {  	v28 =	vshll.u32 @!p0 v25, $0x3;
	v27 =	vor.u32 @!p0 s20, v0  }
0xd1: {  	v25 =	vand.u32 @!p0 $0x7B, v25;
	v28 =	vand.u32 @!p0 $0xFFFFFC00, v28;
	v29 =	vor.u32 @!p0 s20, v1;
	[sflag:s3] =	ssyncset.done @!p0 $0x0  }
0xd2: {  	v25 =	vor.u32 @!p0 v25, v28;
	s2 =	simm.s32 @!p0 $0x6400;
	[sflag:s3] =	ssyncadd.s32 @!p0 $0xFFFFF000  }
0xd3: {  	v28 =	vadd.s32 @!p0 v2, v25;
	v24 =	vld.idx.msk @!p0 [tilespmem:v24+s2+$0x0], $0xffff  }
0xd4: {  	v25 =	vadd.s32 @!p0 v3, v25;
	v26 =	vld.idx.msk @!p0 [tilespmem:v26+s2+$0x0], $0xffff;
	s2 =	simm.s32 @!p0 $0x7400  }
0xd5: {  	v27 =	vld.idx.msk @!p0 [tilespmem:v27+s2+$0x0], $0xffff  }
0xd6: {  	v29 =	vld.idx.msk @!p0 [tilespmem:v29+s2+$0x0], $0xffff;
	_ =	sdelay $0x1  }
0xd7: {  	[tilespmem:v28+s29+$0x0] =	vst.idx.msk @!p0 $0xffff, v24  }
0xd8: {  	[tilespmem:v25+s29+$0x0] =	vst.idx.msk @!p0 $0xffff, v26;
	s21 =	spop (v2sf)  }
0xd9: {  	[tilespmem:v28+s30+$0x0] =	vst.idx.msk @!p0 $0xffff, v27;
	s3 =	sand.u32 $0xFFFFF80, s21  }
0xda: {  	s20 =	simm.s32 @!p0 $0x6400;
	[tilespmem:v25+s30+$0x0] =	vst.idx.msk @!p0 $0xffff, v29;
	s2 =	sadd.s32 s0, s3  }
0xdb: {  	(v2sf) =	vpush @!p0 v22, $0xC;
	[tilespmem:s20], [sflag:$0x4] =	stream.strided.gather [hbm4b:s2+s11], $0x1000, s10, s11, $0x38;
	[tilespmem:$0x18600] =	vst v63  }
0xdc: {  	s20 =	spop (v2sf);
	(v2sf) =	vpush @!p0 v23, $0xC;
	_ =	sdelay $0xa  }
0xdd: {  	s5 =	sand.u32 $0xFFFFF80, s20  }
0xde: {  	s23 =	simm.s32 $0x7400;
	s2 =	sadd.s32 s1, s5  }
0xdf: {  	[tilespmem:s23], [sflag:$0x4] =	stream.strided.gather [hbm4b:s2+s11], $0x1000, s10, s11, $0x38;
	[tilespmem:$0x18600] =	vst v63  }
0xe0: {  	s2 =	spop @!p0 (v2sf)  }
0xe1: {  	s3 =	simm.s32 @!p0 $0x5;
	s22 =	spop @!p0 (v2sf)  }
0xe2: {  	_ =	swait.ge @!p0 [sflag:s3], $0x1000  }
0xe3: {  	[sflag:s3] =	ssyncset.done @!p0 $0x0  }
0xe4: {  	[sflag:s3] =	ssyncadd.s32 @!p0 $0xFFFFF000  }
0xe5: {  	_ =	swait.ge @!p0 [sflag:s3], $0x1000  }
0xe6: {  	(v2sf) =	vpush v21, $0x4;
	_ =	sdelay $0x2  }
0xe7: {  	s2 =	sand.u32 @!p0 $0x7F, s2  }
0xe8: {  	s23 =	sadd.s32 @!p0 $0x4, s4;
	v24 =	vor.u32 @!p0 s2, v0;
	(v2sf) =	vpush v20, $0x4  }
0xe9: {  	v25 =	vmov @!p0 s23;
	v26 =	vor.u32 @!p0 s2, v1;
	s22 =	sand.u32 @!p0 $0x7F, s22  }
0xea: {  	v28 =	vshll.u32 @!p0 v25, $0x3;
	v27 =	vor.u32 @!p0 s22, v0  }
0xeb: {  	v25 =	vand.u32 @!p0 $0x7C, v25;
	v28 =	vand.u32 @!p0 $0xFFFFFC00, v28;
	v29 =	vor.u32 @!p0 s22, v1;
	[sflag:s3] =	ssyncset.done @!p0 $0x0  }
0xec: {  	v25 =	vor.u32 @!p0 v25, v28;
	s2 =	simm.s32 @!p0 $0x8400;
	[sflag:s3] =	ssyncadd.s32 @!p0 $0xFFFFF000  }
0xed: {  	v28 =	vadd.s32 @!p0 v2, v25;
	v24 =	vld.idx.msk @!p0 [tilespmem:v24+s2+$0x0], $0xffff  }
0xee: {  	v25 =	vadd.s32 @!p0 v3, v25;
	v26 =	vld.idx.msk @!p0 [tilespmem:v26+s2+$0x0], $0xffff;
	s2 =	simm.s32 @!p0 $0x9400  }
0xef: {  	v27 =	vld.idx.msk @!p0 [tilespmem:v27+s2+$0x0], $0xffff  }
0xf0: {  	v29 =	vld.idx.msk @!p0 [tilespmem:v29+s2+$0x0], $0xffff;
	_ =	sdelay $0x1  }
0xf1: {  	[tilespmem:v28+s29+$0x0] =	vst.idx.msk @!p0 $0xffff, v24  }
0xf2: {  	[tilespmem:v25+s29+$0x0] =	vst.idx.msk @!p0 $0xffff, v26;
	s23 =	spop (v2sf)  }
0xf3: {  	[tilespmem:v28+s30+$0x0] =	vst.idx.msk @!p0 $0xffff, v27;
	s25 =	sand.u32 $0xFFFFF80, s23  }
0xf4: {  	s22 =	simm.s32 @!p0 $0x8400;
	[tilespmem:v25+s30+$0x0] =	vst.idx.msk @!p0 $0xffff, v29;
	s2 =	sadd.s32 s0, s25  }
0xf5: {  	(v2sf) =	vpush @!p0 v22, $0xD;
	[tilespmem:s22], [sflag:$0x5] =	stream.strided.gather [hbm4b:s2+s11], $0x1000, s10, s11, $0x38;
	[tilespmem:$0x18600] =	vst v63  }
0xf6: {  	s22 =	spop (v2sf);
	(v2sf) =	vpush @!p0 v23, $0xD;
	_ =	sdelay $0xa  }
0xf7: {  	s28 =	sand.u32 $0xFFFFF80, s22  }
0xf8: {  	s31 =	simm.s32 $0x9400;
	s2 =	sadd.s32 s1, s28  }
0xf9: {  	[tilespmem:s31], [sflag:$0x5] =	stream.strided.gather [hbm4b:s2+s11], $0x1000, s10, s11, $0x38;
	[tilespmem:$0x18600] =	vst v63  }
0xfa: {  	s2 =	spop @!p0 (v2sf)  }
0xfb: {  	s3 =	simm.s32 @!p0 $0x6;
	s24 =	spop @!p0 (v2sf)  }
0xfc: {  	_ =	swait.ge @!p0 [sflag:s3], $0x1000  }
0xfd: {  	[sflag:s3] =	ssyncset.done @!p0 $0x0  }
0xfe: {  	[sflag:s3] =	ssyncadd.s32 @!p0 $0xFFFFF000  }
0xff: {  	_ =	swait.ge @!p0 [sflag:s3], $0x1000  }
0x100: {  	(v2sf) =	vpush v21, $0x5;
	_ =	sdelay $0x2  }
0x101: {  	s2 =	sand.u32 @!p0 $0x7F, s2  }
0x102: {  	s25 =	sadd.s32 @!p0 $0x5, s4;
	v24 =	vor.u32 @!p0 s2, v0;
	(v2sf) =	vpush v20, $0x5  }
0x103: {  	v25 =	vmov @!p0 s25;
	v26 =	vor.u32 @!p0 s2, v1;
	s24 =	sand.u32 @!p0 $0x7F, s24  }
0x104: {  	v28 =	vshll.u32 @!p0 v25, $0x3;
	v27 =	vor.u32 @!p0 s24, v0  }
0x105: {  	v25 =	vand.u32 @!p0 $0x7D, v25;
	v28 =	vand.u32 @!p0 $0xFFFFFC00, v28;
	v29 =	vor.u32 @!p0 s24, v1;
	[sflag:s3] =	ssyncset.done @!p0 $0x0  }
0x106: {  	v25 =	vor.u32 @!p0 v25, v28;
	s2 =	simm.s32 @!p0 $0xA400;
	[sflag:s3] =	ssyncadd.s32 @!p0 $0xFFFFF000  }
0x107: {  	v28 =	vadd.s32 @!p0 v2, v25;
	v24 =	vld.idx.msk @!p0 [tilespmem:v24+s2+$0x0], $0xffff  }
0x108: {  	v25 =	vadd.s32 @!p0 v3, v25;
	v26 =	vld.idx.msk @!p0 [tilespmem:v26+s2+$0x0], $0xffff;
	s2 =	simm.s32 @!p0 $0xB400  }
0x109: {  	v27 =	vld.idx.msk @!p0 [tilespmem:v27+s2+$0x0], $0xffff  }
0x10a: {  	v29 =	vld.idx.msk @!p0 [tilespmem:v29+s2+$0x0], $0xffff;
	_ =	sdelay $0x1  }
0x10b: {  	[tilespmem:v28+s29+$0x0] =	vst.idx.msk @!p0 $0xffff, v24  }
0x10c: {  	[tilespmem:v25+s29+$0x0] =	vst.idx.msk @!p0 $0xffff, v26;
	s25 =	spop (v2sf)  }
0x10d: {  	[tilespmem:v28+s30+$0x0] =	vst.idx.msk @!p0 $0xffff, v27;
	s5 =	sand.u32 $0xFFFFF80, s25  }
0x10e: {  	s24 =	simm.s32 @!p0 $0xA400;
	[tilespmem:v25+s30+$0x0] =	vst.idx.msk @!p0 $0xffff, v29;
	s2 =	sadd.s32 s0, s5  }
0x10f: {  	(v2sf) =	vpush @!p0 v22, $0xE;
	[tilespmem:s24], [sflag:$0x6] =	stream.strided.gather [hbm4b:s2+s11], $0x1000, s10, s11, $0x38;
	[tilespmem:$0x18600] =	vst v63  }
0x110: {  	s24 =	spop (v2sf);
	(v2sf) =	vpush @!p0 v23, $0xE;
	_ =	sdelay $0xa  }
0x111: {  	s28 =	sand.u32 $0xFFFFF80, s24  }
0x112: {  	s6 =	simm.s32 @!p0 $0xB400;
	s2 =	sadd.s32 s1, s28  }
0x113: {  	[tilespmem:s6], [sflag:$0x6] =	stream.strided.gather [hbm4b:s2+s11], $0x1000, s10, s11, $0x38;
	[tilespmem:$0x18600] =	vst v63  }
0x114: {  	s2 =	spop @!p0 (v2sf)  }
0x115: {  	s3 =	simm.s32 @!p0 $0x7;
	s26 =	spop @!p0 (v2sf)  }
0x116: {  	_ =	swait.ge @!p0 [sflag:s3], $0x1000  }
0x117: {  	[sflag:s3] =	ssyncset.done @!p0 $0x0  }
0x118: {  	[sflag:s3] =	ssyncadd.s32 @!p0 $0xFFFFF000  }
0x119: {  	_ =	swait.ge @!p0 [sflag:s3], $0x1000  }
0x11a: {  	(v2sf) =	vpush v21, $0x6;
	_ =	sdelay $0x2  }
0x11b: {  	s2 =	sand.u32 @!p0 $0x7F, s2  }
0x11c: {  	s28 =	sadd.s32 @!p0 $0x6, s4;
	v24 =	vor.u32 @!p0 s2, v0;
	(v2sf) =	vpush v20, $0x6  }
0x11d: {  	v25 =	vmov @!p0 s28;
	v26 =	vor.u32 @!p0 s2, v1;
	s26 =	sand.u32 @!p0 $0x7F, s26  }
0x11e: {  	v28 =	vshll.u32 @!p0 v25, $0x3;
	v27 =	vor.u32 @!p0 s26, v0  }
0x11f: {  	v25 =	vand.u32 @!p0 $0x7E, v25;
	v28 =	vand.u32 @!p0 $0xFFFFFC00, v28;
	v29 =	vor.u32 @!p0 s26, v1;
	[sflag:s3] =	ssyncset.done @!p0 $0x0  }
0x120: {  	v25 =	vor.u32 @!p0 v25, v28;
	s2 =	simm.s32 @!p0 $0xC400;
	[sflag:s3] =	ssyncadd.s32 @!p0 $0xFFFFF000  }
0x121: {  	v28 =	vadd.s32 @!p0 v2, v25;
	v24 =	vld.idx.msk @!p0 [tilespmem:v24+s2+$0x0], $0xffff  }
0x122: {  	v25 =	vadd.s32 @!p0 v3, v25;
	v26 =	vld.idx.msk @!p0 [tilespmem:v26+s2+$0x0], $0xffff;
	s2 =	simm.s32 @!p0 $0xD400  }
0x123: {  	v27 =	vld.idx.msk @!p0 [tilespmem:v27+s2+$0x0], $0xffff  }
0x124: {  	v29 =	vld.idx.msk @!p0 [tilespmem:v29+s2+$0x0], $0xffff;
	_ =	sdelay $0x1  }
0x125: {  	[tilespmem:v28+s29+$0x0] =	vst.idx.msk @!p0 $0xffff, v24  }
0x126: {  	[tilespmem:v25+s29+$0x0] =	vst.idx.msk @!p0 $0xffff, v26;
	s28 =	spop (v2sf)  }
0x127: {  	[tilespmem:v28+s30+$0x0] =	vst.idx.msk @!p0 $0xffff, v27;
	s31 =	sand.u32 $0xFFFFF80, s28  }
0x128: {  	s26 =	simm.s32 @!p0 $0xC400;
	[tilespmem:v25+s30+$0x0] =	vst.idx.msk @!p0 $0xffff, v29;
	s2 =	sadd.s32 s0, s31  }
0x129: {  	(v2sf) =	vpush @!p0 v22, $0xF;
	[tilespmem:s26], [sflag:$0x7] =	stream.strided.gather [hbm4b:s2+s11], $0x1000, s10, s11, $0x38;
	[tilespmem:$0x18600] =	vst v63  }
0x12a: {  	s26 =	spop (v2sf);
	(v2sf) =	vpush @!p0 v23, $0xF;
	_ =	sdelay $0xa  }
0x12b: {  	s3 =	sand.u32 $0xFFFFF80, s26  }
0x12c: {  	s7 =	simm.s32 @!p0 $0xD400;
	s2 =	sadd.s32 s1, s3  }
0x12d: {  	[tilespmem:s7], [sflag:$0x7] =	stream.strided.gather [hbm4b:s2+s11], $0x1000, s10, s11, $0x38;
	[tilespmem:$0x18600] =	vst v63  }
0x12e: {  	s2 =	spop @!p0 (v2sf)  }
0x12f: {  	s5 =	simm.s32 @!p0 $0x8;
	s31 =	spop @!p0 (v2sf)  }
0x130: {  	_ =	swait.ge @!p0 [sflag:s5], $0x1000  }
0x131: {  	[sflag:s5] =	ssyncset.done @!p0 $0x0  }
0x132: {  	[sflag:s5] =	ssyncadd.s32 @!p0 $0xFFFFF000  }
0x133: {  	_ =	swait.ge @!p0 [sflag:s5], $0x1000  }
0x134: {  	(v2sf) =	vpush v21, $0x7  }
0x135: {  	(v2sf) =	vpush v20, $0x7;
	_ =	sdelay $0x1  }
0x136: {  	s2 =	sand.u32 @!p0 $0x7F, s2  }
0x137: {  	s3 =	sadd.s32 @!p0 $0x7, s4;
	v22 =	vor.u32 @!p0 s2, v0  }
0x138: {  	v23 =	vmov @!p0 s3;
	v24 =	vor.u32 @!p0 s2, v1;
	s31 =	sand.u32 @!p0 $0x7F, s31  }
0x139: {  	v26 =	vshll.u32 @!p0 v23, $0x3;
	v25 =	vor.u32 @!p0 s31, v0  }
0x13a: {  	v23 =	vand.u32 @!p0 $0x7F, v23;
	v26 =	vand.u32 @!p0 $0xFFFFFC00, v26;
	v27 =	vor.u32 @!p0 s31, v1;
	[sflag:s5] =	ssyncset.done @!p0 $0x0  }
0x13b: {  	v23 =	vor.u32 @!p0 v23, v26;
	s2 =	simm.s32 @!p0 $0xE400;
	[sflag:s5] =	ssyncadd.s32 @!p0 $0xFFFFF000  }
0x13c: {  	v26 =	vadd.s32 @!p0 v2, v23;
	v22 =	vld.idx.msk @!p0 [tilespmem:v22+s2+$0x0], $0xffff  }
0x13d: {  	v23 =	vadd.s32 @!p0 v3, v23;
	v24 =	vld.idx.msk @!p0 [tilespmem:v24+s2+$0x0], $0xffff;
	s2 =	simm.s32 @!p0 $0xF400  }
0x13e: {  	v25 =	vld.idx.msk @!p0 [tilespmem:v25+s2+$0x0], $0xffff  }
0x13f: {  	v27 =	vld.idx.msk @!p0 [tilespmem:v27+s2+$0x0], $0xffff;
	_ =	sdelay $0x1  }
0x140: {  	[tilespmem:v26+s29+$0x0] =	vst.idx.msk @!p0 $0xffff, v22  }
0x141: {  	[tilespmem:v23+s29+$0x0] =	vst.idx.msk @!p0 $0xffff, v24;
	s2 =	spop (v2sf)  }
0x142: {  	[tilespmem:v26+s30+$0x0] =	vst.idx.msk @!p0 $0xffff, v25;
	s5 =	sand.u32 $0xFFFFF80, s2;
	s31 =	spop (v2sf)  }
0x143: {  	[tilespmem:v23+s30+$0x0] =	vst.idx.msk @!p0 $0xffff, v27;
	s3 =	sadd.s32 s0, s5;
	s6 =	sand.u32 $0xFFFFF80, s31  }
0x144: {  	[tilespmem:s9], [sflag:$0x8] =	stream.strided.gather [hbm4b:s3+s11], $0x1000, s10, s11, $0x38;
	[tilespmem:$0x18600] =	vst v63  }
0x145: {  	s5 =	simm.s32 $0xF400;
	s3 =	sadd.s32 s1, s6;
	s6 =	simm.s32 $0x1  }
0x146: {  	[tilespmem:s5], [sflag:$0x8] =	stream.strided.gather [hbm4b:s3+s11], $0x1000, s10, s11, $0x38;
	[tilespmem:$0x18600] =	vst v63  }
0x147: {  	_ =	swait.ge [sflag:s6], $0x1000  }
0x148: {  	[sflag:s6] =	ssyncset.done $0x0  }
0x149: {  	[sflag:s6] =	ssyncadd.s32 $0xFFFFF000  }
0x14a: {  	_ =	swait.ge [sflag:s6], $0x1000  }
0x14b: {  	(v2sf) =	vpush v21, $0x8;
	_ =	sdelay $0x1  }
0x14c: {  	(v2sf) =	vpush v20, $0x8  }
0x14d: {  	s3 =	sand.u32 $0x7F, s15  }
0x14e: {  	s7 =	sadd.s32 $0x8, s4;
	v51 =	vor.u32 s3, v0  }
0x14f: {  	v52 =	vmov s7;
	s15 =	sand.u32 $0x7F, s14;
	v53 =	vor.u32 s3, v1  }
0x150: {  	v55 =	vshll.u32 v52, $0x3;
	v54 =	vor.u32 s15, v0  }
0x151: {  	v26 =	vand.u32 $0xC00, v55;
	v23 =	vand.u32 $0x70, v52;
	v56 =	vor.u32 s15, v1;
	[sflag:s6] =	ssyncset.done $0x0  }
0x152: {  	v23 =	vor.u32 v23, v26;
	[sflag:s6] =	ssyncadd.s32 $0xFFFFF000  }
0x153: {  	v26 =	vor.u32 v2, v23;
	v22 =	vld.idx.msk [tilespmem:v51+s11+$0x0], $0xffff  }
0x154: {  	s7 =	simm.s32 $0x1400;
	v23 =	vor.u32 v3, v23;
	v24 =	vld.idx.msk [tilespmem:v53+s11+$0x0], $0xffff  }
0x155: {  	v25 =	vld.idx.msk [tilespmem:v54+s7+$0x0], $0xffff  }
0x156: {  	v27 =	vld.idx.msk [tilespmem:v56+s7+$0x0], $0xffff;
	_ =	sdelay $0x1  }
0x157: {  	[tilespmem:v26+s29+$0x0] =	vst.idx.msk $0xffff, v22  }
0x158: {  	[tilespmem:v23+s29+$0x0] =	vst.idx.msk $0xffff, v24;
	s15 =	spop (v2sf)  }
0x159: {  	[tilespmem:v26+s30+$0x0] =	vst.idx.msk $0xffff, v25;
	s3 =	sand.u32 $0xFFFFF80, s15  }
0x15a: {  	[tilespmem:v23+s30+$0x0] =	vst.idx.msk $0xffff, v27;
	s6 =	spop (v2sf);
	s3 =	sadd.s32 s0, s3  }
0x15b: {  	[tilespmem:s11], [sflag:$0x1] =	stream.strided.gather [hbm4b:s3+s11], $0x1000, s10, s11, $0x38;
	[tilespmem:$0x18600] =	vst v63  }
0x15c: {  	s3 =	sand.u32 $0xFFFFF80, s6  }
0x15d: {  	s6 =	simm.s32 $0x2;
	s3 =	sadd.s32 s1, s3  }
0x15e: {  	[tilespmem:s7], [sflag:$0x1] =	stream.strided.gather [hbm4b:s3+s11], $0x1000, s10, s11, $0x38;
	[tilespmem:$0x18600] =	vst v63  }
0x15f: {  	_ =	swait.ge [sflag:s6], $0x1000  }
0x160: {  	[sflag:s6] =	ssyncset.done $0x0  }
0x161: {  	[sflag:s6] =	ssyncadd.s32 $0xFFFFF000  }
0x162: {  	_ =	swait.ge [sflag:s6], $0x1000  }
0x163: {  	(v2sf) =	vpush v21, $0x9;
	_ =	sdelay $0x2  }
0x164: {  	s7 =	sand.u32 $0x7F, s17  }
0x165: {  	s15 =	sadd.s32 $0x9, s4;
	v57 =	vor.u32 s7, v0;
	(v2sf) =	vpush v20, $0x9  }
0x166: {  	v58 =	vmov s15;
	s17 =	sand.u32 $0x7F, s16;
	v59 =	vor.u32 s7, v1  }
0x167: {  	v61 =	vshll.u32 v58, $0x3;
	v60 =	vor.u32 s17, v0  }
0x168: {  	v23 =	vand.u32 $0x71, v58;
	v26 =	vand.u32 $0xC00, v61;
	v62 =	vor.u32 s17, v1;
	[sflag:s6] =	ssyncset.done $0x0  }
0x169: {  	v23 =	vor.u32 v23, v26;
	[sflag:s6] =	ssyncadd.s32 $0xFFFFF000;
	s6 =	simm.s32 $0x2400  }
0x16a: {  	v26 =	vor.u32 v2, v23;
	v22 =	vld.idx.msk [tilespmem:v57+s6+$0x0], $0xffff  }
0x16b: {  	v23 =	vor.u32 v3, v23;
	s7 =	simm.s32 $0x3400;
	v24 =	vld.idx.msk [tilespmem:v59+s6+$0x0], $0xffff  }
0x16c: {  	v25 =	vld.idx.msk [tilespmem:v60+s7+$0x0], $0xffff  }
0x16d: {  	v27 =	vld.idx.msk [tilespmem:v62+s7+$0x0], $0xffff;
	_ =	sdelay $0x1  }
0x16e: {  	[tilespmem:v26+s29+$0x0] =	vst.idx.msk $0xffff, v22  }
0x16f: {  	[tilespmem:v23+s29+$0x0] =	vst.idx.msk $0xffff, v24;
	s17 =	spop (v2sf)  }
0x170: {  	[tilespmem:v26+s30+$0x0] =	vst.idx.msk $0xffff, v25;
	s3 =	sand.u32 $0xFFFFF80, s17  }
0x171: {  	[tilespmem:v23+s30+$0x0] =	vst.idx.msk $0xffff, v27;
	s3 =	sadd.s32 s0, s3  }
0x172: {  	[tilespmem:s6], [sflag:$0x2] =	stream.strided.gather [hbm4b:s3+s11], $0x1000, s10, s11, $0x38;
	[tilespmem:$0x18600] =	vst v63  }
0x173: {  	s6 =	spop (v2sf)  }
0x174: {  	s3 =	sand.u32 $0xFFFFF80, s6  }
0x175: {  	s3 =	sadd.s32 s1, s3  }
0x176: {  	[tilespmem:s7], [sflag:$0x2] =	stream.strided.gather [hbm4b:s3+s11], $0x1000, s10, s11, $0x38;
	[tilespmem:$0x18600] =	vst v63  }
0x177: {  	s7 =	simm.s32 $0x3  }
0x178: {  	_ =	swait.ge [sflag:s7], $0x1000  }
0x179: {  	[sflag:s7] =	ssyncset.done $0x0  }
0x17a: {  	[sflag:s7] =	ssyncadd.s32 $0xFFFFF000  }
0x17b: {  	_ =	swait.ge [sflag:s7], $0x1000  }
0x17c: {  	(v2sf) =	vpush v21, $0xA;
	_ =	sdelay $0x1  }
0x17d: {  	(v2sf) =	vpush v20, $0xA  }
0x17e: {  	s15 =	sand.u32 $0x7F, s19  }
0x17f: {  	v63 =	vor.u32 s15, v0;
	s17 =	sadd.s32 $0xA, s4  }
0x180: {  	s18 =	sand.u32 $0x7F, s18;
	v31 =	vor.u32 s15, v1;
	v30 =	vmov s17  }
0x181: {  	v32 =	vor.u32 s18, v0;
	v33 =	vshll.u32 v30, $0x3  }
0x182: {  	v34 =	vor.u32 s18, v1;
	v23 =	vand.u32 $0x72, v30;
	v26 =	vand.u32 $0xC00, v33;
	[sflag:s7] =	ssyncset.done $0x0  }
0x183: {  	s19 =	simm.s32 $0x4400;
	v23 =	vor.u32 v23, v26;
	[sflag:s7] =	ssyncadd.s32 $0xFFFFF000  }
0x184: {  	v26 =	vor.u32 v2, v23;
	v22 =	vld.idx.msk [tilespmem:v63+s19+$0x0], $0xffff  }
0x185: {  	s6 =	simm.s32 $0x5400;
	v23 =	vor.u32 v3, v23;
	v24 =	vld.idx.msk [tilespmem:v31+s19+$0x0], $0xffff  }
0x186: {  	v25 =	vld.idx.msk [tilespmem:v32+s6+$0x0], $0xffff  }
0x187: {  	v27 =	vld.idx.msk [tilespmem:v34+s6+$0x0], $0xffff;
	_ =	sdelay $0x1  }
0x188: {  	[tilespmem:v26+s29+$0x0] =	vst.idx.msk $0xffff, v22  }
0x189: {  	[tilespmem:v23+s29+$0x0] =	vst.idx.msk $0xffff, v24;
	s7 =	spop (v2sf)  }
0x18a: {  	[tilespmem:v26+s30+$0x0] =	vst.idx.msk $0xffff, v25;
	s3 =	sand.u32 $0xFFFFF80, s7  }
0x18b: {  	[tilespmem:v23+s30+$0x0] =	vst.idx.msk $0xffff, v27;
	s14 =	spop (v2sf);
	s3 =	sadd.s32 s0, s3  }
0x18c: {  	[tilespmem:s19], [sflag:$0x3] =	stream.strided.gather [hbm4b:s3+s11], $0x1000, s10, s11, $0x38;
	[tilespmem:$0x18600] =	vst v63  }
0x18d: {  	s3 =	sand.u32 $0xFFFFF80, s14  }
0x18e: {  	s15 =	simm.s32 $0x4;
	s3 =	sadd.s32 s1, s3  }
0x18f: {  	[tilespmem:s6], [sflag:$0x3] =	stream.strided.gather [hbm4b:s3+s11], $0x1000, s10, s11, $0x38;
	[tilespmem:$0x18600] =	vst v63  }
0x190: {  	_ =	swait.ge [sflag:s15], $0x1000  }
0x191: {  	[sflag:s15] =	ssyncset.done $0x0  }
0x192: {  	[sflag:s15] =	ssyncadd.s32 $0xFFFFF000  }
0x193: {  	_ =	swait.ge [sflag:s15], $0x1000  }
0x194: {  	(v2sf) =	vpush v21, $0xB;
	_ =	sdelay $0x1  }
0x195: {  	(v2sf) =	vpush v20, $0xB  }
0x196: {  	s17 =	sand.u32 $0x7F, s21  }
0x197: {  	v35 =	vor.u32 s17, v0;
	s19 =	sadd.s32 $0xB, s4  }
0x198: {  	s20 =	sand.u32 $0x7F, s20;
	v37 =	vor.u32 s17, v1;
	v36 =	vmov s19  }
0x199: {  	v38 =	vor.u32 s20, v0;
	v39 =	vshll.u32 v36, $0x3  }
0x19a: {  	v40 =	vor.u32 s20, v1;
	v23 =	vand.u32 $0x73, v36;
	v26 =	vand.u32 $0xC00, v39;
	[sflag:s15] =	ssyncset.done $0x0  }
0x19b: {  	s21 =	simm.s32 $0x6400;
	v23 =	vor.u32 v23, v26;
	[sflag:s15] =	ssyncadd.s32 $0xFFFFF000  }
0x19c: {  	v26 =	vor.u32 v2, v23;
	v22 =	vld.idx.msk [tilespmem:v35+s21+$0x0], $0xffff  }
0x19d: {  	s6 =	simm.s32 $0x7400;
	v23 =	vor.u32 v3, v23;
	v24 =	vld.idx.msk [tilespmem:v37+s21+$0x0], $0xffff  }
0x19e: {  	v25 =	vld.idx.msk [tilespmem:v38+s6+$0x0], $0xffff  }
0x19f: {  	v27 =	vld.idx.msk [tilespmem:v40+s6+$0x0], $0xffff;
	_ =	sdelay $0x1  }
0x1a0: {  	[tilespmem:v26+s29+$0x0] =	vst.idx.msk $0xffff, v22  }
0x1a1: {  	[tilespmem:v23+s29+$0x0] =	vst.idx.msk $0xffff, v24;
	s7 =	spop (v2sf)  }
0x1a2: {  	[tilespmem:v26+s30+$0x0] =	vst.idx.msk $0xffff, v25;
	s3 =	sand.u32 $0xFFFFF80, s7  }
0x1a3: {  	[tilespmem:v23+s30+$0x0] =	vst.idx.msk $0xffff, v27;
	s14 =	spop (v2sf);
	s3 =	sadd.s32 s0, s3  }
0x1a4: {  	[tilespmem:s21], [sflag:$0x4] =	stream.strided.gather [hbm4b:s3+s11], $0x1000, s10, s11, $0x38;
	[tilespmem:$0x18600] =	vst v63  }
0x1a5: {  	s3 =	sand.u32 $0xFFFFF80, s14  }
0x1a6: {  	s17 =	simm.s32 $0x5;
	s3 =	sadd.s32 s1, s3  }
0x1a7: {  	[tilespmem:s6], [sflag:$0x4] =	stream.strided.gather [hbm4b:s3+s11], $0x1000, s10, s11, $0x38;
	[tilespmem:$0x18600] =	vst v63  }
0x1a8: {  	_ =	swait.ge [sflag:s17], $0x1000  }
0x1a9: {  	[sflag:s17] =	ssyncset.done $0x0  }
0x1aa: {  	[sflag:s17] =	ssyncadd.s32 $0xFFFFF000  }
0x1ab: {  	_ =	swait.ge [sflag:s17], $0x1000  }
0x1ac: {  	(v2sf) =	vpush v21, $0xC;
	_ =	sdelay $0x1  }
0x1ad: {  	(v2sf) =	vpush v20, $0xC  }
0x1ae: {  	s19 =	sand.u32 $0x7F, s23  }
0x1af: {  	v41 =	vor.u32 s19, v0;
	s21 =	sadd.s32 $0xC, s4  }
0x1b0: {  	s22 =	sand.u32 $0x7F, s22;
	v43 =	vor.u32 s19, v1;
	v42 =	vmov s21  }
0x1b1: {  	v44 =	vor.u32 s22, v0;
	v45 =	vshll.u32 v42, $0x3  }
0x1b2: {  	v46 =	vor.u32 s22, v1;
	v23 =	vand.u32 $0x74, v42;
	v26 =	vand.u32 $0xC00, v45;
	[sflag:s17] =	ssyncset.done $0x0  }
0x1b3: {  	s23 =	simm.s32 $0x8400;
	v23 =	vor.u32 v23, v26;
	[sflag:s17] =	ssyncadd.s32 $0xFFFFF000  }
0x1b4: {  	v26 =	vor.u32 v2, v23;
	v22 =	vld.idx.msk [tilespmem:v41+s23+$0x0], $0xffff  }
0x1b5: {  	s6 =	simm.s32 $0x9400;
	v23 =	vor.u32 v3, v23;
	v24 =	vld.idx.msk [tilespmem:v43+s23+$0x0], $0xffff  }
0x1b6: {  	v25 =	vld.idx.msk [tilespmem:v44+s6+$0x0], $0xffff  }
0x1b7: {  	v27 =	vld.idx.msk [tilespmem:v46+s6+$0x0], $0xffff;
	_ =	sdelay $0x1  }
0x1b8: {  	[tilespmem:v26+s29+$0x0] =	vst.idx.msk $0xffff, v22  }
0x1b9: {  	[tilespmem:v23+s29+$0x0] =	vst.idx.msk $0xffff, v24;
	s7 =	spop (v2sf)  }
0x1ba: {  	[tilespmem:v26+s30+$0x0] =	vst.idx.msk $0xffff, v25;
	s3 =	sand.u32 $0xFFFFF80, s7  }
0x1bb: {  	[tilespmem:v23+s30+$0x0] =	vst.idx.msk $0xffff, v27;
	s14 =	spop (v2sf);
	s3 =	sadd.s32 s0, s3  }
0x1bc: {  	[tilespmem:s23], [sflag:$0x5] =	stream.strided.gather [hbm4b:s3+s11], $0x1000, s10, s11, $0x38;
	[tilespmem:$0x18600] =	vst v63  }
0x1bd: {  	s3 =	sand.u32 $0xFFFFF80, s14  }
0x1be: {  	s15 =	simm.s32 $0x6;
	s3 =	sadd.s32 s1, s3  }
0x1bf: {  	[tilespmem:s6], [sflag:$0x5] =	stream.strided.gather [hbm4b:s3+s11], $0x1000, s10, s11, $0x38;
	[tilespmem:$0x18600] =	vst v63  }
0x1c0: {  	_ =	swait.ge [sflag:s15], $0x1000  }
0x1c1: {  	[sflag:s15] =	ssyncset.done $0x0  }
0x1c2: {  	[sflag:s15] =	ssyncadd.s32 $0xFFFFF000  }
0x1c3: {  	_ =	swait.ge [sflag:s15], $0x1000  }
0x1c4: {  	(v2sf) =	vpush v21, $0xD;
	_ =	sdelay $0x1  }
0x1c5: {  	(v2sf) =	vpush v20, $0xD  }
0x1c6: {  	s17 =	sand.u32 $0x7F, s25  }
0x1c7: {  	s19 =	sadd.s32 $0xD, s4;
	v47 =	vor.u32 s17, v0  }
0x1c8: {  	v48 =	vmov s19;
	s21 =	sand.u32 $0x7F, s24;
	v49 =	vor.u32 s17, v1  }
0x1c9: {  	v51 =	vshll.u32 v48, $0x3;
	v50 =	vor.u32 s21, v0  }
0x1ca: {  	v52 =	vor.u32 s21, v1;
	v26 =	vand.u32 $0xC00, v51;
	v23 =	vand.u32 $0x75, v48;
	[sflag:s15] =	ssyncset.done $0x0  }
0x1cb: {  	v23 =	vor.u32 v23, v26;
	s23 =	simm.s32 $0xA400;
	[sflag:s15] =	ssyncadd.s32 $0xFFFFF000  }
0x1cc: {  	v26 =	vor.u32 v2, v23;
	v22 =	vld.idx.msk [tilespmem:v47+s23+$0x0], $0xffff  }
0x1cd: {  	s25 =	simm.s32 $0xB400;
	v23 =	vor.u32 v3, v23;
	v24 =	vld.idx.msk [tilespmem:v49+s23+$0x0], $0xffff  }
0x1ce: {  	v25 =	vld.idx.msk [tilespmem:v50+s25+$0x0], $0xffff  }
0x1cf: {  	v27 =	vld.idx.msk [tilespmem:v52+s25+$0x0], $0xffff;
	_ =	sdelay $0x1  }
0x1d0: {  	[tilespmem:v26+s29+$0x0] =	vst.idx.msk $0xffff, v22  }
0x1d1: {  	[tilespmem:v23+s29+$0x0] =	vst.idx.msk $0xffff, v24;
	s7 =	spop (v2sf)  }
0x1d2: {  	[tilespmem:v26+s30+$0x0] =	vst.idx.msk $0xffff, v25;
	s3 =	sand.u32 $0xFFFFF80, s7  }
0x1d3: {  	[tilespmem:v23+s30+$0x0] =	vst.idx.msk $0xffff, v27;
	s14 =	spop (v2sf);
	s3 =	sadd.s32 s0, s3  }
0x1d4: {  	[tilespmem:s23], [sflag:$0x6] =	stream.strided.gather [hbm4b:s3+s11], $0x1000, s10, s11, $0x38;
	[tilespmem:$0x18600] =	vst v63  }
0x1d5: {  	s3 =	sand.u32 $0xFFFFF80, s14  }
0x1d6: {  	s17 =	simm.s32 $0x7;
	s3 =	sadd.s32 s1, s3  }
0x1d7: {  	[tilespmem:s25], [sflag:$0x6] =	stream.strided.gather [hbm4b:s3+s11], $0x1000, s10, s11, $0x38;
	[tilespmem:$0x18600] =	vst v63  }
0x1d8: {  	_ =	swait.ge [sflag:s17], $0x1000  }
0x1d9: {  	[sflag:s17] =	ssyncset.done $0x0  }
0x1da: {  	[sflag:s17] =	ssyncadd.s32 $0xFFFFF000  }
0x1db: {  	_ =	swait.ge [sflag:s17], $0x1000  }
0x1dc: {  	(v2sf) =	vpush v21, $0xE;
	_ =	sdelay $0x1  }
0x1dd: {  	(v2sf) =	vpush v20, $0xE  }
0x1de: {  	s19 =	sand.u32 $0x7F, s28  }
0x1df: {  	v53 =	vor.u32 s19, v0;
	s21 =	sadd.s32 $0xE, s4  }
0x1e0: {  	v55 =	vor.u32 s19, v1;
	v54 =	vmov s21;
	s23 =	sand.u32 $0x7F, s26  }
0x1e1: {  	v57 =	vshll.u32 v54, $0x3;
	v56 =	vor.u32 s23, v0  }
0x1e2: {  	v26 =	vand.u32 $0xC00, v57;
	v23 =	vand.u32 $0x76, v54;
	v58 =	vor.u32 s23, v1;
	[sflag:s17] =	ssyncset.done $0x0  }
0x1e3: {  	v23 =	vor.u32 v23, v26;
	s25 =	simm.s32 $0xC400;
	[sflag:s17] =	ssyncadd.s32 $0xFFFFF000  }
0x1e4: {  	v26 =	vor.u32 v2, v23;
	v22 =	vld.idx.msk [tilespmem:v53+s25+$0x0], $0xffff  }
0x1e5: {  	s28 =	simm.s32 $0xD400;
	v23 =	vor.u32 v3, v23;
	v24 =	vld.idx.msk [tilespmem:v55+s25+$0x0], $0xffff  }
0x1e6: {  	v25 =	vld.idx.msk [tilespmem:v56+s28+$0x0], $0xffff  }
0x1e7: {  	v27 =	vld.idx.msk [tilespmem:v58+s28+$0x0], $0xffff;
	_ =	sdelay $0x1  }
0x1e8: {  	[tilespmem:v26+s29+$0x0] =	vst.idx.msk $0xffff, v22  }
0x1e9: {  	[tilespmem:v23+s29+$0x0] =	vst.idx.msk $0xffff, v24;
	s17 =	spop (v2sf)  }
0x1ea: {  	[tilespmem:v26+s30+$0x0] =	vst.idx.msk $0xffff, v25;
	s3 =	sand.u32 $0xFFFFF80, s17  }
0x1eb: {  	[tilespmem:v23+s30+$0x0] =	vst.idx.msk $0xffff, v27;
	s19 =	spop (v2sf);
	s3 =	sadd.s32 s0, s3  }
0x1ec: {  	[tilespmem:s25], [sflag:$0x7] =	stream.strided.gather [hbm4b:s3+s11], $0x1000, s10, s11, $0x38;
	[tilespmem:$0x18600] =	vst v63  }
0x1ed: {  	s3 =	sand.u32 $0xFFFFF80, s19  }
0x1ee: {  	s21 =	simm.s32 $0x8;
	s3 =	sadd.s32 s1, s3  }
0x1ef: {  	[tilespmem:s28], [sflag:$0x7] =	stream.strided.gather [hbm4b:s3+s11], $0x1000, s10, s11, $0x38;
	[tilespmem:$0x18600] =	vst v63  }
0x1f0: {  	_ =	swait.ge [sflag:s21], $0x1000  }
0x1f1: {  	[sflag:s21] =	ssyncset.done $0x0  }
0x1f2: {  	[sflag:s21] =	ssyncadd.s32 $0xFFFFF000  }
0x1f3: {  	_ =	swait.ge [sflag:s21], $0x1000  }
0x1f4: {  	(v2sf) =	vpush v21, $0xF;
	_ =	sdelay $0x1  }
0x1f5: {  	(v2sf) =	vpush v20, $0xF  }
0x1f6: {  	s2 =	sand.u32 $0x7F, s2  }
0x1f7: {  	v59 =	vor.u32 s2, v0;
	s23 =	sadd.s32 $0xF, s4  }
0x1f8: {  	v60 =	vor.u32 s2, v1;
	s25 =	sand.u32 $0x7F, s31;
	v20 =	vmov s23  }
0x1f9: {  	v61 =	vor.u32 s25, v0;
	v62 =	vshll.u32 v20, $0x3  }
0x1fa: {  	v63 =	vor.u32 s25, v1;
	[sflag:s21] =	ssyncset.done $0x0;
	v20 =	vand.u32 $0x77, v20;
	v24 =	vand.u32 $0xC00, v62  }
0x1fb: {  	[sflag:s21] =	ssyncadd.s32 $0xFFFFF000;
	v20 =	vor.u32 v20, v24  }
0x1fc: {  	v21 =	vld.idx.msk [tilespmem:v59+s9+$0x0], $0xffff;
	v24 =	vor.u32 v2, v20  }
0x1fd: {  	v22 =	vld.idx.msk [tilespmem:v60+s9+$0x0], $0xffff;
	v20 =	vor.u32 v3, v20  }
0x1fe: {  	v23 =	vld.idx.msk [tilespmem:v61+s5+$0x0], $0xffff  }
0x1ff: {  	v25 =	vld.idx.msk [tilespmem:v63+s5+$0x0], $0xffff  }
0x200: {  	s12 =	sadd.s32 $0x1, s12;
	s13 =	sadd.s32 $0x10, s13  }
0x201: {  	s8 =	sadd.s32 $0x10, s8;
	s18 =	simm.s32 $0x4400;
	s20 =	simm.s32 $0x6400;
	[tilespmem:v24+s29+$0x0] =	vst.idx.msk $0xffff, v21  }
0x202: {  	s22 =	simm.s32 $0x8400;
	s4 =	sadd.s32 $0x10, s4;
	[tilespmem:v20+s29+$0x0] =	vst.idx.msk $0xffff, v22;
	s28 =	spop (v2sf)  }
0x203: {  	s16 =	simm.s32 $0x2400;
	p0 =	sne.s32 s4, $0x1F8;
	[tilespmem:v24+s30+$0x0] =	vst.idx.msk $0xffff, v23;
	s2 =	sand.u32 $0xFFFFF80, s28  }
.Ltmp0:
0x204: {  	[tilespmem:v20+s30+$0x0] =	vst.idx.msk $0xffff, v25;
	s31 =	spop (v2sf);
	s2 =	sadd.s32 s0, s2;
	(pc) =	sbr.rel @p0 .LBB2_2-.Ltmp0, $4  }
0x205: {  	[tilespmem:s9], [sflag:$0x8] =	stream.strided.gather [hbm4b:s2+s11], $0x1000, s10, s11, $0x38;
	[tilespmem:$0x18600] =	vst v63  }
0x206: {  	s24 =	simm.s32 $0xA400;
	s6 =	simm.s32 $0xB400;
	s2 =	sand.u32 $0xFFFFF80, s31  }
0x207: {  	s7 =	simm.s32 $0xD400;
	s26 =	simm.s32 $0xC400;
	s2 =	sadd.s32 s1, s2  }
0x208: {  	[tilespmem:s5], [sflag:$0x8] =	stream.strided.gather [hbm4b:s2+s11], $0x1000, s10, s11, $0x38;
	[tilespmem:$0x18600] =	vst v63  }
0x209: {  	v20 =	vld [tilespmem:$0x1F0]  }
0x20a: {  	v21 =	vld [tilespmem:$0x3F0];
	_ =	sdelay $0x3  }
0x20b: {  	(v2sf) =	vpush v20, $0x8  }
0x20c: {  	(v2sf) =	vpush v21, $0x8;
	_ =	sdelay $0xd  }
0x20d: {  	s2 =	spop (v2sf)  }
0x20e: {  	s4 =	simm.s32 $0x1;
	s3 =	spop (v2sf)  }
0x20f: {  	_ =	swait.ge [sflag:s4], $0x1000  }
0x210: {  	[sflag:s4] =	ssyncset.done $0x0  }
0x211: {  	[sflag:s4] =	ssyncadd.s32 $0xFFFFF000  }
0x212: {  	_ =	swait.ge [sflag:s4], $0x1000  }
0x213: {  	(v2sf) =	vpush v20, $0x9  }
0x214: {  	(v2sf) =	vpush v21, $0x9  }
0x215: {  	s2 =	sand.u32 $0x7F, s2  }
0x216: {  	v22 =	vor.u32 s2, v0  }
0x217: {  	s3 =	sand.u32 $0x7F, s3;
	v23 =	vor.u32 s2, v1  }
0x218: {  	v24 =	vor.u32 s3, v0  }
0x219: {  	v25 =	vor.u32 s3, v1;
	[sflag:s4] =	ssyncset.done $0x0  }
0x21a: {  	[sflag:s4] =	ssyncadd.s32 $0xFFFFF000  }
0x21b: {  	v22 =	vld.idx.msk [tilespmem:v22+s11+$0x0], $0xffff  }
0x21c: {  	s6 =	simm.s32 $0x1400;
	v23 =	vld.idx.msk [tilespmem:v23+s11+$0x0], $0xffff  }
0x21d: {  	v24 =	vld.idx.msk [tilespmem:v24+s6+$0x0], $0xffff  }
0x21e: {  	v25 =	vld.idx.msk [tilespmem:v25+s6+$0x0], $0xffff;
	_ =	sdelay $0x1  }
0x21f: {  	[tilespmem:v4+s29+$0x0] =	vst.idx.msk $0xffff, v22  }
0x220: {  	[tilespmem:v5+s29+$0x0] =	vst.idx.msk $0xffff, v23  }
0x221: {  	[tilespmem:v4+s30+$0x0] =	vst.idx.msk $0xffff, v24;
	s7 =	spop (v2sf)  }
0x222: {  	s12 =	simm.s32 $0x2;
	[tilespmem:v5+s30+$0x0] =	vst.idx.msk $0xffff, v25;
	s8 =	spop (v2sf)  }
0x223: {  	_ =	swait.ge [sflag:s12], $0x1000  }
0x224: {  	[sflag:s12] =	ssyncset.done $0x0  }
0x225: {  	[sflag:s12] =	ssyncadd.s32 $0xFFFFF000  }
0x226: {  	_ =	swait.ge [sflag:s12], $0x1000  }
0x227: {  	(v2sf) =	vpush v20, $0xA  }
0x228: {  	(v2sf) =	vpush v21, $0xA  }
0x229: {  	s2 =	sand.u32 $0x7F, s7  }
0x22a: {  	v55 =	vor.u32 s2, v0  }
0x22b: {  	s3 =	sand.u32 $0x7F, s8;
	v56 =	vor.u32 s2, v1  }
0x22c: {  	v57 =	vor.u32 s3, v0  }
0x22d: {  	v58 =	vor.u32 s3, v1;
	[sflag:s12] =	ssyncset.done $0x0  }
0x22e: {  	s13 =	simm.s32 $0x2400;
	[sflag:s12] =	ssyncadd.s32 $0xFFFFF000  }
0x22f: {  	v22 =	vld.idx.msk [tilespmem:v55+s13+$0x0], $0xffff  }
0x230: {  	s14 =	simm.s32 $0x3400;
	v23 =	vld.idx.msk [tilespmem:v56+s13+$0x0], $0xffff  }
0x231: {  	v24 =	vld.idx.msk [tilespmem:v57+s14+$0x0], $0xffff  }
0x232: {  	v25 =	vld.idx.msk [tilespmem:v58+s14+$0x0], $0xffff;
	_ =	sdelay $0x1  }
0x233: {  	[tilespmem:v6+s29+$0x0] =	vst.idx.msk $0xffff, v22  }
0x234: {  	[tilespmem:v7+s29+$0x0] =	vst.idx.msk $0xffff, v23  }
0x235: {  	[tilespmem:v6+s30+$0x0] =	vst.idx.msk $0xffff, v24;
	s15 =	spop (v2sf)  }
0x236: {  	s18 =	simm.s32 $0x3;
	[tilespmem:v7+s30+$0x0] =	vst.idx.msk $0xffff, v25;
	s17 =	spop (v2sf)  }
0x237: {  	_ =	swait.ge [sflag:s18], $0x1000  }
0x238: {  	[sflag:s18] =	ssyncset.done $0x0  }
0x239: {  	[sflag:s18] =	ssyncadd.s32 $0xFFFFF000  }
0x23a: {  	_ =	swait.ge [sflag:s18], $0x1000  }
0x23b: {  	(v2sf) =	vpush v20, $0xB  }
0x23c: {  	(v2sf) =	vpush v21, $0xB  }
0x23d: {  	s2 =	sand.u32 $0x7F, s15  }
0x23e: {  	v59 =	vor.u32 s2, v0  }
0x23f: {  	s3 =	sand.u32 $0x7F, s17;
	v60 =	vor.u32 s2, v1  }
0x240: {  	v61 =	vor.u32 s3, v0  }
0x241: {  	v62 =	vor.u32 s3, v1;
	[sflag:s18] =	ssyncset.done $0x0  }
0x242: {  	s19 =	simm.s32 $0x4400;
	[sflag:s18] =	ssyncadd.s32 $0xFFFFF000  }
0x243: {  	v22 =	vld.idx.msk [tilespmem:v59+s19+$0x0], $0xffff  }
0x244: {  	s20 =	simm.s32 $0x5400;
	v23 =	vld.idx.msk [tilespmem:v60+s19+$0x0], $0xffff  }
0x245: {  	v24 =	vld.idx.msk [tilespmem:v61+s20+$0x0], $0xffff  }
0x246: {  	v25 =	vld.idx.msk [tilespmem:v62+s20+$0x0], $0xffff;
	_ =	sdelay $0x1  }
0x247: {  	[tilespmem:v8+s29+$0x0] =	vst.idx.msk $0xffff, v22  }
0x248: {  	[tilespmem:v9+s29+$0x0] =	vst.idx.msk $0xffff, v23  }
0x249: {  	[tilespmem:v8+s30+$0x0] =	vst.idx.msk $0xffff, v24;
	s21 =	spop (v2sf)  }
0x24a: {  	s23 =	simm.s32 $0x4;
	[tilespmem:v9+s30+$0x0] =	vst.idx.msk $0xffff, v25;
	s22 =	spop (v2sf)  }
0x24b: {  	_ =	swait.ge [sflag:s23], $0x1000  }
0x24c: {  	[sflag:s23] =	ssyncset.done $0x0  }
0x24d: {  	[sflag:s23] =	ssyncadd.s32 $0xFFFFF000  }
0x24e: {  	_ =	swait.ge [sflag:s23], $0x1000  }
0x24f: {  	(v2sf) =	vpush v20, $0xC  }
0x250: {  	(v2sf) =	vpush v21, $0xC  }
0x251: {  	s2 =	sand.u32 $0x7F, s21  }
0x252: {  	v63 =	vor.u32 s2, v0  }
0x253: {  	s3 =	sand.u32 $0x7F, s22;
	v28 =	vor.u32 s2, v1  }
0x254: {  	v29 =	vor.u32 s3, v0  }
0x255: {  	v30 =	vor.u32 s3, v1;
	[sflag:s23] =	ssyncset.done $0x0  }
0x256: {  	s24 =	simm.s32 $0x6400;
	[sflag:s23] =	ssyncadd.s32 $0xFFFFF000  }
0x257: {  	v22 =	vld.idx.msk [tilespmem:v63+s24+$0x0], $0xffff  }
0x258: {  	s25 =	simm.s32 $0x7400;
	v23 =	vld.idx.msk [tilespmem:v28+s24+$0x0], $0xffff  }
0x259: {  	v24 =	vld.idx.msk [tilespmem:v29+s25+$0x0], $0xffff  }
0x25a: {  	v25 =	vld.idx.msk [tilespmem:v30+s25+$0x0], $0xffff;
	_ =	sdelay $0x1  }
0x25b: {  	[tilespmem:v10+s29+$0x0] =	vst.idx.msk $0xffff, v22  }
0x25c: {  	[tilespmem:v11+s29+$0x0] =	vst.idx.msk $0xffff, v23  }
0x25d: {  	[tilespmem:v10+s30+$0x0] =	vst.idx.msk $0xffff, v24;
	s26 =	spop (v2sf)  }
0x25e: {  	s31 =	simm.s32 $0x5;
	[tilespmem:v11+s30+$0x0] =	vst.idx.msk $0xffff, v25;
	s28 =	spop (v2sf)  }
0x25f: {  	_ =	swait.ge [sflag:s31], $0x1000  }
0x260: {  	[sflag:s31] =	ssyncset.done $0x0  }
0x261: {  	[sflag:s31] =	ssyncadd.s32 $0xFFFFF000  }
0x262: {  	_ =	swait.ge [sflag:s31], $0x1000  }
0x263: {  	(v2sf) =	vpush v20, $0xD  }
0x264: {  	(v2sf) =	vpush v21, $0xD  }
0x265: {  	s2 =	sand.u32 $0x7F, s26  }
0x266: {  	v31 =	vor.u32 s2, v0  }
0x267: {  	s3 =	sand.u32 $0x7F, s28;
	v32 =	vor.u32 s2, v1  }
0x268: {  	v33 =	vor.u32 s3, v0  }
0x269: {  	v34 =	vor.u32 s3, v1;
	[sflag:s31] =	ssyncset.done $0x0  }
0x26a: {  	s5 =	simm.s32 $0x8400;
	[sflag:s31] =	ssyncadd.s32 $0xFFFFF000  }
0x26b: {  	v22 =	vld.idx.msk [tilespmem:v31+s5+$0x0], $0xffff  }
0x26c: {  	s6 =	simm.s32 $0x9400;
	v23 =	vld.idx.msk [tilespmem:v32+s5+$0x0], $0xffff  }
0x26d: {  	v24 =	vld.idx.msk [tilespmem:v33+s6+$0x0], $0xffff  }
0x26e: {  	v25 =	vld.idx.msk [tilespmem:v34+s6+$0x0], $0xffff;
	_ =	sdelay $0x1  }
0x26f: {  	[tilespmem:v12+s29+$0x0] =	vst.idx.msk $0xffff, v22  }
0x270: {  	[tilespmem:v13+s29+$0x0] =	vst.idx.msk $0xffff, v23  }
0x271: {  	[tilespmem:v12+s30+$0x0] =	vst.idx.msk $0xffff, v24;
	s7 =	spop (v2sf)  }
0x272: {  	s12 =	simm.s32 $0x6;
	[tilespmem:v13+s30+$0x0] =	vst.idx.msk $0xffff, v25;
	s8 =	spop (v2sf)  }
0x273: {  	_ =	swait.ge [sflag:s12], $0x1000  }
0x274: {  	[sflag:s12] =	ssyncset.done $0x0  }
0x275: {  	[sflag:s12] =	ssyncadd.s32 $0xFFFFF000  }
0x276: {  	_ =	swait.ge [sflag:s12], $0x1000  }
0x277: {  	(v2sf) =	vpush v20, $0xE  }
0x278: {  	(v2sf) =	vpush v21, $0xE  }
0x279: {  	s2 =	sand.u32 $0x7F, s7  }
0x27a: {  	v35 =	vor.u32 s2, v0  }
0x27b: {  	s3 =	sand.u32 $0x7F, s8;
	v36 =	vor.u32 s2, v1  }
0x27c: {  	v37 =	vor.u32 s3, v0  }
0x27d: {  	v38 =	vor.u32 s3, v1;
	[sflag:s12] =	ssyncset.done $0x0  }
0x27e: {  	s13 =	simm.s32 $0xA400;
	[sflag:s12] =	ssyncadd.s32 $0xFFFFF000  }
0x27f: {  	v22 =	vld.idx.msk [tilespmem:v35+s13+$0x0], $0xffff  }
0x280: {  	s14 =	simm.s32 $0xB400;
	v23 =	vld.idx.msk [tilespmem:v36+s13+$0x0], $0xffff  }
0x281: {  	v24 =	vld.idx.msk [tilespmem:v37+s14+$0x0], $0xffff  }
0x282: {  	v25 =	vld.idx.msk [tilespmem:v38+s14+$0x0], $0xffff;
	_ =	sdelay $0x1  }
0x283: {  	[tilespmem:v14+s29+$0x0] =	vst.idx.msk $0xffff, v22  }
0x284: {  	[tilespmem:v15+s29+$0x0] =	vst.idx.msk $0xffff, v23  }
0x285: {  	[tilespmem:v14+s30+$0x0] =	vst.idx.msk $0xffff, v24;
	s15 =	spop (v2sf)  }
0x286: {  	s19 =	simm.s32 $0x7;
	[tilespmem:v15+s30+$0x0] =	vst.idx.msk $0xffff, v25;
	s17 =	spop (v2sf)  }
0x287: {  	_ =	swait.ge [sflag:s19], $0x1000  }
0x288: {  	[sflag:s19] =	ssyncset.done $0x0  }
0x289: {  	[sflag:s19] =	ssyncadd.s32 $0xFFFFF000  }
0x28a: {  	_ =	swait.ge [sflag:s19], $0x1000  }
0x28b: {  	(v2sf) =	vpush v20, $0xF  }
0x28c: {  	(v2sf) =	vpush v21, $0xF  }
0x28d: {  	s2 =	sand.u32 $0x7F, s15  }
0x28e: {  	v20 =	vor.u32 s2, v0  }
0x28f: {  	s3 =	sand.u32 $0x7F, s17;
	v39 =	vor.u32 s2, v1  }
0x290: {  	v40 =	vor.u32 s3, v0  }
0x291: {  	v41 =	vor.u32 s3, v1;
	[sflag:s19] =	ssyncset.done $0x0  }
0x292: {  	s21 =	simm.s32 $0xC400;
	[sflag:s19] =	ssyncadd.s32 $0xFFFFF000  }
0x293: {  	v20 =	vld.idx.msk [tilespmem:v20+s21+$0x0], $0xffff  }
0x294: {  	s23 =	simm.s32 $0xD400;
	v21 =	vld.idx.msk [tilespmem:v39+s21+$0x0], $0xffff  }
0x295: {  	v22 =	vld.idx.msk [tilespmem:v40+s23+$0x0], $0xffff  }
0x296: {  	v23 =	vld.idx.msk [tilespmem:v41+s23+$0x0], $0xffff;
	_ =	sdelay $0x1  }
0x297: {  	[tilespmem:v16+s29+$0x0] =	vst.idx.msk $0xffff, v20  }
0x298: {  	[tilespmem:v17+s29+$0x0] =	vst.idx.msk $0xffff, v21  }
0x299: {  	[tilespmem:v16+s30+$0x0] =	vst.idx.msk $0xffff, v22;
	s25 =	spop (v2sf)  }
0x29a: {  	s31 =	simm.s32 $0x8;
	[tilespmem:v17+s30+$0x0] =	vst.idx.msk $0xffff, v23;
	s28 =	spop (v2sf)  }
0x29b: {  	s2 =	sand.u32 $0x7F, s25;
	_ =	swait.ge [sflag:s31], $0x1000  }
0x29c: {  	v20 =	vor.u32 s2, v0;
	[sflag:s31] =	ssyncset.done $0x0  }
0x29d: {  	s3 =	sand.u32 $0x7F, s28;
	v42 =	vor.u32 s2, v1;
	[sflag:s31] =	ssyncadd.s32 $0xFFFFF000  }
0x29e: {  	v43 =	vor.u32 s3, v0;
	_ =	swait.ge [sflag:s31], $0x1000  }
0x29f: {  	v44 =	vor.u32 s3, v1;
	[sflag:s31] =	ssyncset.done $0x0  }
0x2a0: {  	s3 =	simm.s32 $0xE400;
	[sflag:s31] =	ssyncadd.s32 $0xFFFFF000  }
0x2a1: {  	v20 =	vld.idx.msk [tilespmem:v20+s3+$0x0], $0xffff  }
0x2a2: {  	s4 =	simm.s32 $0xF400;
	v21 =	vld.idx.msk [tilespmem:v42+s3+$0x0], $0xffff  }
0x2a3: {  	v22 =	vld.idx.msk [tilespmem:v43+s4+$0x0], $0xffff  }
0x2a4: {  	v23 =	vld.idx.msk [tilespmem:v44+s4+$0x0], $0xffff;
	_ =	sdelay $0x1  }
0x2a5: {  	[tilespmem:v18+s29+$0x0] =	vst.idx.msk $0xffff, v20  }
0x2a6: {  	s5 =	simm.s32 $0x0;
	[tilespmem:v19+s29+$0x0] =	vst.idx.msk $0xffff, v21  }
0x2a7: {  	s8 =	sand.u32 $0x70, s5;
	s12 =	sand.u32 $0xC00, s5;
	[tilespmem:v18+s30+$0x0] =	vst.idx.msk $0xffff, v22  }
0x2a8: {  	s2 =	sor.u32 s8, s12;
	[tilespmem:v19+s30+$0x0] =	vst.idx.msk $0xffff, v23  }
0x2a9: {  	v20 =	vld [tilespmem:s2+$0x14400]  }
0x2aa: {  	v21 =	vld [tilespmem:s2+$0x10400]  }
0x2ab: {  	v22 =	vld [tilespmem:s2+$0x10480]  }
0x2ac: {  	s13 =	sand.u32 $0xFFFFFC00, s5;
	v23 =	vld [tilespmem:s2+$0x14480]  }
0x2ad: {  	s4 =	sadd.s32 $0x0, s13;
	v45 =	vld [tilespmem:s2+$0x10500]  }
0x2ae: {  	s8 =	sor.u32 $0x180, s4;
	v46 =	vld [tilespmem:s2+$0x14500]  }
0x2af: {  	v47 =	vld [tilespmem:s8+$0x10400];
	v20 =	vmul.f32 v20, v21  }
0x2b0: {  	v26 =	vld [tilespmem:s8+$0x14400]  }
0x2b1: {  	v48 =	vld [tilespmem:s2+$0x10600];
	v22 =	vmul.f32 v23, v22;
	v20 =	vadd.f32 $0.0e+00, v20  }
0x2b2: {  	v27 =	vld [tilespmem:s2+$0x14600]  }
0x2b3: {  	v50 =	vld [tilespmem:s2+$0x10680];
	v49 =	vmul.f32 v46, v45;
	v20 =	vadd.f32 v22, v20  }
0x2b4: {  	v51 =	vld [tilespmem:s2+$0x14680]  }
0x2b5: {  	s14 =	sor.u32 s5, s5;
	v52 =	vld [tilespmem:s2+$0x10700];
	v21 =	vmul.f32 v26, v47;
	v20 =	vadd.f32 v49, v20  }
0x2b6: {  	s3 =	sor.u32 $0x380, s14;
	v53 =	vld [tilespmem:s2+$0x14700]  }
0x2b7: {  	v55 =	vld [tilespmem:s3+$0x10400];
	v54 =	vmul.f32 v27, v48;
	v20 =	vadd.f32 v21, v20  }
0x2b8: {  	v56 =	vld [tilespmem:s3+$0x14400]  }
0x2b9: {  	v58 =	vld [tilespmem:s2+$0x11400];
	v57 =	vmul.f32 v51, v50;
	v20 =	vadd.f32 v54, v20  }
0x2ba: {  	v59 =	vld [tilespmem:s2+$0x15400]  }
0x2bb: {  	v61 =	vld [tilespmem:s2+$0x11480];
	v60 =	vmul.f32 v53, v52;
	v20 =	vadd.f32 v57, v20  }
0x2bc: {  	v62 =	vld [tilespmem:s2+$0x15480]  }
0x2bd: {  	v30 =	vld [tilespmem:s2+$0x11500];
	v63 =	vmul.f32 v56, v55;
	v20 =	vadd.f32 v60, v20  }
0x2be: {  	s15 =	sor.u32 $0x1180, s4;
	v31 =	vld [tilespmem:s2+$0x15500]  }
0x2bf: {  	v33 =	vld [tilespmem:s15+$0x10400];
	v32 =	vmul.f32 v59, v58;
	v20 =	vadd.f32 v63, v20  }
0x2c0: {  	v34 =	vld [tilespmem:s15+$0x14400]  }
0x2c1: {  	v36 =	vld [tilespmem:s2+$0x11600];
	v35 =	vmul.f32 v62, v61;
	v20 =	vadd.f32 v32, v20  }
0x2c2: {  	v37 =	vld [tilespmem:s2+$0x15600]  }
0x2c3: {  	v39 =	vld [tilespmem:s2+$0x11680];
	v38 =	vmul.f32 v31, v30;
	v20 =	vadd.f32 v35, v20  }
0x2c4: {  	v40 =	vld [tilespmem:s2+$0x15680]  }
0x2c5: {  	v42 =	vld [tilespmem:s2+$0x11700];
	v41 =	vmul.f32 v34, v33;
	v20 =	vadd.f32 v38, v20  }
0x2c6: {  	s17 =	sor.u32 $0x1380, s14;
	v43 =	vld [tilespmem:s2+$0x15700]  }
0x2c7: {  	v44 =	vmul.f32 v37, v36;
	v45 =	vld [tilespmem:s17+$0x10400];
	v20 =	vadd.f32 v41, v20  }
0x2c8: {  	v46 =	vld [tilespmem:s17+$0x14400]  }
0x2c9: {  	v47 =	vmul.f32 v40, v39;
	v48 =	vld [tilespmem:s2+$0x12400];
	v20 =	vadd.f32 v44, v20  }
0x2ca: {  	v49 =	vld [tilespmem:s2+$0x16400]  }
0x2cb: {  	v50 =	vmul.f32 v43, v42;
	v51 =	vld [tilespmem:s2+$0x12480];
	v20 =	vadd.f32 v47, v20  }
0x2cc: {  	v52 =	vld [tilespmem:s2+$0x16480]  }
0x2cd: {  	v55 =	vld [tilespmem:s2+$0x16500];
	v53 =	vmul.f32 v46, v45;
	v20 =	vadd.f32 v50, v20  }
0x2ce: {  	s19 =	sor.u32 $0x2180, s4;
	v54 =	vld [tilespmem:s2+$0x12500]  }
0x2cf: {  	v58 =	vld [tilespmem:s19+$0x14400];
	v56 =	vmul.f32 v49, v48;
	v20 =	vadd.f32 v53, v20  }
0x2d0: {  	v57 =	vld [tilespmem:s19+$0x10400]  }
0x2d1: {  	v61 =	vld [tilespmem:s2+$0x16600];
	v59 =	vmul.f32 v52, v51;
	v20 =	vadd.f32 v56, v20  }
0x2d2: {  	v60 =	vld [tilespmem:s2+$0x12600]  }
0x2d3: {  	v30 =	vld [tilespmem:s2+$0x16680];
	v62 =	vmul.f32 v55, v54;
	v20 =	vadd.f32 v59, v20  }
0x2d4: {  	v63 =	vld [tilespmem:s2+$0x12680]  }
0x2d5: {  	v33 =	vld [tilespmem:s2+$0x16700];
	v31 =	vmul.f32 v58, v57;
	v20 =	vadd.f32 v62, v20  }
0x2d6: {  	s21 =	sor.u32 $0x2380, s14;
	v32 =	vld [tilespmem:s2+$0x12700]  }
0x2d7: {  	v36 =	vld [tilespmem:s21+$0x14400];
	v34 =	vmul.f32 v61, v60;
	v20 =	vadd.f32 v31, v20  }
0x2d8: {  	v35 =	vld [tilespmem:s21+$0x10400]  }
0x2d9: {  	v39 =	vld [tilespmem:s2+$0x17400];
	v37 =	vmul.f32 v30, v63;
	v20 =	vadd.f32 v34, v20  }
0x2da: {  	v38 =	vld [tilespmem:s2+$0x13400]  }
0x2db: {  	v42 =	vld [tilespmem:s2+$0x17480];
	v40 =	vmul.f32 v33, v32;
	v20 =	vadd.f32 v37, v20  }
0x2dc: {  	v41 =	vld [tilespmem:s2+$0x13480]  }
0x2dd: {  	v45 =	vld [tilespmem:s2+$0x17500];
	v43 =	vmul.f32 v36, v35;
	v20 =	vadd.f32 v40, v20  }
0x2de: {  	s23 =	sor.u32 $0x3180, s4;
	v44 =	vld [tilespmem:s2+$0x13500]  }
0x2df: {  	v48 =	vld [tilespmem:s23+$0x14400];
	v46 =	vmul.f32 v39, v38;
	v20 =	vadd.f32 v43, v20  }
0x2e0: {  	v47 =	vld [tilespmem:s23+$0x10400]  }
0x2e1: {  	v51 =	vld [tilespmem:s2+$0x17600];
	v49 =	vmul.f32 v42, v41;
	v20 =	vadd.f32 v46, v20  }
0x2e2: {  	v50 =	vld [tilespmem:s2+$0x13600]  }
0x2e3: {  	v54 =	vld [tilespmem:s2+$0x17680];
	v52 =	vmul.f32 v45, v44;
	v20 =	vadd.f32 v49, v20  }
0x2e4: {  	v53 =	vld [tilespmem:s2+$0x13680]  }
0x2e5: {  	v57 =	vld [tilespmem:s2+$0x17700];
	v55 =	vmul.f32 v48, v47;
	v20 =	vadd.f32 v52, v20  }
0x2e6: {  	s25 =	sor.u32 $0x3380, s14;
	v56 =	vld [tilespmem:s2+$0x13700]  }
0x2e7: {  	v60 =	vld [tilespmem:s25+$0x14400];
	v58 =	vmul.f32 v51, v50;
	v20 =	vadd.f32 v55, v20  }
0x2e8: {  	v59 =	vld [tilespmem:s25+$0x10400]  }
0x2e9: {  	v61 =	vmul.f32 v54, v53;
	v20 =	vadd.f32 v58, v20;
	_ =	sdelay $0x1  }
0x2ea: {  	v62 =	vmul.f32 v57, v56;
	v20 =	vadd.f32 v61, v20;
	_ =	sdelay $0x1  }
0x2eb: {  	s16 =	simm.s32 $0x2400;
	s18 =	simm.s32 $0x4400;
	s20 =	simm.s32 $0x6400;
	v63 =	vmul.f32 v60, v59;
	v20 =	vadd.f32 v62, v20  }
0x2ec: {  	s22 =	simm.s32 $0x8400;
	s24 =	simm.s32 $0xA400;
	s26 =	simm.s32 $0xC400  }
0x2ed: {  	s6 =	simm.s32 $0xB400;
	s12 =	simm.s32 $0x80;
	s2 =	simm.s32 $0x10;
	v20 =	vadd.f32 v63, v20  }
0x2ee: {  	s31 =	sand.u32 $0xC00, s12;
	s4 =	simm.s32 $0x18400;
	s28 =	sand.u32 $0x70, s2  }
0x2ef: {  	s7 =	simm.s32 $0xD400;
	s13 =	simm.s32 $0x20;
	s8 =	sor.u32 s28, s31;
	[tilespmem:s4+$0x0] =	vst v20  }
.LBB2_4:
0x2f0: {  	p0 =	sne.s32 s13, $0x1F0;
	v20 =	vld [tilespmem:s8+$0x14400]  }
0x2f1: {  	v21 =	vld [tilespmem:s8+$0x10400]  }
0x2f2: {  	v22 =	vld [tilespmem:s8+$0x10480]  }
0x2f3: {  	s3 =	sand.u32 $0xFFFFFC00, s12;
	v23 =	vld [tilespmem:s8+$0x14480]  }
0x2f4: {  	s14 =	sadd.s32 s3, s2;
	v24 =	vld [tilespmem:s8+$0x10500]  }
0x2f5: {  	s3 =	sor.u32 $0x180, s14;
	v25 =	vld [tilespmem:s8+$0x14500]  }
0x2f6: {  	v20 =	vmul.f32 v20, v21;
	v21 =	vld [tilespmem:s3+$0x10400]  }
0x2f7: {  	v26 =	vld [tilespmem:s3+$0x14400]  }
0x2f8: {  	v20 =	vadd.f32 $0.0e+00, v20;
	v22 =	vmul.f32 v23, v22;
	v23 =	vld [tilespmem:s8+$0x10600]  }
0x2f9: {  	v27 =	vld [tilespmem:s8+$0x14600]  }
0x2fa: {  	v20 =	vadd.f32 v22, v20;
	v22 =	vmul.f32 v25, v24;
	v24 =	vld [tilespmem:s8+$0x10680]  }
0x2fb: {  	v25 =	vld [tilespmem:s8+$0x14680]  }
0x2fc: {  	s15 =	sor.u32 s2, s12;
	s2 =	smov.u32 s13;
	v20 =	vadd.f32 v22, v20;
	v21 =	vmul.f32 v26, v21;
	v22 =	vld [tilespmem:s8+$0x10700]  }
0x2fd: {  	s3 =	sor.u32 $0x380, s15;
	v26 =	vld [tilespmem:s8+$0x14700]  }
0x2fe: {  	v20 =	vadd.f32 v21, v20;
	v21 =	vmul.f32 v27, v23;
	v23 =	vld [tilespmem:s3+$0x10400]  }
0x2ff: {  	v27 =	vld [tilespmem:s3+$0x14400]  }
0x300: {  	v20 =	vadd.f32 v21, v20;
	v21 =	vmul.f32 v25, v24;
	v24 =	vld [tilespmem:s8+$0x11400]  }
0x301: {  	v25 =	vld [tilespmem:s8+$0x15400]  }
0x302: {  	v20 =	vadd.f32 v21, v20;
	v21 =	vmul.f32 v26, v22;
	v22 =	vld [tilespmem:s8+$0x11480]  }
0x303: {  	v26 =	vld [tilespmem:s8+$0x15480]  }
0x304: {  	v20 =	vadd.f32 v21, v20;
	v21 =	vmul.f32 v27, v23;
	v23 =	vld [tilespmem:s8+$0x11500]  }
0x305: {  	s3 =	sor.u32 $0x1180, s14;
	v27 =	vld [tilespmem:s8+$0x15500]  }
0x306: {  	v20 =	vadd.f32 v21, v20;
	v21 =	vmul.f32 v25, v24;
	v24 =	vld [tilespmem:s3+$0x10400]  }
0x307: {  	v25 =	vld [tilespmem:s3+$0x14400]  }
0x308: {  	v20 =	vadd.f32 v21, v20;
	v21 =	vmul.f32 v26, v22;
	v22 =	vld [tilespmem:s8+$0x11600]  }
0x309: {  	v26 =	vld [tilespmem:s8+$0x15600]  }
0x30a: {  	v20 =	vadd.f32 v21, v20;
	v21 =	vmul.f32 v27, v23;
	v23 =	vld [tilespmem:s8+$0x11680]  }
0x30b: {  	v27 =	vld [tilespmem:s8+$0x15680]  }
0x30c: {  	v20 =	vadd.f32 v21, v20;
	v21 =	vmul.f32 v25, v24;
	v24 =	vld [tilespmem:s8+$0x11700]  }
0x30d: {  	s3 =	sor.u32 $0x1380, s15;
	v25 =	vld [tilespmem:s8+$0x15700]  }
0x30e: {  	v20 =	vadd.f32 v21, v20;
	v21 =	vmul.f32 v26, v22;
	v22 =	vld [tilespmem:s3+$0x10400]  }
0x30f: {  	v26 =	vld [tilespmem:s3+$0x14400]  }
0x310: {  	v20 =	vadd.f32 v21, v20;
	v21 =	vmul.f32 v27, v23;
	v23 =	vld [tilespmem:s8+$0x12400]  }
0x311: {  	v27 =	vld [tilespmem:s8+$0x16400]  }
0x312: {  	v20 =	vadd.f32 v21, v20;
	v21 =	vmul.f32 v25, v24;
	v24 =	vld [tilespmem:s8+$0x12480]  }
0x313: {  	v25 =	vld [tilespmem:s8+$0x16480]  }
0x314: {  	v20 =	vadd.f32 v21, v20;
	v21 =	vmul.f32 v26, v22;
	v22 =	vld [tilespmem:s8+$0x12500]  }
0x315: {  	s3 =	sor.u32 $0x2180, s14;
	v26 =	vld [tilespmem:s8+$0x16500]  }
0x316: {  	v20 =	vadd.f32 v21, v20;
	v21 =	vmul.f32 v27, v23;
	v23 =	vld [tilespmem:s3+$0x10400]  }
0x317: {  	v27 =	vld [tilespmem:s3+$0x14400]  }
0x318: {  	v20 =	vadd.f32 v21, v20;
	v21 =	vmul.f32 v25, v24;
	v24 =	vld [tilespmem:s8+$0x12600]  }
0x319: {  	v25 =	vld [tilespmem:s8+$0x16600]  }
0x31a: {  	v20 =	vadd.f32 v21, v20;
	v21 =	vmul.f32 v26, v22;
	v22 =	vld [tilespmem:s8+$0x12680]  }
0x31b: {  	v26 =	vld [tilespmem:s8+$0x16680]  }
0x31c: {  	v20 =	vadd.f32 v21, v20;
	v21 =	vmul.f32 v27, v23;
	v23 =	vld [tilespmem:s8+$0x12700]  }
0x31d: {  	s3 =	sor.u32 $0x2380, s15;
	v27 =	vld [tilespmem:s8+$0x16700]  }
0x31e: {  	v20 =	vadd.f32 v21, v20;
	v21 =	vmul.f32 v25, v24;
	v24 =	vld [tilespmem:s3+$0x10400]  }
0x31f: {  	v25 =	vld [tilespmem:s3+$0x14400]  }
0x320: {  	v20 =	vadd.f32 v21, v20;
	v21 =	vmul.f32 v26, v22;
	v22 =	vld [tilespmem:s8+$0x13400]  }
0x321: {  	v26 =	vld [tilespmem:s8+$0x17400]  }
0x322: {  	v20 =	vadd.f32 v21, v20;
	v21 =	vmul.f32 v27, v23;
	v23 =	vld [tilespmem:s8+$0x13480]  }
0x323: {  	v27 =	vld [tilespmem:s8+$0x17480]  }
0x324: {  	v20 =	vadd.f32 v21, v20;
	v21 =	vmul.f32 v25, v24;
	v24 =	vld [tilespmem:s8+$0x13500]  }
0x325: {  	s3 =	sor.u32 $0x3180, s14;
	v25 =	vld [tilespmem:s8+$0x17500]  }
0x326: {  	v20 =	vadd.f32 v21, v20;
	v21 =	vmul.f32 v26, v22;
	v22 =	vld [tilespmem:s3+$0x10400]  }
0x327: {  	v26 =	vld [tilespmem:s3+$0x14400]  }
0x328: {  	v20 =	vadd.f32 v21, v20;
	v21 =	vmul.f32 v27, v23;
	v23 =	vld [tilespmem:s8+$0x13600]  }
0x329: {  	v27 =	vld [tilespmem:s8+$0x17600]  }
0x32a: {  	v20 =	vadd.f32 v21, v20;
	v21 =	vmul.f32 v25, v24;
	v24 =	vld [tilespmem:s8+$0x13680]  }
0x32b: {  	v25 =	vld [tilespmem:s8+$0x17680]  }
0x32c: {  	v20 =	vadd.f32 v21, v20;
	v21 =	vmul.f32 v26, v22;
	v22 =	vld [tilespmem:s8+$0x13700]  }
0x32d: {  	s3 =	sor.u32 $0x3380, s15;
	v26 =	vld [tilespmem:s8+$0x17700]  }
0x32e: {  	v20 =	vadd.f32 v21, v20;
	v21 =	vmul.f32 v27, v23;
	v23 =	vld [tilespmem:s3+$0x10400]  }
0x32f: {  	v27 =	vld [tilespmem:s3+$0x14400]  }
0x330: {  	v20 =	vadd.f32 v21, v20;
	v21 =	vmul.f32 v25, v24;
	_ =	sdelay $0x1  }
0x331: {  	v20 =	vadd.f32 v21, v20;
	v21 =	vmul.f32 v26, v22;
	_ =	sdelay $0x1  }
.Ltmp1:
0x332: {  	v20 =	vadd.f32 v21, v20;
	v21 =	vmul.f32 v27, v23;
	(pc) =	sbr.rel @p0 .LBB2_4-.Ltmp1, $4  }
0x333: {  	_ = 	snop  }
0x334: {  	s12 =	sadd.s32 $0x80, s12;
	v20 =	vadd.f32 v21, v20  }
0x335: {  	s4 =	sadd.s32 $0x10, s4;
	s8 =	sand.u32 $0xC00, s12;
	s3 =	sand.u32 $0x70, s13  }
0x336: {  	s13 =	sadd.s32 $0x10, s13;
	s8 =	sor.u32 s3, s8;
	[tilespmem:s4+$0x0] =	vst v20  }
0x337: {  	v20 =	vld [tilespmem:s8+$0x14400]  }
0x338: {  	v21 =	vld [tilespmem:s8+$0x10400]  }
0x339: {  	v22 =	vld [tilespmem:s8+$0x10480]  }
0x33a: {  	s3 =	sand.u32 $0xFFFFFC00, s12;
	v23 =	vld [tilespmem:s8+$0x14480]  }
0x33b: {  	v24 =	vld [tilespmem:s8+$0x10500];
	s13 =	sadd.s32 s3, s2  }
0x33c: {  	v25 =	vld [tilespmem:s8+$0x14500];
	s3 =	sor.u32 $0x180, s13  }
0x33d: {  	v47 =	vld [tilespmem:s3+$0x10400];
	v20 =	vmul.f32 v20, v21  }
0x33e: {  	v26 =	vld [tilespmem:s3+$0x14400]  }
0x33f: {  	v48 =	vld [tilespmem:s8+$0x10600];
	v22 =	vmul.f32 v23, v22;
	v20 =	vadd.f32 $0.0e+00, v20  }
0x340: {  	v27 =	vld [tilespmem:s8+$0x14600]  }
0x341: {  	v50 =	vld [tilespmem:s8+$0x10680];
	v49 =	vmul.f32 v25, v24;
	v20 =	vadd.f32 v22, v20  }
0x342: {  	v51 =	vld [tilespmem:s8+$0x14680]  }
0x343: {  	v52 =	vld [tilespmem:s8+$0x10700];
	s31 =	sor.u32 s2, s12;
	v21 =	vmul.f32 v26, v47;
	v20 =	vadd.f32 v49, v20  }
0x344: {  	v53 =	vld [tilespmem:s8+$0x14700];
	s5 =	sor.u32 $0x380, s31  }
0x345: {  	v55 =	vld [tilespmem:s5+$0x10400];
	v54 =	vmul.f32 v27, v48;
	v20 =	vadd.f32 v21, v20  }
0x346: {  	v56 =	vld [tilespmem:s5+$0x14400]  }
0x347: {  	v58 =	vld [tilespmem:s8+$0x11400];
	v57 =	vmul.f32 v51, v50;
	v20 =	vadd.f32 v54, v20  }
0x348: {  	v59 =	vld [tilespmem:s8+$0x15400]  }
0x349: {  	v61 =	vld [tilespmem:s8+$0x11480];
	v60 =	vmul.f32 v53, v52;
	v20 =	vadd.f32 v57, v20  }
0x34a: {  	v62 =	vld [tilespmem:s8+$0x15480]  }
0x34b: {  	v30 =	vld [tilespmem:s8+$0x11500];
	v63 =	vmul.f32 v56, v55;
	v20 =	vadd.f32 v60, v20  }
0x34c: {  	v31 =	vld [tilespmem:s8+$0x15500];
	s12 =	sor.u32 $0x1180, s13  }
0x34d: {  	v33 =	vld [tilespmem:s12+$0x10400];
	v32 =	vmul.f32 v59, v58;
	v20 =	vadd.f32 v63, v20  }
0x34e: {  	v34 =	vld [tilespmem:s12+$0x14400]  }
0x34f: {  	v36 =	vld [tilespmem:s8+$0x11600];
	v35 =	vmul.f32 v62, v61;
	v20 =	vadd.f32 v32, v20  }
0x350: {  	v37 =	vld [tilespmem:s8+$0x15600]  }
0x351: {  	v39 =	vld [tilespmem:s8+$0x11680];
	v38 =	vmul.f32 v31, v30;
	v20 =	vadd.f32 v35, v20  }
0x352: {  	v40 =	vld [tilespmem:s8+$0x15680]  }
0x353: {  	v42 =	vld [tilespmem:s8+$0x11700];
	v41 =	vmul.f32 v34, v33;
	v20 =	vadd.f32 v38, v20  }
0x354: {  	v43 =	vld [tilespmem:s8+$0x15700];
	s14 =	sor.u32 $0x1380, s31  }
0x355: {  	v45 =	vld [tilespmem:s14+$0x10400];
	v44 =	vmul.f32 v37, v36;
	v20 =	vadd.f32 v41, v20  }
0x356: {  	v46 =	vld [tilespmem:s14+$0x14400]  }
0x357: {  	v48 =	vld [tilespmem:s8+$0x12400];
	v47 =	vmul.f32 v40, v39;
	v20 =	vadd.f32 v44, v20  }
0x358: {  	v49 =	vld [tilespmem:s8+$0x16400]  }
0x359: {  	v50 =	vmul.f32 v43, v42;
	v51 =	vld [tilespmem:s8+$0x12480];
	v20 =	vadd.f32 v47, v20  }
0x35a: {  	v52 =	vld [tilespmem:s8+$0x16480]  }
0x35b: {  	v53 =	vmul.f32 v46, v45;
	v55 =	vld [tilespmem:s8+$0x16500];
	v20 =	vadd.f32 v50, v20  }
0x35c: {  	s15 =	sor.u32 $0x2180, s13;
	v54 =	vld [tilespmem:s8+$0x12500]  }
0x35d: {  	v58 =	vld [tilespmem:s15+$0x14400];
	v56 =	vmul.f32 v49, v48;
	v20 =	vadd.f32 v53, v20  }
0x35e: {  	v57 =	vld [tilespmem:s15+$0x10400]  }
0x35f: {  	v61 =	vld [tilespmem:s8+$0x16600];
	v59 =	vmul.f32 v52, v51;
	v20 =	vadd.f32 v56, v20  }
0x360: {  	v60 =	vld [tilespmem:s8+$0x12600]  }
0x361: {  	v30 =	vld [tilespmem:s8+$0x16680];
	v62 =	vmul.f32 v55, v54;
	v20 =	vadd.f32 v59, v20  }
0x362: {  	v63 =	vld [tilespmem:s8+$0x12680]  }
0x363: {  	v33 =	vld [tilespmem:s8+$0x16700];
	v31 =	vmul.f32 v58, v57;
	v20 =	vadd.f32 v62, v20  }
0x364: {  	s17 =	sor.u32 $0x2380, s31;
	v32 =	vld [tilespmem:s8+$0x12700]  }
0x365: {  	v36 =	vld [tilespmem:s17+$0x14400];
	v34 =	vmul.f32 v61, v60;
	v20 =	vadd.f32 v31, v20  }
0x366: {  	v35 =	vld [tilespmem:s17+$0x10400]  }
0x367: {  	v39 =	vld [tilespmem:s8+$0x17400];
	v37 =	vmul.f32 v30, v63;
	v20 =	vadd.f32 v34, v20  }
0x368: {  	v38 =	vld [tilespmem:s8+$0x13400]  }
0x369: {  	v42 =	vld [tilespmem:s8+$0x17480];
	v40 =	vmul.f32 v33, v32;
	v20 =	vadd.f32 v37, v20  }
0x36a: {  	v41 =	vld [tilespmem:s8+$0x13480]  }
0x36b: {  	v45 =	vld [tilespmem:s8+$0x17500];
	v43 =	vmul.f32 v36, v35;
	v20 =	vadd.f32 v40, v20  }
0x36c: {  	s19 =	sor.u32 $0x3180, s13;
	v44 =	vld [tilespmem:s8+$0x13500]  }
0x36d: {  	v48 =	vld [tilespmem:s19+$0x14400];
	v46 =	vmul.f32 v39, v38;
	v20 =	vadd.f32 v43, v20  }
0x36e: {  	v47 =	vld [tilespmem:s19+$0x10400]  }
0x36f: {  	v51 =	vld [tilespmem:s8+$0x17600];
	v49 =	vmul.f32 v42, v41;
	v20 =	vadd.f32 v46, v20  }
0x370: {  	v50 =	vld [tilespmem:s8+$0x13600]  }
0x371: {  	v54 =	vld [tilespmem:s8+$0x17680];
	v52 =	vmul.f32 v45, v44;
	v20 =	vadd.f32 v49, v20  }
0x372: {  	v53 =	vld [tilespmem:s8+$0x13680]  }
0x373: {  	v57 =	vld [tilespmem:s8+$0x17700];
	v55 =	vmul.f32 v48, v47;
	v20 =	vadd.f32 v52, v20  }
0x374: {  	s2 =	sor.u32 $0x3380, s31;
	v56 =	vld [tilespmem:s8+$0x13700]  }
0x375: {  	v60 =	vld [tilespmem:s2+$0x14400];
	v58 =	vmul.f32 v51, v50;
	v20 =	vadd.f32 v55, v20  }
0x376: {  	v59 =	vld [tilespmem:s2+$0x10400]  }
0x377: {  	v61 =	vmul.f32 v54, v53;
	v20 =	vadd.f32 v58, v20;
	_ =	sdelay $0x1  }
0x378: {  	v62 =	vmul.f32 v57, v56;
	v20 =	vadd.f32 v61, v20;
	_ =	sdelay $0x1  }
0x379: {  	v63 =	vmul.f32 v60, v59;
	v20 =	vadd.f32 v62, v20;
	_ =	sdelay $0x1  }
0x37a: {  	v20 =	vadd.f32 v63, v20  }
0x37b: {  	s21 =	sadd.s32 $0x10, s4;
	s23 =	rddreg [dreg:$0x8]  }
0x37c: {  	s25 =	simm.s32 $0x18400;
	s12 =	simm.s32 $0x0;
	s3 =	simm.s32 $0x9;
	[tilespmem:s21+$0x0] =	vst v20  }
0x37d: {  	[hbm4b:s23+s12] =	stream.linear.scatter [tilespmem:s25], [sflag:$0x9], $0x200, $0x38;
	[tilespmem:$0x18600] =	vst v63  }
0x37e: {  	_ =	swait.ge [sflag:s3], $0x200  }
0x37f: {  	s28 =	rddreg [dreg:$0xa]  }
0x380: {  	s31 =	rddreg [dreg:$0x9];
	s4 =	sadd.s32 $0x1, s28  }
0x381: {  	p0 =	sne.s32 s4, s31  }
.Ltmp2:
0x382: {  	_ = 	snop;
	(pc) =	sbr.rel @p0 .LBB2_1-.Ltmp2, $3  }
0x383: {  	_ =	sdelay $0x1  }
0x384: {  	[sflag:s3] =	ssyncset.done $0x0  }
0x385: {  	[sflag:s3] =	ssyncadd.s32 $0xFFFFFE00  }
0x386: {  	_ =	sfence.sel $0x180000  }
0x387: {  	[bflag:$0x0] =	sbarrier.arrive $0xFFFF  }
0x388: {  	_ =	strace $0x90000047  }
0x389: {  	s0 =	stileid.u32;
	[bflag:$0x2] =	sbarrier.arrive $0xFFFF  }
0x38a: {  	p0 =	sne.s32 s0, $0x0;
	s0 =	rddreg [dreg:$0x5]  }
0x38b: {  	s0 =	sadd.s32 @!p0 $0x100000, s0  }
0x38c: {  	[sflag:s0] =	ssyncadd.tile.s32 @!p0 $0x1;
	_ =	shalt  }
.Lfunc_end2:
_tile_overlayer_lowered:
.L_overlay_start_2:
0x38d: {  	(tag) =	ssettag $0x2  }
0x38e: {  	s0 =	rddreg [dreg:$0x0];
	s2 =	stileid.u32  }
0x38f: {  	s1 =	rddreg [dreg:$0x1];
	p0 =	sne.s32 s2, $0x0  }
0x390: {  	s3 =	rddreg [dreg:$0x2];
	[bflag:$0x3] =	sbarrier.arrive $0xFFFF;
	s2 =	simm.s32 @!p0 $0x1C09  }
0x391: {  	[timem:s3], [sflag:s2] =	dma.local @!p0 [hbm:s0], s1  }
0x392: {  	s0 =	simm.s32 @!p0 $0x9  }
0x393: {  	_ =	swait.ge @!p0 [sflag:s0], s1  }
0x394: {  	s1 =	ssub.s32 @!p0 $0x0, s1;
	[sflag:s0] =	ssyncset.done @!p0 $0x0  }
0x395: {  	[sflag:s0] =	ssyncadd.s32 @!p0 s1  }
0x396: {  	[bflag:$0x3] =	sbarrier.arrive $0xFFFF  }
0x397: {  	_ =	shalt  }

</sc_bundles>
